<compile_context>
chip_gen: v7x
topology: tpu7x:2x2x1
jax: 0.10.2.dev20260603
libtpu: 0.0.44.dev20260713+nightly
codegen_flags: <defaults>
</compile_context>

<pallas_src>
import functools
import jax
import jax.numpy as jnp
from jax import lax
from jax.experimental import pallas as pl
from jax.experimental.pallas import tpu as pltpu
from jax.experimental.pallas import tpu_sc as plsc

N = 10000
NP = 10240
F = 256
HALF = 128
NH = 8
G = 64
NCLS = 40
EFULL = 170000
T = 512
T1 = 256
K1 = 21
EP = 32 * T1 * K1
T2 = 256
K2 = EP // (16 * T2)
ROWS_PT = NP // 16
DUMMY = N

_R = 512
_GRID = NP // _R



def _tc_first_body(x_ref, w_ref, ms_ref, md_ref, hlo_ref, hhi_ref, as_ref, ad_ref):
    h = jnp.dot(x_ref[...], w_ref[...], preferred_element_type=jnp.float32)
    hlo_ref[...] = h[:, :HALF]
    hhi_ref[...] = h[:, HALF:]
    as_ref[...] = jnp.dot(h, ms_ref[...], preferred_element_type=jnp.float32)
    ad_ref[...] = jnp.dot(h, md_ref[...], preferred_element_type=jnp.float32)


def _tc_mid_body(plo_ref, phi_ref, b_ref, w_ref, ms_ref, md_ref,
                 hlo_ref, hhi_ref, as_ref, ad_ref):
    b = b_ref[...]
    alo = plo_ref[...] + b[:, :HALF]
    ahi = phi_ref[...] + b[:, HALF:]
    alo = jnp.where(alo > 0, alo, jnp.exp(alo) - 1.0)
    ahi = jnp.where(ahi > 0, ahi, jnp.exp(ahi) - 1.0)
    h = (jnp.dot(alo, w_ref[:HALF, :], preferred_element_type=jnp.float32)
         + jnp.dot(ahi, w_ref[HALF:, :], preferred_element_type=jnp.float32))
    hlo_ref[...] = h[:, :HALF]
    hhi_ref[...] = h[:, HALF:]
    as_ref[...] = jnp.dot(h, ms_ref[...], preferred_element_type=jnp.float32)
    ad_ref[...] = jnp.dot(h, md_ref[...], preferred_element_type=jnp.float32)


_TC_OUT_SHAPE = [jax.ShapeDtypeStruct((NP, HALF), jnp.float32),
                 jax.ShapeDtypeStruct((NP, HALF), jnp.float32),
                 jax.ShapeDtypeStruct((NP, 16), jnp.float32),
                 jax.ShapeDtypeStruct((NP, 16), jnp.float32)]
_TC_OUT_SPECS = [pl.BlockSpec((_R, HALF), lambda i: (i, 0)),
                 pl.BlockSpec((_R, HALF), lambda i: (i, 0)),
                 pl.BlockSpec((_R, 16), lambda i: (i, 0)),
                 pl.BlockSpec((_R, 16), lambda i: (i, 0))]


def _tc_first(xp, W, Ms, Md):
    return pl.pallas_call(
        _tc_first_body,
        grid=(_GRID,),
        in_specs=[pl.BlockSpec((_R, F), lambda i: (i, 0)),
                  pl.BlockSpec((F, F), lambda i: (0, 0)),
                  pl.BlockSpec((F, 16), lambda i: (0, 0)),
                  pl.BlockSpec((F, 16), lambda i: (0, 0))],
        out_specs=_TC_OUT_SPECS,
        out_shape=_TC_OUT_SHAPE,
    )(xp, W, Ms, Md)


def _tc_mid(plo, phi, b, W, Ms, Md):
    return pl.pallas_call(
        _tc_mid_body,
        grid=(_GRID,),
        in_specs=[pl.BlockSpec((_R, HALF), lambda i: (i, 0)),
                  pl.BlockSpec((_R, HALF), lambda i: (i, 0)),
                  pl.BlockSpec((1, F), lambda i: (0, 0)),
                  pl.BlockSpec((F, F), lambda i: (0, 0)),
                  pl.BlockSpec((F, 16), lambda i: (0, 0)),
                  pl.BlockSpec((F, 16), lambda i: (0, 0))],
        out_specs=_TC_OUT_SPECS,
        out_shape=_TC_OUT_SHAPE,
    )(plo, phi, b, W, Ms, Md)


def _pool_body(plo_ref, phi_ref, b_ref, batch_ref, fcw_ref, fcb_ref, out_ref,
               sum_ref, cnt_ref):
    i = pl.program_id(0)

    @pl.when(i == 0)
    def _():
        sum_ref[...] = jnp.zeros_like(sum_ref)
        cnt_ref[...] = jnp.zeros_like(cnt_ref)

    b = b_ref[...]
    y = jnp.concatenate([plo_ref[...] + b[:, :HALF], phi_ref[...] + b[:, HALF:]],
                        axis=1)
    bb = batch_ref[0]
    gi = lax.broadcasted_iota(jnp.int32, (G, _R), 0)
    oh = (gi == bb).astype(jnp.float32)
    sum_ref[...] += jnp.dot(oh, y, preferred_element_type=jnp.float32)
    cnt_ref[...] += jnp.broadcast_to(jnp.sum(oh, axis=1, keepdims=True), (G, HALF))

    @pl.when(i == _GRID - 1)
    def _():
        cnt = jnp.maximum(cnt_ref[...], 1.0)
        pooled = sum_ref[...] / jnp.concatenate([cnt, cnt], axis=1)
        out_ref[...] = (jnp.dot(pooled, fcw_ref[...],
                                preferred_element_type=jnp.float32) + fcb_ref[...])


def _tc_pool(plo, phi, b, batch3d, fcW, fcb):
    return pl.pallas_call(
        _pool_body,
        grid=(_GRID,),
        in_specs=[pl.BlockSpec((_R, HALF), lambda i: (i, 0)),
                  pl.BlockSpec((_R, HALF), lambda i: (i, 0)),
                  pl.BlockSpec((1, F), lambda i: (0, 0)),
                  pl.BlockSpec((1, 1, _R), lambda i: (i, 0, 0)),
                  pl.BlockSpec((F, NCLS), lambda i: (0, 0)),
                  pl.BlockSpec((1, NCLS), lambda i: (0, 0))],
        out_specs=pl.BlockSpec((G, NCLS), lambda i: (0, 0)),
        out_shape=jax.ShapeDtypeStruct((G, NCLS), jnp.float32),
        scratch_shapes=[pltpu.VMEM((G, F), jnp.float32),
                        pltpu.VMEM((G, HALF), jnp.float32)],
    )(plo, phi, b, batch3d, fcW, fcb)



_MESH = plsc.VectorSubcoreMesh(core_axis_name="c", subcore_axis_name="s")


def _denr_body(d0_ref, d1_ref, out_ref):
    out_ref[...] = 1.0 / (d0_ref[...] + d1_ref[...] + 1e-16)


def _tc_denr(d0, d1):
    return pl.pallas_call(
        _denr_body,
        grid=(_GRID,),
        in_specs=[pl.BlockSpec((_R, 16), lambda i: (i, 0)),
                  pl.BlockSpec((_R, 16), lambda i: (i, 0))],
        out_specs=pl.BlockSpec((_R, 16), lambda i: (i, 0)),
        out_shape=jax.ShapeDtypeStruct((NP, 16), jnp.float32),
    )(d0, d1)


@functools.partial(
    pl.kernel,
    out_type=[jax.ShapeDtypeStruct((EP, 16), jnp.float32),
              jax.ShapeDtypeStruct((2, NP, 16), jnp.float32)],
    mesh=_MESH,
    scratch_types=[pltpu.VMEM((2, 128), jnp.int32),
                   pltpu.VMEM((2, 128), jnp.int32),
                   pltpu.VMEM((T1, 16), jnp.float32),
                   pltpu.VMEM((T1, 16), jnp.float32),
                   pltpu.VMEM_SHARED((NP, 16), jnp.float32),
                   pltpu.VMEM_SHARED((NP, 16), jnp.float32),
                   pltpu.VMEM_SHARED((NP, 16), jnp.float32)],
    compiler_params=pltpu.CompilerParams(use_tc_tiling_on_sc=False, needs_layout_passes=False),
)
def _sc_pass1(src_hbm, dst_hbm, as_hbm, ad_hbm, zden_hbm, t_hbm, den_hbm,
              src_v, dst_v, srow, drow, den_sh, as_sh, ad_sh):
    c = lax.axis_index("c")
    s = lax.axis_index("s")
    wid = s * 2 + c
    rs = pl.ds(s * ROWS_PT, ROWS_PT)
    pltpu.sync_copy(zden_hbm.at[rs, :], den_sh.at[rs, :])
    pltpu.sync_copy(as_hbm.at[rs, :], as_sh.at[rs, :])
    pltpu.sync_copy(ad_hbm.at[rs, :], ad_sh.at[rs, :])
    plsc.subcore_barrier()
    wbase = wid * (T1 * K1)

    def chunk(k, carry):
        base = wbase + k * T1
        brow = base // 128
        pltpu.sync_copy(src_hbm.at[pl.ds(brow, T1 // 128), :], src_v)
        pltpu.sync_copy(dst_hbm.at[pl.ds(brow, T1 // 128), :], dst_v)
        for q in range(T1 // 128):
            pltpu.sync_copy(as_sh.at[src_v.at[q]],
                            srow.at[pl.ds(q * 128, 128), :])
            pltpu.sync_copy(ad_sh.at[dst_v.at[q]],
                            drow.at[pl.ds(q * 128, 128), :])

        @plsc.parallel_loop(0, T1)
        def _row(i):
            v = srow[i, :] + drow[i, :]
            srow[i, :] = jnp.exp(jnp.maximum(v, 0.2 * v))

        pltpu.sync_copy(srow, t_hbm.at[pl.ds(base, T1), :])
        for q in range(T1 // 128):
            pltpu.sync_copy(srow.at[pl.ds(q * 128, 128), :],
                            den_sh.at[dst_v.at[q]], add=True)
        return carry

    lax.fori_loop(0, K1, chunk, 0)
    plsc.subcore_barrier()
    pltpu.sync_copy(den_sh.at[rs, :], den_hbm.at[c, rs, :])


@functools.partial(
    pl.kernel,
    out_type=jax.ShapeDtypeStruct((2, NP, HALF), jnp.float32),
    mesh=_MESH,
    scratch_types=[pltpu.VMEM((2, 128), jnp.int32),
                   pltpu.VMEM((2, 128), jnp.int32),
                   pltpu.VMEM((T2, 16), jnp.float32),
                   pltpu.VMEM((T2, 16), jnp.float32),
                   pltpu.VMEM((2, 128, HALF), jnp.float32),
                   pltpu.VMEM_SHARED((NP, HALF), jnp.float32),
                   pltpu.SemaphoreType.DMA,
                   pltpu.SemaphoreType.DMA],
    compiler_params=pltpu.CompilerParams(use_tc_tiling_on_sc=False, needs_layout_passes=False),
)
def _sc_pass2(src_hbm, dst_hbm, t_hbm, denr_hbm, hlo_hbm, hhi_hbm,
              zacc_hbm, out_hbm,
              src_v, dst_v, trow, dr, hbuf, acc_sh, sem_t, sem_h):
    c = lax.axis_index("c")
    s = lax.axis_index("s")
    rs = pl.ds(s * ROWS_PT, ROWS_PT)
    pltpu.sync_copy(zacc_hbm.at[rs, :], acc_sh.at[rs, :])
    plsc.subcore_barrier()
    tbase = s * (T2 * K2)
    hb = c * 4
    cols = [jnp.full((16,), hb + jj, jnp.int32) for jj in range(4)]

    def chunk(k, carry):
        base = tbase + k * T2
        brow = base // 128
        pltpu.sync_copy(src_hbm.at[pl.ds(brow, T2 // 128), :], src_v)
        pltpu.sync_copy(dst_hbm.at[pl.ds(brow, T2 // 128), :], dst_v)
        dt = pltpu.async_copy(t_hbm.at[pl.ds(base, T2), :], trow, sem_t)
        hs = []

        @pl.when(c == 0)
        def _():
            hs.append(pltpu.async_copy(hlo_hbm.at[src_v.at[0]],
                                       hbuf.at[0], sem_h))

        @pl.when(c != 0)
        def _():
            hs.append(pltpu.async_copy(hhi_hbm.at[src_v.at[0]],
                                       hbuf.at[0], sem_h))

        for q in range(T2 // 128):
            pltpu.sync_copy(denr_hbm.at[dst_v.at[q]],
                            dr.at[pl.ds(q * 128, 128), :])
        dt.wait()

        @plsc.parallel_loop(0, T2)
        def _coef_row(i):
            trow[i, :] = trow[i, :] * dr[i, :]

        for q in range(T2 // 128):
            hs[0].wait()
            hs.pop()
            if q + 1 < T2 // 128:
                @pl.when(c == 0)
                def _():
                    hs.append(pltpu.async_copy(hlo_hbm.at[src_v.at[q + 1]],
                                               hbuf.at[q + 1], sem_h))

                @pl.when(c != 0)
                def _():
                    hs.append(pltpu.async_copy(hhi_hbm.at[src_v.at[q + 1]],
                                               hbuf.at[q + 1], sem_h))

            @plsc.parallel_loop(0, 128)
            def _scale_row(i):
                rowi = jnp.full((16,), q * 128 + i, jnp.int32)
                for jj in range(4):
                    ce = plsc.load_gather(trow, [rowi, cols[jj]])
                    hbuf[q, i, pl.ds(jj * 32, 16)] = (
                        hbuf[q, i, pl.ds(jj * 32, 16)] * ce)
                    hbuf[q, i, pl.ds(jj * 32 + 16, 16)] = (
                        hbuf[q, i, pl.ds(jj * 32 + 16, 16)] * ce)

            pltpu.sync_copy(hbuf.at[q], acc_sh.at[dst_v.at[q]], add=True)
        return carry

    lax.fori_loop(0, K2, chunk, 0)
    plsc.subcore_barrier()
    pltpu.sync_copy(acc_sh.at[rs, :], out_hbm.at[c, rs, :])



def kernel(x, edge_index, batch, W1, as1, ad1, b1, W2, as2, ad2, b2,
           W3, as3, ad3, b3, fcW, fcb):
    f32 = jnp.float32
    loops = jnp.arange(N, dtype=jnp.int32)
    src = jnp.concatenate([edge_index[0].astype(jnp.int32), loops,
                           jnp.zeros((EP - EFULL,), jnp.int32)]).reshape(EP // 128, 128)
    dst = jnp.concatenate([edge_index[1].astype(jnp.int32), loops,
                           jnp.full((EP - EFULL,), DUMMY, jnp.int32)]).reshape(EP // 128, 128)
    xp = jnp.pad(x, ((0, NP - N), (0, 0)))
    zden = jnp.zeros((NP, 16), f32)
    zacc = jnp.zeros((NP, HALF), f32)
    eye8 = jnp.eye(NH, dtype=f32)

    def amat(a):
        m = (a[:, :, None] * eye8[:, None, :]).reshape(F, NH)
        return jnp.concatenate([m, m], axis=1)

    batchp = jnp.concatenate([batch.astype(jnp.int32),
                              jnp.full((NP - N,), G, jnp.int32)])
    batch3d = batchp.reshape(_GRID, 1, _R)

    hlo, hhi, As, Ad = _tc_first(xp, W1, amat(as1), amat(ad1))
    for (W, a_s, a_d, b_) in ((W2, as2, ad2, b1), (W3, as3, ad3, b2)):
        t_buf, den = _sc_pass1(src, dst, As, Ad, zden)
        out = _sc_pass2(src, dst, t_buf, _tc_denr(den[0], den[1]), hlo, hhi, zacc)
        hlo, hhi, As, Ad = _tc_mid(out[0], out[1], b_.reshape(1, F), W,
                                   amat(a_s), amat(a_d))
    t_buf, den = _sc_pass1(src, dst, As, Ad, zden)
    out = _sc_pass2(src, dst, t_buf, _tc_denr(den[0], den[1]), hlo, hhi, zacc)
    return _tc_pool(out[0], out[1], b3.reshape(1, F), batch3d, fcW,
                    fcb.reshape(1, NCLS))

# --- scband reference (transcript-rebuilt; emitter-appended) ---
"""Pipeline reference for scband-gatfor-graph-47175920779582 (READ-ONLY COPY).

The authoritative reference and input builder live on the scoring server;
editing this copy changes nothing except your own understanding.
"""

import jax, jax.numpy as jnp
import numpy as np

N = 10000
E = 160000
F = 256
H = 8
C = 32
G = 64
NCLS = 40


def setup_inputs(seed: int = 0):
    key = jax.random.key(seed)
    ks = jax.random.split(key, 20)
    sd = lambda fan: 1.0 / np.sqrt(fan)
    inp = {}
    inp['x'] = jax.random.normal(ks[0], (N, F), dtype=jnp.float32)
    inp['edge_index'] = jax.random.randint(ks[1], (2, E), 0, N, dtype=jnp.int32)
    inp['batch'] = jnp.sort(jax.random.randint(ks[2], (N,), 0, G, dtype=jnp.int32))
    inp['W1'] = jax.random.normal(ks[3], (F, H * C), dtype=jnp.float32) * sd(F)
    inp['as1'] = jax.random.normal(ks[4], (H, C), dtype=jnp.float32) * sd(C)
    inp['ad1'] = jax.random.normal(ks[5], (H, C), dtype=jnp.float32) * sd(C)
    inp['b1'] = jnp.zeros((H * C,), dtype=jnp.float32)
    inp['W2'] = jax.random.normal(ks[6], (H * C, H * C), dtype=jnp.float32) * sd(H * C)
    inp['as2'] = jax.random.normal(ks[7], (H, C), dtype=jnp.float32) * sd(C)
    inp['ad2'] = jax.random.normal(ks[8], (H, C), dtype=jnp.float32) * sd(C)
    inp['b2'] = jnp.zeros((H * C,), dtype=jnp.float32)
    inp['W3'] = jax.random.normal(ks[9], (H * C, H * C), dtype=jnp.float32) * sd(H * C)
    inp['as3'] = jax.random.normal(ks[10], (H, C), dtype=jnp.float32) * sd(C)
    inp['ad3'] = jax.random.normal(ks[11], (H, C), dtype=jnp.float32) * sd(C)
    inp['b3'] = jnp.zeros((H * C,), dtype=jnp.float32)
    inp['fcW'] = jax.random.normal(ks[12], (H * C, NCLS), dtype=jnp.float32) * sd(H * C)
    inp['fcb'] = jnp.zeros((NCLS,), dtype=jnp.float32)
    return inp


def _gat_layer(x, ei, W, a_src, a_dst, b):
    # PyG-style GATConv (concat heads, add_self_loops already applied to ei)
    h = (x @ W).reshape(N, H, C)
    src = ei[0]
    dst = ei[1]
    alpha_src = (h * a_src[None, :, :]).sum(-1)  # [N, H]
    alpha_dst = (h * a_dst[None, :, :]).sum(-1)  # [N, H]
    alpha = alpha_src[src] + alpha_dst[dst]      # [E, H]
    alpha = jax.nn.leaky_relu(alpha, 0.2)
    mx = jax.ops.segment_max(alpha, dst, num_segments=N)
    ex = jnp.exp(alpha - mx[dst])
    den = jax.ops.segment_sum(ex, dst, num_segments=N)
    coef = ex / (den[dst] + 1e-16)               # softmax over incoming edges per dst
    out = jax.ops.segment_sum(h[src] * coef[:, :, None], dst, num_segments=N)
    return out.reshape(N, H * C) + b


def reference(x, edge_index, batch, W1, as1, ad1, b1, W2, as2, ad2, b2, W3, as3, ad3, b3, fcW, fcb):
    # dropout layers are identity in eval/reference mode
    loops = jnp.arange(N, dtype=edge_index.dtype)
    ei = jnp.concatenate([edge_index, jnp.stack([loops, loops])], axis=1)
    h = jax.nn.elu(_gat_layer(x, ei, W1, as1, ad1, b1))
    h = jax.nn.elu(_gat_layer(h, ei, W2, as2, ad2, b2))
    h = _gat_layer(h, ei, W3, as3, ad3, b3)
    summed = jax.ops.segment_sum(h, batch, num_segments=G)
    counts = jax.ops.segment_sum(jnp.ones((N,), dtype=jnp.float32), batch, num_segments=G)
    pooled = summed / jnp.maximum(counts, 1.0)[:, None]
    return pooled @ fcW + fcb

if __name__ == "__main__":
    import jax
    _d = setup_inputs()
    print(jax.jit(kernel)(*tuple(_d.values())))

</pallas_src>

<mosaic_0001>
#map = affine_map<(d0, d1) -> (0, 0)>
#map1 = affine_map<(d0, d1) -> (0, 0, 0)>
module attributes {stable_mosaic.version = 14 : i64} {
  func.func @_sc_pass1(%arg0: i32, %arg1: i32, %arg2: memref<1344x128xi32, #tpu.memory_space<hbm>>, %arg3: memref<1344x128xi32, #tpu.memory_space<hbm>>, %arg4: memref<10240x16xf32, #tpu.memory_space<hbm>>, %arg5: memref<10240x16xf32, #tpu.memory_space<hbm>>, %arg6: memref<10240x16xf32, #tpu.memory_space<hbm>>, %arg7: memref<172032x16xf32, #tpu.memory_space<hbm>>, %arg8: memref<2x10240x16xf32, #tpu.memory_space<hbm>>, %arg9: memref<2x128xi32, #tpu.memory_space<vmem>>, %arg10: memref<2x128xi32, #tpu.memory_space<vmem>>, %arg11: memref<256x16xf32, #tpu.memory_space<vmem>>, %arg12: memref<256x16xf32, #tpu.memory_space<vmem>>, %arg13: memref<10240x16xf32, #tpu.memory_space<vmem_shared>>, %arg14: memref<10240x16xf32, #tpu.memory_space<vmem_shared>>, %arg15: memref<10240x16xf32, #tpu.memory_space<vmem_shared>>) attributes {dimension_semantics = [#tpu.dimension_semantics<core_parallel>, #tpu.dimension_semantics<subcore_parallel>], iteration_bounds = array<i64: 2, 16>, scalar_prefetch = 0 : i64, scratch_operands = 7 : i64, tpu.core_type = #tpu.core_type<sc_vector_subcore>, window_params = [{transform_indices = #map}, {transform_indices = #map}, {transform_indices = #map}, {transform_indices = #map}, {transform_indices = #map}, {transform_indices = #map}, {transform_indices = #map1}]} {
    %mul3A = arith.constant 2 : i32
    %mul3A_0 = arith.muli %arg1, %mul3A : i32
    %add3A = arith.addi %mul3A_0, %arg0 : i32
    %mul3A_1 = arith.constant 640 : i32
    %mul3A_2 = arith.muli %arg1, %mul3A_1 : i32
    "tpu.region"() ({
      %run_scoped3A = tpu.sem_alloc : memref<!tpu.dma_semaphore, #tpu.memory_space<semaphore_mem>>
      %dma_start3A = arith.constant 0 : i32
      %dma_start3A_11 = tpu.memref_slice %arg13[%mul3A_2, %dma_start3A] : memref<10240x16xf32, #tpu.memory_space<vmem_shared>> -> memref<640x16xf32, #tpu.memory_space<vmem_shared>>
      %dma_start3A_12 = arith.constant 0 : i32
      %dma_start3A_13 = tpu.memref_slice %arg6[%mul3A_2, %dma_start3A_12] : memref<10240x16xf32, #tpu.memory_space<hbm>> -> memref<640x16xf32, #tpu.memory_space<hbm>>
      tpu.enqueue_dma source(%dma_start3A_13 : memref<640x16xf32, #tpu.memory_space<hbm>>) target(%dma_start3A_11 : memref<640x16xf32, #tpu.memory_space<vmem_shared>>) target_semaphore(%run_scoped3A : memref<!tpu.dma_semaphore, #tpu.memory_space<semaphore_mem>>)
      %dma_wait3A = arith.constant 0 : i32
      %dma_wait3A_14 = tpu.memref_slice %arg13[%mul3A_2, %dma_wait3A] : memref<10240x16xf32, #tpu.memory_space<vmem_shared>> -> memref<640x16xf32, #tpu.memory_space<vmem_shared>>
      %dma_wait3A_15 = arith.constant 0 : i32
      %dma_wait3A_16 = tpu.memref_slice %arg6[%mul3A_2, %dma_wait3A_15] : memref<10240x16xf32, #tpu.memory_space<hbm>> -> memref<640x16xf32, #tpu.memory_space<hbm>>
      tpu.wait_dma2 semaphore(%run_scoped3A : memref<!tpu.dma_semaphore, #tpu.memory_space<semaphore_mem>>) src(%dma_wait3A_16 : memref<640x16xf32, #tpu.memory_space<hbm>>) dst(%dma_wait3A_14 : memref<640x16xf32, #tpu.memory_space<vmem_shared>>)
      tpu.yield
    }) : () -> ()
    "tpu.region"() ({
      %run_scoped3A = tpu.sem_alloc : memref<!tpu.dma_semaphore, #tpu.memory_space<semaphore_mem>>
      %dma_start3A = arith.constant 0 : i32
      %dma_start3A_11 = tpu.memref_slice %arg14[%mul3A_2, %dma_start3A] : memref<10240x16xf32, #tpu.memory_space<vmem_shared>> -> memref<640x16xf32, #tpu.memory_space<vmem_shared>>
      %dma_start3A_12 = arith.constant 0 : i32
      %dma_start3A_13 = tpu.memref_slice %arg4[%mul3A_2, %dma_start3A_12] : memref<10240x16xf32, #tpu.memory_space<hbm>> -> memref<640x16xf32, #tpu.memory_space<hbm>>
      tpu.enqueue_dma source(%dma_start3A_13 : memref<640x16xf32, #tpu.memory_space<hbm>>) target(%dma_start3A_11 : memref<640x16xf32, #tpu.memory_space<vmem_shared>>) target_semaphore(%run_scoped3A : memref<!tpu.dma_semaphore, #tpu.memory_space<semaphore_mem>>)
      %dma_wait3A = arith.constant 0 : i32
      %dma_wait3A_14 = tpu.memref_slice %arg14[%mul3A_2, %dma_wait3A] : memref<10240x16xf32, #tpu.memory_space<vmem_shared>> -> memref<640x16xf32, #tpu.memory_space<vmem_shared>>
      %dma_wait3A_15 = arith.constant 0 : i32
      %dma_wait3A_16 = tpu.memref_slice %arg4[%mul3A_2, %dma_wait3A_15] : memref<10240x16xf32, #tpu.memory_space<hbm>> -> memref<640x16xf32, #tpu.memory_space<hbm>>
      tpu.wait_dma2 semaphore(%run_scoped3A : memref<!tpu.dma_semaphore, #tpu.memory_space<semaphore_mem>>) src(%dma_wait3A_16 : memref<640x16xf32, #tpu.memory_space<hbm>>) dst(%dma_wait3A_14 : memref<640x16xf32, #tpu.memory_space<vmem_shared>>)
      tpu.yield
    }) : () -> ()
    "tpu.region"() ({
      %run_scoped3A = tpu.sem_alloc : memref<!tpu.dma_semaphore, #tpu.memory_space<semaphore_mem>>
      %dma_start3A = arith.constant 0 : i32
      %dma_start3A_11 = tpu.memref_slice %arg15[%mul3A_2, %dma_start3A] : memref<10240x16xf32, #tpu.memory_space<vmem_shared>> -> memref<640x16xf32, #tpu.memory_space<vmem_shared>>
      %dma_start3A_12 = arith.constant 0 : i32
      %dma_start3A_13 = tpu.memref_slice %arg5[%mul3A_2, %dma_start3A_12] : memref<10240x16xf32, #tpu.memory_space<hbm>> -> memref<640x16xf32, #tpu.memory_space<hbm>>
      tpu.enqueue_dma source(%dma_start3A_13 : memref<640x16xf32, #tpu.memory_space<hbm>>) target(%dma_start3A_11 : memref<640x16xf32, #tpu.memory_space<vmem_shared>>) target_semaphore(%run_scoped3A : memref<!tpu.dma_semaphore, #tpu.memory_space<semaphore_mem>>)
      %dma_wait3A = arith.constant 0 : i32
      %dma_wait3A_14 = tpu.memref_slice %arg15[%mul3A_2, %dma_wait3A] : memref<10240x16xf32, #tpu.memory_space<vmem_shared>> -> memref<640x16xf32, #tpu.memory_space<vmem_shared>>
      %dma_wait3A_15 = arith.constant 0 : i32
      %dma_wait3A_16 = tpu.memref_slice %arg5[%mul3A_2, %dma_wait3A_15] : memref<10240x16xf32, #tpu.memory_space<hbm>> -> memref<640x16xf32, #tpu.memory_space<hbm>>
      tpu.wait_dma2 semaphore(%run_scoped3A : memref<!tpu.dma_semaphore, #tpu.memory_space<semaphore_mem>>) src(%dma_wait3A_16 : memref<640x16xf32, #tpu.memory_space<hbm>>) dst(%dma_wait3A_14 : memref<640x16xf32, #tpu.memory_space<vmem_shared>>)
      tpu.yield
    }) : () -> ()
    %barrier3A = arith.constant 0 : index
    tpu.barrier barrier_id(%barrier3A)
    %mul3A_3 = arith.constant 5376 : i32
    %mul3A_4 = arith.muli %add3A, %mul3A_3 : i32
    %scan3A = arith.constant 0 : i32
    %scan3A_5 = arith.constant 0 : i32
    %scan3A_6 = arith.constant 21 : i32
    %scan3A_7 = arith.addi %scan3A_5, %scan3A_6 : i32
    %scan3A_8 = arith.constant 1 : i32
    scf.for %scan3A_11 = %scan3A_5 to %scan3A_7 step %scan3A_8  : i32 {
      %mul3A_12 = arith.constant 256 : i32
      %mul3A_13 = arith.muli %scan3A_11, %mul3A_12 : i32
      %add3A_14 = arith.addi %mul3A_4, %mul3A_13 : i32
      %jit3A = arith.constant 128 : i32
      %div3A = arith.divsi %add3A_14, %jit3A : i32
      %sign3A = arith.constant 0 : i32
      %sign3A_15 = arith.cmpi sgt, %add3A_14, %sign3A : i32
      %sign3A_16 = arith.extui %sign3A_15 : i1 to i32
      %sign3A_17 = arith.constant 0 : i32
      %sign3A_18 = arith.cmpi slt, %add3A_14, %sign3A_17 : i32
      %sign3A_19 = arith.extui %sign3A_18 : i1 to i32
      %sign3A_20 = arith.subi %sign3A_16, %sign3A_19 : i32
      %sign3A_21 = arith.constant 0 : i32
      %sign3A_22 = arith.cmpi sgt, %jit3A, %sign3A_21 : i32
      %sign3A_23 = arith.extui %sign3A_22 : i1 to i32
      %sign3A_24 = arith.constant 0 : i32
      %sign3A_25 = arith.cmpi slt, %jit3A, %sign3A_24 : i32
      %sign3A_26 = arith.extui %sign3A_25 : i1 to i32
      %sign3A_27 = arith.subi %sign3A_23, %sign3A_26 : i32
      %ne3A = arith.cmpi ne, %sign3A_20, %sign3A_27 : i32
      %rem3A = arith.remsi %add3A_14, %jit3A : i32
      %ne3A_28 = arith.constant 0 : i32
      %ne3A_29 = arith.cmpi ne, %rem3A, %ne3A_28 : i32
      %and3A = arith.andi %ne3A, %ne3A_29 : i1
      %sub3A = arith.constant 1 : i32
      %sub3A_30 = arith.subi %div3A, %sub3A : i32
      %select_n3A = arith.select %and3A, %sub3A_30, %div3A : i32
      "tpu.region"() ({
        %run_scoped3A_38 = tpu.sem_alloc : memref<!tpu.dma_semaphore, #tpu.memory_space<semaphore_mem>>
        %dma_start3A = arith.constant 0 : i32
        %dma_start3A_39 = tpu.memref_slice %arg2[%select_n3A, %dma_start3A] : memref<1344x128xi32, #tpu.memory_space<hbm>> -> memref<2x128xi32, #tpu.memory_space<hbm>>
        %dma_start3A_40 = arith.constant 0 : i32
        %dma_start3A_41 = tpu.memref_slice %arg2[%select_n3A, %dma_start3A_40] : memref<1344x128xi32, #tpu.memory_space<hbm>> -> memref<2x128xi32, #tpu.memory_space<hbm>>
        tpu.enqueue_dma source(%dma_start3A_41 : memref<2x128xi32, #tpu.memory_space<hbm>>) target(%arg9 : memref<2x128xi32, #tpu.memory_space<vmem>>) target_semaphore(%run_scoped3A_38 : memref<!tpu.dma_semaphore, #tpu.memory_space<semaphore_mem>>)
        %dma_wait3A = arith.constant 0 : i32
        %dma_wait3A_42 = tpu.memref_slice %arg2[%select_n3A, %dma_wait3A] : memref<1344x128xi32, #tpu.memory_space<hbm>> -> memref<2x128xi32, #tpu.memory_space<hbm>>
        %dma_wait3A_43 = arith.constant 0 : i32
        %dma_wait3A_44 = tpu.memref_slice %arg2[%select_n3A, %dma_wait3A_43] : memref<1344x128xi32, #tpu.memory_space<hbm>> -> memref<2x128xi32, #tpu.memory_space<hbm>>
        tpu.wait_dma2 semaphore(%run_scoped3A_38 : memref<!tpu.dma_semaphore, #tpu.memory_space<semaphore_mem>>) src(%dma_wait3A_44 : memref<2x128xi32, #tpu.memory_space<hbm>>) dst(%arg9 : memref<2x128xi32, #tpu.memory_space<vmem>>)
        tpu.yield
      }) : () -> ()
      "tpu.region"() ({
        %run_scoped3A_38 = tpu.sem_alloc : memref<!tpu.dma_semaphore, #tpu.memory_space<semaphore_mem>>
        %dma_start3A = arith.constant 0 : i32
        %dma_start3A_39 = tpu.memref_slice %arg3[%select_n3A, %dma_start3A] : memref<1344x128xi32, #tpu.memory_space<hbm>> -> memref<2x128xi32, #tpu.memory_space<hbm>>
        %dma_start3A_40 = arith.constant 0 : i32
        %dma_start3A_41 = tpu.memref_slice %arg3[%select_n3A, %dma_start3A_40] : memref<1344x128xi32, #tpu.memory_space<hbm>> -> memref<2x128xi32, #tpu.memory_space<hbm>>
        tpu.enqueue_dma source(%dma_start3A_41 : memref<2x128xi32, #tpu.memory_space<hbm>>) target(%arg10 : memref<2x128xi32, #tpu.memory_space<vmem>>) target_semaphore(%run_scoped3A_38 : memref<!tpu.dma_semaphore, #tpu.memory_space<semaphore_mem>>)
        %dma_wait3A = arith.constant 0 : i32
        %dma_wait3A_42 = tpu.memref_slice %arg3[%select_n3A, %dma_wait3A] : memref<1344x128xi32, #tpu.memory_space<hbm>> -> memref<2x128xi32, #tpu.memory_space<hbm>>
        %dma_wait3A_43 = arith.constant 0 : i32
        %dma_wait3A_44 = tpu.memref_slice %arg3[%select_n3A, %dma_wait3A_43] : memref<1344x128xi32, #tpu.memory_space<hbm>> -> memref<2x128xi32, #tpu.memory_space<hbm>>
        tpu.wait_dma2 semaphore(%run_scoped3A_38 : memref<!tpu.dma_semaphore, #tpu.memory_space<semaphore_mem>>) src(%dma_wait3A_44 : memref<2x128xi32, #tpu.memory_space<hbm>>) dst(%arg10 : memref<2x128xi32, #tpu.memory_space<vmem>>)
        tpu.yield
      }) : () -> ()
      %run_scoped3A = arith.constant 0 : i32
      "tpu.region"() ({
        %run_scoped3A_38 = tpu.sem_alloc : memref<!tpu.dma_semaphore, #tpu.memory_space<semaphore_mem>>
        %dma_start3A = arith.constant 0 : i32
        %dma_start3A_39 = arith.constant 0 : i32
        %dma_start3A_40 = tpu.memref_slice %arg11[%dma_start3A, %dma_start3A_39] : memref<256x16xf32, #tpu.memory_space<vmem>> -> memref<128x16xf32, #tpu.memory_space<vmem>>
        %dma_start3A_41 = arith.constant 0 : i32
        %dma_start3A_42 = tpu.memref_slice %arg9[%run_scoped3A, %dma_start3A_41] : memref<2x128xi32, #tpu.memory_space<vmem>> -> memref<1x128xi32, #tpu.memory_space<vmem>>
        %dma_start3A_43 = tpu.memref_squeeze %dma_start3A_42 : memref<1x128xi32, #tpu.memory_space<vmem>> -> memref<128xi32, #tpu.memory_space<vmem>>
        %dma_start3A_44 = arith.constant 0 : i32
        %dma_start3A_45 = arith.constant 0 : i32
        %dma_start3A_46 = tpu.memref_slice %arg14[%dma_start3A_44, %dma_start3A_45] : memref<10240x16xf32, #tpu.memory_space<vmem_shared>> -> memref<10240x16xf32, #tpu.memory_space<vmem_shared>>
        tpu.enqueue_indirect_dma source(%dma_start3A_46 : memref<10240x16xf32, #tpu.memory_space<vmem_shared>>) target(%dma_start3A_40 : memref<128x16xf32, #tpu.memory_space<vmem>>) offsets(%dma_start3A_43 : memref<128xi32, #tpu.memory_space<vmem>>) semaphore(%run_scoped3A_38 : memref<!tpu.dma_semaphore, #tpu.memory_space<semaphore_mem>>)
        %dma_wait3A = arith.constant 0 : i32
        %dma_wait3A_47 = arith.constant 0 : i32
        %dma_wait3A_48 = tpu.memref_slice %arg11[%dma_wait3A, %dma_wait3A_47] : memref<256x16xf32, #tpu.memory_space<vmem>> -> memref<128x16xf32, #tpu.memory_space<vmem>>
        %dma_wait3A_49 = arith.constant 0 : i32
        %dma_wait3A_50 = tpu.memref_slice %arg9[%run_scoped3A, %dma_wait3A_49] : memref<2x128xi32, #tpu.memory_space<vmem>> -> memref<1x128xi32, #tpu.memory_space<vmem>>
        %dma_wait3A_51 = tpu.memref_squeeze %dma_wait3A_50 : memref<1x128xi32, #tpu.memory_space<vmem>> -> memref<128xi32, #tpu.memory_space<vmem>>
        %dma_wait3A_52 = arith.constant 0 : i32
        %dma_wait3A_53 = arith.constant 0 : i32
        %dma_wait3A_54 = tpu.memref_slice %arg14[%dma_wait3A_52, %dma_wait3A_53] : memref<10240x16xf32, #tpu.memory_space<vmem_shared>> -> memref<10240x16xf32, #tpu.memory_space<vmem_shared>>
        tpu.wait_indirect_dma semaphore(%run_scoped3A_38 : memref<!tpu.dma_semaphore, #tpu.memory_space<semaphore_mem>>) src(%dma_wait3A_54 : memref<10240x16xf32, #tpu.memory_space<vmem_shared>>) dst(%dma_wait3A_48 : memref<128x16xf32, #tpu.memory_space<vmem>>)
        tpu.yield
      }) : () -> ()
      %run_scoped3A_31 = arith.constant 0 : i32
      "tpu.region"() ({
        %run_scoped3A_38 = tpu.sem_alloc : memref<!tpu.dma_semaphore, #tpu.memory_space<semaphore_mem>>
        %dma_start3A = arith.constant 0 : i32
        %dma_start3A_39 = arith.constant 0 : i32
        %dma_start3A_40 = tpu.memref_slice %arg12[%dma_start3A, %dma_start3A_39] : memref<256x16xf32, #tpu.memory_space<vmem>> -> memref<128x16xf32, #tpu.memory_space<vmem>>
        %dma_start3A_41 = arith.constant 0 : i32
        %dma_start3A_42 = tpu.memref_slice %arg10[%run_scoped3A_31, %dma_start3A_41] : memref<2x128xi32, #tpu.memory_space<vmem>> -> memref<1x128xi32, #tpu.memory_space<vmem>>
        %dma_start3A_43 = tpu.memref_squeeze %dma_start3A_42 : memref<1x128xi32, #tpu.memory_space<vmem>> -> memref<128xi32, #tpu.memory_space<vmem>>
        %dma_start3A_44 = arith.constant 0 : i32
        %dma_start3A_45 = arith.constant 0 : i32
        %dma_start3A_46 = tpu.memref_slice %arg15[%dma_start3A_44, %dma_start3A_45] : memref<10240x16xf32, #tpu.memory_space<vmem_shared>> -> memref<10240x16xf32, #tpu.memory_space<vmem_shared>>
        tpu.enqueue_indirect_dma source(%dma_start3A_46 : memref<10240x16xf32, #tpu.memory_space<vmem_shared>>) target(%dma_start3A_40 : memref<128x16xf32, #tpu.memory_space<vmem>>) offsets(%dma_start3A_43 : memref<128xi32, #tpu.memory_space<vmem>>) semaphore(%run_scoped3A_38 : memref<!tpu.dma_semaphore, #tpu.memory_space<semaphore_mem>>)
        %dma_wait3A = arith.constant 0 : i32
        %dma_wait3A_47 = arith.constant 0 : i32
        %dma_wait3A_48 = tpu.memref_slice %arg12[%dma_wait3A, %dma_wait3A_47] : memref<256x16xf32, #tpu.memory_space<vmem>> -> memref<128x16xf32, #tpu.memory_space<vmem>>
        %dma_wait3A_49 = arith.constant 0 : i32
        %dma_wait3A_50 = tpu.memref_slice %arg10[%run_scoped3A_31, %dma_wait3A_49] : memref<2x128xi32, #tpu.memory_space<vmem>> -> memref<1x128xi32, #tpu.memory_space<vmem>>
        %dma_wait3A_51 = tpu.memref_squeeze %dma_wait3A_50 : memref<1x128xi32, #tpu.memory_space<vmem>> -> memref<128xi32, #tpu.memory_space<vmem>>
        %dma_wait3A_52 = arith.constant 0 : i32
        %dma_wait3A_53 = arith.constant 0 : i32
        %dma_wait3A_54 = tpu.memref_slice %arg15[%dma_wait3A_52, %dma_wait3A_53] : memref<10240x16xf32, #tpu.memory_space<vmem_shared>> -> memref<10240x16xf32, #tpu.memory_space<vmem_shared>>
        tpu.wait_indirect_dma semaphore(%run_scoped3A_38 : memref<!tpu.dma_semaphore, #tpu.memory_space<semaphore_mem>>) src(%dma_wait3A_54 : memref<10240x16xf32, #tpu.memory_space<vmem_shared>>) dst(%dma_wait3A_48 : memref<128x16xf32, #tpu.memory_space<vmem>>)
        tpu.yield
      }) : () -> ()
      %run_scoped3A_32 = arith.constant 1 : i32
      "tpu.region"() ({
        %run_scoped3A_38 = tpu.sem_alloc : memref<!tpu.dma_semaphore, #tpu.memory_space<semaphore_mem>>
        %dma_start3A = arith.constant 128 : i32
        %dma_start3A_39 = arith.constant 0 : i32
        %dma_start3A_40 = tpu.memref_slice %arg11[%dma_start3A, %dma_start3A_39] : memref<256x16xf32, #tpu.memory_space<vmem>> -> memref<128x16xf32, #tpu.memory_space<vmem>>
        %dma_start3A_41 = arith.constant 0 : i32
        %dma_start3A_42 = tpu.memref_slice %arg9[%run_scoped3A_32, %dma_start3A_41] : memref<2x128xi32, #tpu.memory_space<vmem>> -> memref<1x128xi32, #tpu.memory_space<vmem>>
        %dma_start3A_43 = tpu.memref_squeeze %dma_start3A_42 : memref<1x128xi32, #tpu.memory_space<vmem>> -> memref<128xi32, #tpu.memory_space<vmem>>
        %dma_start3A_44 = arith.constant 0 : i32
        %dma_start3A_45 = arith.constant 0 : i32
        %dma_start3A_46 = tpu.memref_slice %arg14[%dma_start3A_44, %dma_start3A_45] : memref<10240x16xf32, #tpu.memory_space<vmem_shared>> -> memref<10240x16xf32, #tpu.memory_space<vmem_shared>>
        tpu.enqueue_indirect_dma source(%dma_start3A_46 : memref<10240x16xf32, #tpu.memory_space<vmem_shared>>) target(%dma_start3A_40 : memref<128x16xf32, #tpu.memory_space<vmem>>) offsets(%dma_start3A_43 : memref<128xi32, #tpu.memory_space<vmem>>) semaphore(%run_scoped3A_38 : memref<!tpu.dma_semaphore, #tpu.memory_space<semaphore_mem>>)
        %dma_wait3A = arith.constant 128 : i32
        %dma_wait3A_47 = arith.constant 0 : i32
        %dma_wait3A_48 = tpu.memref_slice %arg11[%dma_wait3A, %dma_wait3A_47] : memref<256x16xf32, #tpu.memory_space<vmem>> -> memref<128x16xf32, #tpu.memory_space<vmem>>
        %dma_wait3A_49 = arith.constant 0 : i32
        %dma_wait3A_50 = tpu.memref_slice %arg9[%run_scoped3A_32, %dma_wait3A_49] : memref<2x128xi32, #tpu.memory_space<vmem>> -> memref<1x128xi32, #tpu.memory_space<vmem>>
        %dma_wait3A_51 = tpu.memref_squeeze %dma_wait3A_50 : memref<1x128xi32, #tpu.memory_space<vmem>> -> memref<128xi32, #tpu.memory_space<vmem>>
        %dma_wait3A_52 = arith.constant 0 : i32
        %dma_wait3A_53 = arith.constant 0 : i32
        %dma_wait3A_54 = tpu.memref_slice %arg14[%dma_wait3A_52, %dma_wait3A_53] : memref<10240x16xf32, #tpu.memory_space<vmem_shared>> -> memref<10240x16xf32, #tpu.memory_space<vmem_shared>>
        tpu.wait_indirect_dma semaphore(%run_scoped3A_38 : memref<!tpu.dma_semaphore, #tpu.memory_space<semaphore_mem>>) src(%dma_wait3A_54 : memref<10240x16xf32, #tpu.memory_space<vmem_shared>>) dst(%dma_wait3A_48 : memref<128x16xf32, #tpu.memory_space<vmem>>)
        tpu.yield
      }) : () -> ()
      %run_scoped3A_33 = arith.constant 1 : i32
      "tpu.region"() ({
        %run_scoped3A_38 = tpu.sem_alloc : memref<!tpu.dma_semaphore, #tpu.memory_space<semaphore_mem>>
        %dma_start3A = arith.constant 128 : i32
        %dma_start3A_39 = arith.constant 0 : i32
        %dma_start3A_40 = tpu.memref_slice %arg12[%dma_start3A, %dma_start3A_39] : memref<256x16xf32, #tpu.memory_space<vmem>> -> memref<128x16xf32, #tpu.memory_space<vmem>>
        %dma_start3A_41 = arith.constant 0 : i32
        %dma_start3A_42 = tpu.memref_slice %arg10[%run_scoped3A_33, %dma_start3A_41] : memref<2x128xi32, #tpu.memory_space<vmem>> -> memref<1x128xi32, #tpu.memory_space<vmem>>
        %dma_start3A_43 = tpu.memref_squeeze %dma_start3A_42 : memref<1x128xi32, #tpu.memory_space<vmem>> -> memref<128xi32, #tpu.memory_space<vmem>>
        %dma_start3A_44 = arith.constant 0 : i32
        %dma_start3A_45 = arith.constant 0 : i32
        %dma_start3A_46 = tpu.memref_slice %arg15[%dma_start3A_44, %dma_start3A_45] : memref<10240x16xf32, #tpu.memory_space<vmem_shared>> -> memref<10240x16xf32, #tpu.memory_space<vmem_shared>>
        tpu.enqueue_indirect_dma source(%dma_start3A_46 : memref<10240x16xf32, #tpu.memory_space<vmem_shared>>) target(%dma_start3A_40 : memref<128x16xf32, #tpu.memory_space<vmem>>) offsets(%dma_start3A_43 : memref<128xi32, #tpu.memory_space<vmem>>) semaphore(%run_scoped3A_38 : memref<!tpu.dma_semaphore, #tpu.memory_space<semaphore_mem>>)
        %dma_wait3A = arith.constant 128 : i32
        %dma_wait3A_47 = arith.constant 0 : i32
        %dma_wait3A_48 = tpu.memref_slice %arg12[%dma_wait3A, %dma_wait3A_47] : memref<256x16xf32, #tpu.memory_space<vmem>> -> memref<128x16xf32, #tpu.memory_space<vmem>>
        %dma_wait3A_49 = arith.constant 0 : i32
        %dma_wait3A_50 = tpu.memref_slice %arg10[%run_scoped3A_33, %dma_wait3A_49] : memref<2x128xi32, #tpu.memory_space<vmem>> -> memref<1x128xi32, #tpu.memory_space<vmem>>
        %dma_wait3A_51 = tpu.memref_squeeze %dma_wait3A_50 : memref<1x128xi32, #tpu.memory_space<vmem>> -> memref<128xi32, #tpu.memory_space<vmem>>
        %dma_wait3A_52 = arith.constant 0 : i32
        %dma_wait3A_53 = arith.constant 0 : i32
        %dma_wait3A_54 = tpu.memref_slice %arg15[%dma_wait3A_52, %dma_wait3A_53] : memref<10240x16xf32, #tpu.memory_space<vmem_shared>> -> memref<10240x16xf32, #tpu.memory_space<vmem_shared>>
        tpu.wait_indirect_dma semaphore(%run_scoped3A_38 : memref<!tpu.dma_semaphore, #tpu.memory_space<semaphore_mem>>) src(%dma_wait3A_54 : memref<10240x16xf32, #tpu.memory_space<vmem_shared>>) dst(%dma_wait3A_48 : memref<128x16xf32, #tpu.memory_space<vmem>>)
        tpu.yield
      }) : () -> ()
      %parallel_loop3A = arith.constant 0 : i32
      %parallel_loop3A_34 = arith.constant 256 : i32
      %parallel_loop3A_35 = arith.constant 1 : i32
      scf.for %parallel_loop3A_38 = %parallel_loop3A to %parallel_loop3A_34 step %parallel_loop3A_35  : i32 {
        %parallel_loop3A_39 = arith.index_cast %parallel_loop3A_38 : i32 to index
        %parallel_loop3A_40 = arith.constant 0 : index
        %parallel_loop3A_41 = tpu.vector_load %arg11[%parallel_loop3A_39, %parallel_loop3A_40] {strides = array<i32>} : memref<256x16xf32, #tpu.memory_space<vmem>>, vector<16xf32>,
        %parallel_loop3A_42 = arith.index_cast %parallel_loop3A_38 : i32 to index
        %parallel_loop3A_43 = arith.constant 0 : index
        %parallel_loop3A_44 = tpu.vector_load %arg12[%parallel_loop3A_42, %parallel_loop3A_43] {strides = array<i32>} : memref<256x16xf32, #tpu.memory_space<vmem>>, vector<16xf32>,
        %parallel_loop3A_45 = arith.addf %parallel_loop3A_41, %parallel_loop3A_44 : vector<16xf32>
        %parallel_loop3A_46 = arith.constant 2.000000e-01 : f32
        %parallel_loop3A_47 = vector.broadcast %parallel_loop3A_46 : f32 to vector<16xf32>
        %parallel_loop3A_48 = arith.mulf %parallel_loop3A_47, %parallel_loop3A_45 : vector<16xf32>
        %parallel_loop3A_49 = arith.maximumf %parallel_loop3A_45, %parallel_loop3A_48 : vector<16xf32>
        %parallel_loop3A_50 = math.exp %parallel_loop3A_49 : vector<16xf32>
        %parallel_loop3A_51 = arith.index_cast %parallel_loop3A_38 : i32 to index
        %parallel_loop3A_52 = arith.constant 0 : index
        %parallel_loop3A_53 = tpu.vector_load %arg11[%parallel_loop3A_51, %parallel_loop3A_52] {strides = array<i32>} : memref<256x16xf32, #tpu.memory_space<vmem>>, vector<16xf32>,
        tpu.vector_store %arg11[%parallel_loop3A_51, %parallel_loop3A_52], %parallel_loop3A_50 {strides = array<i32>} : memref<256x16xf32, #tpu.memory_space<vmem>>, vector<16xf32>,
      } {sc.loop_unroll_factor = 1 : i64, sc.parallel_access}
      "tpu.region"() ({
        %run_scoped3A_38 = tpu.sem_alloc : memref<!tpu.dma_semaphore, #tpu.memory_space<semaphore_mem>>
        %dma_start3A = arith.constant 0 : i32
        %dma_start3A_39 = tpu.memref_slice %arg7[%add3A_14, %dma_start3A] : memref<172032x16xf32, #tpu.memory_space<hbm>> -> memref<256x16xf32, #tpu.memory_space<hbm>>
        %dma_start3A_40 = arith.constant 0 : i32
        %dma_start3A_41 = tpu.memref_slice %arg7[%add3A_14, %dma_start3A_40] : memref<172032x16xf32, #tpu.memory_space<hbm>> -> memref<256x16xf32, #tpu.memory_space<hbm>>
        tpu.enqueue_dma source(%arg11 : memref<256x16xf32, #tpu.memory_space<vmem>>) target(%dma_start3A_41 : memref<256x16xf32, #tpu.memory_space<hbm>>) target_semaphore(%run_scoped3A_38 : memref<!tpu.dma_semaphore, #tpu.memory_space<semaphore_mem>>)
        %dma_wait3A = arith.constant 0 : i32
        %dma_wait3A_42 = tpu.memref_slice %arg7[%add3A_14, %dma_wait3A] : memref<172032x16xf32, #tpu.memory_space<hbm>> -> memref<256x16xf32, #tpu.memory_space<hbm>>
        %dma_wait3A_43 = arith.constant 0 : i32
        %dma_wait3A_44 = tpu.memref_slice %arg7[%add3A_14, %dma_wait3A_43] : memref<172032x16xf32, #tpu.memory_space<hbm>> -> memref<256x16xf32, #tpu.memory_space<hbm>>
        tpu.wait_dma2 semaphore(%run_scoped3A_38 : memref<!tpu.dma_semaphore, #tpu.memory_space<semaphore_mem>>) src(%arg11 : memref<256x16xf32, #tpu.memory_space<vmem>>) dst(%dma_wait3A_44 : memref<256x16xf32, #tpu.memory_space<hbm>>)
        tpu.yield
      }) : () -> ()
      %run_scoped3A_36 = arith.constant 0 : i32
      "tpu.region"() ({
        %run_scoped3A_38 = tpu.sem_alloc : memref<!tpu.dma_semaphore, #tpu.memory_space<semaphore_mem>>
        %dma_start3A = arith.constant 0 : i32
        %dma_start3A_39 = arith.constant 0 : i32
        %dma_start3A_40 = tpu.memref_slice %arg11[%dma_start3A, %dma_start3A_39] : memref<256x16xf32, #tpu.memory_space<vmem>> -> memref<128x16xf32, #tpu.memory_space<vmem>>
        %dma_start3A_41 = arith.constant 0 : i32
        %dma_start3A_42 = tpu.memref_slice %arg10[%run_scoped3A_36, %dma_start3A_41] : memref<2x128xi32, #tpu.memory_space<vmem>> -> memref<1x128xi32, #tpu.memory_space<vmem>>
        %dma_start3A_43 = tpu.memref_squeeze %dma_start3A_42 : memref<1x128xi32, #tpu.memory_space<vmem>> -> memref<128xi32, #tpu.memory_space<vmem>>
        %dma_start3A_44 = arith.constant 0 : i32
        %dma_start3A_45 = arith.constant 0 : i32
        %dma_start3A_46 = tpu.memref_slice %arg13[%dma_start3A_44, %dma_start3A_45] : memref<10240x16xf32, #tpu.memory_space<vmem_shared>> -> memref<10240x16xf32, #tpu.memory_space<vmem_shared>>
        tpu.enqueue_indirect_dma source(%dma_start3A_40 : memref<128x16xf32, #tpu.memory_space<vmem>>) target(%dma_start3A_46 : memref<10240x16xf32, #tpu.memory_space<vmem_shared>>) offsets(%dma_start3A_43 : memref<128xi32, #tpu.memory_space<vmem>>) semaphore(%run_scoped3A_38 : memref<!tpu.dma_semaphore, #tpu.memory_space<semaphore_mem>>) {add = true}
        %dma_wait3A = arith.constant 0 : i32
        %dma_wait3A_47 = arith.constant 0 : i32
        %dma_wait3A_48 = tpu.memref_slice %arg11[%dma_wait3A, %dma_wait3A_47] : memref<256x16xf32, #tpu.memory_space<vmem>> -> memref<128x16xf32, #tpu.memory_space<vmem>>
        %dma_wait3A_49 = arith.constant 0 : i32
        %dma_wait3A_50 = tpu.memref_slice %arg10[%run_scoped3A_36, %dma_wait3A_49] : memref<2x128xi32, #tpu.memory_space<vmem>> -> memref<1x128xi32, #tpu.memory_space<vmem>>
        %dma_wait3A_51 = tpu.memref_squeeze %dma_wait3A_50 : memref<1x128xi32, #tpu.memory_space<vmem>> -> memref<128xi32, #tpu.memory_space<vmem>>
        %dma_wait3A_52 = arith.constant 0 : i32
        %dma_wait3A_53 = arith.constant 0 : i32
        %dma_wait3A_54 = tpu.memref_slice %arg13[%dma_wait3A_52, %dma_wait3A_53] : memref<10240x16xf32, #tpu.memory_space<vmem_shared>> -> memref<10240x16xf32, #tpu.memory_space<vmem_shared>>
        tpu.wait_indirect_dma semaphore(%run_scoped3A_38 : memref<!tpu.dma_semaphore, #tpu.memory_space<semaphore_mem>>) src(%dma_wait3A_48 : memref<128x16xf32, #tpu.memory_space<vmem>>) dst(%dma_wait3A_54 : memref<10240x16xf32, #tpu.memory_space<vmem_shared>>)
        tpu.yield
      }) : () -> ()
      %run_scoped3A_37 = arith.constant 1 : i32
      "tpu.region"() ({
        %run_scoped3A_38 = tpu.sem_alloc : memref<!tpu.dma_semaphore, #tpu.memory_space<semaphore_mem>>
        %dma_start3A = arith.constant 128 : i32
        %dma_start3A_39 = arith.constant 0 : i32
        %dma_start3A_40 = tpu.memref_slice %arg11[%dma_start3A, %dma_start3A_39] : memref<256x16xf32, #tpu.memory_space<vmem>> -> memref<128x16xf32, #tpu.memory_space<vmem>>
        %dma_start3A_41 = arith.constant 0 : i32
        %dma_start3A_42 = tpu.memref_slice %arg10[%run_scoped3A_37, %dma_start3A_41] : memref<2x128xi32, #tpu.memory_space<vmem>> -> memref<1x128xi32, #tpu.memory_space<vmem>>
        %dma_start3A_43 = tpu.memref_squeeze %dma_start3A_42 : memref<1x128xi32, #tpu.memory_space<vmem>> -> memref<128xi32, #tpu.memory_space<vmem>>
        %dma_start3A_44 = arith.constant 0 : i32
        %dma_start3A_45 = arith.constant 0 : i32
        %dma_start3A_46 = tpu.memref_slice %arg13[%dma_start3A_44, %dma_start3A_45] : memref<10240x16xf32, #tpu.memory_space<vmem_shared>> -> memref<10240x16xf32, #tpu.memory_space<vmem_shared>>
        tpu.enqueue_indirect_dma source(%dma_start3A_40 : memref<128x16xf32, #tpu.memory_space<vmem>>) target(%dma_start3A_46 : memref<10240x16xf32, #tpu.memory_space<vmem_shared>>) offsets(%dma_start3A_43 : memref<128xi32, #tpu.memory_space<vmem>>) semaphore(%run_scoped3A_38 : memref<!tpu.dma_semaphore, #tpu.memory_space<semaphore_mem>>) {add = true}
        %dma_wait3A = arith.constant 128 : i32
        %dma_wait3A_47 = arith.constant 0 : i32
        %dma_wait3A_48 = tpu.memref_slice %arg11[%dma_wait3A, %dma_wait3A_47] : memref<256x16xf32, #tpu.memory_space<vmem>> -> memref<128x16xf32, #tpu.memory_space<vmem>>
        %dma_wait3A_49 = arith.constant 0 : i32
        %dma_wait3A_50 = tpu.memref_slice %arg10[%run_scoped3A_37, %dma_wait3A_49] : memref<2x128xi32, #tpu.memory_space<vmem>> -> memref<1x128xi32, #tpu.memory_space<vmem>>
        %dma_wait3A_51 = tpu.memref_squeeze %dma_wait3A_50 : memref<1x128xi32, #tpu.memory_space<vmem>> -> memref<128xi32, #tpu.memory_space<vmem>>
        %dma_wait3A_52 = arith.constant 0 : i32
        %dma_wait3A_53 = arith.constant 0 : i32
        %dma_wait3A_54 = tpu.memref_slice %arg13[%dma_wait3A_52, %dma_wait3A_53] : memref<10240x16xf32, #tpu.memory_space<vmem_shared>> -> memref<10240x16xf32, #tpu.memory_space<vmem_shared>>
        tpu.wait_indirect_dma semaphore(%run_scoped3A_38 : memref<!tpu.dma_semaphore, #tpu.memory_space<semaphore_mem>>) src(%dma_wait3A_48 : memref<128x16xf32, #tpu.memory_space<vmem>>) dst(%dma_wait3A_54 : memref<10240x16xf32, #tpu.memory_space<vmem_shared>>)
        tpu.yield
      }) : () -> ()
    }
    %scan3A_9 = arith.constant 21 : i32
    %barrier3A_10 = arith.constant 0 : index
    tpu.barrier barrier_id(%barrier3A_10)
    "tpu.region"() ({
      %run_scoped3A = tpu.sem_alloc : memref<!tpu.dma_semaphore, #tpu.memory_space<semaphore_mem>>
      %dma_start3A = arith.constant 0 : i32
      %dma_start3A_11 = tpu.memref_slice %arg8[%arg0, %mul3A_2, %dma_start3A] : memref<2x10240x16xf32, #tpu.memory_space<hbm>> -> memref<1x640x16xf32, #tpu.memory_space<hbm>>
      %dma_start3A_12 = tpu.memref_squeeze %dma_start3A_11 : memref<1x640x16xf32, #tpu.memory_space<hbm>> -> memref<640x16xf32, #tpu.memory_space<hbm>>
      %dma_start3A_13 = arith.constant 0 : i32
      %dma_start3A_14 = tpu.memref_slice %arg13[%mul3A_2, %dma_start3A_13] : memref<10240x16xf32, #tpu.memory_space<vmem_shared>> -> memref<640x16xf32, #tpu.memory_space<vmem_shared>>
      tpu.enqueue_dma source(%dma_start3A_14 : memref<640x16xf32, #tpu.memory_space<vmem_shared>>) target(%dma_start3A_12 : memref<640x16xf32, #tpu.memory_space<hbm>>) target_semaphore(%run_scoped3A : memref<!tpu.dma_semaphore, #tpu.memory_space<semaphore_mem>>)
      %dma_wait3A = arith.constant 0 : i32
      %dma_wait3A_15 = tpu.memref_slice %arg8[%arg0, %mul3A_2, %dma_wait3A] : memref<2x10240x16xf32, #tpu.memory_space<hbm>> -> memref<1x640x16xf32, #tpu.memory_space<hbm>>
      %dma_wait3A_16 = tpu.memref_squeeze %dma_wait3A_15 : memref<1x640x16xf32, #tpu.memory_space<hbm>> -> memref<640x16xf32, #tpu.memory_space<hbm>>
      %dma_wait3A_17 = arith.constant 0 : i32
      %dma_wait3A_18 = tpu.memref_slice %arg13[%mul3A_2, %dma_wait3A_17] : memref<10240x16xf32, #tpu.memory_space<vmem_shared>> -> memref<640x16xf32, #tpu.memory_space<vmem_shared>>
      tpu.wait_dma2 semaphore(%run_scoped3A : memref<!tpu.dma_semaphore, #tpu.memory_space<semaphore_mem>>) src(%dma_wait3A_18 : memref<640x16xf32, #tpu.memory_space<vmem_shared>>) dst(%dma_wait3A_16 : memref<640x16xf32, #tpu.memory_space<hbm>>)
      tpu.yield
    }) : () -> ()
    return
  }
}

#map = affine_map<(d0, d1) -> (0, 0)>
#map1 = affine_map<(d0, d1) -> (0, 0, 0)>
module attributes {stable_mosaic.version = 14 : i64} {
  func.func @_sc_pass1(%arg0: i32, %arg1: i32, %arg2: memref<1344x128xi32, #tpu.memory_space<hbm>>, %arg3: memref<1344x128xi32, #tpu.memory_space<hbm>>, %arg4: memref<10240x16xf32, #tpu.memory_space<hbm>>, %arg5: memref<10240x16xf32, #tpu.memory_space<hbm>>, %arg6: memref<10240x16xf32, #tpu.memory_space<hbm>>, %arg7: memref<172032x16xf32, #tpu.memory_space<hbm>>, %arg8: memref<2x10240x16xf32, #tpu.memory_space<hbm>>, %arg9: memref<2x128xi32, #tpu.memory_space<vmem>>, %arg10: memref<2x128xi32, #tpu.memory_space<vmem>>, %arg11: memref<256x16xf32, #tpu.memory_space<vmem>>, %arg12: memref<256x16xf32, #tpu.memory_space<vmem>>, %arg13: memref<10240x16xf32, #tpu.memory_space<vmem_shared>>, %arg14: memref<10240x16xf32, #tpu.memory_space<vmem_shared>>, %arg15: memref<10240x16xf32, #tpu.memory_space<vmem_shared>>) attributes {dimension_semantics = [#tpu.dimension_semantics<core_parallel>, #tpu.dimension_semantics<subcore_parallel>], iteration_bounds = array<i64: 2, 16>, scalar_prefetch = 0 : i64, scratch_operands = 7 : i64, tpu.core_type = #tpu.core_type<sc_vector_subcore>, window_params = [{transform_indices = #map}, {transform_indices = #map}, {transform_indices = #map}, {transform_indices = #map}, {transform_indices = #map}, {transform_indices = #map}, {transform_indices = #map1}]} {
    %mul3A = arith.constant 2 : i32
    %mul3A_0 = arith.muli %arg1, %mul3A : i32
    %add3A = arith.addi %mul3A_0, %arg0 : i32
    %mul3A_1 = arith.constant 640 : i32
    %mul3A_2 = arith.muli %arg1, %mul3A_1 : i32
    "tpu.region"() ({
      %run_scoped3A = tpu.sem_alloc : memref<!tpu.dma_semaphore, #tpu.memory_space<semaphore_mem>>
      %dma_start3A = arith.constant 0 : i32
      %dma_start3A_11 = tpu.memref_slice %arg13[%mul3A_2, %dma_start3A] : memref<10240x16xf32, #tpu.memory_space<vmem_shared>> -> memref<640x16xf32, #tpu.memory_space<vmem_shared>>
      %dma_start3A_12 = arith.constant 0 : i32
      %dma_start3A_13 = tpu.memref_slice %arg6[%mul3A_2, %dma_start3A_12] : memref<10240x16xf32, #tpu.memory_space<hbm>> -> memref<640x16xf32, #tpu.memory_space<hbm>>
      tpu.enqueue_dma source(%dma_start3A_13 : memref<640x16xf32, #tpu.memory_space<hbm>>) target(%dma_start3A_11 : memref<640x16xf32, #tpu.memory_space<vmem_shared>>) target_semaphore(%run_scoped3A : memref<!tpu.dma_semaphore, #tpu.memory_space<semaphore_mem>>)
      %dma_wait3A = arith.constant 0 : i32
      %dma_wait3A_14 = tpu.memref_slice %arg13[%mul3A_2, %dma_wait3A] : memref<10240x16xf32, #tpu.memory_space<vmem_shared>> -> memref<640x16xf32, #tpu.memory_space<vmem_shared>>
      %dma_wait3A_15 = arith.constant 0 : i32
      %dma_wait3A_16 = tpu.memref_slice %arg6[%mul3A_2, %dma_wait3A_15] : memref<10240x16xf32, #tpu.memory_space<hbm>> -> memref<640x16xf32, #tpu.memory_space<hbm>>
      tpu.wait_dma2 semaphore(%run_scoped3A : memref<!tpu.dma_semaphore, #tpu.memory_space<semaphore_mem>>) src(%dma_wait3A_16 : memref<640x16xf32, #tpu.memory_space<hbm>>) dst(%dma_wait3A_14 : memref<640x16xf32, #tpu.memory_space<vmem_shared>>)
      tpu.yield
    }) : () -> ()
    "tpu.region"() ({
      %run_scoped3A = tpu.sem_alloc : memref<!tpu.dma_semaphore, #tpu.memory_space<semaphore_mem>>
      %dma_start3A = arith.constant 0 : i32
      %dma_start3A_11 = tpu.memref_slice %arg14[%mul3A_2, %dma_start3A] : memref<10240x16xf32, #tpu.memory_space<vmem_shared>> -> memref<640x16xf32, #tpu.memory_space<vmem_shared>>
      %dma_start3A_12 = arith.constant 0 : i32
      %dma_start3A_13 = tpu.memref_slice %arg4[%mul3A_2, %dma_start3A_12] : memref<10240x16xf32, #tpu.memory_space<hbm>> -> memref<640x16xf32, #tpu.memory_space<hbm>>
      tpu.enqueue_dma source(%dma_start3A_13 : memref<640x16xf32, #tpu.memory_space<hbm>>) target(%dma_start3A_11 : memref<640x16xf32, #tpu.memory_space<vmem_shared>>) target_semaphore(%run_scoped3A : memref<!tpu.dma_semaphore, #tpu.memory_space<semaphore_mem>>)
      %dma_wait3A = arith.constant 0 : i32
      %dma_wait3A_14 = tpu.memref_slice %arg14[%mul3A_2, %dma_wait3A] : memref<10240x16xf32, #tpu.memory_space<vmem_shared>> -> memref<640x16xf32, #tpu.memory_space<vmem_shared>>
      %dma_wait3A_15 = arith.constant 0 : i32
      %dma_wait3A_16 = tpu.memref_slice %arg4[%mul3A_2, %dma_wait3A_15] : memref<10240x16xf32, #tpu.memory_space<hbm>> -> memref<640x16xf32, #tpu.memory_space<hbm>>
      tpu.wait_dma2 semaphore(%run_scoped3A : memref<!tpu.dma_semaphore, #tpu.memory_space<semaphore_mem>>) src(%dma_wait3A_16 : memref<640x16xf32, #tpu.memory_space<hbm>>) dst(%dma_wait3A_14 : memref<640x16xf32, #tpu.memory_space<vmem_shared>>)
      tpu.yield
    }) : () -> ()
    "tpu.region"() ({
      %run_scoped3A = tpu.sem_alloc : memref<!tpu.dma_semaphore, #tpu.memory_space<semaphore_mem>>
      %dma_start3A = arith.constant 0 : i32
      %dma_start3A_11 = tpu.memref_slice %arg15[%mul3A_2, %dma_start3A] : memref<10240x16xf32, #tpu.memory_space<vmem_shared>> -> memref<640x16xf32, #tpu.memory_space<vmem_shared>>
      %dma_start3A_12 = arith.constant 0 : i32
      %dma_start3A_13 = tpu.memref_slice %arg5[%mul3A_2, %dma_start3A_12] : memref<10240x16xf32, #tpu.memory_space<hbm>> -> memref<640x16xf32, #tpu.memory_space<hbm>>
      tpu.enqueue_dma source(%dma_start3A_13 : memref<640x16xf32, #tpu.memory_space<hbm>>) target(%dma_start3A_11 : memref<640x16xf32, #tpu.memory_space<vmem_shared>>) target_semaphore(%run_scoped3A : memref<!tpu.dma_semaphore, #tpu.memory_space<semaphore_mem>>)
      %dma_wait3A = arith.constant 0 : i32
      %dma_wait3A_14 = tpu.memref_slice %arg15[%mul3A_2, %dma_wait3A] : memref<10240x16xf32, #tpu.memory_space<vmem_shared>> -> memref<640x16xf32, #tpu.memory_space<vmem_shared>>
      %dma_wait3A_15 = arith.constant 0 : i32
      %dma_wait3A_16 = tpu.memref_slice %arg5[%mul3A_2, %dma_wait3A_15] : memref<10240x16xf32, #tpu.memory_space<hbm>> -> memref<640x16xf32, #tpu.memory_space<hbm>>
      tpu.wait_dma2 semaphore(%run_scoped3A : memref<!tpu.dma_semaphore, #tpu.memory_space<semaphore_mem>>) src(%dma_wait3A_16 : memref<640x16xf32, #tpu.memory_space<hbm>>) dst(%dma_wait3A_14 : memref<640x16xf32, #tpu.memory_space<vmem_shared>>)
      tpu.yield
    }) : () -> ()
    %barrier3A = arith.constant 0 : index
    tpu.barrier barrier_id(%barrier3A)
    %mul3A_3 = arith.constant 5376 : i32
    %mul3A_4 = arith.muli %add3A, %mul3A_3 : i32
    %scan3A = arith.constant 0 : i32
    %scan3A_5 = arith.constant 0 : i32
    %scan3A_6 = arith.constant 21 : i32
    %scan3A_7 = arith.addi %scan3A_5, %scan3A_6 : i32
    %scan3A_8 = arith.constant 1 : i32
    scf.for %scan3A_11 = %scan3A_5 to %scan3A_7 step %scan3A_8  : i32 {
      %mul3A_12 = arith.constant 256 : i32
      %mul3A_13 = arith.muli %scan3A_11, %mul3A_12 : i32
      %add3A_14 = arith.addi %mul3A_4, %mul3A_13 : i32
      %jit3A = arith.constant 128 : i32
      %div3A = arith.divsi %add3A_14, %jit3A : i32
      %sign3A = arith.constant 0 : i32
      %sign3A_15 = arith.cmpi sgt, %add3A_14, %sign3A : i32
      %sign3A_16 = arith.extui %sign3A_15 : i1 to i32
      %sign3A_17 = arith.constant 0 : i32
      %sign3A_18 = arith.cmpi slt, %add3A_14, %sign3A_17 : i32
      %sign3A_19 = arith.extui %sign3A_18 : i1 to i32
      %sign3A_20 = arith.subi %sign3A_16, %sign3A_19 : i32
      %sign3A_21 = arith.constant 0 : i32
      %sign3A_22 = arith.cmpi sgt, %jit3A, %sign3A_21 : i32
      %sign3A_23 = arith.extui %sign3A_22 : i1 to i32
      %sign3A_24 = arith.constant 0 : i32
      %sign3A_25 = arith.cmpi slt, %jit3A, %sign3A_24 : i32
      %sign3A_26 = arith.extui %sign3A_25 : i1 to i32
      %sign3A_27 = arith.subi %sign3A_23, %sign3A_26 : i32
      %ne3A = arith.cmpi ne, %sign3A_20, %sign3A_27 : i32
      %rem3A = arith.remsi %add3A_14, %jit3A : i32
      %ne3A_28 = arith.constant 0 : i32
      %ne3A_29 = arith.cmpi ne, %rem3A, %ne3A_28 : i32
      %and3A = arith.andi %ne3A, %ne3A_29 : i1
      %sub3A = arith.constant 1 : i32
      %sub3A_30 = arith.subi %div3A, %sub3A : i32
      %select_n3A = arith.select %and3A, %sub3A_30, %div3A : i32
      "tpu.region"() ({
        %run_scoped3A_38 = tpu.sem_alloc : memref<!tpu.dma_semaphore, #tpu.memory_space<semaphore_mem>>
        %dma_start3A = arith.constant 0 : i32
        %dma_start3A_39 = tpu.memref_slice %arg2[%select_n3A, %dma_start3A] : memref<1344x128xi32, #tpu.memory_space<hbm>> -> memref<2x128xi32, #tpu.memory_space<hbm>>
        %dma_start3A_40 = arith.constant 0 : i32
        %dma_start3A_41 = tpu.memref_slice %arg2[%select_n3A, %dma_start3A_40] : memref<1344x128xi32, #tpu.memory_space<hbm>> -> memref<2x128xi32, #tpu.memory_space<hbm>>
        tpu.enqueue_dma source(%dma_start3A_41 : memref<2x128xi32, #tpu.memory_space<hbm>>) target(%arg9 : memref<2x128xi32, #tpu.memory_space<vmem>>) target_semaphore(%run_scoped3A_38 : memref<!tpu.dma_semaphore, #tpu.memory_space<semaphore_mem>>)
        %dma_wait3A = arith.constant 0 : i32
        %dma_wait3A_42 = tpu.memref_slice %arg2[%select_n3A, %dma_wait3A] : memref<1344x128xi32, #tpu.memory_space<hbm>> -> memref<2x128xi32, #tpu.memory_space<hbm>>
        %dma_wait3A_43 = arith.constant 0 : i32
        %dma_wait3A_44 = tpu.memref_slice %arg2[%select_n3A, %dma_wait3A_43] : memref<1344x128xi32, #tpu.memory_space<hbm>> -> memref<2x128xi32, #tpu.memory_space<hbm>>
        tpu.wait_dma2 semaphore(%run_scoped3A_38 : memref<!tpu.dma_semaphore, #tpu.memory_space<semaphore_mem>>) src(%dma_wait3A_44 : memref<2x128xi32, #tpu.memory_space<hbm>>) dst(%arg9 : memref<2x128xi32, #tpu.memory_space<vmem>>)
        tpu.yield
      }) : () -> ()
      "tpu.region"() ({
        %run_scoped3A_38 = tpu.sem_alloc : memref<!tpu.dma_semaphore, #tpu.memory_space<semaphore_mem>>
        %dma_start3A = arith.constant 0 : i32
        %dma_start3A_39 = tpu.memref_slice %arg3[%select_n3A, %dma_start3A] : memref<1344x128xi32, #tpu.memory_space<hbm>> -> memref<2x128xi32, #tpu.memory_space<hbm>>
        %dma_start3A_40 = arith.constant 0 : i32
        %dma_start3A_41 = tpu.memref_slice %arg3[%select_n3A, %dma_start3A_40] : memref<1344x128xi32, #tpu.memory_space<hbm>> -> memref<2x128xi32, #tpu.memory_space<hbm>>
        tpu.enqueue_dma source(%dma_start3A_41 : memref<2x128xi32, #tpu.memory_space<hbm>>) target(%arg10 : memref<2x128xi32, #tpu.memory_space<vmem>>) target_semaphore(%run_scoped3A_38 : memref<!tpu.dma_semaphore, #tpu.memory_space<semaphore_mem>>)
        %dma_wait3A = arith.constant 0 : i32
        %dma_wait3A_42 = tpu.memref_slice %arg3[%select_n3A, %dma_wait3A] : memref<1344x128xi32, #tpu.memory_space<hbm>> -> memref<2x128xi32, #tpu.memory_space<hbm>>
        %dma_wait3A_43 = arith.constant 0 : i32
        %dma_wait3A_44 = tpu.memref_slice %arg3[%select_n3A, %dma_wait3A_43] : memref<1344x128xi32, #tpu.memory_space<hbm>> -> memref<2x128xi32, #tpu.memory_space<hbm>>
        tpu.wait_dma2 semaphore(%run_scoped3A_38 : memref<!tpu.dma_semaphore, #tpu.memory_space<semaphore_mem>>) src(%dma_wait3A_44 : memref<2x128xi32, #tpu.memory_space<hbm>>) dst(%arg10 : memref<2x128xi32, #tpu.memory_space<vmem>>)
        tpu.yield
      }) : () -> ()
      %run_scoped3A = arith.constant 0 : i32
      "tpu.region"() ({
        %run_scoped3A_38 = tpu.sem_alloc : memref<!tpu.dma_semaphore, #tpu.memory_space<semaphore_mem>>
        %dma_start3A = arith.constant 0 : i32
        %dma_start3A_39 = arith.constant 0 : i32
        %dma_start3A_40 = tpu.memref_slice %arg11[%dma_start3A, %dma_start3A_39] : memref<256x16xf32, #tpu.memory_space<vmem>> -> memref<128x16xf32, #tpu.memory_space<vmem>>
        %dma_start3A_41 = arith.constant 0 : i32
        %dma_start3A_42 = tpu.memref_slice %arg9[%run_scoped3A, %dma_start3A_41] : memref<2x128xi32, #tpu.memory_space<vmem>> -> memref<1x128xi32, #tpu.memory_space<vmem>>
        %dma_start3A_43 = tpu.memref_squeeze %dma_start3A_42 : memref<1x128xi32, #tpu.memory_space<vmem>> -> memref<128xi32, #tpu.memory_space<vmem>>
        %dma_start3A_44 = arith.constant 0 : i32
        %dma_start3A_45 = arith.constant 0 : i32
        %dma_start3A_46 = tpu.memref_slice %arg14[%dma_start3A_44, %dma_start3A_45] : memref<10240x16xf32, #tpu.memory_space<vmem_shared>> -> memref<10240x16xf32, #tpu.memory_space<vmem_shared>>
        tpu.enqueue_indirect_dma source(%dma_start3A_46 : memref<10240x16xf32, #tpu.memory_space<vmem_shared>>) target(%dma_start3A_40 : memref<128x16xf32, #tpu.memory_space<vmem>>) offsets(%dma_start3A_43 : memref<128xi32, #tpu.memory_space<vmem>>) semaphore(%run_scoped3A_38 : memref<!tpu.dma_semaphore, #tpu.memory_space<semaphore_mem>>)
        %dma_wait3A = arith.constant 0 : i32
        %dma_wait3A_47 = arith.constant 0 : i32
        %dma_wait3A_48 = tpu.memref_slice %arg11[%dma_wait3A, %dma_wait3A_47] : memref<256x16xf32, #tpu.memory_space<vmem>> -> memref<128x16xf32, #tpu.memory_space<vmem>>
        %dma_wait3A_49 = arith.constant 0 : i32
        %dma_wait3A_50 = tpu.memref_slice %arg9[%run_scoped3A, %dma_wait3A_49] : memref<2x128xi32, #tpu.memory_space<vmem>> -> memref<1x128xi32, #tpu.memory_space<vmem>>
        %dma_wait3A_51 = tpu.memref_squeeze %dma_wait3A_50 : memref<1x128xi32, #tpu.memory_space<vmem>> -> memref<128xi32, #tpu.memory_space<vmem>>
        %dma_wait3A_52 = arith.constant 0 : i32
        %dma_wait3A_53 = arith.constant 0 : i32
        %dma_wait3A_54 = tpu.memref_slice %arg14[%dma_wait3A_52, %dma_wait3A_53] : memref<10240x16xf32, #tpu.memory_space<vmem_shared>> -> memref<10240x16xf32, #tpu.memory_space<vmem_shared>>
        tpu.wait_indirect_dma semaphore(%run_scoped3A_38 : memref<!tpu.dma_semaphore, #tpu.memory_space<semaphore_mem>>) src(%dma_wait3A_54 : memref<10240x16xf32, #tpu.memory_space<vmem_shared>>) dst(%dma_wait3A_48 : memref<128x16xf32, #tpu.memory_space<vmem>>)
        tpu.yield
      }) : () -> ()
      %run_scoped3A_31 = arith.constant 0 : i32
      "tpu.region"() ({
        %run_scoped3A_38 = tpu.sem_alloc : memref<!tpu.dma_semaphore, #tpu.memory_space<semaphore_mem>>
        %dma_start3A = arith.constant 0 : i32
        %dma_start3A_39 = arith.constant 0 : i32
        %dma_start3A_40 = tpu.memref_slice %arg12[%dma_start3A, %dma_start3A_39] : memref<256x16xf32, #tpu.memory_space<vmem>> -> memref<128x16xf32, #tpu.memory_space<vmem>>
        %dma_start3A_41 = arith.constant 0 : i32
        %dma_start3A_42 = tpu.memref_slice %arg10[%run_scoped3A_31, %dma_start3A_41] : memref<2x128xi32, #tpu.memory_space<vmem>> -> memref<1x128xi32, #tpu.memory_space<vmem>>
        %dma_start3A_43 = tpu.memref_squeeze %dma_start3A_42 : memref<1x128xi32, #tpu.memory_space<vmem>> -> memref<128xi32, #tpu.memory_space<vmem>>
        %dma_start3A_44 = arith.constant 0 : i32
        %dma_start3A_45 = arith.constant 0 : i32
        %dma_start3A_46 = tpu.memref_slice %arg15[%dma_start3A_44, %dma_start3A_45] : memref<10240x16xf32, #tpu.memory_space<vmem_shared>> -> memref<10240x16xf32, #tpu.memory_space<vmem_shared>>
        tpu.enqueue_indirect_dma source(%dma_start3A_46 : memref<10240x16xf32, #tpu.memory_space<vmem_shared>>) target(%dma_start3A_40 : memref<128x16xf32, #tpu.memory_space<vmem>>) offsets(%dma_start3A_43 : memref<128xi32, #tpu.memory_space<vmem>>) semaphore(%run_scoped3A_38 : memref<!tpu.dma_semaphore, #tpu.memory_space<semaphore_mem>>)
        %dma_wait3A = arith.constant 0 : i32
        %dma_wait3A_47 = arith.constant 0 : i32
        %dma_wait3A_48 = tpu.memref_slice %arg12[%dma_wait3A, %dma_wait3A_47] : memref<256x16xf32, #tpu.memory_space<vmem>> -> memref<128x16xf32, #tpu.memory_space<vmem>>
        %dma_wait3A_49 = arith.constant 0 : i32
        %dma_wait3A_50 = tpu.memref_slice %arg10[%run_scoped3A_31, %dma_wait3A_49] : memref<2x128xi32, #tpu.memory_space<vmem>> -> memref<1x128xi32, #tpu.memory_space<vmem>>
        %dma_wait3A_51 = tpu.memref_squeeze %dma_wait3A_50 : memref<1x128xi32, #tpu.memory_space<vmem>> -> memref<128xi32, #tpu.memory_space<vmem>>
        %dma_wait3A_52 = arith.constant 0 : i32
        %dma_wait3A_53 = arith.constant 0 : i32
        %dma_wait3A_54 = tpu.memref_slice %arg15[%dma_wait3A_52, %dma_wait3A_53] : memref<10240x16xf32, #tpu.memory_space<vmem_shared>> -> memref<10240x16xf32, #tpu.memory_space<vmem_shared>>
        tpu.wait_indirect_dma semaphore(%run_scoped3A_38 : memref<!tpu.dma_semaphore, #tpu.memory_space<semaphore_mem>>) src(%dma_wait3A_54 : memref<10240x16xf32, #tpu.memory_space<vmem_shared>>) dst(%dma_wait3A_48 : memref<128x16xf32, #tpu.memory_space<vmem>>)
        tpu.yield
      }) : () -> ()
      %run_scoped3A_32 = arith.constant 1 : i32
      "tpu.region"() ({
        %run_scoped3A_38 = tpu.sem_alloc : memref<!tpu.dma_semaphore, #tpu.memory_space<semaphore_mem>>
        %dma_start3A = arith.constant 128 : i32
        %dma_start3A_39 = arith.constant 0 : i32
        %dma_start3A_40 = tpu.memref_slice %arg11[%dma_start3A, %dma_start3A_39] : memref<256x16xf32, #tpu.memory_space<vmem>> -> memref<128x16xf32, #tpu.memory_space<vmem>>
        %dma_start3A_41 = arith.constant 0 : i32
        %dma_start3A_42 = tpu.memref_slice %arg9[%run_scoped3A_32, %dma_start3A_41] : memref<2x128xi32, #tpu.memory_space<vmem>> -> memref<1x128xi32, #tpu.memory_space<vmem>>
        %dma_start3A_43 = tpu.memref_squeeze %dma_start3A_42 : memref<1x128xi32, #tpu.memory_space<vmem>> -> memref<128xi32, #tpu.memory_space<vmem>>
        %dma_start3A_44 = arith.constant 0 : i32
        %dma_start3A_45 = arith.constant 0 : i32
        %dma_start3A_46 = tpu.memref_slice %arg14[%dma_start3A_44, %dma_start3A_45] : memref<10240x16xf32, #tpu.memory_space<vmem_shared>> -> memref<10240x16xf32, #tpu.memory_space<vmem_shared>>
        tpu.enqueue_indirect_dma source(%dma_start3A_46 : memref<10240x16xf32, #tpu.memory_space<vmem_shared>>) target(%dma_start3A_40 : memref<128x16xf32, #tpu.memory_space<vmem>>) offsets(%dma_start3A_43 : memref<128xi32, #tpu.memory_space<vmem>>) semaphore(%run_scoped3A_38 : memref<!tpu.dma_semaphore, #tpu.memory_space<semaphore_mem>>)
        %dma_wait3A = arith.constant 128 : i32
        %dma_wait3A_47 = arith.constant 0 : i32
        %dma_wait3A_48 = tpu.memref_slice %arg11[%dma_wait3A, %dma_wait3A_47] : memref<256x16xf32, #tpu.memory_space<vmem>> -> memref<128x16xf32, #tpu.memory_space<vmem>>
        %dma_wait3A_49 = arith.constant 0 : i32
        %dma_wait3A_50 = tpu.memref_slice %arg9[%run_scoped3A_32, %dma_wait3A_49] : memref<2x128xi32, #tpu.memory_space<vmem>> -> memref<1x128xi32, #tpu.memory_space<vmem>>
        %dma_wait3A_51 = tpu.memref_squeeze %dma_wait3A_50 : memref<1x128xi32, #tpu.memory_space<vmem>> -> memref<128xi32, #tpu.memory_space<vmem>>
        %dma_wait3A_52 = arith.constant 0 : i32
        %dma_wait3A_53 = arith.constant 0 : i32
        %dma_wait3A_54 = tpu.memref_slice %arg14[%dma_wait3A_52, %dma_wait3A_53] : memref<10240x16xf32, #tpu.memory_space<vmem_shared>> -> memref<10240x16xf32, #tpu.memory_space<vmem_shared>>
        tpu.wait_indirect_dma semaphore(%run_scoped3A_38 : memref<!tpu.dma_semaphore, #tpu.memory_space<semaphore_mem>>) src(%dma_wait3A_54 : memref<10240x16xf32, #tpu.memory_space<vmem_shared>>) dst(%dma_wait3A_48 : memref<128x16xf32, #tpu.memory_space<vmem>>)
        tpu.yield
      }) : () -> ()
      %run_scoped3A_33 = arith.constant 1 : i32
      "tpu.region"() ({
        %run_scoped3A_38 = tpu.sem_alloc : memref<!tpu.dma_semaphore, #tpu.memory_space<semaphore_mem>>
        %dma_start3A = arith.constant 128 : i32
        %dma_start3A_39 = arith.constant 0 : i32
        %dma_start3A_40 = tpu.memref_slice %arg12[%dma_start3A, %dma_start3A_39] : memref<256x16xf32, #tpu.memory_space<vmem>> -> memref<128x16xf32, #tpu.memory_space<vmem>>
        %dma_start3A_41 = arith.constant 0 : i32
        %dma_start3A_42 = tpu.memref_slice %arg10[%run_scoped3A_33, %dma_start3A_41] : memref<2x128xi32, #tpu.memory_space<vmem>> -> memref<1x128xi32, #tpu.memory_space<vmem>>
        %dma_start3A_43 = tpu.memref_squeeze %dma_start3A_42 : memref<1x128xi32, #tpu.memory_space<vmem>> -> memref<128xi32, #tpu.memory_space<vmem>>
        %dma_start3A_44 = arith.constant 0 : i32
        %dma_start3A_45 = arith.constant 0 : i32
        %dma_start3A_46 = tpu.memref_slice %arg15[%dma_start3A_44, %dma_start3A_45] : memref<10240x16xf32, #tpu.memory_space<vmem_shared>> -> memref<10240x16xf32, #tpu.memory_space<vmem_shared>>
        tpu.enqueue_indirect_dma source(%dma_start3A_46 : memref<10240x16xf32, #tpu.memory_space<vmem_shared>>) target(%dma_start3A_40 : memref<128x16xf32, #tpu.memory_space<vmem>>) offsets(%dma_start3A_43 : memref<128xi32, #tpu.memory_space<vmem>>) semaphore(%run_scoped3A_38 : memref<!tpu.dma_semaphore, #tpu.memory_space<semaphore_mem>>)
        %dma_wait3A = arith.constant 128 : i32
        %dma_wait3A_47 = arith.constant 0 : i32
        %dma_wait3A_48 = tpu.memref_slice %arg12[%dma_wait3A, %dma_wait3A_47] : memref<256x16xf32, #tpu.memory_space<vmem>> -> memref<128x16xf32, #tpu.memory_space<vmem>>
        %dma_wait3A_49 = arith.constant 0 : i32
        %dma_wait3A_50 = tpu.memref_slice %arg10[%run_scoped3A_33, %dma_wait3A_49] : memref<2x128xi32, #tpu.memory_space<vmem>> -> memref<1x128xi32, #tpu.memory_space<vmem>>
        %dma_wait3A_51 = tpu.memref_squeeze %dma_wait3A_50 : memref<1x128xi32, #tpu.memory_space<vmem>> -> memref<128xi32, #tpu.memory_space<vmem>>
        %dma_wait3A_52 = arith.constant 0 : i32
        %dma_wait3A_53 = arith.constant 0 : i32
        %dma_wait3A_54 = tpu.memref_slice %arg15[%dma_wait3A_52, %dma_wait3A_53] : memref<10240x16xf32, #tpu.memory_space<vmem_shared>> -> memref<10240x16xf32, #tpu.memory_space<vmem_shared>>
        tpu.wait_indirect_dma semaphore(%run_scoped3A_38 : memref<!tpu.dma_semaphore, #tpu.memory_space<semaphore_mem>>) src(%dma_wait3A_54 : memref<10240x16xf32, #tpu.memory_space<vmem_shared>>) dst(%dma_wait3A_48 : memref<128x16xf32, #tpu.memory_space<vmem>>)
        tpu.yield
      }) : () -> ()
      %parallel_loop3A = arith.constant 0 : i32
      %parallel_loop3A_34 = arith.constant 256 : i32
      %parallel_loop3A_35 = arith.constant 1 : i32
      scf.for %parallel_loop3A_38 = %parallel_loop3A to %parallel_loop3A_34 step %parallel_loop3A_35  : i32 {
        %parallel_loop3A_39 = arith.index_cast %parallel_loop3A_38 : i32 to index
        %parallel_loop3A_40 = arith.constant 0 : index
        %parallel_loop3A_41 = tpu.vector_load %arg11[%parallel_loop3A_39, %parallel_loop3A_40] {strides = array<i32>} : memref<256x16xf32, #tpu.memory_space<vmem>>, vector<16xf32>,
        %parallel_loop3A_42 = arith.index_cast %parallel_loop3A_38 : i32 to index
        %parallel_loop3A_43 = arith.constant 0 : index
        %parallel_loop3A_44 = tpu.vector_load %arg12[%parallel_loop3A_42, %parallel_loop3A_43] {strides = array<i32>} : memref<256x16xf32, #tpu.memory_space<vmem>>, vector<16xf32>,
        %parallel_loop3A_45 = arith.addf %parallel_loop3A_41, %parallel_loop3A_44 : vector<16xf32>
        %parallel_loop3A_46 = arith.constant 2.000000e-01 : f32
        %parallel_loop3A_47 = vector.broadcast %parallel_loop3A_46 : f32 to vector<16xf32>
        %parallel_loop3A_48 = arith.mulf %parallel_loop3A_47, %parallel_loop3A_45 : vector<16xf32>
        %parallel_loop3A_49 = arith.maximumf %parallel_loop3A_45, %parallel_loop3A_48 : vector<16xf32>
        %parallel_loop3A_50 = math.exp %parallel_loop3A_49 : vector<16xf32>
        %parallel_loop3A_51 = arith.index_cast %parallel_loop3A_38 : i32 to index
        %parallel_loop3A_52 = arith.constant 0 : index
        %parallel_loop3A_53 = tpu.vector_load %arg11[%parallel_loop3A_51, %parallel_loop3A_52] {strides = array<i32>} : memref<256x16xf32, #tpu.memory_space<vmem>>, vector<16xf32>,
        tpu.vector_store %arg11[%parallel_loop3A_51, %parallel_loop3A_52], %parallel_loop3A_50 {strides = array<i32>} : memref<256x16xf32, #tpu.memory_space<vmem>>, vector<16xf32>,
      } {sc.loop_unroll_factor = 1 : i64, sc.parallel_access}
      "tpu.region"() ({
        %run_scoped3A_38 = tpu.sem_alloc : memref<!tpu.dma_semaphore, #tpu.memory_space<semaphore_mem>>
        %dma_start3A = arith.constant 0 : i32
        %dma_start3A_39 = tpu.memref_slice %arg7[%add3A_14, %dma_start3A] : memref<172032x16xf32, #tpu.memory_space<hbm>> -> memref<256x16xf32, #tpu.memory_space<hbm>>
        %dma_start3A_40 = arith.constant 0 : i32
        %dma_start3A_41 = tpu.memref_slice %arg7[%add3A_14, %dma_start3A_40] : memref<172032x16xf32, #tpu.memory_space<hbm>> -> memref<256x16xf32, #tpu.memory_space<hbm>>
        tpu.enqueue_dma source(%arg11 : memref<256x16xf32, #tpu.memory_space<vmem>>) target(%dma_start3A_41 : memref<256x16xf32, #tpu.memory_space<hbm>>) target_semaphore(%run_scoped3A_38 : memref<!tpu.dma_semaphore, #tpu.memory_space<semaphore_mem>>)
        %dma_wait3A = arith.constant 0 : i32
        %dma_wait3A_42 = tpu.memref_slice %arg7[%add3A_14, %dma_wait3A] : memref<172032x16xf32, #tpu.memory_space<hbm>> -> memref<256x16xf32, #tpu.memory_space<hbm>>
        %dma_wait3A_43 = arith.constant 0 : i32
        %dma_wait3A_44 = tpu.memref_slice %arg7[%add3A_14, %dma_wait3A_43] : memref<172032x16xf32, #tpu.memory_space<hbm>> -> memref<256x16xf32, #tpu.memory_space<hbm>>
        tpu.wait_dma2 semaphore(%run_scoped3A_38 : memref<!tpu.dma_semaphore, #tpu.memory_space<semaphore_mem>>) src(%arg11 : memref<256x16xf32, #tpu.memory_space<vmem>>) dst(%dma_wait3A_44 : memref<256x16xf32, #tpu.memory_space<hbm>>)
        tpu.yield
      }) : () -> ()
      %run_scoped3A_36 = arith.constant 0 : i32
      "tpu.region"() ({
        %run_scoped3A_38 = tpu.sem_alloc : memref<!tpu.dma_semaphore, #tpu.memory_space<semaphore_mem>>
        %dma_start3A = arith.constant 0 : i32
        %dma_start3A_39 = arith.constant 0 : i32
        %dma_start3A_40 = tpu.memref_slice %arg11[%dma_start3A, %dma_start3A_39] : memref<256x16xf32, #tpu.memory_space<vmem>> -> memref<128x16xf32, #tpu.memory_space<vmem>>
        %dma_start3A_41 = arith.constant 0 : i32
        %dma_start3A_42 = tpu.memref_slice %arg10[%run_scoped3A_36, %dma_start3A_41] : memref<2x128xi32, #tpu.memory_space<vmem>> -> memref<1x128xi32, #tpu.memory_space<vmem>>
        %dma_start3A_43 = tpu.memref_squeeze %dma_start3A_42 : memref<1x128xi32, #tpu.memory_space<vmem>> -> memref<128xi32, #tpu.memory_space<vmem>>
        %dma_start3A_44 = arith.constant 0 : i32
        %dma_start3A_45 = arith.constant 0 : i32
        %dma_start3A_46 = tpu.memref_slice %arg13[%dma_start3A_44, %dma_start3A_45] : memref<10240x16xf32, #tpu.memory_space<vmem_shared>> -> memref<10240x16xf32, #tpu.memory_space<vmem_shared>>
        tpu.enqueue_indirect_dma source(%dma_start3A_40 : memref<128x16xf32, #tpu.memory_space<vmem>>) target(%dma_start3A_46 : memref<10240x16xf32, #tpu.memory_space<vmem_shared>>) offsets(%dma_start3A_43 : memref<128xi32, #tpu.memory_space<vmem>>) semaphore(%run_scoped3A_38 : memref<!tpu.dma_semaphore, #tpu.memory_space<semaphore_mem>>) {add = true}
        %dma_wait3A = arith.constant 0 : i32
        %dma_wait3A_47 = arith.constant 0 : i32
        %dma_wait3A_48 = tpu.memref_slice %arg11[%dma_wait3A, %dma_wait3A_47] : memref<256x16xf32, #tpu.memory_space<vmem>> -> memref<128x16xf32, #tpu.memory_space<vmem>>
        %dma_wait3A_49 = arith.constant 0 : i32
        %dma_wait3A_50 = tpu.memref_slice %arg10[%run_scoped3A_36, %dma_wait3A_49] : memref<2x128xi32, #tpu.memory_space<vmem>> -> memref<1x128xi32, #tpu.memory_space<vmem>>
        %dma_wait3A_51 = tpu.memref_squeeze %dma_wait3A_50 : memref<1x128xi32, #tpu.memory_space<vmem>> -> memref<128xi32, #tpu.memory_space<vmem>>
        %dma_wait3A_52 = arith.constant 0 : i32
        %dma_wait3A_53 = arith.constant 0 : i32
        %dma_wait3A_54 = tpu.memref_slice %arg13[%dma_wait3A_52, %dma_wait3A_53] : memref<10240x16xf32, #tpu.memory_space<vmem_shared>> -> memref<10240x16xf32, #tpu.memory_space<vmem_shared>>
        tpu.wait_indirect_dma semaphore(%run_scoped3A_38 : memref<!tpu.dma_semaphore, #tpu.memory_space<semaphore_mem>>) src(%dma_wait3A_48 : memref<128x16xf32, #tpu.memory_space<vmem>>) dst(%dma_wait3A_54 : memref<10240x16xf32, #tpu.memory_space<vmem_shared>>)
        tpu.yield
      }) : () -> ()
      %run_scoped3A_37 = arith.constant 1 : i32
      "tpu.region"() ({
        %run_scoped3A_38 = tpu.sem_alloc : memref<!tpu.dma_semaphore, #tpu.memory_space<semaphore_mem>>
        %dma_start3A = arith.constant 128 : i32
        %dma_start3A_39 = arith.constant 0 : i32
        %dma_start3A_40 = tpu.memref_slice %arg11[%dma_start3A, %dma_start3A_39] : memref<256x16xf32, #tpu.memory_space<vmem>> -> memref<128x16xf32, #tpu.memory_space<vmem>>
        %dma_start3A_41 = arith.constant 0 : i32
        %dma_start3A_42 = tpu.memref_slice %arg10[%run_scoped3A_37, %dma_start3A_41] : memref<2x128xi32, #tpu.memory_space<vmem>> -> memref<1x128xi32, #tpu.memory_space<vmem>>
        %dma_start3A_43 = tpu.memref_squeeze %dma_start3A_42 : memref<1x128xi32, #tpu.memory_space<vmem>> -> memref<128xi32, #tpu.memory_space<vmem>>
        %dma_start3A_44 = arith.constant 0 : i32
        %dma_start3A_45 = arith.constant 0 : i32
        %dma_start3A_46 = tpu.memref_slice %arg13[%dma_start3A_44, %dma_start3A_45] : memref<10240x16xf32, #tpu.memory_space<vmem_shared>> -> memref<10240x16xf32, #tpu.memory_space<vmem_shared>>
        tpu.enqueue_indirect_dma source(%dma_start3A_40 : memref<128x16xf32, #tpu.memory_space<vmem>>) target(%dma_start3A_46 : memref<10240x16xf32, #tpu.memory_space<vmem_shared>>) offsets(%dma_start3A_43 : memref<128xi32, #tpu.memory_space<vmem>>) semaphore(%run_scoped3A_38 : memref<!tpu.dma_semaphore, #tpu.memory_space<semaphore_mem>>) {add = true}
        %dma_wait3A = arith.constant 128 : i32
        %dma_wait3A_47 = arith.constant 0 : i32
        %dma_wait3A_48 = tpu.memref_slice %arg11[%dma_wait3A, %dma_wait3A_47] : memref<256x16xf32, #tpu.memory_space<vmem>> -> memref<128x16xf32, #tpu.memory_space<vmem>>
        %dma_wait3A_49 = arith.constant 0 : i32
        %dma_wait3A_50 = tpu.memref_slice %arg10[%run_scoped3A_37, %dma_wait3A_49] : memref<2x128xi32, #tpu.memory_space<vmem>> -> memref<1x128xi32, #tpu.memory_space<vmem>>
        %dma_wait3A_51 = tpu.memref_squeeze %dma_wait3A_50 : memref<1x128xi32, #tpu.memory_space<vmem>> -> memref<128xi32, #tpu.memory_space<vmem>>
        %dma_wait3A_52 = arith.constant 0 : i32
        %dma_wait3A_53 = arith.constant 0 : i32
        %dma_wait3A_54 = tpu.memref_slice %arg13[%dma_wait3A_52, %dma_wait3A_53] : memref<10240x16xf32, #tpu.memory_space<vmem_shared>> -> memref<10240x16xf32, #tpu.memory_space<vmem_shared>>
        tpu.wait_indirect_dma semaphore(%run_scoped3A_38 : memref<!tpu.dma_semaphore, #tpu.memory_space<semaphore_mem>>) src(%dma_wait3A_48 : memref<128x16xf32, #tpu.memory_space<vmem>>) dst(%dma_wait3A_54 : memref<10240x16xf32, #tpu.memory_space<vmem_shared>>)
        tpu.yield
      }) : () -> ()
    }
    %scan3A_9 = arith.constant 21 : i32
    %barrier3A_10 = arith.constant 0 : index
    tpu.barrier barrier_id(%barrier3A_10)
    "tpu.region"() ({
      %run_scoped3A = tpu.sem_alloc : memref<!tpu.dma_semaphore, #tpu.memory_space<semaphore_mem>>
      %dma_start3A = arith.constant 0 : i32
      %dma_start3A_11 = tpu.memref_slice %arg8[%arg0, %mul3A_2, %dma_start3A] : memref<2x10240x16xf32, #tpu.memory_space<hbm>> -> memref<1x640x16xf32, #tpu.memory_space<hbm>>
      %dma_start3A_12 = tpu.memref_squeeze %dma_start3A_11 : memref<1x640x16xf32, #tpu.memory_space<hbm>> -> memref<640x16xf32, #tpu.memory_space<hbm>>
      %dma_start3A_13 = arith.constant 0 : i32
      %dma_start3A_14 = tpu.memref_slice %arg13[%mul3A_2, %dma_start3A_13] : memref<10240x16xf32, #tpu.memory_space<vmem_shared>> -> memref<640x16xf32, #tpu.memory_space<vmem_shared>>
      tpu.enqueue_dma source(%dma_start3A_14 : memref<640x16xf32, #tpu.memory_space<vmem_shared>>) target(%dma_start3A_12 : memref<640x16xf32, #tpu.memory_space<hbm>>) target_semaphore(%run_scoped3A : memref<!tpu.dma_semaphore, #tpu.memory_space<semaphore_mem>>)
      %dma_wait3A = arith.constant 0 : i32
      %dma_wait3A_15 = tpu.memref_slice %arg8[%arg0, %mul3A_2, %dma_wait3A] : memref<2x10240x16xf32, #tpu.memory_space<hbm>> -> memref<1x640x16xf32, #tpu.memory_space<hbm>>
      %dma_wait3A_16 = tpu.memref_squeeze %dma_wait3A_15 : memref<1x640x16xf32, #tpu.memory_space<hbm>> -> memref<640x16xf32, #tpu.memory_space<hbm>>
      %dma_wait3A_17 = arith.constant 0 : i32
      %dma_wait3A_18 = tpu.memref_slice %arg13[%mul3A_2, %dma_wait3A_17] : memref<10240x16xf32, #tpu.memory_space<vmem_shared>> -> memref<640x16xf32, #tpu.memory_space<vmem_shared>>
      tpu.wait_dma2 semaphore(%run_scoped3A : memref<!tpu.dma_semaphore, #tpu.memory_space<semaphore_mem>>) src(%dma_wait3A_18 : memref<640x16xf32, #tpu.memory_space<vmem_shared>>) dst(%dma_wait3A_16 : memref<640x16xf32, #tpu.memory_space<hbm>>)
      tpu.yield
    }) : () -> ()
    return
  }
}

#map = affine_map<(d0, d1) -> (0, 0)>
#map1 = affine_map<(d0, d1) -> (0)>
#map2 = affine_map<(d0, d1) -> (0, 0, 0)>
module attributes {stable_mosaic.version = 14 : i64} {
  func.func @_rewritten_body(%arg0: i32, %arg1: i32, %arg2: memref<1344x128xi32, #tpu.memory_space<hbm>>, %arg3: memref<1344x128xi32, #tpu.memory_space<hbm>>, %arg4: memref<172032x16xf32, #tpu.memory_space<hbm>>, %arg5: memref<10240x16xf32, #tpu.memory_space<hbm>>, %arg6: memref<10240x128xf32, #tpu.memory_space<hbm>>, %arg7: memref<10240x128xf32, #tpu.memory_space<hbm>>, %arg8: memref<10240x128xf32, #tpu.memory_space<hbm>>, %arg9: memref<1xi32, #tpu.memory_space<hbm>>, %arg10: memref<1xi32, #tpu.memory_space<hbm>>, %arg11: memref<2x10240x128xf32, #tpu.memory_space<hbm>>, %arg12: memref<2x128xi32, #tpu.memory_space<vmem>>, %arg13: memref<2x128xi32, #tpu.memory_space<vmem>>, %arg14: memref<256x16xf32, #tpu.memory_space<vmem>>, %arg15: memref<256x16xf32, #tpu.memory_space<vmem>>, %arg16: memref<2x128x128xf32, #tpu.memory_space<vmem>>, %arg17: memref<10240x128xf32, #tpu.memory_space<vmem_shared>>, %arg18: memref<!tpu.dma_semaphore, #tpu.memory_space<semaphore_mem>>, %arg19: memref<!tpu.dma_semaphore, #tpu.memory_space<semaphore_mem>>) attributes {dimension_semantics = [#tpu.dimension_semantics<core_parallel>, #tpu.dimension_semantics<subcore_parallel>], iteration_bounds = array<i64: 2, 16>, scalar_prefetch = 0 : i64, scratch_operands = 8 : i64, tpu.core_type = #tpu.core_type<sc_vector_subcore>, window_params = [{transform_indices = #map}, {transform_indices = #map}, {transform_indices = #map}, {transform_indices = #map}, {transform_indices = #map}, {transform_indices = #map}, {transform_indices = #map}, {transform_indices = #map1}, {transform_indices = #map1}, {transform_indices = #map2}]} {
    %empty_ref3A = memref.alloca() : memref<16xi32, #tpu.memory_space<vmem>>
    %empty_ref3A_0 = memref.alloca() : memref<16xi32, #tpu.memory_space<vmem>>
    "tpu.region"() ({
      %run_scoped3A = tpu.sem_alloc : memref<!tpu.dma_semaphore, #tpu.memory_space<semaphore_mem>>
      %dma_start3A = arith.constant 0 : i32
      %dma_start3A_27 = tpu.memref_slice %empty_ref3A[%dma_start3A] : memref<16xi32, #tpu.memory_space<vmem>> -> memref<1xi32, #tpu.memory_space<vmem>>
      %dma_start3A_28 = arith.constant 0 : i32
      %dma_start3A_29 = tpu.memref_slice %empty_ref3A[%dma_start3A_28] : memref<16xi32, #tpu.memory_space<vmem>> -> memref<1xi32, #tpu.memory_space<vmem>>
      tpu.enqueue_dma source(%arg9 : memref<1xi32, #tpu.memory_space<hbm>>) target(%dma_start3A_29 : memref<1xi32, #tpu.memory_space<vmem>>) target_semaphore(%run_scoped3A : memref<!tpu.dma_semaphore, #tpu.memory_space<semaphore_mem>>)
      %dma_start3A_30 = arith.constant 0 : i32
      %dma_start3A_31 = tpu.memref_slice %empty_ref3A_0[%dma_start3A_30] : memref<16xi32, #tpu.memory_space<vmem>> -> memref<1xi32, #tpu.memory_space<vmem>>
      %dma_start3A_32 = arith.constant 0 : i32
      %dma_start3A_33 = tpu.memref_slice %empty_ref3A_0[%dma_start3A_32] : memref<16xi32, #tpu.memory_space<vmem>> -> memref<1xi32, #tpu.memory_space<vmem>>
      tpu.enqueue_dma source(%arg10 : memref<1xi32, #tpu.memory_space<hbm>>) target(%dma_start3A_33 : memref<1xi32, #tpu.memory_space<vmem>>) target_semaphore(%run_scoped3A : memref<!tpu.dma_semaphore, #tpu.memory_space<semaphore_mem>>)
      %dma_wait3A = arith.constant 0 : i32
      %dma_wait3A_34 = tpu.memref_slice %empty_ref3A[%dma_wait3A] : memref<16xi32, #tpu.memory_space<vmem>> -> memref<1xi32, #tpu.memory_space<vmem>>
      %dma_wait3A_35 = arith.constant 0 : i32
      %dma_wait3A_36 = tpu.memref_slice %empty_ref3A[%dma_wait3A_35] : memref<16xi32, #tpu.memory_space<vmem>> -> memref<1xi32, #tpu.memory_space<vmem>>
      tpu.wait_dma2 semaphore(%run_scoped3A : memref<!tpu.dma_semaphore, #tpu.memory_space<semaphore_mem>>) src(%arg9 : memref<1xi32, #tpu.memory_space<hbm>>) dst(%dma_wait3A_36 : memref<1xi32, #tpu.memory_space<vmem>>)
      %dma_wait3A_37 = arith.constant 0 : i32
      %dma_wait3A_38 = tpu.memref_slice %empty_ref3A_0[%dma_wait3A_37] : memref<16xi32, #tpu.memory_space<vmem>> -> memref<1xi32, #tpu.memory_space<vmem>>
      %dma_wait3A_39 = arith.constant 0 : i32
      %dma_wait3A_40 = tpu.memref_slice %empty_ref3A_0[%dma_wait3A_39] : memref<16xi32, #tpu.memory_space<vmem>> -> memref<1xi32, #tpu.memory_space<vmem>>
      tpu.wait_dma2 semaphore(%run_scoped3A : memref<!tpu.dma_semaphore, #tpu.memory_space<semaphore_mem>>) src(%arg10 : memref<1xi32, #tpu.memory_space<hbm>>) dst(%dma_wait3A_40 : memref<1xi32, #tpu.memory_space<vmem>>)
      tpu.yield
    }) : () -> ()
    %get3A = arith.constant 0 : index
    %get3A_1 = tpu.vector_load %empty_ref3A[%get3A] {strides = array<i32>} : memref<16xi32, #tpu.memory_space<vmem>>, vector<16xi32>,
    %slice3A = vector.extract_strided_slice %get3A_1 {offsets = [0], sizes = [1], strides = [1]} : vector<16xi32> to vector<1xi32>
    %squeeze3A = vector.extract %slice3A[0] : i32 from vector<1xi32>
    %get3A_2 = arith.constant 0 : index
    %get3A_3 = tpu.vector_load %empty_ref3A_0[%get3A_2] {strides = array<i32>} : memref<16xi32, #tpu.memory_space<vmem>>, vector<16xi32>,
    %slice3A_4 = vector.extract_strided_slice %get3A_3 {offsets = [0], sizes = [1], strides = [1]} : vector<16xi32> to vector<1xi32>
    %squeeze3A_5 = vector.extract %slice3A_4[0] : i32 from vector<1xi32>
    %mul3A = arith.constant 640 : i32
    %mul3A_6 = arith.muli %arg1, %mul3A : i32
    "tpu.region"() ({
      %run_scoped3A = tpu.sem_alloc : memref<!tpu.dma_semaphore, #tpu.memory_space<semaphore_mem>>
      %dma_start3A = arith.constant 0 : i32
      %dma_start3A_27 = tpu.memref_slice %arg17[%mul3A_6, %dma_start3A] : memref<10240x128xf32, #tpu.memory_space<vmem_shared>> -> memref<640x128xf32, #tpu.memory_space<vmem_shared>>
      %dma_start3A_28 = arith.constant 0 : i32
      %dma_start3A_29 = tpu.memref_slice %arg8[%mul3A_6, %dma_start3A_28] : memref<10240x128xf32, #tpu.memory_space<hbm>> -> memref<640x128xf32, #tpu.memory_space<hbm>>
      tpu.enqueue_dma source(%dma_start3A_29 : memref<640x128xf32, #tpu.memory_space<hbm>>) target(%dma_start3A_27 : memref<640x128xf32, #tpu.memory_space<vmem_shared>>) target_semaphore(%run_scoped3A : memref<!tpu.dma_semaphore, #tpu.memory_space<semaphore_mem>>)
      %dma_wait3A = arith.constant 0 : i32
      %dma_wait3A_30 = tpu.memref_slice %arg17[%mul3A_6, %dma_wait3A] : memref<10240x128xf32, #tpu.memory_space<vmem_shared>> -> memref<640x128xf32, #tpu.memory_space<vmem_shared>>
      %dma_wait3A_31 = arith.constant 0 : i32
      %dma_wait3A_32 = tpu.memref_slice %arg8[%mul3A_6, %dma_wait3A_31] : memref<10240x128xf32, #tpu.memory_space<hbm>> -> memref<640x128xf32, #tpu.memory_space<hbm>>
      tpu.wait_dma2 semaphore(%run_scoped3A : memref<!tpu.dma_semaphore, #tpu.memory_space<semaphore_mem>>) src(%dma_wait3A_32 : memref<640x128xf32, #tpu.memory_space<hbm>>) dst(%dma_wait3A_30 : memref<640x128xf32, #tpu.memory_space<vmem_shared>>)
      tpu.yield
    }) : () -> ()
    %barrier3A = arith.constant 0 : index
    tpu.barrier barrier_id(%barrier3A)
    %mul3A_7 = arith.constant 10752 : i32
    %mul3A_8 = arith.muli %arg1, %mul3A_7 : i32
    %mul3A_9 = arith.constant 4 : i32
    %mul3A_10 = arith.muli %arg0, %mul3A_9 : i32
    %add3A = arith.constant 0 : i32
    %add3A_11 = arith.addi %mul3A_10, %add3A : i32
    %broadcast_in_dim3A = vector.broadcast %add3A_11 : i32 to vector<16xi32>
    %add3A_12 = arith.constant 1 : i32
    %add3A_13 = arith.addi %mul3A_10, %add3A_12 : i32
    %broadcast_in_dim3A_14 = vector.broadcast %add3A_13 : i32 to vector<16xi32>
    %add3A_15 = arith.constant 2 : i32
    %add3A_16 = arith.addi %mul3A_10, %add3A_15 : i32
    %broadcast_in_dim3A_17 = vector.broadcast %add3A_16 : i32 to vector<16xi32>
    %add3A_18 = arith.constant 3 : i32
    %add3A_19 = arith.addi %mul3A_10, %add3A_18 : i32
    %broadcast_in_dim3A_20 = vector.broadcast %add3A_19 : i32 to vector<16xi32>
    %scan3A = arith.constant 0 : i32
    %scan3A_21 = arith.constant 0 : i32
    %scan3A_22 = arith.constant 42 : i32
    %scan3A_23 = arith.addi %scan3A_21, %scan3A_22 : i32
    %scan3A_24 = arith.constant 1 : i32
    scf.for %scan3A_27 = %scan3A_21 to %scan3A_23 step %scan3A_24  : i32 {
      %mul3A_28 = arith.constant 256 : i32
      %mul3A_29 = arith.muli %scan3A_27, %mul3A_28 : i32
      %add3A_30 = arith.addi %mul3A_8, %mul3A_29 : i32
      %jit3A = arith.constant 128 : i32
      %div3A = arith.divsi %add3A_30, %jit3A : i32
      %sign3A = arith.constant 0 : i32
      %sign3A_31 = arith.cmpi sgt, %add3A_30, %sign3A : i32
      %sign3A_32 = arith.extui %sign3A_31 : i1 to i32
      %sign3A_33 = arith.constant 0 : i32
      %sign3A_34 = arith.cmpi slt, %add3A_30, %sign3A_33 : i32
      %sign3A_35 = arith.extui %sign3A_34 : i1 to i32
      %sign3A_36 = arith.subi %sign3A_32, %sign3A_35 : i32
      %sign3A_37 = arith.constant 0 : i32
      %sign3A_38 = arith.cmpi sgt, %jit3A, %sign3A_37 : i32
      %sign3A_39 = arith.extui %sign3A_38 : i1 to i32
      %sign3A_40 = arith.constant 0 : i32
      %sign3A_41 = arith.cmpi slt, %jit3A, %sign3A_40 : i32
      %sign3A_42 = arith.extui %sign3A_41 : i1 to i32
      %sign3A_43 = arith.subi %sign3A_39, %sign3A_42 : i32
      %ne3A = arith.cmpi ne, %sign3A_36, %sign3A_43 : i32
      %rem3A = arith.remsi %add3A_30, %jit3A : i32
      %ne3A_44 = arith.constant 0 : i32
      %ne3A_45 = arith.cmpi ne, %rem3A, %ne3A_44 : i32
      %and3A = arith.andi %ne3A, %ne3A_45 : i1
      %sub3A = arith.constant 1 : i32
      %sub3A_46 = arith.subi %div3A, %sub3A : i32
      %select_n3A = arith.select %and3A, %sub3A_46, %div3A : i32
      "tpu.region"() ({
        %run_scoped3A_103 = tpu.sem_alloc : memref<!tpu.dma_semaphore, #tpu.memory_space<semaphore_mem>>
        %dma_start3A_104 = arith.constant 0 : i32
        %dma_start3A_105 = tpu.memref_slice %arg2[%select_n3A, %dma_start3A_104] : memref<1344x128xi32, #tpu.memory_space<hbm>> -> memref<2x128xi32, #tpu.memory_space<hbm>>
        %dma_start3A_106 = arith.constant 0 : i32
        %dma_start3A_107 = tpu.memref_slice %arg2[%select_n3A, %dma_start3A_106] : memref<1344x128xi32, #tpu.memory_space<hbm>> -> memref<2x128xi32, #tpu.memory_space<hbm>>
        tpu.enqueue_dma source(%dma_start3A_107 : memref<2x128xi32, #tpu.memory_space<hbm>>) target(%arg12 : memref<2x128xi32, #tpu.memory_space<vmem>>) target_semaphore(%run_scoped3A_103 : memref<!tpu.dma_semaphore, #tpu.memory_space<semaphore_mem>>)
        %dma_wait3A_108 = arith.constant 0 : i32
        %dma_wait3A_109 = tpu.memref_slice %arg2[%select_n3A, %dma_wait3A_108] : memref<1344x128xi32, #tpu.memory_space<hbm>> -> memref<2x128xi32, #tpu.memory_space<hbm>>
        %dma_wait3A_110 = arith.constant 0 : i32
        %dma_wait3A_111 = tpu.memref_slice %arg2[%select_n3A, %dma_wait3A_110] : memref<1344x128xi32, #tpu.memory_space<hbm>> -> memref<2x128xi32, #tpu.memory_space<hbm>>
        tpu.wait_dma2 semaphore(%run_scoped3A_103 : memref<!tpu.dma_semaphore, #tpu.memory_space<semaphore_mem>>) src(%dma_wait3A_111 : memref<2x128xi32, #tpu.memory_space<hbm>>) dst(%arg12 : memref<2x128xi32, #tpu.memory_space<vmem>>)
        tpu.yield
      }) : () -> ()
      "tpu.region"() ({
        %run_scoped3A_103 = tpu.sem_alloc : memref<!tpu.dma_semaphore, #tpu.memory_space<semaphore_mem>>
        %dma_start3A_104 = arith.constant 0 : i32
        %dma_start3A_105 = tpu.memref_slice %arg3[%select_n3A, %dma_start3A_104] : memref<1344x128xi32, #tpu.memory_space<hbm>> -> memref<2x128xi32, #tpu.memory_space<hbm>>
        %dma_start3A_106 = arith.constant 0 : i32
        %dma_start3A_107 = tpu.memref_slice %arg3[%select_n3A, %dma_start3A_106] : memref<1344x128xi32, #tpu.memory_space<hbm>> -> memref<2x128xi32, #tpu.memory_space<hbm>>
        tpu.enqueue_dma source(%dma_start3A_107 : memref<2x128xi32, #tpu.memory_space<hbm>>) target(%arg13 : memref<2x128xi32, #tpu.memory_space<vmem>>) target_semaphore(%run_scoped3A_103 : memref<!tpu.dma_semaphore, #tpu.memory_space<semaphore_mem>>)
        %dma_wait3A_108 = arith.constant 0 : i32
        %dma_wait3A_109 = tpu.memref_slice %arg3[%select_n3A, %dma_wait3A_108] : memref<1344x128xi32, #tpu.memory_space<hbm>> -> memref<2x128xi32, #tpu.memory_space<hbm>>
        %dma_wait3A_110 = arith.constant 0 : i32
        %dma_wait3A_111 = tpu.memref_slice %arg3[%select_n3A, %dma_wait3A_110] : memref<1344x128xi32, #tpu.memory_space<hbm>> -> memref<2x128xi32, #tpu.memory_space<hbm>>
        tpu.wait_dma2 semaphore(%run_scoped3A_103 : memref<!tpu.dma_semaphore, #tpu.memory_space<semaphore_mem>>) src(%dma_wait3A_111 : memref<2x128xi32, #tpu.memory_space<hbm>>) dst(%arg13 : memref<2x128xi32, #tpu.memory_space<vmem>>)
        tpu.yield
      }) : () -> ()
      %dma_start3A = arith.constant 0 : i32
      %dma_start3A_47 = tpu.memref_slice %arg4[%add3A_30, %dma_start3A] : memref<172032x16xf32, #tpu.memory_space<hbm>> -> memref<256x16xf32, #tpu.memory_space<hbm>>
      %dma_start3A_48 = arith.constant 0 : i32
      %dma_start3A_49 = tpu.memref_slice %arg4[%add3A_30, %dma_start3A_48] : memref<172032x16xf32, #tpu.memory_space<hbm>> -> memref<256x16xf32, #tpu.memory_space<hbm>>
      tpu.enqueue_dma source(%dma_start3A_49 : memref<256x16xf32, #tpu.memory_space<hbm>>) target(%arg14 : memref<256x16xf32, #tpu.memory_space<vmem>>) target_semaphore(%arg18 : memref<!tpu.dma_semaphore, #tpu.memory_space<semaphore_mem>>)
      %eq3A = arith.constant 0 : i32
      %eq3A_50 = arith.cmpi eq, %arg0, %eq3A : i32
      %convert_element_type3A = arith.extui %eq3A_50 : i1 to i32
      %cond3A = arith.constant 0 : i32
      %cond3A_51 = arith.cmpi ne, %convert_element_type3A, %cond3A : i32
      scf.if %cond3A_51 {
        %dma_start3A_103 = arith.constant 0 : i32
        %dma_start3A_104 = arith.constant 0 : i32
        %dma_start3A_105 = arith.constant 0 : i32
        %dma_start3A_106 = arith.constant 0 : i32
        %dma_start3A_107 = tpu.memref_slice %arg16[%dma_start3A_104, %dma_start3A_105, %dma_start3A_106] : memref<2x128x128xf32, #tpu.memory_space<vmem>> -> memref<1x128x128xf32, #tpu.memory_space<vmem>>
        %dma_start3A_108 = tpu.memref_squeeze %dma_start3A_107 : memref<1x128x128xf32, #tpu.memory_space<vmem>> -> memref<128x128xf32, #tpu.memory_space<vmem>>
        %dma_start3A_109 = arith.constant 0 : i32
        %dma_start3A_110 = tpu.memref_slice %arg12[%dma_start3A_103, %dma_start3A_109] : memref<2x128xi32, #tpu.memory_space<vmem>> -> memref<1x128xi32, #tpu.memory_space<vmem>>
        %dma_start3A_111 = tpu.memref_squeeze %dma_start3A_110 : memref<1x128xi32, #tpu.memory_space<vmem>> -> memref<128xi32, #tpu.memory_space<vmem>>
        %dma_start3A_112 = arith.constant 0 : i32
        %dma_start3A_113 = arith.constant 0 : i32
        %dma_start3A_114 = tpu.memref_slice %arg6[%dma_start3A_112, %dma_start3A_113] : memref<10240x128xf32, #tpu.memory_space<hbm>> -> memref<10240x128xf32, #tpu.memory_space<hbm>>
        tpu.enqueue_indirect_dma source(%dma_start3A_114 : memref<10240x128xf32, #tpu.memory_space<hbm>>) target(%dma_start3A_108 : memref<128x128xf32, #tpu.memory_space<vmem>>) offsets(%dma_start3A_111 : memref<128xi32, #tpu.memory_space<vmem>>) semaphore(%arg19 : memref<!tpu.dma_semaphore, #tpu.memory_space<semaphore_mem>>)
      } else {
      }
      %ne3A_52 = arith.constant 0 : i32
      %ne3A_53 = arith.cmpi ne, %arg0, %ne3A_52 : i32
      %convert_element_type3A_54 = arith.extui %ne3A_53 : i1 to i32
      %cond3A_55 = arith.constant 0 : i32
      %cond3A_56 = arith.cmpi ne, %convert_element_type3A_54, %cond3A_55 : i32
      scf.if %cond3A_56 {
        %dma_start3A_103 = arith.constant 0 : i32
        %dma_start3A_104 = arith.constant 0 : i32
        %dma_start3A_105 = arith.constant 0 : i32
        %dma_start3A_106 = arith.constant 0 : i32
        %dma_start3A_107 = tpu.memref_slice %arg16[%dma_start3A_104, %dma_start3A_105, %dma_start3A_106] : memref<2x128x128xf32, #tpu.memory_space<vmem>> -> memref<1x128x128xf32, #tpu.memory_space<vmem>>
        %dma_start3A_108 = tpu.memref_squeeze %dma_start3A_107 : memref<1x128x128xf32, #tpu.memory_space<vmem>> -> memref<128x128xf32, #tpu.memory_space<vmem>>
        %dma_start3A_109 = arith.constant 0 : i32
        %dma_start3A_110 = tpu.memref_slice %arg12[%dma_start3A_103, %dma_start3A_109] : memref<2x128xi32, #tpu.memory_space<vmem>> -> memref<1x128xi32, #tpu.memory_space<vmem>>
        %dma_start3A_111 = tpu.memref_squeeze %dma_start3A_110 : memref<1x128xi32, #tpu.memory_space<vmem>> -> memref<128xi32, #tpu.memory_space<vmem>>
        %dma_start3A_112 = arith.constant 0 : i32
        %dma_start3A_113 = arith.constant 0 : i32
        %dma_start3A_114 = tpu.memref_slice %arg7[%dma_start3A_112, %dma_start3A_113] : memref<10240x128xf32, #tpu.memory_space<hbm>> -> memref<10240x128xf32, #tpu.memory_space<hbm>>
        tpu.enqueue_indirect_dma source(%dma_start3A_114 : memref<10240x128xf32, #tpu.memory_space<hbm>>) target(%dma_start3A_108 : memref<128x128xf32, #tpu.memory_space<vmem>>) offsets(%dma_start3A_111 : memref<128xi32, #tpu.memory_space<vmem>>) semaphore(%arg19 : memref<!tpu.dma_semaphore, #tpu.memory_space<semaphore_mem>>)
      } else {
      }
      %run_scoped3A = arith.constant 0 : i32
      "tpu.region"() ({
        %run_scoped3A_103 = tpu.sem_alloc : memref<!tpu.dma_semaphore, #tpu.memory_space<semaphore_mem>>
        %dma_start3A_104 = arith.constant 0 : i32
        %dma_start3A_105 = arith.constant 0 : i32
        %dma_start3A_106 = tpu.memref_slice %arg15[%dma_start3A_104, %dma_start3A_105] : memref<256x16xf32, #tpu.memory_space<vmem>> -> memref<128x16xf32, #tpu.memory_space<vmem>>
        %dma_start3A_107 = arith.constant 0 : i32
        %dma_start3A_108 = tpu.memref_slice %arg13[%run_scoped3A, %dma_start3A_107] : memref<2x128xi32, #tpu.memory_space<vmem>> -> memref<1x128xi32, #tpu.memory_space<vmem>>
        %dma_start3A_109 = tpu.memref_squeeze %dma_start3A_108 : memref<1x128xi32, #tpu.memory_space<vmem>> -> memref<128xi32, #tpu.memory_space<vmem>>
        %dma_start3A_110 = arith.constant 0 : i32
        %dma_start3A_111 = arith.constant 0 : i32
        %dma_start3A_112 = tpu.memref_slice %arg5[%dma_start3A_110, %dma_start3A_111] : memref<10240x16xf32, #tpu.memory_space<hbm>> -> memref<10240x16xf32, #tpu.memory_space<hbm>>
        tpu.enqueue_indirect_dma source(%dma_start3A_112 : memref<10240x16xf32, #tpu.memory_space<hbm>>) target(%dma_start3A_106 : memref<128x16xf32, #tpu.memory_space<vmem>>) offsets(%dma_start3A_109 : memref<128xi32, #tpu.memory_space<vmem>>) semaphore(%run_scoped3A_103 : memref<!tpu.dma_semaphore, #tpu.memory_space<semaphore_mem>>)
        %dma_wait3A_113 = arith.constant 0 : i32
        %dma_wait3A_114 = arith.constant 0 : i32
        %dma_wait3A_115 = tpu.memref_slice %arg15[%dma_wait3A_113, %dma_wait3A_114] : memref<256x16xf32, #tpu.memory_space<vmem>> -> memref<128x16xf32, #tpu.memory_space<vmem>>
        %dma_wait3A_116 = arith.constant 0 : i32
        %dma_wait3A_117 = tpu.memref_slice %arg13[%run_scoped3A, %dma_wait3A_116] : memref<2x128xi32, #tpu.memory_space<vmem>> -> memref<1x128xi32, #tpu.memory_space<vmem>>
        %dma_wait3A_118 = tpu.memref_squeeze %dma_wait3A_117 : memref<1x128xi32, #tpu.memory_space<vmem>> -> memref<128xi32, #tpu.memory_space<vmem>>
        %dma_wait3A_119 = arith.constant 0 : i32
        %dma_wait3A_120 = arith.constant 0 : i32
        %dma_wait3A_121 = tpu.memref_slice %arg5[%dma_wait3A_119, %dma_wait3A_120] : memref<10240x16xf32, #tpu.memory_space<hbm>> -> memref<10240x16xf32, #tpu.memory_space<hbm>>
        tpu.wait_indirect_dma semaphore(%run_scoped3A_103 : memref<!tpu.dma_semaphore, #tpu.memory_space<semaphore_mem>>) src(%dma_wait3A_121 : memref<10240x16xf32, #tpu.memory_space<hbm>>) dst(%dma_wait3A_115 : memref<128x16xf32, #tpu.memory_space<vmem>>)
        tpu.yield
      }) : () -> ()
      %run_scoped3A_57 = arith.constant 1 : i32
      "tpu.region"() ({
        %run_scoped3A_103 = tpu.sem_alloc : memref<!tpu.dma_semaphore, #tpu.memory_space<semaphore_mem>>
        %dma_start3A_104 = arith.constant 128 : i32
        %dma_start3A_105 = arith.constant 0 : i32
        %dma_start3A_106 = tpu.memref_slice %arg15[%dma_start3A_104, %dma_start3A_105] : memref<256x16xf32, #tpu.memory_space<vmem>> -> memref<128x16xf32, #tpu.memory_space<vmem>>
        %dma_start3A_107 = arith.constant 0 : i32
        %dma_start3A_108 = tpu.memref_slice %arg13[%run_scoped3A_57, %dma_start3A_107] : memref<2x128xi32, #tpu.memory_space<vmem>> -> memref<1x128xi32, #tpu.memory_space<vmem>>
        %dma_start3A_109 = tpu.memref_squeeze %dma_start3A_108 : memref<1x128xi32, #tpu.memory_space<vmem>> -> memref<128xi32, #tpu.memory_space<vmem>>
        %dma_start3A_110 = arith.constant 0 : i32
        %dma_start3A_111 = arith.constant 0 : i32
        %dma_start3A_112 = tpu.memref_slice %arg5[%dma_start3A_110, %dma_start3A_111] : memref<10240x16xf32, #tpu.memory_space<hbm>> -> memref<10240x16xf32, #tpu.memory_space<hbm>>
        tpu.enqueue_indirect_dma source(%dma_start3A_112 : memref<10240x16xf32, #tpu.memory_space<hbm>>) target(%dma_start3A_106 : memref<128x16xf32, #tpu.memory_space<vmem>>) offsets(%dma_start3A_109 : memref<128xi32, #tpu.memory_space<vmem>>) semaphore(%run_scoped3A_103 : memref<!tpu.dma_semaphore, #tpu.memory_space<semaphore_mem>>)
        %dma_wait3A_113 = arith.constant 128 : i32
        %dma_wait3A_114 = arith.constant 0 : i32
        %dma_wait3A_115 = tpu.memref_slice %arg15[%dma_wait3A_113, %dma_wait3A_114] : memref<256x16xf32, #tpu.memory_space<vmem>> -> memref<128x16xf32, #tpu.memory_space<vmem>>
        %dma_wait3A_116 = arith.constant 0 : i32
        %dma_wait3A_117 = tpu.memref_slice %arg13[%run_scoped3A_57, %dma_wait3A_116] : memref<2x128xi32, #tpu.memory_space<vmem>> -> memref<1x128xi32, #tpu.memory_space<vmem>>
        %dma_wait3A_118 = tpu.memref_squeeze %dma_wait3A_117 : memref<1x128xi32, #tpu.memory_space<vmem>> -> memref<128xi32, #tpu.memory_space<vmem>>
        %dma_wait3A_119 = arith.constant 0 : i32
        %dma_wait3A_120 = arith.constant 0 : i32
        %dma_wait3A_121 = tpu.memref_slice %arg5[%dma_wait3A_119, %dma_wait3A_120] : memref<10240x16xf32, #tpu.memory_space<hbm>> -> memref<10240x16xf32, #tpu.memory_space<hbm>>
        tpu.wait_indirect_dma semaphore(%run_scoped3A_103 : memref<!tpu.dma_semaphore, #tpu.memory_space<semaphore_mem>>) src(%dma_wait3A_121 : memref<10240x16xf32, #tpu.memory_space<hbm>>) dst(%dma_wait3A_115 : memref<128x16xf32, #tpu.memory_space<vmem>>)
        tpu.yield
      }) : () -> ()
      %dma_wait3A = arith.constant 0 : i32
      %dma_wait3A_58 = tpu.memref_slice %arg4[%add3A_30, %dma_wait3A] : memref<172032x16xf32, #tpu.memory_space<hbm>> -> memref<256x16xf32, #tpu.memory_space<hbm>>
      %dma_wait3A_59 = arith.constant 0 : i32
      %dma_wait3A_60 = tpu.memref_slice %arg4[%add3A_30, %dma_wait3A_59] : memref<172032x16xf32, #tpu.memory_space<hbm>> -> memref<256x16xf32, #tpu.memory_space<hbm>>
      tpu.wait_dma2 semaphore(%arg18 : memref<!tpu.dma_semaphore, #tpu.memory_space<semaphore_mem>>) src(%dma_wait3A_60 : memref<256x16xf32, #tpu.memory_space<hbm>>) dst(%arg14 : memref<256x16xf32, #tpu.memory_space<vmem>>)
      %parallel_loop3A = arith.constant 0 : i32
      %parallel_loop3A_61 = arith.constant 256 : i32
      %parallel_loop3A_62 = arith.constant 1 : i32
      scf.for %parallel_loop3A_103 = %parallel_loop3A to %parallel_loop3A_61 step %parallel_loop3A_62  : i32 {
        %parallel_loop3A_104 = arith.index_cast %parallel_loop3A_103 : i32 to index
        %parallel_loop3A_105 = arith.constant 0 : index
        %parallel_loop3A_106 = tpu.vector_load %arg14[%parallel_loop3A_104, %parallel_loop3A_105] {strides = array<i32>} : memref<256x16xf32, #tpu.memory_space<vmem>>, vector<16xf32>,
        %parallel_loop3A_107 = arith.index_cast %parallel_loop3A_103 : i32 to index
        %parallel_loop3A_108 = arith.constant 0 : index
        %parallel_loop3A_109 = tpu.vector_load %arg15[%parallel_loop3A_107, %parallel_loop3A_108] {strides = array<i32>} : memref<256x16xf32, #tpu.memory_space<vmem>>, vector<16xf32>,
        %parallel_loop3A_110 = arith.mulf %parallel_loop3A_106, %parallel_loop3A_109 : vector<16xf32>
        %parallel_loop3A_111 = arith.index_cast %parallel_loop3A_103 : i32 to index
        %parallel_loop3A_112 = arith.constant 0 : index
        %parallel_loop3A_113 = tpu.vector_load %arg14[%parallel_loop3A_111, %parallel_loop3A_112] {strides = array<i32>} : memref<256x16xf32, #tpu.memory_space<vmem>>, vector<16xf32>,
        tpu.vector_store %arg14[%parallel_loop3A_111, %parallel_loop3A_112], %parallel_loop3A_110 {strides = array<i32>} : memref<256x16xf32, #tpu.memory_space<vmem>>, vector<16xf32>,
      } {sc.loop_unroll_factor = 1 : i64, sc.parallel_access}
      %dma_wait3A_63 = arith.constant 0 : i32
      %dma_wait3A_64 = arith.constant 0 : i32
      %dma_wait3A_65 = tpu.memref_slice %arg16[%squeeze3A_5, %dma_wait3A_63, %dma_wait3A_64] : memref<2x128x128xf32, #tpu.memory_space<vmem>> -> memref<1x128x128xf32, #tpu.memory_space<vmem>>
      %dma_wait3A_66 = tpu.memref_squeeze %dma_wait3A_65 : memref<1x128x128xf32, #tpu.memory_space<vmem>> -> memref<128x128xf32, #tpu.memory_space<vmem>>
      %dma_wait3A_67 = arith.constant 0 : i32
      %dma_wait3A_68 = tpu.memref_slice %arg12[%squeeze3A, %dma_wait3A_67] : memref<2x128xi32, #tpu.memory_space<vmem>> -> memref<1x128xi32, #tpu.memory_space<vmem>>
      %dma_wait3A_69 = tpu.memref_squeeze %dma_wait3A_68 : memref<1x128xi32, #tpu.memory_space<vmem>> -> memref<128xi32, #tpu.memory_space<vmem>>
      %dma_wait3A_70 = arith.constant 0 : i32
      %dma_wait3A_71 = arith.constant 0 : i32
      %dma_wait3A_72 = tpu.memref_slice %arg6[%dma_wait3A_70, %dma_wait3A_71] : memref<10240x128xf32, #tpu.memory_space<hbm>> -> memref<10240x128xf32, #tpu.memory_space<hbm>>
      tpu.wait_indirect_dma semaphore(%arg19 : memref<!tpu.dma_semaphore, #tpu.memory_space<semaphore_mem>>) src(%dma_wait3A_72 : memref<10240x128xf32, #tpu.memory_space<hbm>>) dst(%dma_wait3A_66 : memref<128x128xf32, #tpu.memory_space<vmem>>)
      %eq3A_73 = arith.constant 0 : i32
      %eq3A_74 = arith.cmpi eq, %arg0, %eq3A_73 : i32
      %convert_element_type3A_75 = arith.extui %eq3A_74 : i1 to i32
      %cond3A_76 = arith.constant 0 : i32
      %cond3A_77 = arith.cmpi ne, %convert_element_type3A_75, %cond3A_76 : i32
      scf.if %cond3A_77 {
        %dma_start3A_103 = arith.constant 1 : i32
        %dma_start3A_104 = arith.constant 1 : i32
        %dma_start3A_105 = arith.constant 0 : i32
        %dma_start3A_106 = arith.constant 0 : i32
        %dma_start3A_107 = tpu.memref_slice %arg16[%dma_start3A_104, %dma_start3A_105, %dma_start3A_106] : memref<2x128x128xf32, #tpu.memory_space<vmem>> -> memref<1x128x128xf32, #tpu.memory_space<vmem>>
        %dma_start3A_108 = tpu.memref_squeeze %dma_start3A_107 : memref<1x128x128xf32, #tpu.memory_space<vmem>> -> memref<128x128xf32, #tpu.memory_space<vmem>>
        %dma_start3A_109 = arith.constant 0 : i32
        %dma_start3A_110 = tpu.memref_slice %arg12[%dma_start3A_103, %dma_start3A_109] : memref<2x128xi32, #tpu.memory_space<vmem>> -> memref<1x128xi32, #tpu.memory_space<vmem>>
        %dma_start3A_111 = tpu.memref_squeeze %dma_start3A_110 : memref<1x128xi32, #tpu.memory_space<vmem>> -> memref<128xi32, #tpu.memory_space<vmem>>
        %dma_start3A_112 = arith.constant 0 : i32
        %dma_start3A_113 = arith.constant 0 : i32
        %dma_start3A_114 = tpu.memref_slice %arg6[%dma_start3A_112, %dma_start3A_113] : memref<10240x128xf32, #tpu.memory_space<hbm>> -> memref<10240x128xf32, #tpu.memory_space<hbm>>
        tpu.enqueue_indirect_dma source(%dma_start3A_114 : memref<10240x128xf32, #tpu.memory_space<hbm>>) target(%dma_start3A_108 : memref<128x128xf32, #tpu.memory_space<vmem>>) offsets(%dma_start3A_111 : memref<128xi32, #tpu.memory_space<vmem>>) semaphore(%arg19 : memref<!tpu.dma_semaphore, #tpu.memory_space<semaphore_mem>>)
      } else {
      }
      %ne3A_78 = arith.constant 0 : i32
      %ne3A_79 = arith.cmpi ne, %arg0, %ne3A_78 : i32
      %convert_element_type3A_80 = arith.extui %ne3A_79 : i1 to i32
      %cond3A_81 = arith.constant 0 : i32
      %cond3A_82 = arith.cmpi ne, %convert_element_type3A_80, %cond3A_81 : i32
      scf.if %cond3A_82 {
        %dma_start3A_103 = arith.constant 1 : i32
        %dma_start3A_104 = arith.constant 1 : i32
        %dma_start3A_105 = arith.constant 0 : i32
        %dma_start3A_106 = arith.constant 0 : i32
        %dma_start3A_107 = tpu.memref_slice %arg16[%dma_start3A_104, %dma_start3A_105, %dma_start3A_106] : memref<2x128x128xf32, #tpu.memory_space<vmem>> -> memref<1x128x128xf32, #tpu.memory_space<vmem>>
        %dma_start3A_108 = tpu.memref_squeeze %dma_start3A_107 : memref<1x128x128xf32, #tpu.memory_space<vmem>> -> memref<128x128xf32, #tpu.memory_space<vmem>>
        %dma_start3A_109 = arith.constant 0 : i32
        %dma_start3A_110 = tpu.memref_slice %arg12[%dma_start3A_103, %dma_start3A_109] : memref<2x128xi32, #tpu.memory_space<vmem>> -> memref<1x128xi32, #tpu.memory_space<vmem>>
        %dma_start3A_111 = tpu.memref_squeeze %dma_start3A_110 : memref<1x128xi32, #tpu.memory_space<vmem>> -> memref<128xi32, #tpu.memory_space<vmem>>
        %dma_start3A_112 = arith.constant 0 : i32
        %dma_start3A_113 = arith.constant 0 : i32
        %dma_start3A_114 = tpu.memref_slice %arg7[%dma_start3A_112, %dma_start3A_113] : memref<10240x128xf32, #tpu.memory_space<hbm>> -> memref<10240x128xf32, #tpu.memory_space<hbm>>
        tpu.enqueue_indirect_dma source(%dma_start3A_114 : memref<10240x128xf32, #tpu.memory_space<hbm>>) target(%dma_start3A_108 : memref<128x128xf32, #tpu.memory_space<vmem>>) offsets(%dma_start3A_111 : memref<128xi32, #tpu.memory_space<vmem>>) semaphore(%arg19 : memref<!tpu.dma_semaphore, #tpu.memory_space<semaphore_mem>>)
      } else {
      }
      %parallel_loop3A_83 = arith.constant 0 : i32
      %parallel_loop3A_84 = arith.constant 128 : i32
      %parallel_loop3A_85 = arith.constant 1 : i32
      scf.for %parallel_loop3A_103 = %parallel_loop3A_83 to %parallel_loop3A_84 step %parallel_loop3A_85  : i32 {
        %parallel_loop3A_104 = arith.constant 0 : i32
        %parallel_loop3A_105 = arith.addi %parallel_loop3A_104, %parallel_loop3A_103 : i32
        %parallel_loop3A_106 = vector.broadcast %parallel_loop3A_105 : i32 to vector<16xi32>
        %parallel_loop3A_107 = tpu.vector_load_idx %arg14[%parallel_loop3A_106, %broadcast_in_dim3A] : memref<256x16xf32, #tpu.memory_space<vmem>>[vector<16xi32>, vector<16xi32>], vector<16xf32>,
        %parallel_loop3A_108 = arith.constant 0 : i32
        %parallel_loop3A_109 = arith.index_cast %parallel_loop3A_108 : i32 to index
        %parallel_loop3A_110 = arith.index_cast %parallel_loop3A_103 : i32 to index
        %parallel_loop3A_111 = arith.constant 0 : index
        %parallel_loop3A_112 = tpu.vector_load %arg16[%parallel_loop3A_109, %parallel_loop3A_110, %parallel_loop3A_111] {strides = array<i32>} : memref<2x128x128xf32, #tpu.memory_space<vmem>>, vector<16xf32>,
        %parallel_loop3A_113 = arith.mulf %parallel_loop3A_112, %parallel_loop3A_107 : vector<16xf32>
        %parallel_loop3A_114 = arith.constant 0 : i32
        %parallel_loop3A_115 = arith.index_cast %parallel_loop3A_114 : i32 to index
        %parallel_loop3A_116 = arith.index_cast %parallel_loop3A_103 : i32 to index
        %parallel_loop3A_117 = arith.constant 0 : index
        %parallel_loop3A_118 = tpu.vector_load %arg16[%parallel_loop3A_115, %parallel_loop3A_116, %parallel_loop3A_117] {strides = array<i32>} : memref<2x128x128xf32, #tpu.memory_space<vmem>>, vector<16xf32>,
        tpu.vector_store %arg16[%parallel_loop3A_115, %parallel_loop3A_116, %parallel_loop3A_117], %parallel_loop3A_113 {strides = array<i32>} : memref<2x128x128xf32, #tpu.memory_space<vmem>>, vector<16xf32>,
        %parallel_loop3A_119 = arith.constant 0 : i32
        %parallel_loop3A_120 = arith.index_cast %parallel_loop3A_119 : i32 to index
        %parallel_loop3A_121 = arith.index_cast %parallel_loop3A_103 : i32 to index
        %parallel_loop3A_122 = arith.constant 16 : index
        %parallel_loop3A_123 = tpu.vector_load %arg16[%parallel_loop3A_120, %parallel_loop3A_121, %parallel_loop3A_122] {strides = array<i32>} : memref<2x128x128xf32, #tpu.memory_space<vmem>>, vector<16xf32>,
        %parallel_loop3A_124 = arith.mulf %parallel_loop3A_123, %parallel_loop3A_107 : vector<16xf32>
        %parallel_loop3A_125 = arith.constant 0 : i32
        %parallel_loop3A_126 = arith.index_cast %parallel_loop3A_125 : i32 to index
        %parallel_loop3A_127 = arith.index_cast %parallel_loop3A_103 : i32 to index
        %parallel_loop3A_128 = arith.constant 16 : index
        %parallel_loop3A_129 = tpu.vector_load %arg16[%parallel_loop3A_126, %parallel_loop3A_127, %parallel_loop3A_128] {strides = array<i32>} : memref<2x128x128xf32, #tpu.memory_space<vmem>>, vector<16xf32>,
        tpu.vector_store %arg16[%parallel_loop3A_126, %parallel_loop3A_127, %parallel_loop3A_128], %parallel_loop3A_124 {strides = array<i32>} : memref<2x128x128xf32, #tpu.memory_space<vmem>>, vector<16xf32>,
        %parallel_loop3A_130 = tpu.vector_load_idx %arg14[%parallel_loop3A_106, %broadcast_in_dim3A_14] : memref<256x16xf32, #tpu.memory_space<vmem>>[vector<16xi32>, vector<16xi32>], vector<16xf32>,
        %parallel_loop3A_131 = arith.constant 0 : i32
        %parallel_loop3A_132 = arith.index_cast %parallel_loop3A_131 : i32 to index
        %parallel_loop3A_133 = arith.index_cast %parallel_loop3A_103 : i32 to index
        %parallel_loop3A_134 = arith.constant 32 : index
        %parallel_loop3A_135 = tpu.vector_load %arg16[%parallel_loop3A_132, %parallel_loop3A_133, %parallel_loop3A_134] {strides = array<i32>} : memref<2x128x128xf32, #tpu.memory_space<vmem>>, vector<16xf32>,
        %parallel_loop3A_136 = arith.mulf %parallel_loop3A_135, %parallel_loop3A_130 : vector<16xf32>
        %parallel_loop3A_137 = arith.constant 0 : i32
        %parallel_loop3A_138 = arith.index_cast %parallel_loop3A_137 : i32 to index
        %parallel_loop3A_139 = arith.index_cast %parallel_loop3A_103 : i32 to index
        %parallel_loop3A_140 = arith.constant 32 : index
        %parallel_loop3A_141 = tpu.vector_load %arg16[%parallel_loop3A_138, %parallel_loop3A_139, %parallel_loop3A_140] {strides = array<i32>} : memref<2x128x128xf32, #tpu.memory_space<vmem>>, vector<16xf32>,
        tpu.vector_store %arg16[%parallel_loop3A_138, %parallel_loop3A_139, %parallel_loop3A_140], %parallel_loop3A_136 {strides = array<i32>} : memref<2x128x128xf32, #tpu.memory_space<vmem>>, vector<16xf32>,
        %parallel_loop3A_142 = arith.constant 0 : i32
        %parallel_loop3A_143 = arith.index_cast %parallel_loop3A_142 : i32 to index
        %parallel_loop3A_144 = arith.index_cast %parallel_loop3A_103 : i32 to index
        %parallel_loop3A_145 = arith.constant 48 : index
        %parallel_loop3A_146 = tpu.vector_load %arg16[%parallel_loop3A_143, %parallel_loop3A_144, %parallel_loop3A_145] {strides = array<i32>} : memref<2x128x128xf32, #tpu.memory_space<vmem>>, vector<16xf32>,
        %parallel_loop3A_147 = arith.mulf %parallel_loop3A_146, %parallel_loop3A_130 : vector<16xf32>
        %parallel_loop3A_148 = arith.constant 0 : i32
        %parallel_loop3A_149 = arith.index_cast %parallel_loop3A_148 : i32 to index
        %parallel_loop3A_150 = arith.index_cast %parallel_loop3A_103 : i32 to index
        %parallel_loop3A_151 = arith.constant 48 : index
        %parallel_loop3A_152 = tpu.vector_load %arg16[%parallel_loop3A_149, %parallel_loop3A_150, %parallel_loop3A_151] {strides = array<i32>} : memref<2x128x128xf32, #tpu.memory_space<vmem>>, vector<16xf32>,
        tpu.vector_store %arg16[%parallel_loop3A_149, %parallel_loop3A_150, %parallel_loop3A_151], %parallel_loop3A_147 {strides = array<i32>} : memref<2x128x128xf32, #tpu.memory_space<vmem>>, vector<16xf32>,
        %parallel_loop3A_153 = tpu.vector_load_idx %arg14[%parallel_loop3A_106, %broadcast_in_dim3A_17] : memref<256x16xf32, #tpu.memory_space<vmem>>[vector<16xi32>, vector<16xi32>], vector<16xf32>,
        %parallel_loop3A_154 = arith.constant 0 : i32
        %parallel_loop3A_155 = arith.index_cast %parallel_loop3A_154 : i32 to index
        %parallel_loop3A_156 = arith.index_cast %parallel_loop3A_103 : i32 to index
        %parallel_loop3A_157 = arith.constant 64 : index
        %parallel_loop3A_158 = tpu.vector_load %arg16[%parallel_loop3A_155, %parallel_loop3A_156, %parallel_loop3A_157] {strides = array<i32>} : memref<2x128x128xf32, #tpu.memory_space<vmem>>, vector<16xf32>,
        %parallel_loop3A_159 = arith.mulf %parallel_loop3A_158, %parallel_loop3A_153 : vector<16xf32>
        %parallel_loop3A_160 = arith.constant 0 : i32
        %parallel_loop3A_161 = arith.index_cast %parallel_loop3A_160 : i32 to index
        %parallel_loop3A_162 = arith.index_cast %parallel_loop3A_103 : i32 to index
        %parallel_loop3A_163 = arith.constant 64 : index
        %parallel_loop3A_164 = tpu.vector_load %arg16[%parallel_loop3A_161, %parallel_loop3A_162, %parallel_loop3A_163] {strides = array<i32>} : memref<2x128x128xf32, #tpu.memory_space<vmem>>, vector<16xf32>,
        tpu.vector_store %arg16[%parallel_loop3A_161, %parallel_loop3A_162, %parallel_loop3A_163], %parallel_loop3A_159 {strides = array<i32>} : memref<2x128x128xf32, #tpu.memory_space<vmem>>, vector<16xf32>,
        %parallel_loop3A_165 = arith.constant 0 : i32
        %parallel_loop3A_166 = arith.index_cast %parallel_loop3A_165 : i32 to index
        %parallel_loop3A_167 = arith.index_cast %parallel_loop3A_103 : i32 to index
        %parallel_loop3A_168 = arith.constant 80 : index
        %parallel_loop3A_169 = tpu.vector_load %arg16[%parallel_loop3A_166, %parallel_loop3A_167, %parallel_loop3A_168] {strides = array<i32>} : memref<2x128x128xf32, #tpu.memory_space<vmem>>, vector<16xf32>,
        %parallel_loop3A_170 = arith.mulf %parallel_loop3A_169, %parallel_loop3A_153 : vector<16xf32>
        %parallel_loop3A_171 = arith.constant 0 : i32
        %parallel_loop3A_172 = arith.index_cast %parallel_loop3A_171 : i32 to index
        %parallel_loop3A_173 = arith.index_cast %parallel_loop3A_103 : i32 to index
        %parallel_loop3A_174 = arith.constant 80 : index
        %parallel_loop3A_175 = tpu.vector_load %arg16[%parallel_loop3A_172, %parallel_loop3A_173, %parallel_loop3A_174] {strides = array<i32>} : memref<2x128x128xf32, #tpu.memory_space<vmem>>, vector<16xf32>,
        tpu.vector_store %arg16[%parallel_loop3A_172, %parallel_loop3A_173, %parallel_loop3A_174], %parallel_loop3A_170 {strides = array<i32>} : memref<2x128x128xf32, #tpu.memory_space<vmem>>, vector<16xf32>,
        %parallel_loop3A_176 = tpu.vector_load_idx %arg14[%parallel_loop3A_106, %broadcast_in_dim3A_20] : memref<256x16xf32, #tpu.memory_space<vmem>>[vector<16xi32>, vector<16xi32>], vector<16xf32>,
        %parallel_loop3A_177 = arith.constant 0 : i32
        %parallel_loop3A_178 = arith.index_cast %parallel_loop3A_177 : i32 to index
        %parallel_loop3A_179 = arith.index_cast %parallel_loop3A_103 : i32 to index
        %parallel_loop3A_180 = arith.constant 96 : index
        %parallel_loop3A_181 = tpu.vector_load %arg16[%parallel_loop3A_178, %parallel_loop3A_179, %parallel_loop3A_180] {strides = array<i32>} : memref<2x128x128xf32, #tpu.memory_space<vmem>>, vector<16xf32>,
        %parallel_loop3A_182 = arith.mulf %parallel_loop3A_181, %parallel_loop3A_176 : vector<16xf32>
        %parallel_loop3A_183 = arith.constant 0 : i32
        %parallel_loop3A_184 = arith.index_cast %parallel_loop3A_183 : i32 to index
        %parallel_loop3A_185 = arith.index_cast %parallel_loop3A_103 : i32 to index
        %parallel_loop3A_186 = arith.constant 96 : index
        %parallel_loop3A_187 = tpu.vector_load %arg16[%parallel_loop3A_184, %parallel_loop3A_185, %parallel_loop3A_186] {strides = array<i32>} : memref<2x128x128xf32, #tpu.memory_space<vmem>>, vector<16xf32>,
        tpu.vector_store %arg16[%parallel_loop3A_184, %parallel_loop3A_185, %parallel_loop3A_186], %parallel_loop3A_182 {strides = array<i32>} : memref<2x128x128xf32, #tpu.memory_space<vmem>>, vector<16xf32>,
        %parallel_loop3A_188 = arith.constant 0 : i32
        %parallel_loop3A_189 = arith.index_cast %parallel_loop3A_188 : i32 to index
        %parallel_loop3A_190 = arith.index_cast %parallel_loop3A_103 : i32 to index
        %parallel_loop3A_191 = arith.constant 112 : index
        %parallel_loop3A_192 = tpu.vector_load %arg16[%parallel_loop3A_189, %parallel_loop3A_190, %parallel_loop3A_191] {strides = array<i32>} : memref<2x128x128xf32, #tpu.memory_space<vmem>>, vector<16xf32>,
        %parallel_loop3A_193 = arith.mulf %parallel_loop3A_192, %parallel_loop3A_176 : vector<16xf32>
        %parallel_loop3A_194 = arith.constant 0 : i32
        %parallel_loop3A_195 = arith.index_cast %parallel_loop3A_194 : i32 to index
        %parallel_loop3A_196 = arith.index_cast %parallel_loop3A_103 : i32 to index
        %parallel_loop3A_197 = arith.constant 112 : index
        %parallel_loop3A_198 = tpu.vector_load %arg16[%parallel_loop3A_195, %parallel_loop3A_196, %parallel_loop3A_197] {strides = array<i32>} : memref<2x128x128xf32, #tpu.memory_space<vmem>>, vector<16xf32>,
        tpu.vector_store %arg16[%parallel_loop3A_195, %parallel_loop3A_196, %parallel_loop3A_197], %parallel_loop3A_193 {strides = array<i32>} : memref<2x128x128xf32, #tpu.memory_space<vmem>>, vector<16xf32>,
      } {sc.loop_unroll_factor = 1 : i64, sc.parallel_access}
      %run_scoped3A_86 = arith.constant 0 : i32
      %run_scoped3A_87 = arith.constant 0 : i32
      "tpu.region"() ({
        %run_scoped3A_103 = tpu.sem_alloc : memref<!tpu.dma_semaphore, #tpu.memory_space<semaphore_mem>>
        %dma_start3A_104 = arith.constant 0 : i32
        %dma_start3A_105 = arith.constant 0 : i32
        %dma_start3A_106 = tpu.memref_slice %arg16[%run_scoped3A_86, %dma_start3A_104, %dma_start3A_105] : memref<2x128x128xf32, #tpu.memory_space<vmem>> -> memref<1x128x128xf32, #tpu.memory_space<vmem>>
        %dma_start3A_107 = tpu.memref_squeeze %dma_start3A_106 : memref<1x128x128xf32, #tpu.memory_space<vmem>> -> memref<128x128xf32, #tpu.memory_space<vmem>>
        %dma_start3A_108 = arith.constant 0 : i32
        %dma_start3A_109 = tpu.memref_slice %arg13[%run_scoped3A_87, %dma_start3A_108] : memref<2x128xi32, #tpu.memory_space<vmem>> -> memref<1x128xi32, #tpu.memory_space<vmem>>
        %dma_start3A_110 = tpu.memref_squeeze %dma_start3A_109 : memref<1x128xi32, #tpu.memory_space<vmem>> -> memref<128xi32, #tpu.memory_space<vmem>>
        %dma_start3A_111 = arith.constant 0 : i32
        %dma_start3A_112 = arith.constant 0 : i32
        %dma_start3A_113 = tpu.memref_slice %arg17[%dma_start3A_111, %dma_start3A_112] : memref<10240x128xf32, #tpu.memory_space<vmem_shared>> -> memref<10240x128xf32, #tpu.memory_space<vmem_shared>>
        tpu.enqueue_indirect_dma source(%dma_start3A_107 : memref<128x128xf32, #tpu.memory_space<vmem>>) target(%dma_start3A_113 : memref<10240x128xf32, #tpu.memory_space<vmem_shared>>) offsets(%dma_start3A_110 : memref<128xi32, #tpu.memory_space<vmem>>) semaphore(%run_scoped3A_103 : memref<!tpu.dma_semaphore, #tpu.memory_space<semaphore_mem>>) {add = true}
        %dma_wait3A_114 = arith.constant 0 : i32
        %dma_wait3A_115 = arith.constant 0 : i32
        %dma_wait3A_116 = tpu.memref_slice %arg16[%run_scoped3A_86, %dma_wait3A_114, %dma_wait3A_115] : memref<2x128x128xf32, #tpu.memory_space<vmem>> -> memref<1x128x128xf32, #tpu.memory_space<vmem>>
        %dma_wait3A_117 = tpu.memref_squeeze %dma_wait3A_116 : memref<1x128x128xf32, #tpu.memory_space<vmem>> -> memref<128x128xf32, #tpu.memory_space<vmem>>
        %dma_wait3A_118 = arith.constant 0 : i32
        %dma_wait3A_119 = tpu.memref_slice %arg13[%run_scoped3A_87, %dma_wait3A_118] : memref<2x128xi32, #tpu.memory_space<vmem>> -> memref<1x128xi32, #tpu.memory_space<vmem>>
        %dma_wait3A_120 = tpu.memref_squeeze %dma_wait3A_119 : memref<1x128xi32, #tpu.memory_space<vmem>> -> memref<128xi32, #tpu.memory_space<vmem>>
        %dma_wait3A_121 = arith.constant 0 : i32
        %dma_wait3A_122 = arith.constant 0 : i32
        %dma_wait3A_123 = tpu.memref_slice %arg17[%dma_wait3A_121, %dma_wait3A_122] : memref<10240x128xf32, #tpu.memory_space<vmem_shared>> -> memref<10240x128xf32, #tpu.memory_space<vmem_shared>>
        tpu.wait_indirect_dma semaphore(%run_scoped3A_103 : memref<!tpu.dma_semaphore, #tpu.memory_space<semaphore_mem>>) src(%dma_wait3A_117 : memref<128x128xf32, #tpu.memory_space<vmem>>) dst(%dma_wait3A_123 : memref<10240x128xf32, #tpu.memory_space<vmem_shared>>)
        tpu.yield
      }) : () -> ()
      %dma_wait3A_88 = arith.constant 0 : i32
      %dma_wait3A_89 = arith.constant 0 : i32
      %dma_wait3A_90 = tpu.memref_slice %arg16[%squeeze3A_5, %dma_wait3A_88, %dma_wait3A_89] : memref<2x128x128xf32, #tpu.memory_space<vmem>> -> memref<1x128x128xf32, #tpu.memory_space<vmem>>
      %dma_wait3A_91 = tpu.memref_squeeze %dma_wait3A_90 : memref<1x128x128xf32, #tpu.memory_space<vmem>> -> memref<128x128xf32, #tpu.memory_space<vmem>>
      %dma_wait3A_92 = arith.constant 0 : i32
      %dma_wait3A_93 = tpu.memref_slice %arg12[%squeeze3A, %dma_wait3A_92] : memref<2x128xi32, #tpu.memory_space<vmem>> -> memref<1x128xi32, #tpu.memory_space<vmem>>
      %dma_wait3A_94 = tpu.memref_squeeze %dma_wait3A_93 : memref<1x128xi32, #tpu.memory_space<vmem>> -> memref<128xi32, #tpu.memory_space<vmem>>
      %dma_wait3A_95 = arith.constant 0 : i32
      %dma_wait3A_96 = arith.constant 0 : i32
      %dma_wait3A_97 = tpu.memref_slice %arg6[%dma_wait3A_95, %dma_wait3A_96] : memref<10240x128xf32, #tpu.memory_space<hbm>> -> memref<10240x128xf32, #tpu.memory_space<hbm>>
      tpu.wait_indirect_dma semaphore(%arg19 : memref<!tpu.dma_semaphore, #tpu.memory_space<semaphore_mem>>) src(%dma_wait3A_97 : memref<10240x128xf32, #tpu.memory_space<hbm>>) dst(%dma_wait3A_91 : memref<128x128xf32, #tpu.memory_space<vmem>>)
      %parallel_loop3A_98 = arith.constant 0 : i32
      %parallel_loop3A_99 = arith.constant 128 : i32
      %parallel_loop3A_100 = arith.constant 1 : i32
      scf.for %parallel_loop3A_103 = %parallel_loop3A_98 to %parallel_loop3A_99 step %parallel_loop3A_100  : i32 {
        %parallel_loop3A_104 = arith.constant 128 : i32
        %parallel_loop3A_105 = arith.addi %parallel_loop3A_104, %parallel_loop3A_103 : i32
        %parallel_loop3A_106 = vector.broadcast %parallel_loop3A_105 : i32 to vector<16xi32>
        %parallel_loop3A_107 = tpu.vector_load_idx %arg14[%parallel_loop3A_106, %broadcast_in_dim3A] : memref<256x16xf32, #tpu.memory_space<vmem>>[vector<16xi32>, vector<16xi32>], vector<16xf32>,
        %parallel_loop3A_108 = arith.constant 1 : i32
        %parallel_loop3A_109 = arith.index_cast %parallel_loop3A_108 : i32 to index
        %parallel_loop3A_110 = arith.index_cast %parallel_loop3A_103 : i32 to index
        %parallel_loop3A_111 = arith.constant 0 : index
        %parallel_loop3A_112 = tpu.vector_load %arg16[%parallel_loop3A_109, %parallel_loop3A_110, %parallel_loop3A_111] {strides = array<i32>} : memref<2x128x128xf32, #tpu.memory_space<vmem>>, vector<16xf32>,
        %parallel_loop3A_113 = arith.mulf %parallel_loop3A_112, %parallel_loop3A_107 : vector<16xf32>
        %parallel_loop3A_114 = arith.constant 1 : i32
        %parallel_loop3A_115 = arith.index_cast %parallel_loop3A_114 : i32 to index
        %parallel_loop3A_116 = arith.index_cast %parallel_loop3A_103 : i32 to index
        %parallel_loop3A_117 = arith.constant 0 : index
        %parallel_loop3A_118 = tpu.vector_load %arg16[%parallel_loop3A_115, %parallel_loop3A_116, %parallel_loop3A_117] {strides = array<i32>} : memref<2x128x128xf32, #tpu.memory_space<vmem>>, vector<16xf32>,
        tpu.vector_store %arg16[%parallel_loop3A_115, %parallel_loop3A_116, %parallel_loop3A_117], %parallel_loop3A_113 {strides = array<i32>} : memref<2x128x128xf32, #tpu.memory_space<vmem>>, vector<16xf32>,
        %parallel_loop3A_119 = arith.constant 1 : i32
        %parallel_loop3A_120 = arith.index_cast %parallel_loop3A_119 : i32 to index
        %parallel_loop3A_121 = arith.index_cast %parallel_loop3A_103 : i32 to index
        %parallel_loop3A_122 = arith.constant 16 : index
        %parallel_loop3A_123 = tpu.vector_load %arg16[%parallel_loop3A_120, %parallel_loop3A_121, %parallel_loop3A_122] {strides = array<i32>} : memref<2x128x128xf32, #tpu.memory_space<vmem>>, vector<16xf32>,
        %parallel_loop3A_124 = arith.mulf %parallel_loop3A_123, %parallel_loop3A_107 : vector<16xf32>
        %parallel_loop3A_125 = arith.constant 1 : i32
        %parallel_loop3A_126 = arith.index_cast %parallel_loop3A_125 : i32 to index
        %parallel_loop3A_127 = arith.index_cast %parallel_loop3A_103 : i32 to index
        %parallel_loop3A_128 = arith.constant 16 : index
        %parallel_loop3A_129 = tpu.vector_load %arg16[%parallel_loop3A_126, %parallel_loop3A_127, %parallel_loop3A_128] {strides = array<i32>} : memref<2x128x128xf32, #tpu.memory_space<vmem>>, vector<16xf32>,
        tpu.vector_store %arg16[%parallel_loop3A_126, %parallel_loop3A_127, %parallel_loop3A_128], %parallel_loop3A_124 {strides = array<i32>} : memref<2x128x128xf32, #tpu.memory_space<vmem>>, vector<16xf32>,
        %parallel_loop3A_130 = tpu.vector_load_idx %arg14[%parallel_loop3A_106, %broadcast_in_dim3A_14] : memref<256x16xf32, #tpu.memory_space<vmem>>[vector<16xi32>, vector<16xi32>], vector<16xf32>,
        %parallel_loop3A_131 = arith.constant 1 : i32
        %parallel_loop3A_132 = arith.index_cast %parallel_loop3A_131 : i32 to index
        %parallel_loop3A_133 = arith.index_cast %parallel_loop3A_103 : i32 to index
        %parallel_loop3A_134 = arith.constant 32 : index
        %parallel_loop3A_135 = tpu.vector_load %arg16[%parallel_loop3A_132, %parallel_loop3A_133, %parallel_loop3A_134] {strides = array<i32>} : memref<2x128x128xf32, #tpu.memory_space<vmem>>, vector<16xf32>,
        %parallel_loop3A_136 = arith.mulf %parallel_loop3A_135, %parallel_loop3A_130 : vector<16xf32>
        %parallel_loop3A_137 = arith.constant 1 : i32
        %parallel_loop3A_138 = arith.index_cast %parallel_loop3A_137 : i32 to index
        %parallel_loop3A_139 = arith.index_cast %parallel_loop3A_103 : i32 to index
        %parallel_loop3A_140 = arith.constant 32 : index
        %parallel_loop3A_141 = tpu.vector_load %arg16[%parallel_loop3A_138, %parallel_loop3A_139, %parallel_loop3A_140] {strides = array<i32>} : memref<2x128x128xf32, #tpu.memory_space<vmem>>, vector<16xf32>,
        tpu.vector_store %arg16[%parallel_loop3A_138, %parallel_loop3A_139, %parallel_loop3A_140], %parallel_loop3A_136 {strides = array<i32>} : memref<2x128x128xf32, #tpu.memory_space<vmem>>, vector<16xf32>,
        %parallel_loop3A_142 = arith.constant 1 : i32
        %parallel_loop3A_143 = arith.index_cast %parallel_loop3A_142 : i32 to index
        %parallel_loop3A_144 = arith.index_cast %parallel_loop3A_103 : i32 to index
        %parallel_loop3A_145 = arith.constant 48 : index
        %parallel_loop3A_146 = tpu.vector_load %arg16[%parallel_loop3A_143, %parallel_loop3A_144, %parallel_loop3A_145] {strides = array<i32>} : memref<2x128x128xf32, #tpu.memory_space<vmem>>, vector<16xf32>,
        %parallel_loop3A_147 = arith.mulf %parallel_loop3A_146, %parallel_loop3A_130 : vector<16xf32>
        %parallel_loop3A_148 = arith.constant 1 : i32
        %parallel_loop3A_149 = arith.index_cast %parallel_loop3A_148 : i32 to index
        %parallel_loop3A_150 = arith.index_cast %parallel_loop3A_103 : i32 to index
        %parallel_loop3A_151 = arith.constant 48 : index
        %parallel_loop3A_152 = tpu.vector_load %arg16[%parallel_loop3A_149, %parallel_loop3A_150, %parallel_loop3A_151] {strides = array<i32>} : memref<2x128x128xf32, #tpu.memory_space<vmem>>, vector<16xf32>,
        tpu.vector_store %arg16[%parallel_loop3A_149, %parallel_loop3A_150, %parallel_loop3A_151], %parallel_loop3A_147 {strides = array<i32>} : memref<2x128x128xf32, #tpu.memory_space<vmem>>, vector<16xf32>,
        %parallel_loop3A_153 = tpu.vector_load_idx %arg14[%parallel_loop3A_106, %broadcast_in_dim3A_17] : memref<256x16xf32, #tpu.memory_space<vmem>>[vector<16xi32>, vector<16xi32>], vector<16xf32>,
        %parallel_loop3A_154 = arith.constant 1 : i32
        %parallel_loop3A_155 = arith.index_cast %parallel_loop3A_154 : i32 to index
        %parallel_loop3A_156 = arith.index_cast %parallel_loop3A_103 : i32 to index
        %parallel_loop3A_157 = arith.constant 64 : index
        %parallel_loop3A_158 = tpu.vector_load %arg16[%parallel_loop3A_155, %parallel_loop3A_156, %parallel_loop3A_157] {strides = array<i32>} : memref<2x128x128xf32, #tpu.memory_space<vmem>>, vector<16xf32>,
        %parallel_loop3A_159 = arith.mulf %parallel_loop3A_158, %parallel_loop3A_153 : vector<16xf32>
        %parallel_loop3A_160 = arith.constant 1 : i32
        %parallel_loop3A_161 = arith.index_cast %parallel_loop3A_160 : i32 to index
        %parallel_loop3A_162 = arith.index_cast %parallel_loop3A_103 : i32 to index
        %parallel_loop3A_163 = arith.constant 64 : index
        %parallel_loop3A_164 = tpu.vector_load %arg16[%parallel_loop3A_161, %parallel_loop3A_162, %parallel_loop3A_163] {strides = array<i32>} : memref<2x128x128xf32, #tpu.memory_space<vmem>>, vector<16xf32>,
        tpu.vector_store %arg16[%parallel_loop3A_161, %parallel_loop3A_162, %parallel_loop3A_163], %parallel_loop3A_159 {strides = array<i32>} : memref<2x128x128xf32, #tpu.memory_space<vmem>>, vector<16xf32>,
        %parallel_loop3A_165 = arith.constant 1 : i32
        %parallel_loop3A_166 = arith.index_cast %parallel_loop3A_165 : i32 to index
        %parallel_loop3A_167 = arith.index_cast %parallel_loop3A_103 : i32 to index
        %parallel_loop3A_168 = arith.constant 80 : index
        %parallel_loop3A_169 = tpu.vector_load %arg16[%parallel_loop3A_166, %parallel_loop3A_167, %parallel_loop3A_168] {strides = array<i32>} : memref<2x128x128xf32, #tpu.memory_space<vmem>>, vector<16xf32>,
        %parallel_loop3A_170 = arith.mulf %parallel_loop3A_169, %parallel_loop3A_153 : vector<16xf32>
        %parallel_loop3A_171 = arith.constant 1 : i32
        %parallel_loop3A_172 = arith.index_cast %parallel_loop3A_171 : i32 to index
        %parallel_loop3A_173 = arith.index_cast %parallel_loop3A_103 : i32 to index
        %parallel_loop3A_174 = arith.constant 80 : index
        %parallel_loop3A_175 = tpu.vector_load %arg16[%parallel_loop3A_172, %parallel_loop3A_173, %parallel_loop3A_174] {strides = array<i32>} : memref<2x128x128xf32, #tpu.memory_space<vmem>>, vector<16xf32>,
        tpu.vector_store %arg16[%parallel_loop3A_172, %parallel_loop3A_173, %parallel_loop3A_174], %parallel_loop3A_170 {strides = array<i32>} : memref<2x128x128xf32, #tpu.memory_space<vmem>>, vector<16xf32>,
        %parallel_loop3A_176 = tpu.vector_load_idx %arg14[%parallel_loop3A_106, %broadcast_in_dim3A_20] : memref<256x16xf32, #tpu.memory_space<vmem>>[vector<16xi32>, vector<16xi32>], vector<16xf32>,
        %parallel_loop3A_177 = arith.constant 1 : i32
        %parallel_loop3A_178 = arith.index_cast %parallel_loop3A_177 : i32 to index
        %parallel_loop3A_179 = arith.index_cast %parallel_loop3A_103 : i32 to index
        %parallel_loop3A_180 = arith.constant 96 : index
        %parallel_loop3A_181 = tpu.vector_load %arg16[%parallel_loop3A_178, %parallel_loop3A_179, %parallel_loop3A_180] {strides = array<i32>} : memref<2x128x128xf32, #tpu.memory_space<vmem>>, vector<16xf32>,
        %parallel_loop3A_182 = arith.mulf %parallel_loop3A_181, %parallel_loop3A_176 : vector<16xf32>
        %parallel_loop3A_183 = arith.constant 1 : i32
        %parallel_loop3A_184 = arith.index_cast %parallel_loop3A_183 : i32 to index
        %parallel_loop3A_185 = arith.index_cast %parallel_loop3A_103 : i32 to index
        %parallel_loop3A_186 = arith.constant 96 : index
        %parallel_loop3A_187 = tpu.vector_load %arg16[%parallel_loop3A_184, %parallel_loop3A_185, %parallel_loop3A_186] {strides = array<i32>} : memref<2x128x128xf32, #tpu.memory_space<vmem>>, vector<16xf32>,
        tpu.vector_store %arg16[%parallel_loop3A_184, %parallel_loop3A_185, %parallel_loop3A_186], %parallel_loop3A_182 {strides = array<i32>} : memref<2x128x128xf32, #tpu.memory_space<vmem>>, vector<16xf32>,
        %parallel_loop3A_188 = arith.constant 1 : i32
        %parallel_loop3A_189 = arith.index_cast %parallel_loop3A_188 : i32 to index
        %parallel_loop3A_190 = arith.index_cast %parallel_loop3A_103 : i32 to index
        %parallel_loop3A_191 = arith.constant 112 : index
        %parallel_loop3A_192 = tpu.vector_load %arg16[%parallel_loop3A_189, %parallel_loop3A_190, %parallel_loop3A_191] {strides = array<i32>} : memref<2x128x128xf32, #tpu.memory_space<vmem>>, vector<16xf32>,
        %parallel_loop3A_193 = arith.mulf %parallel_loop3A_192, %parallel_loop3A_176 : vector<16xf32>
        %parallel_loop3A_194 = arith.constant 1 : i32
        %parallel_loop3A_195 = arith.index_cast %parallel_loop3A_194 : i32 to index
        %parallel_loop3A_196 = arith.index_cast %parallel_loop3A_103 : i32 to index
        %parallel_loop3A_197 = arith.constant 112 : index
        %parallel_loop3A_198 = tpu.vector_load %arg16[%parallel_loop3A_195, %parallel_loop3A_196, %parallel_loop3A_197] {strides = array<i32>} : memref<2x128x128xf32, #tpu.memory_space<vmem>>, vector<16xf32>,
        tpu.vector_store %arg16[%parallel_loop3A_195, %parallel_loop3A_196, %parallel_loop3A_197], %parallel_loop3A_193 {strides = array<i32>} : memref<2x128x128xf32, #tpu.memory_space<vmem>>, vector<16xf32>,
      } {sc.loop_unroll_factor = 1 : i64, sc.parallel_access}
      %run_scoped3A_101 = arith.constant 1 : i32
      %run_scoped3A_102 = arith.constant 1 : i32
      "tpu.region"() ({
        %run_scoped3A_103 = tpu.sem_alloc : memref<!tpu.dma_semaphore, #tpu.memory_space<semaphore_mem>>
        %dma_start3A_104 = arith.constant 0 : i32
        %dma_start3A_105 = arith.constant 0 : i32
        %dma_start3A_106 = tpu.memref_slice %arg16[%run_scoped3A_101, %dma_start3A_104, %dma_start3A_105] : memref<2x128x128xf32, #tpu.memory_space<vmem>> -> memref<1x128x128xf32, #tpu.memory_space<vmem>>
        %dma_start3A_107 = tpu.memref_squeeze %dma_start3A_106 : memref<1x128x128xf32, #tpu.memory_space<vmem>> -> memref<128x128xf32, #tpu.memory_space<vmem>>
        %dma_start3A_108 = arith.constant 0 : i32
        %dma_start3A_109 = tpu.memref_slice %arg13[%run_scoped3A_102, %dma_start3A_108] : memref<2x128xi32, #tpu.memory_space<vmem>> -> memref<1x128xi32, #tpu.memory_space<vmem>>
        %dma_start3A_110 = tpu.memref_squeeze %dma_start3A_109 : memref<1x128xi32, #tpu.memory_space<vmem>> -> memref<128xi32, #tpu.memory_space<vmem>>
        %dma_start3A_111 = arith.constant 0 : i32
        %dma_start3A_112 = arith.constant 0 : i32
        %dma_start3A_113 = tpu.memref_slice %arg17[%dma_start3A_111, %dma_start3A_112] : memref<10240x128xf32, #tpu.memory_space<vmem_shared>> -> memref<10240x128xf32, #tpu.memory_space<vmem_shared>>
        tpu.enqueue_indirect_dma source(%dma_start3A_107 : memref<128x128xf32, #tpu.memory_space<vmem>>) target(%dma_start3A_113 : memref<10240x128xf32, #tpu.memory_space<vmem_shared>>) offsets(%dma_start3A_110 : memref<128xi32, #tpu.memory_space<vmem>>) semaphore(%run_scoped3A_103 : memref<!tpu.dma_semaphore, #tpu.memory_space<semaphore_mem>>) {add = true}
        %dma_wait3A_114 = arith.constant 0 : i32
        %dma_wait3A_115 = arith.constant 0 : i32
        %dma_wait3A_116 = tpu.memref_slice %arg16[%run_scoped3A_101, %dma_wait3A_114, %dma_wait3A_115] : memref<2x128x128xf32, #tpu.memory_space<vmem>> -> memref<1x128x128xf32, #tpu.memory_space<vmem>>
        %dma_wait3A_117 = tpu.memref_squeeze %dma_wait3A_116 : memref<1x128x128xf32, #tpu.memory_space<vmem>> -> memref<128x128xf32, #tpu.memory_space<vmem>>
        %dma_wait3A_118 = arith.constant 0 : i32
        %dma_wait3A_119 = tpu.memref_slice %arg13[%run_scoped3A_102, %dma_wait3A_118] : memref<2x128xi32, #tpu.memory_space<vmem>> -> memref<1x128xi32, #tpu.memory_space<vmem>>
        %dma_wait3A_120 = tpu.memref_squeeze %dma_wait3A_119 : memref<1x128xi32, #tpu.memory_space<vmem>> -> memref<128xi32, #tpu.memory_space<vmem>>
        %dma_wait3A_121 = arith.constant 0 : i32
        %dma_wait3A_122 = arith.constant 0 : i32
        %dma_wait3A_123 = tpu.memref_slice %arg17[%dma_wait3A_121, %dma_wait3A_122] : memref<10240x128xf32, #tpu.memory_space<vmem_shared>> -> memref<10240x128xf32, #tpu.memory_space<vmem_shared>>
        tpu.wait_indirect_dma semaphore(%run_scoped3A_103 : memref<!tpu.dma_semaphore, #tpu.memory_space<semaphore_mem>>) src(%dma_wait3A_117 : memref<128x128xf32, #tpu.memory_space<vmem>>) dst(%dma_wait3A_123 : memref<10240x128xf32, #tpu.memory_space<vmem_shared>>)
        tpu.yield
      }) : () -> ()
    }
    %scan3A_25 = arith.constant 42 : i32
    %barrier3A_26 = arith.constant 0 : index
    tpu.barrier barrier_id(%barrier3A_26)
    "tpu.region"() ({
      %run_scoped3A = tpu.sem_alloc : memref<!tpu.dma_semaphore, #tpu.memory_space<semaphore_mem>>
      %dma_start3A = arith.constant 0 : i32
      %dma_start3A_27 = tpu.memref_slice %arg11[%arg0, %mul3A_6, %dma_start3A] : memref<2x10240x128xf32, #tpu.memory_space<hbm>> -> memref<1x640x128xf32, #tpu.memory_space<hbm>>
      %dma_start3A_28 = tpu.memref_squeeze %dma_start3A_27 : memref<1x640x128xf32, #tpu.memory_space<hbm>> -> memref<640x128xf32, #tpu.memory_space<hbm>>
      %dma_start3A_29 = arith.constant 0 : i32
      %dma_start3A_30 = tpu.memref_slice %arg17[%mul3A_6, %dma_start3A_29] : memref<10240x128xf32, #tpu.memory_space<vmem_shared>> -> memref<640x128xf32, #tpu.memory_space<vmem_shared>>
      tpu.enqueue_dma source(%dma_start3A_30 : memref<640x128xf32, #tpu.memory_space<vmem_shared>>) target(%dma_start3A_28 : memref<640x128xf32, #tpu.memory_space<hbm>>) target_semaphore(%run_scoped3A : memref<!tpu.dma_semaphore, #tpu.memory_space<semaphore_mem>>)
      %dma_wait3A = arith.constant 0 : i32
      %dma_wait3A_31 = tpu.memref_slice %arg11[%arg0, %mul3A_6, %dma_wait3A] : memref<2x10240x128xf32, #tpu.memory_space<hbm>> -> memref<1x640x128xf32, #tpu.memory_space<hbm>>
      %dma_wait3A_32 = tpu.memref_squeeze %dma_wait3A_31 : memref<1x640x128xf32, #tpu.memory_space<hbm>> -> memref<640x128xf32, #tpu.memory_space<hbm>>
      %dma_wait3A_33 = arith.constant 0 : i32
      %dma_wait3A_34 = tpu.memref_slice %arg17[%mul3A_6, %dma_wait3A_33] : memref<10240x128xf32, #tpu.memory_space<vmem_shared>> -> memref<640x128xf32, #tpu.memory_space<vmem_shared>>
      tpu.wait_dma2 semaphore(%run_scoped3A : memref<!tpu.dma_semaphore, #tpu.memory_space<semaphore_mem>>) src(%dma_wait3A_34 : memref<640x128xf32, #tpu.memory_space<vmem_shared>>) dst(%dma_wait3A_32 : memref<640x128xf32, #tpu.memory_space<hbm>>)
      tpu.yield
    }) : () -> ()
    return
  }
}

#map = affine_map<(d0, d1) -> (0, 0)>
#map1 = affine_map<(d0, d1) -> (0)>
#map2 = affine_map<(d0, d1) -> (0, 0, 0)>
module attributes {stable_mosaic.version = 14 : i64} {
  func.func @_rewritten_body(%arg0: i32, %arg1: i32, %arg2: memref<1344x128xi32, #tpu.memory_space<hbm>>, %arg3: memref<1344x128xi32, #tpu.memory_space<hbm>>, %arg4: memref<172032x16xf32, #tpu.memory_space<hbm>>, %arg5: memref<10240x16xf32, #tpu.memory_space<hbm>>, %arg6: memref<10240x128xf32, #tpu.memory_space<hbm>>, %arg7: memref<10240x128xf32, #tpu.memory_space<hbm>>, %arg8: memref<10240x128xf32, #tpu.memory_space<hbm>>, %arg9: memref<1xi32, #tpu.memory_space<hbm>>, %arg10: memref<1xi32, #tpu.memory_space<hbm>>, %arg11: memref<2x10240x128xf32, #tpu.memory_space<hbm>>, %arg12: memref<2x128xi32, #tpu.memory_space<vmem>>, %arg13: memref<2x128xi32, #tpu.memory_space<vmem>>, %arg14: memref<256x16xf32, #tpu.memory_space<vmem>>, %arg15: memref<256x16xf32, #tpu.memory_space<vmem>>, %arg16: memref<2x128x128xf32, #tpu.memory_space<vmem>>, %arg17: memref<10240x128xf32, #tpu.memory_space<vmem_shared>>, %arg18: memref<!tpu.dma_semaphore, #tpu.memory_space<semaphore_mem>>, %arg19: memref<!tpu.dma_semaphore, #tpu.memory_space<semaphore_mem>>) attributes {dimension_semantics = [#tpu.dimension_semantics<core_parallel>, #tpu.dimension_semantics<subcore_parallel>], iteration_bounds = array<i64: 2, 16>, scalar_prefetch = 0 : i64, scratch_operands = 8 : i64, tpu.core_type = #tpu.core_type<sc_vector_subcore>, window_params = [{transform_indices = #map}, {transform_indices = #map}, {transform_indices = #map}, {transform_indices = #map}, {transform_indices = #map}, {transform_indices = #map}, {transform_indices = #map}, {transform_indices = #map1}, {transform_indices = #map1}, {transform_indices = #map2}]} {
    %empty_ref3A = memref.alloca() : memref<16xi32, #tpu.memory_space<vmem>>
    %empty_ref3A_0 = memref.alloca() : memref<16xi32, #tpu.memory_space<vmem>>
    "tpu.region"() ({
      %run_scoped3A = tpu.sem_alloc : memref<!tpu.dma_semaphore, #tpu.memory_space<semaphore_mem>>
      %dma_start3A = arith.constant 0 : i32
      %dma_start3A_27 = tpu.memref_slice %empty_ref3A[%dma_start3A] : memref<16xi32, #tpu.memory_space<vmem>> -> memref<1xi32, #tpu.memory_space<vmem>>
      %dma_start3A_28 = arith.constant 0 : i32
      %dma_start3A_29 = tpu.memref_slice %empty_ref3A[%dma_start3A_28] : memref<16xi32, #tpu.memory_space<vmem>> -> memref<1xi32, #tpu.memory_space<vmem>>
      tpu.enqueue_dma source(%arg9 : memref<1xi32, #tpu.memory_space<hbm>>) target(%dma_start3A_29 : memref<1xi32, #tpu.memory_space<vmem>>) target_semaphore(%run_scoped3A : memref<!tpu.dma_semaphore, #tpu.memory_space<semaphore_mem>>)
      %dma_start3A_30 = arith.constant 0 : i32
      %dma_start3A_31 = tpu.memref_slice %empty_ref3A_0[%dma_start3A_30] : memref<16xi32, #tpu.memory_space<vmem>> -> memref<1xi32, #tpu.memory_space<vmem>>
      %dma_start3A_32 = arith.constant 0 : i32
      %dma_start3A_33 = tpu.memref_slice %empty_ref3A_0[%dma_start3A_32] : memref<16xi32, #tpu.memory_space<vmem>> -> memref<1xi32, #tpu.memory_space<vmem>>
      tpu.enqueue_dma source(%arg10 : memref<1xi32, #tpu.memory_space<hbm>>) target(%dma_start3A_33 : memref<1xi32, #tpu.memory_space<vmem>>) target_semaphore(%run_scoped3A : memref<!tpu.dma_semaphore, #tpu.memory_space<semaphore_mem>>)
      %dma_wait3A = arith.constant 0 : i32
      %dma_wait3A_34 = tpu.memref_slice %empty_ref3A[%dma_wait3A] : memref<16xi32, #tpu.memory_space<vmem>> -> memref<1xi32, #tpu.memory_space<vmem>>
      %dma_wait3A_35 = arith.constant 0 : i32
      %dma_wait3A_36 = tpu.memref_slice %empty_ref3A[%dma_wait3A_35] : memref<16xi32, #tpu.memory_space<vmem>> -> memref<1xi32, #tpu.memory_space<vmem>>
      tpu.wait_dma2 semaphore(%run_scoped3A : memref<!tpu.dma_semaphore, #tpu.memory_space<semaphore_mem>>) src(%arg9 : memref<1xi32, #tpu.memory_space<hbm>>) dst(%dma_wait3A_36 : memref<1xi32, #tpu.memory_space<vmem>>)
      %dma_wait3A_37 = arith.constant 0 : i32
      %dma_wait3A_38 = tpu.memref_slice %empty_ref3A_0[%dma_wait3A_37] : memref<16xi32, #tpu.memory_space<vmem>> -> memref<1xi32, #tpu.memory_space<vmem>>
      %dma_wait3A_39 = arith.constant 0 : i32
      %dma_wait3A_40 = tpu.memref_slice %empty_ref3A_0[%dma_wait3A_39] : memref<16xi32, #tpu.memory_space<vmem>> -> memref<1xi32, #tpu.memory_space<vmem>>
      tpu.wait_dma2 semaphore(%run_scoped3A : memref<!tpu.dma_semaphore, #tpu.memory_space<semaphore_mem>>) src(%arg10 : memref<1xi32, #tpu.memory_space<hbm>>) dst(%dma_wait3A_40 : memref<1xi32, #tpu.memory_space<vmem>>)
      tpu.yield
    }) : () -> ()
    %get3A = arith.constant 0 : index
    %get3A_1 = tpu.vector_load %empty_ref3A[%get3A] {strides = array<i32>} : memref<16xi32, #tpu.memory_space<vmem>>, vector<16xi32>,
    %slice3A = vector.extract_strided_slice %get3A_1 {offsets = [0], sizes = [1], strides = [1]} : vector<16xi32> to vector<1xi32>
    %squeeze3A = vector.extract %slice3A[0] : i32 from vector<1xi32>
    %get3A_2 = arith.constant 0 : index
    %get3A_3 = tpu.vector_load %empty_ref3A_0[%get3A_2] {strides = array<i32>} : memref<16xi32, #tpu.memory_space<vmem>>, vector<16xi32>,
    %slice3A_4 = vector.extract_strided_slice %get3A_3 {offsets = [0], sizes = [1], strides = [1]} : vector<16xi32> to vector<1xi32>
    %squeeze3A_5 = vector.extract %slice3A_4[0] : i32 from vector<1xi32>
    %mul3A = arith.constant 640 : i32
    %mul3A_6 = arith.muli %arg1, %mul3A : i32
    "tpu.region"() ({
      %run_scoped3A = tpu.sem_alloc : memref<!tpu.dma_semaphore, #tpu.memory_space<semaphore_mem>>
      %dma_start3A = arith.constant 0 : i32
      %dma_start3A_27 = tpu.memref_slice %arg17[%mul3A_6, %dma_start3A] : memref<10240x128xf32, #tpu.memory_space<vmem_shared>> -> memref<640x128xf32, #tpu.memory_space<vmem_shared>>
      %dma_start3A_28 = arith.constant 0 : i32
      %dma_start3A_29 = tpu.memref_slice %arg8[%mul3A_6, %dma_start3A_28] : memref<10240x128xf32, #tpu.memory_space<hbm>> -> memref<640x128xf32, #tpu.memory_space<hbm>>
      tpu.enqueue_dma source(%dma_start3A_29 : memref<640x128xf32, #tpu.memory_space<hbm>>) target(%dma_start3A_27 : memref<640x128xf32, #tpu.memory_space<vmem_shared>>) target_semaphore(%run_scoped3A : memref<!tpu.dma_semaphore, #tpu.memory_space<semaphore_mem>>)
      %dma_wait3A = arith.constant 0 : i32
      %dma_wait3A_30 = tpu.memref_slice %arg17[%mul3A_6, %dma_wait3A] : memref<10240x128xf32, #tpu.memory_space<vmem_shared>> -> memref<640x128xf32, #tpu.memory_space<vmem_shared>>
      %dma_wait3A_31 = arith.constant 0 : i32
      %dma_wait3A_32 = tpu.memref_slice %arg8[%mul3A_6, %dma_wait3A_31] : memref<10240x128xf32, #tpu.memory_space<hbm>> -> memref<640x128xf32, #tpu.memory_space<hbm>>
      tpu.wait_dma2 semaphore(%run_scoped3A : memref<!tpu.dma_semaphore, #tpu.memory_space<semaphore_mem>>) src(%dma_wait3A_32 : memref<640x128xf32, #tpu.memory_space<hbm>>) dst(%dma_wait3A_30 : memref<640x128xf32, #tpu.memory_space<vmem_shared>>)
      tpu.yield
    }) : () -> ()
    %barrier3A = arith.constant 0 : index
    tpu.barrier barrier_id(%barrier3A)
    %mul3A_7 = arith.constant 10752 : i32
    %mul3A_8 = arith.muli %arg1, %mul3A_7 : i32
    %mul3A_9 = arith.constant 4 : i32
    %mul3A_10 = arith.muli %arg0, %mul3A_9 : i32
    %add3A = arith.constant 0 : i32
    %add3A_11 = arith.addi %mul3A_10, %add3A : i32
    %broadcast_in_dim3A = vector.broadcast %add3A_11 : i32 to vector<16xi32>
    %add3A_12 = arith.constant 1 : i32
    %add3A_13 = arith.addi %mul3A_10, %add3A_12 : i32
    %broadcast_in_dim3A_14 = vector.broadcast %add3A_13 : i32 to vector<16xi32>
    %add3A_15 = arith.constant 2 : i32
    %add3A_16 = arith.addi %mul3A_10, %add3A_15 : i32
    %broadcast_in_dim3A_17 = vector.broadcast %add3A_16 : i32 to vector<16xi32>
    %add3A_18 = arith.constant 3 : i32
    %add3A_19 = arith.addi %mul3A_10, %add3A_18 : i32
    %broadcast_in_dim3A_20 = vector.broadcast %add3A_19 : i32 to vector<16xi32>
    %scan3A = arith.constant 0 : i32
    %scan3A_21 = arith.constant 0 : i32
    %scan3A_22 = arith.constant 42 : i32
    %scan3A_23 = arith.addi %scan3A_21, %scan3A_22 : i32
    %scan3A_24 = arith.constant 1 : i32
    scf.for %scan3A_27 = %scan3A_21 to %scan3A_23 step %scan3A_24  : i32 {
      %mul3A_28 = arith.constant 256 : i32
      %mul3A_29 = arith.muli %scan3A_27, %mul3A_28 : i32
      %add3A_30 = arith.addi %mul3A_8, %mul3A_29 : i32
      %jit3A = arith.constant 128 : i32
      %div3A = arith.divsi %add3A_30, %jit3A : i32
      %sign3A = arith.constant 0 : i32
      %sign3A_31 = arith.cmpi sgt, %add3A_30, %sign3A : i32
      %sign3A_32 = arith.extui %sign3A_31 : i1 to i32
      %sign3A_33 = arith.constant 0 : i32
      %sign3A_34 = arith.cmpi slt, %add3A_30, %sign3A_33 : i32
      %sign3A_35 = arith.extui %sign3A_34 : i1 to i32
      %sign3A_36 = arith.subi %sign3A_32, %sign3A_35 : i32
      %sign3A_37 = arith.constant 0 : i32
      %sign3A_38 = arith.cmpi sgt, %jit3A, %sign3A_37 : i32
      %sign3A_39 = arith.extui %sign3A_38 : i1 to i32
      %sign3A_40 = arith.constant 0 : i32
      %sign3A_41 = arith.cmpi slt, %jit3A, %sign3A_40 : i32
      %sign3A_42 = arith.extui %sign3A_41 : i1 to i32
      %sign3A_43 = arith.subi %sign3A_39, %sign3A_42 : i32
      %ne3A = arith.cmpi ne, %sign3A_36, %sign3A_43 : i32
      %rem3A = arith.remsi %add3A_30, %jit3A : i32
      %ne3A_44 = arith.constant 0 : i32
      %ne3A_45 = arith.cmpi ne, %rem3A, %ne3A_44 : i32
      %and3A = arith.andi %ne3A, %ne3A_45 : i1
      %sub3A = arith.constant 1 : i32
      %sub3A_46 = arith.subi %div3A, %sub3A : i32
      %select_n3A = arith.select %and3A, %sub3A_46, %div3A : i32
      "tpu.region"() ({
        %run_scoped3A_103 = tpu.sem_alloc : memref<!tpu.dma_semaphore, #tpu.memory_space<semaphore_mem>>
        %dma_start3A_104 = arith.constant 0 : i32
        %dma_start3A_105 = tpu.memref_slice %arg2[%select_n3A, %dma_start3A_104] : memref<1344x128xi32, #tpu.memory_space<hbm>> -> memref<2x128xi32, #tpu.memory_space<hbm>>
        %dma_start3A_106 = arith.constant 0 : i32
        %dma_start3A_107 = tpu.memref_slice %arg2[%select_n3A, %dma_start3A_106] : memref<1344x128xi32, #tpu.memory_space<hbm>> -> memref<2x128xi32, #tpu.memory_space<hbm>>
        tpu.enqueue_dma source(%dma_start3A_107 : memref<2x128xi32, #tpu.memory_space<hbm>>) target(%arg12 : memref<2x128xi32, #tpu.memory_space<vmem>>) target_semaphore(%run_scoped3A_103 : memref<!tpu.dma_semaphore, #tpu.memory_space<semaphore_mem>>)
        %dma_wait3A_108 = arith.constant 0 : i32
        %dma_wait3A_109 = tpu.memref_slice %arg2[%select_n3A, %dma_wait3A_108] : memref<1344x128xi32, #tpu.memory_space<hbm>> -> memref<2x128xi32, #tpu.memory_space<hbm>>
        %dma_wait3A_110 = arith.constant 0 : i32
        %dma_wait3A_111 = tpu.memref_slice %arg2[%select_n3A, %dma_wait3A_110] : memref<1344x128xi32, #tpu.memory_space<hbm>> -> memref<2x128xi32, #tpu.memory_space<hbm>>
        tpu.wait_dma2 semaphore(%run_scoped3A_103 : memref<!tpu.dma_semaphore, #tpu.memory_space<semaphore_mem>>) src(%dma_wait3A_111 : memref<2x128xi32, #tpu.memory_space<hbm>>) dst(%arg12 : memref<2x128xi32, #tpu.memory_space<vmem>>)
        tpu.yield
      }) : () -> ()
      "tpu.region"() ({
        %run_scoped3A_103 = tpu.sem_alloc : memref<!tpu.dma_semaphore, #tpu.memory_space<semaphore_mem>>
        %dma_start3A_104 = arith.constant 0 : i32
        %dma_start3A_105 = tpu.memref_slice %arg3[%select_n3A, %dma_start3A_104] : memref<1344x128xi32, #tpu.memory_space<hbm>> -> memref<2x128xi32, #tpu.memory_space<hbm>>
        %dma_start3A_106 = arith.constant 0 : i32
        %dma_start3A_107 = tpu.memref_slice %arg3[%select_n3A, %dma_start3A_106] : memref<1344x128xi32, #tpu.memory_space<hbm>> -> memref<2x128xi32, #tpu.memory_space<hbm>>
        tpu.enqueue_dma source(%dma_start3A_107 : memref<2x128xi32, #tpu.memory_space<hbm>>) target(%arg13 : memref<2x128xi32, #tpu.memory_space<vmem>>) target_semaphore(%run_scoped3A_103 : memref<!tpu.dma_semaphore, #tpu.memory_space<semaphore_mem>>)
        %dma_wait3A_108 = arith.constant 0 : i32
        %dma_wait3A_109 = tpu.memref_slice %arg3[%select_n3A, %dma_wait3A_108] : memref<1344x128xi32, #tpu.memory_space<hbm>> -> memref<2x128xi32, #tpu.memory_space<hbm>>
        %dma_wait3A_110 = arith.constant 0 : i32
        %dma_wait3A_111 = tpu.memref_slice %arg3[%select_n3A, %dma_wait3A_110] : memref<1344x128xi32, #tpu.memory_space<hbm>> -> memref<2x128xi32, #tpu.memory_space<hbm>>
        tpu.wait_dma2 semaphore(%run_scoped3A_103 : memref<!tpu.dma_semaphore, #tpu.memory_space<semaphore_mem>>) src(%dma_wait3A_111 : memref<2x128xi32, #tpu.memory_space<hbm>>) dst(%arg13 : memref<2x128xi32, #tpu.memory_space<vmem>>)
        tpu.yield
      }) : () -> ()
      %dma_start3A = arith.constant 0 : i32
      %dma_start3A_47 = tpu.memref_slice %arg4[%add3A_30, %dma_start3A] : memref<172032x16xf32, #tpu.memory_space<hbm>> -> memref<256x16xf32, #tpu.memory_space<hbm>>
      %dma_start3A_48 = arith.constant 0 : i32
      %dma_start3A_49 = tpu.memref_slice %arg4[%add3A_30, %dma_start3A_48] : memref<172032x16xf32, #tpu.memory_space<hbm>> -> memref<256x16xf32, #tpu.memory_space<hbm>>
      tpu.enqueue_dma source(%dma_start3A_49 : memref<256x16xf32, #tpu.memory_space<hbm>>) target(%arg14 : memref<256x16xf32, #tpu.memory_space<vmem>>) target_semaphore(%arg18 : memref<!tpu.dma_semaphore, #tpu.memory_space<semaphore_mem>>)
      %eq3A = arith.constant 0 : i32
      %eq3A_50 = arith.cmpi eq, %arg0, %eq3A : i32
      %convert_element_type3A = arith.extui %eq3A_50 : i1 to i32
      %cond3A = arith.constant 0 : i32
      %cond3A_51 = arith.cmpi ne, %convert_element_type3A, %cond3A : i32
      scf.if %cond3A_51 {
        %dma_start3A_103 = arith.constant 0 : i32
        %dma_start3A_104 = arith.constant 0 : i32
        %dma_start3A_105 = arith.constant 0 : i32
        %dma_start3A_106 = arith.constant 0 : i32
        %dma_start3A_107 = tpu.memref_slice %arg16[%dma_start3A_104, %dma_start3A_105, %dma_start3A_106] : memref<2x128x128xf32, #tpu.memory_space<vmem>> -> memref<1x128x128xf32, #tpu.memory_space<vmem>>
        %dma_start3A_108 = tpu.memref_squeeze %dma_start3A_107 : memref<1x128x128xf32, #tpu.memory_space<vmem>> -> memref<128x128xf32, #tpu.memory_space<vmem>>
        %dma_start3A_109 = arith.constant 0 : i32
        %dma_start3A_110 = tpu.memref_slice %arg12[%dma_start3A_103, %dma_start3A_109] : memref<2x128xi32, #tpu.memory_space<vmem>> -> memref<1x128xi32, #tpu.memory_space<vmem>>
        %dma_start3A_111 = tpu.memref_squeeze %dma_start3A_110 : memref<1x128xi32, #tpu.memory_space<vmem>> -> memref<128xi32, #tpu.memory_space<vmem>>
        %dma_start3A_112 = arith.constant 0 : i32
        %dma_start3A_113 = arith.constant 0 : i32
        %dma_start3A_114 = tpu.memref_slice %arg6[%dma_start3A_112, %dma_start3A_113] : memref<10240x128xf32, #tpu.memory_space<hbm>> -> memref<10240x128xf32, #tpu.memory_space<hbm>>
        tpu.enqueue_indirect_dma source(%dma_start3A_114 : memref<10240x128xf32, #tpu.memory_space<hbm>>) target(%dma_start3A_108 : memref<128x128xf32, #tpu.memory_space<vmem>>) offsets(%dma_start3A_111 : memref<128xi32, #tpu.memory_space<vmem>>) semaphore(%arg19 : memref<!tpu.dma_semaphore, #tpu.memory_space<semaphore_mem>>)
      } else {
      }
      %ne3A_52 = arith.constant 0 : i32
      %ne3A_53 = arith.cmpi ne, %arg0, %ne3A_52 : i32
      %convert_element_type3A_54 = arith.extui %ne3A_53 : i1 to i32
      %cond3A_55 = arith.constant 0 : i32
      %cond3A_56 = arith.cmpi ne, %convert_element_type3A_54, %cond3A_55 : i32
      scf.if %cond3A_56 {
        %dma_start3A_103 = arith.constant 0 : i32
        %dma_start3A_104 = arith.constant 0 : i32
        %dma_start3A_105 = arith.constant 0 : i32
        %dma_start3A_106 = arith.constant 0 : i32
        %dma_start3A_107 = tpu.memref_slice %arg16[%dma_start3A_104, %dma_start3A_105, %dma_start3A_106] : memref<2x128x128xf32, #tpu.memory_space<vmem>> -> memref<1x128x128xf32, #tpu.memory_space<vmem>>
        %dma_start3A_108 = tpu.memref_squeeze %dma_start3A_107 : memref<1x128x128xf32, #tpu.memory_space<vmem>> -> memref<128x128xf32, #tpu.memory_space<vmem>>
        %dma_start3A_109 = arith.constant 0 : i32
        %dma_start3A_110 = tpu.memref_slice %arg12[%dma_start3A_103, %dma_start3A_109] : memref<2x128xi32, #tpu.memory_space<vmem>> -> memref<1x128xi32, #tpu.memory_space<vmem>>
        %dma_start3A_111 = tpu.memref_squeeze %dma_start3A_110 : memref<1x128xi32, #tpu.memory_space<vmem>> -> memref<128xi32, #tpu.memory_space<vmem>>
        %dma_start3A_112 = arith.constant 0 : i32
        %dma_start3A_113 = arith.constant 0 : i32
        %dma_start3A_114 = tpu.memref_slice %arg7[%dma_start3A_112, %dma_start3A_113] : memref<10240x128xf32, #tpu.memory_space<hbm>> -> memref<10240x128xf32, #tpu.memory_space<hbm>>
        tpu.enqueue_indirect_dma source(%dma_start3A_114 : memref<10240x128xf32, #tpu.memory_space<hbm>>) target(%dma_start3A_108 : memref<128x128xf32, #tpu.memory_space<vmem>>) offsets(%dma_start3A_111 : memref<128xi32, #tpu.memory_space<vmem>>) semaphore(%arg19 : memref<!tpu.dma_semaphore, #tpu.memory_space<semaphore_mem>>)
      } else {
      }
      %run_scoped3A = arith.constant 0 : i32
      "tpu.region"() ({
        %run_scoped3A_103 = tpu.sem_alloc : memref<!tpu.dma_semaphore, #tpu.memory_space<semaphore_mem>>
        %dma_start3A_104 = arith.constant 0 : i32
        %dma_start3A_105 = arith.constant 0 : i32
        %dma_start3A_106 = tpu.memref_slice %arg15[%dma_start3A_104, %dma_start3A_105] : memref<256x16xf32, #tpu.memory_space<vmem>> -> memref<128x16xf32, #tpu.memory_space<vmem>>
        %dma_start3A_107 = arith.constant 0 : i32
        %dma_start3A_108 = tpu.memref_slice %arg13[%run_scoped3A, %dma_start3A_107] : memref<2x128xi32, #tpu.memory_space<vmem>> -> memref<1x128xi32, #tpu.memory_space<vmem>>
        %dma_start3A_109 = tpu.memref_squeeze %dma_start3A_108 : memref<1x128xi32, #tpu.memory_space<vmem>> -> memref<128xi32, #tpu.memory_space<vmem>>
        %dma_start3A_110 = arith.constant 0 : i32
        %dma_start3A_111 = arith.constant 0 : i32
        %dma_start3A_112 = tpu.memref_slice %arg5[%dma_start3A_110, %dma_start3A_111] : memref<10240x16xf32, #tpu.memory_space<hbm>> -> memref<10240x16xf32, #tpu.memory_space<hbm>>
        tpu.enqueue_indirect_dma source(%dma_start3A_112 : memref<10240x16xf32, #tpu.memory_space<hbm>>) target(%dma_start3A_106 : memref<128x16xf32, #tpu.memory_space<vmem>>) offsets(%dma_start3A_109 : memref<128xi32, #tpu.memory_space<vmem>>) semaphore(%run_scoped3A_103 : memref<!tpu.dma_semaphore, #tpu.memory_space<semaphore_mem>>)
        %dma_wait3A_113 = arith.constant 0 : i32
        %dma_wait3A_114 = arith.constant 0 : i32
        %dma_wait3A_115 = tpu.memref_slice %arg15[%dma_wait3A_113, %dma_wait3A_114] : memref<256x16xf32, #tpu.memory_space<vmem>> -> memref<128x16xf32, #tpu.memory_space<vmem>>
        %dma_wait3A_116 = arith.constant 0 : i32
        %dma_wait3A_117 = tpu.memref_slice %arg13[%run_scoped3A, %dma_wait3A_116] : memref<2x128xi32, #tpu.memory_space<vmem>> -> memref<1x128xi32, #tpu.memory_space<vmem>>
        %dma_wait3A_118 = tpu.memref_squeeze %dma_wait3A_117 : memref<1x128xi32, #tpu.memory_space<vmem>> -> memref<128xi32, #tpu.memory_space<vmem>>
        %dma_wait3A_119 = arith.constant 0 : i32
        %dma_wait3A_120 = arith.constant 0 : i32
        %dma_wait3A_121 = tpu.memref_slice %arg5[%dma_wait3A_119, %dma_wait3A_120] : memref<10240x16xf32, #tpu.memory_space<hbm>> -> memref<10240x16xf32, #tpu.memory_space<hbm>>
        tpu.wait_indirect_dma semaphore(%run_scoped3A_103 : memref<!tpu.dma_semaphore, #tpu.memory_space<semaphore_mem>>) src(%dma_wait3A_121 : memref<10240x16xf32, #tpu.memory_space<hbm>>) dst(%dma_wait3A_115 : memref<128x16xf32, #tpu.memory_space<vmem>>)
        tpu.yield
      }) : () -> ()
      %run_scoped3A_57 = arith.constant 1 : i32
      "tpu.region"() ({
        %run_scoped3A_103 = tpu.sem_alloc : memref<!tpu.dma_semaphore, #tpu.memory_space<semaphore_mem>>
        %dma_start3A_104 = arith.constant 128 : i32
        %dma_start3A_105 = arith.constant 0 : i32
        %dma_start3A_106 = tpu.memref_slice %arg15[%dma_start3A_104, %dma_start3A_105] : memref<256x16xf32, #tpu.memory_space<vmem>> -> memref<128x16xf32, #tpu.memory_space<vmem>>
        %dma_start3A_107 = arith.constant 0 : i32
        %dma_start3A_108 = tpu.memref_slice %arg13[%run_scoped3A_57, %dma_start3A_107] : memref<2x128xi32, #tpu.memory_space<vmem>> -> memref<1x128xi32, #tpu.memory_space<vmem>>
        %dma_start3A_109 = tpu.memref_squeeze %dma_start3A_108 : memref<1x128xi32, #tpu.memory_space<vmem>> -> memref<128xi32, #tpu.memory_space<vmem>>
        %dma_start3A_110 = arith.constant 0 : i32
        %dma_start3A_111 = arith.constant 0 : i32
        %dma_start3A_112 = tpu.memref_slice %arg5[%dma_start3A_110, %dma_start3A_111] : memref<10240x16xf32, #tpu.memory_space<hbm>> -> memref<10240x16xf32, #tpu.memory_space<hbm>>
        tpu.enqueue_indirect_dma source(%dma_start3A_112 : memref<10240x16xf32, #tpu.memory_space<hbm>>) target(%dma_start3A_106 : memref<128x16xf32, #tpu.memory_space<vmem>>) offsets(%dma_start3A_109 : memref<128xi32, #tpu.memory_space<vmem>>) semaphore(%run_scoped3A_103 : memref<!tpu.dma_semaphore, #tpu.memory_space<semaphore_mem>>)
        %dma_wait3A_113 = arith.constant 128 : i32
        %dma_wait3A_114 = arith.constant 0 : i32
        %dma_wait3A_115 = tpu.memref_slice %arg15[%dma_wait3A_113, %dma_wait3A_114] : memref<256x16xf32, #tpu.memory_space<vmem>> -> memref<128x16xf32, #tpu.memory_space<vmem>>
        %dma_wait3A_116 = arith.constant 0 : i32
        %dma_wait3A_117 = tpu.memref_slice %arg13[%run_scoped3A_57, %dma_wait3A_116] : memref<2x128xi32, #tpu.memory_space<vmem>> -> memref<1x128xi32, #tpu.memory_space<vmem>>
        %dma_wait3A_118 = tpu.memref_squeeze %dma_wait3A_117 : memref<1x128xi32, #tpu.memory_space<vmem>> -> memref<128xi32, #tpu.memory_space<vmem>>
        %dma_wait3A_119 = arith.constant 0 : i32
        %dma_wait3A_120 = arith.constant 0 : i32
        %dma_wait3A_121 = tpu.memref_slice %arg5[%dma_wait3A_119, %dma_wait3A_120] : memref<10240x16xf32, #tpu.memory_space<hbm>> -> memref<10240x16xf32, #tpu.memory_space<hbm>>
        tpu.wait_indirect_dma semaphore(%run_scoped3A_103 : memref<!tpu.dma_semaphore, #tpu.memory_space<semaphore_mem>>) src(%dma_wait3A_121 : memref<10240x16xf32, #tpu.memory_space<hbm>>) dst(%dma_wait3A_115 : memref<128x16xf32, #tpu.memory_space<vmem>>)
        tpu.yield
      }) : () -> ()
      %dma_wait3A = arith.constant 0 : i32
      %dma_wait3A_58 = tpu.memref_slice %arg4[%add3A_30, %dma_wait3A] : memref<172032x16xf32, #tpu.memory_space<hbm>> -> memref<256x16xf32, #tpu.memory_space<hbm>>
      %dma_wait3A_59 = arith.constant 0 : i32
      %dma_wait3A_60 = tpu.memref_slice %arg4[%add3A_30, %dma_wait3A_59] : memref<172032x16xf32, #tpu.memory_space<hbm>> -> memref<256x16xf32, #tpu.memory_space<hbm>>
      tpu.wait_dma2 semaphore(%arg18 : memref<!tpu.dma_semaphore, #tpu.memory_space<semaphore_mem>>) src(%dma_wait3A_60 : memref<256x16xf32, #tpu.memory_space<hbm>>) dst(%arg14 : memref<256x16xf32, #tpu.memory_space<vmem>>)
      %parallel_loop3A = arith.constant 0 : i32
      %parallel_loop3A_61 = arith.constant 256 : i32
      %parallel_loop3A_62 = arith.constant 1 : i32
      scf.for %parallel_loop3A_103 = %parallel_loop3A to %parallel_loop3A_61 step %parallel_loop3A_62  : i32 {
        %parallel_loop3A_104 = arith.index_cast %parallel_loop3A_103 : i32 to index
        %parallel_loop3A_105 = arith.constant 0 : index
        %parallel_loop3A_106 = tpu.vector_load %arg14[%parallel_loop3A_104, %parallel_loop3A_105] {strides = array<i32>} : memref<256x16xf32, #tpu.memory_space<vmem>>, vector<16xf32>,
        %parallel_loop3A_107 = arith.index_cast %parallel_loop3A_103 : i32 to index
        %parallel_loop3A_108 = arith.constant 0 : index
        %parallel_loop3A_109 = tpu.vector_load %arg15[%parallel_loop3A_107, %parallel_loop3A_108] {strides = array<i32>} : memref<256x16xf32, #tpu.memory_space<vmem>>, vector<16xf32>,
        %parallel_loop3A_110 = arith.mulf %parallel_loop3A_106, %parallel_loop3A_109 : vector<16xf32>
        %parallel_loop3A_111 = arith.index_cast %parallel_loop3A_103 : i32 to index
        %parallel_loop3A_112 = arith.constant 0 : index
        %parallel_loop3A_113 = tpu.vector_load %arg14[%parallel_loop3A_111, %parallel_loop3A_112] {strides = array<i32>} : memref<256x16xf32, #tpu.memory_space<vmem>>, vector<16xf32>,
        tpu.vector_store %arg14[%parallel_loop3A_111, %parallel_loop3A_112], %parallel_loop3A_110 {strides = array<i32>} : memref<256x16xf32, #tpu.memory_space<vmem>>, vector<16xf32>,
      } {sc.loop_unroll_factor = 1 : i64, sc.parallel_access}
      %dma_wait3A_63 = arith.constant 0 : i32
      %dma_wait3A_64 = arith.constant 0 : i32
      %dma_wait3A_65 = tpu.memref_slice %arg16[%squeeze3A_5, %dma_wait3A_63, %dma_wait3A_64] : memref<2x128x128xf32, #tpu.memory_space<vmem>> -> memref<1x128x128xf32, #tpu.memory_space<vmem>>
      %dma_wait3A_66 = tpu.memref_squeeze %dma_wait3A_65 : memref<1x128x128xf32, #tpu.memory_space<vmem>> -> memref<128x128xf32, #tpu.memory_space<vmem>>
      %dma_wait3A_67 = arith.constant 0 : i32
      %dma_wait3A_68 = tpu.memref_slice %arg12[%squeeze3A, %dma_wait3A_67] : memref<2x128xi32, #tpu.memory_space<vmem>> -> memref<1x128xi32, #tpu.memory_space<vmem>>
      %dma_wait3A_69 = tpu.memref_squeeze %dma_wait3A_68 : memref<1x128xi32, #tpu.memory_space<vmem>> -> memref<128xi32, #tpu.memory_space<vmem>>
      %dma_wait3A_70 = arith.constant 0 : i32
      %dma_wait3A_71 = arith.constant 0 : i32
      %dma_wait3A_72 = tpu.memref_slice %arg6[%dma_wait3A_70, %dma_wait3A_71] : memref<10240x128xf32, #tpu.memory_space<hbm>> -> memref<10240x128xf32, #tpu.memory_space<hbm>>
      tpu.wait_indirect_dma semaphore(%arg19 : memref<!tpu.dma_semaphore, #tpu.memory_space<semaphore_mem>>) src(%dma_wait3A_72 : memref<10240x128xf32, #tpu.memory_space<hbm>>) dst(%dma_wait3A_66 : memref<128x128xf32, #tpu.memory_space<vmem>>)
      %eq3A_73 = arith.constant 0 : i32
      %eq3A_74 = arith.cmpi eq, %arg0, %eq3A_73 : i32
      %convert_element_type3A_75 = arith.extui %eq3A_74 : i1 to i32
      %cond3A_76 = arith.constant 0 : i32
      %cond3A_77 = arith.cmpi ne, %convert_element_type3A_75, %cond3A_76 : i32
      scf.if %cond3A_77 {
        %dma_start3A_103 = arith.constant 1 : i32
        %dma_start3A_104 = arith.constant 1 : i32
        %dma_start3A_105 = arith.constant 0 : i32
        %dma_start3A_106 = arith.constant 0 : i32
        %dma_start3A_107 = tpu.memref_slice %arg16[%dma_start3A_104, %dma_start3A_105, %dma_start3A_106] : memref<2x128x128xf32, #tpu.memory_space<vmem>> -> memref<1x128x128xf32, #tpu.memory_space<vmem>>
        %dma_start3A_108 = tpu.memref_squeeze %dma_start3A_107 : memref<1x128x128xf32, #tpu.memory_space<vmem>> -> memref<128x128xf32, #tpu.memory_space<vmem>>
        %dma_start3A_109 = arith.constant 0 : i32
        %dma_start3A_110 = tpu.memref_slice %arg12[%dma_start3A_103, %dma_start3A_109] : memref<2x128xi32, #tpu.memory_space<vmem>> -> memref<1x128xi32, #tpu.memory_space<vmem>>
        %dma_start3A_111 = tpu.memref_squeeze %dma_start3A_110 : memref<1x128xi32, #tpu.memory_space<vmem>> -> memref<128xi32, #tpu.memory_space<vmem>>
        %dma_start3A_112 = arith.constant 0 : i32
        %dma_start3A_113 = arith.constant 0 : i32
        %dma_start3A_114 = tpu.memref_slice %arg6[%dma_start3A_112, %dma_start3A_113] : memref<10240x128xf32, #tpu.memory_space<hbm>> -> memref<10240x128xf32, #tpu.memory_space<hbm>>
        tpu.enqueue_indirect_dma source(%dma_start3A_114 : memref<10240x128xf32, #tpu.memory_space<hbm>>) target(%dma_start3A_108 : memref<128x128xf32, #tpu.memory_space<vmem>>) offsets(%dma_start3A_111 : memref<128xi32, #tpu.memory_space<vmem>>) semaphore(%arg19 : memref<!tpu.dma_semaphore, #tpu.memory_space<semaphore_mem>>)
      } else {
      }
      %ne3A_78 = arith.constant 0 : i32
      %ne3A_79 = arith.cmpi ne, %arg0, %ne3A_78 : i32
      %convert_element_type3A_80 = arith.extui %ne3A_79 : i1 to i32
      %cond3A_81 = arith.constant 0 : i32
      %cond3A_82 = arith.cmpi ne, %convert_element_type3A_80, %cond3A_81 : i32
      scf.if %cond3A_82 {
        %dma_start3A_103 = arith.constant 1 : i32
        %dma_start3A_104 = arith.constant 1 : i32
        %dma_start3A_105 = arith.constant 0 : i32
        %dma_start3A_106 = arith.constant 0 : i32
        %dma_start3A_107 = tpu.memref_slice %arg16[%dma_start3A_104, %dma_start3A_105, %dma_start3A_106] : memref<2x128x128xf32, #tpu.memory_space<vmem>> -> memref<1x128x128xf32, #tpu.memory_space<vmem>>
        %dma_start3A_108 = tpu.memref_squeeze %dma_start3A_107 : memref<1x128x128xf32, #tpu.memory_space<vmem>> -> memref<128x128xf32, #tpu.memory_space<vmem>>
        %dma_start3A_109 = arith.constant 0 : i32
        %dma_start3A_110 = tpu.memref_slice %arg12[%dma_start3A_103, %dma_start3A_109] : memref<2x128xi32, #tpu.memory_space<vmem>> -> memref<1x128xi32, #tpu.memory_space<vmem>>
        %dma_start3A_111 = tpu.memref_squeeze %dma_start3A_110 : memref<1x128xi32, #tpu.memory_space<vmem>> -> memref<128xi32, #tpu.memory_space<vmem>>
        %dma_start3A_112 = arith.constant 0 : i32
        %dma_start3A_113 = arith.constant 0 : i32
        %dma_start3A_114 = tpu.memref_slice %arg7[%dma_start3A_112, %dma_start3A_113] : memref<10240x128xf32, #tpu.memory_space<hbm>> -> memref<10240x128xf32, #tpu.memory_space<hbm>>
        tpu.enqueue_indirect_dma source(%dma_start3A_114 : memref<10240x128xf32, #tpu.memory_space<hbm>>) target(%dma_start3A_108 : memref<128x128xf32, #tpu.memory_space<vmem>>) offsets(%dma_start3A_111 : memref<128xi32, #tpu.memory_space<vmem>>) semaphore(%arg19 : memref<!tpu.dma_semaphore, #tpu.memory_space<semaphore_mem>>)
      } else {
      }
      %parallel_loop3A_83 = arith.constant 0 : i32
      %parallel_loop3A_84 = arith.constant 128 : i32
      %parallel_loop3A_85 = arith.constant 1 : i32
      scf.for %parallel_loop3A_103 = %parallel_loop3A_83 to %parallel_loop3A_84 step %parallel_loop3A_85  : i32 {
        %parallel_loop3A_104 = arith.constant 0 : i32
        %parallel_loop3A_105 = arith.addi %parallel_loop3A_104, %parallel_loop3A_103 : i32
        %parallel_loop3A_106 = vector.broadcast %parallel_loop3A_105 : i32 to vector<16xi32>
        %parallel_loop3A_107 = tpu.vector_load_idx %arg14[%parallel_loop3A_106, %broadcast_in_dim3A] : memref<256x16xf32, #tpu.memory_space<vmem>>[vector<16xi32>, vector<16xi32>], vector<16xf32>,
        %parallel_loop3A_108 = arith.constant 0 : i32
        %parallel_loop3A_109 = arith.index_cast %parallel_loop3A_108 : i32 to index
        %parallel_loop3A_110 = arith.index_cast %parallel_loop3A_103 : i32 to index
        %parallel_loop3A_111 = arith.constant 0 : index
        %parallel_loop3A_112 = tpu.vector_load %arg16[%parallel_loop3A_109, %parallel_loop3A_110, %parallel_loop3A_111] {strides = array<i32>} : memref<2x128x128xf32, #tpu.memory_space<vmem>>, vector<16xf32>,
        %parallel_loop3A_113 = arith.mulf %parallel_loop3A_112, %parallel_loop3A_107 : vector<16xf32>
        %parallel_loop3A_114 = arith.constant 0 : i32
        %parallel_loop3A_115 = arith.index_cast %parallel_loop3A_114 : i32 to index
        %parallel_loop3A_116 = arith.index_cast %parallel_loop3A_103 : i32 to index
        %parallel_loop3A_117 = arith.constant 0 : index
        %parallel_loop3A_118 = tpu.vector_load %arg16[%parallel_loop3A_115, %parallel_loop3A_116, %parallel_loop3A_117] {strides = array<i32>} : memref<2x128x128xf32, #tpu.memory_space<vmem>>, vector<16xf32>,
        tpu.vector_store %arg16[%parallel_loop3A_115, %parallel_loop3A_116, %parallel_loop3A_117], %parallel_loop3A_113 {strides = array<i32>} : memref<2x128x128xf32, #tpu.memory_space<vmem>>, vector<16xf32>,
        %parallel_loop3A_119 = arith.constant 0 : i32
        %parallel_loop3A_120 = arith.index_cast %parallel_loop3A_119 : i32 to index
        %parallel_loop3A_121 = arith.index_cast %parallel_loop3A_103 : i32 to index
        %parallel_loop3A_122 = arith.constant 16 : index
        %parallel_loop3A_123 = tpu.vector_load %arg16[%parallel_loop3A_120, %parallel_loop3A_121, %parallel_loop3A_122] {strides = array<i32>} : memref<2x128x128xf32, #tpu.memory_space<vmem>>, vector<16xf32>,
        %parallel_loop3A_124 = arith.mulf %parallel_loop3A_123, %parallel_loop3A_107 : vector<16xf32>
        %parallel_loop3A_125 = arith.constant 0 : i32
        %parallel_loop3A_126 = arith.index_cast %parallel_loop3A_125 : i32 to index
        %parallel_loop3A_127 = arith.index_cast %parallel_loop3A_103 : i32 to index
        %parallel_loop3A_128 = arith.constant 16 : index
        %parallel_loop3A_129 = tpu.vector_load %arg16[%parallel_loop3A_126, %parallel_loop3A_127, %parallel_loop3A_128] {strides = array<i32>} : memref<2x128x128xf32, #tpu.memory_space<vmem>>, vector<16xf32>,
        tpu.vector_store %arg16[%parallel_loop3A_126, %parallel_loop3A_127, %parallel_loop3A_128], %parallel_loop3A_124 {strides = array<i32>} : memref<2x128x128xf32, #tpu.memory_space<vmem>>, vector<16xf32>,
        %parallel_loop3A_130 = tpu.vector_load_idx %arg14[%parallel_loop3A_106, %broadcast_in_dim3A_14] : memref<256x16xf32, #tpu.memory_space<vmem>>[vector<16xi32>, vector<16xi32>], vector<16xf32>,
        %parallel_loop3A_131 = arith.constant 0 : i32
        %parallel_loop3A_132 = arith.index_cast %parallel_loop3A_131 : i32 to index
        %parallel_loop3A_133 = arith.index_cast %parallel_loop3A_103 : i32 to index
        %parallel_loop3A_134 = arith.constant 32 : index
        %parallel_loop3A_135 = tpu.vector_load %arg16[%parallel_loop3A_132, %parallel_loop3A_133, %parallel_loop3A_134] {strides = array<i32>} : memref<2x128x128xf32, #tpu.memory_space<vmem>>, vector<16xf32>,
        %parallel_loop3A_136 = arith.mulf %parallel_loop3A_135, %parallel_loop3A_130 : vector<16xf32>
        %parallel_loop3A_137 = arith.constant 0 : i32
        %parallel_loop3A_138 = arith.index_cast %parallel_loop3A_137 : i32 to index
        %parallel_loop3A_139 = arith.index_cast %parallel_loop3A_103 : i32 to index
        %parallel_loop3A_140 = arith.constant 32 : index
        %parallel_loop3A_141 = tpu.vector_load %arg16[%parallel_loop3A_138, %parallel_loop3A_139, %parallel_loop3A_140] {strides = array<i32>} : memref<2x128x128xf32, #tpu.memory_space<vmem>>, vector<16xf32>,
        tpu.vector_store %arg16[%parallel_loop3A_138, %parallel_loop3A_139, %parallel_loop3A_140], %parallel_loop3A_136 {strides = array<i32>} : memref<2x128x128xf32, #tpu.memory_space<vmem>>, vector<16xf32>,
        %parallel_loop3A_142 = arith.constant 0 : i32
        %parallel_loop3A_143 = arith.index_cast %parallel_loop3A_142 : i32 to index
        %parallel_loop3A_144 = arith.index_cast %parallel_loop3A_103 : i32 to index
        %parallel_loop3A_145 = arith.constant 48 : index
        %parallel_loop3A_146 = tpu.vector_load %arg16[%parallel_loop3A_143, %parallel_loop3A_144, %parallel_loop3A_145] {strides = array<i32>} : memref<2x128x128xf32, #tpu.memory_space<vmem>>, vector<16xf32>,
        %parallel_loop3A_147 = arith.mulf %parallel_loop3A_146, %parallel_loop3A_130 : vector<16xf32>
        %parallel_loop3A_148 = arith.constant 0 : i32
        %parallel_loop3A_149 = arith.index_cast %parallel_loop3A_148 : i32 to index
        %parallel_loop3A_150 = arith.index_cast %parallel_loop3A_103 : i32 to index
        %parallel_loop3A_151 = arith.constant 48 : index
        %parallel_loop3A_152 = tpu.vector_load %arg16[%parallel_loop3A_149, %parallel_loop3A_150, %parallel_loop3A_151] {strides = array<i32>} : memref<2x128x128xf32, #tpu.memory_space<vmem>>, vector<16xf32>,
        tpu.vector_store %arg16[%parallel_loop3A_149, %parallel_loop3A_150, %parallel_loop3A_151], %parallel_loop3A_147 {strides = array<i32>} : memref<2x128x128xf32, #tpu.memory_space<vmem>>, vector<16xf32>,
        %parallel_loop3A_153 = tpu.vector_load_idx %arg14[%parallel_loop3A_106, %broadcast_in_dim3A_17] : memref<256x16xf32, #tpu.memory_space<vmem>>[vector<16xi32>, vector<16xi32>], vector<16xf32>,
        %parallel_loop3A_154 = arith.constant 0 : i32
        %parallel_loop3A_155 = arith.index_cast %parallel_loop3A_154 : i32 to index
        %parallel_loop3A_156 = arith.index_cast %parallel_loop3A_103 : i32 to index
        %parallel_loop3A_157 = arith.constant 64 : index
        %parallel_loop3A_158 = tpu.vector_load %arg16[%parallel_loop3A_155, %parallel_loop3A_156, %parallel_loop3A_157] {strides = array<i32>} : memref<2x128x128xf32, #tpu.memory_space<vmem>>, vector<16xf32>,
        %parallel_loop3A_159 = arith.mulf %parallel_loop3A_158, %parallel_loop3A_153 : vector<16xf32>
        %parallel_loop3A_160 = arith.constant 0 : i32
        %parallel_loop3A_161 = arith.index_cast %parallel_loop3A_160 : i32 to index
        %parallel_loop3A_162 = arith.index_cast %parallel_loop3A_103 : i32 to index
        %parallel_loop3A_163 = arith.constant 64 : index
        %parallel_loop3A_164 = tpu.vector_load %arg16[%parallel_loop3A_161, %parallel_loop3A_162, %parallel_loop3A_163] {strides = array<i32>} : memref<2x128x128xf32, #tpu.memory_space<vmem>>, vector<16xf32>,
        tpu.vector_store %arg16[%parallel_loop3A_161, %parallel_loop3A_162, %parallel_loop3A_163], %parallel_loop3A_159 {strides = array<i32>} : memref<2x128x128xf32, #tpu.memory_space<vmem>>, vector<16xf32>,
        %parallel_loop3A_165 = arith.constant 0 : i32
        %parallel_loop3A_166 = arith.index_cast %parallel_loop3A_165 : i32 to index
        %parallel_loop3A_167 = arith.index_cast %parallel_loop3A_103 : i32 to index
        %parallel_loop3A_168 = arith.constant 80 : index
        %parallel_loop3A_169 = tpu.vector_load %arg16[%parallel_loop3A_166, %parallel_loop3A_167, %parallel_loop3A_168] {strides = array<i32>} : memref<2x128x128xf32, #tpu.memory_space<vmem>>, vector<16xf32>,
        %parallel_loop3A_170 = arith.mulf %parallel_loop3A_169, %parallel_loop3A_153 : vector<16xf32>
        %parallel_loop3A_171 = arith.constant 0 : i32
        %parallel_loop3A_172 = arith.index_cast %parallel_loop3A_171 : i32 to index
        %parallel_loop3A_173 = arith.index_cast %parallel_loop3A_103 : i32 to index
        %parallel_loop3A_174 = arith.constant 80 : index
        %parallel_loop3A_175 = tpu.vector_load %arg16[%parallel_loop3A_172, %parallel_loop3A_173, %parallel_loop3A_174] {strides = array<i32>} : memref<2x128x128xf32, #tpu.memory_space<vmem>>, vector<16xf32>,
        tpu.vector_store %arg16[%parallel_loop3A_172, %parallel_loop3A_173, %parallel_loop3A_174], %parallel_loop3A_170 {strides = array<i32>} : memref<2x128x128xf32, #tpu.memory_space<vmem>>, vector<16xf32>,
        %parallel_loop3A_176 = tpu.vector_load_idx %arg14[%parallel_loop3A_106, %broadcast_in_dim3A_20] : memref<256x16xf32, #tpu.memory_space<vmem>>[vector<16xi32>, vector<16xi32>], vector<16xf32>,
        %parallel_loop3A_177 = arith.constant 0 : i32
        %parallel_loop3A_178 = arith.index_cast %parallel_loop3A_177 : i32 to index
        %parallel_loop3A_179 = arith.index_cast %parallel_loop3A_103 : i32 to index
        %parallel_loop3A_180 = arith.constant 96 : index
        %parallel_loop3A_181 = tpu.vector_load %arg16[%parallel_loop3A_178, %parallel_loop3A_179, %parallel_loop3A_180] {strides = array<i32>} : memref<2x128x128xf32, #tpu.memory_space<vmem>>, vector<16xf32>,
        %parallel_loop3A_182 = arith.mulf %parallel_loop3A_181, %parallel_loop3A_176 : vector<16xf32>
        %parallel_loop3A_183 = arith.constant 0 : i32
        %parallel_loop3A_184 = arith.index_cast %parallel_loop3A_183 : i32 to index
        %parallel_loop3A_185 = arith.index_cast %parallel_loop3A_103 : i32 to index
        %parallel_loop3A_186 = arith.constant 96 : index
        %parallel_loop3A_187 = tpu.vector_load %arg16[%parallel_loop3A_184, %parallel_loop3A_185, %parallel_loop3A_186] {strides = array<i32>} : memref<2x128x128xf32, #tpu.memory_space<vmem>>, vector<16xf32>,
        tpu.vector_store %arg16[%parallel_loop3A_184, %parallel_loop3A_185, %parallel_loop3A_186], %parallel_loop3A_182 {strides = array<i32>} : memref<2x128x128xf32, #tpu.memory_space<vmem>>, vector<16xf32>,
        %parallel_loop3A_188 = arith.constant 0 : i32
        %parallel_loop3A_189 = arith.index_cast %parallel_loop3A_188 : i32 to index
        %parallel_loop3A_190 = arith.index_cast %parallel_loop3A_103 : i32 to index
        %parallel_loop3A_191 = arith.constant 112 : index
        %parallel_loop3A_192 = tpu.vector_load %arg16[%parallel_loop3A_189, %parallel_loop3A_190, %parallel_loop3A_191] {strides = array<i32>} : memref<2x128x128xf32, #tpu.memory_space<vmem>>, vector<16xf32>,
        %parallel_loop3A_193 = arith.mulf %parallel_loop3A_192, %parallel_loop3A_176 : vector<16xf32>
        %parallel_loop3A_194 = arith.constant 0 : i32
        %parallel_loop3A_195 = arith.index_cast %parallel_loop3A_194 : i32 to index
        %parallel_loop3A_196 = arith.index_cast %parallel_loop3A_103 : i32 to index
        %parallel_loop3A_197 = arith.constant 112 : index
        %parallel_loop3A_198 = tpu.vector_load %arg16[%parallel_loop3A_195, %parallel_loop3A_196, %parallel_loop3A_197] {strides = array<i32>} : memref<2x128x128xf32, #tpu.memory_space<vmem>>, vector<16xf32>,
        tpu.vector_store %arg16[%parallel_loop3A_195, %parallel_loop3A_196, %parallel_loop3A_197], %parallel_loop3A_193 {strides = array<i32>} : memref<2x128x128xf32, #tpu.memory_space<vmem>>, vector<16xf32>,
      } {sc.loop_unroll_factor = 1 : i64, sc.parallel_access}
      %run_scoped3A_86 = arith.constant 0 : i32
      %run_scoped3A_87 = arith.constant 0 : i32
      "tpu.region"() ({
        %run_scoped3A_103 = tpu.sem_alloc : memref<!tpu.dma_semaphore, #tpu.memory_space<semaphore_mem>>
        %dma_start3A_104 = arith.constant 0 : i32
        %dma_start3A_105 = arith.constant 0 : i32
        %dma_start3A_106 = tpu.memref_slice %arg16[%run_scoped3A_86, %dma_start3A_104, %dma_start3A_105] : memref<2x128x128xf32, #tpu.memory_space<vmem>> -> memref<1x128x128xf32, #tpu.memory_space<vmem>>
        %dma_start3A_107 = tpu.memref_squeeze %dma_start3A_106 : memref<1x128x128xf32, #tpu.memory_space<vmem>> -> memref<128x128xf32, #tpu.memory_space<vmem>>
        %dma_start3A_108 = arith.constant 0 : i32
        %dma_start3A_109 = tpu.memref_slice %arg13[%run_scoped3A_87, %dma_start3A_108] : memref<2x128xi32, #tpu.memory_space<vmem>> -> memref<1x128xi32, #tpu.memory_space<vmem>>
        %dma_start3A_110 = tpu.memref_squeeze %dma_start3A_109 : memref<1x128xi32, #tpu.memory_space<vmem>> -> memref<128xi32, #tpu.memory_space<vmem>>
        %dma_start3A_111 = arith.constant 0 : i32
        %dma_start3A_112 = arith.constant 0 : i32
        %dma_start3A_113 = tpu.memref_slice %arg17[%dma_start3A_111, %dma_start3A_112] : memref<10240x128xf32, #tpu.memory_space<vmem_shared>> -> memref<10240x128xf32, #tpu.memory_space<vmem_shared>>
        tpu.enqueue_indirect_dma source(%dma_start3A_107 : memref<128x128xf32, #tpu.memory_space<vmem>>) target(%dma_start3A_113 : memref<10240x128xf32, #tpu.memory_space<vmem_shared>>) offsets(%dma_start3A_110 : memref<128xi32, #tpu.memory_space<vmem>>) semaphore(%run_scoped3A_103 : memref<!tpu.dma_semaphore, #tpu.memory_space<semaphore_mem>>) {add = true}
        %dma_wait3A_114 = arith.constant 0 : i32
        %dma_wait3A_115 = arith.constant 0 : i32
        %dma_wait3A_116 = tpu.memref_slice %arg16[%run_scoped3A_86, %dma_wait3A_114, %dma_wait3A_115] : memref<2x128x128xf32, #tpu.memory_space<vmem>> -> memref<1x128x128xf32, #tpu.memory_space<vmem>>
        %dma_wait3A_117 = tpu.memref_squeeze %dma_wait3A_116 : memref<1x128x128xf32, #tpu.memory_space<vmem>> -> memref<128x128xf32, #tpu.memory_space<vmem>>
        %dma_wait3A_118 = arith.constant 0 : i32
        %dma_wait3A_119 = tpu.memref_slice %arg13[%run_scoped3A_87, %dma_wait3A_118] : memref<2x128xi32, #tpu.memory_space<vmem>> -> memref<1x128xi32, #tpu.memory_space<vmem>>
        %dma_wait3A_120 = tpu.memref_squeeze %dma_wait3A_119 : memref<1x128xi32, #tpu.memory_space<vmem>> -> memref<128xi32, #tpu.memory_space<vmem>>
        %dma_wait3A_121 = arith.constant 0 : i32
        %dma_wait3A_122 = arith.constant 0 : i32
        %dma_wait3A_123 = tpu.memref_slice %arg17[%dma_wait3A_121, %dma_wait3A_122] : memref<10240x128xf32, #tpu.memory_space<vmem_shared>> -> memref<10240x128xf32, #tpu.memory_space<vmem_shared>>
        tpu.wait_indirect_dma semaphore(%run_scoped3A_103 : memref<!tpu.dma_semaphore, #tpu.memory_space<semaphore_mem>>) src(%dma_wait3A_117 : memref<128x128xf32, #tpu.memory_space<vmem>>) dst(%dma_wait3A_123 : memref<10240x128xf32, #tpu.memory_space<vmem_shared>>)
        tpu.yield
      }) : () -> ()
      %dma_wait3A_88 = arith.constant 0 : i32
      %dma_wait3A_89 = arith.constant 0 : i32
      %dma_wait3A_90 = tpu.memref_slice %arg16[%squeeze3A_5, %dma_wait3A_88, %dma_wait3A_89] : memref<2x128x128xf32, #tpu.memory_space<vmem>> -> memref<1x128x128xf32, #tpu.memory_space<vmem>>
      %dma_wait3A_91 = tpu.memref_squeeze %dma_wait3A_90 : memref<1x128x128xf32, #tpu.memory_space<vmem>> -> memref<128x128xf32, #tpu.memory_space<vmem>>
      %dma_wait3A_92 = arith.constant 0 : i32
      %dma_wait3A_93 = tpu.memref_slice %arg12[%squeeze3A, %dma_wait3A_92] : memref<2x128xi32, #tpu.memory_space<vmem>> -> memref<1x128xi32, #tpu.memory_space<vmem>>
      %dma_wait3A_94 = tpu.memref_squeeze %dma_wait3A_93 : memref<1x128xi32, #tpu.memory_space<vmem>> -> memref<128xi32, #tpu.memory_space<vmem>>
      %dma_wait3A_95 = arith.constant 0 : i32
      %dma_wait3A_96 = arith.constant 0 : i32
      %dma_wait3A_97 = tpu.memref_slice %arg6[%dma_wait3A_95, %dma_wait3A_96] : memref<10240x128xf32, #tpu.memory_space<hbm>> -> memref<10240x128xf32, #tpu.memory_space<hbm>>
      tpu.wait_indirect_dma semaphore(%arg19 : memref<!tpu.dma_semaphore, #tpu.memory_space<semaphore_mem>>) src(%dma_wait3A_97 : memref<10240x128xf32, #tpu.memory_space<hbm>>) dst(%dma_wait3A_91 : memref<128x128xf32, #tpu.memory_space<vmem>>)
      %parallel_loop3A_98 = arith.constant 0 : i32
      %parallel_loop3A_99 = arith.constant 128 : i32
      %parallel_loop3A_100 = arith.constant 1 : i32
      scf.for %parallel_loop3A_103 = %parallel_loop3A_98 to %parallel_loop3A_99 step %parallel_loop3A_100  : i32 {
        %parallel_loop3A_104 = arith.constant 128 : i32
        %parallel_loop3A_105 = arith.addi %parallel_loop3A_104, %parallel_loop3A_103 : i32
        %parallel_loop3A_106 = vector.broadcast %parallel_loop3A_105 : i32 to vector<16xi32>
        %parallel_loop3A_107 = tpu.vector_load_idx %arg14[%parallel_loop3A_106, %broadcast_in_dim3A] : memref<256x16xf32, #tpu.memory_space<vmem>>[vector<16xi32>, vector<16xi32>], vector<16xf32>,
        %parallel_loop3A_108 = arith.constant 1 : i32
        %parallel_loop3A_109 = arith.index_cast %parallel_loop3A_108 : i32 to index
        %parallel_loop3A_110 = arith.index_cast %parallel_loop3A_103 : i32 to index
        %parallel_loop3A_111 = arith.constant 0 : index
        %parallel_loop3A_112 = tpu.vector_load %arg16[%parallel_loop3A_109, %parallel_loop3A_110, %parallel_loop3A_111] {strides = array<i32>} : memref<2x128x128xf32, #tpu.memory_space<vmem>>, vector<16xf32>,
        %parallel_loop3A_113 = arith.mulf %parallel_loop3A_112, %parallel_loop3A_107 : vector<16xf32>
        %parallel_loop3A_114 = arith.constant 1 : i32
        %parallel_loop3A_115 = arith.index_cast %parallel_loop3A_114 : i32 to index
        %parallel_loop3A_116 = arith.index_cast %parallel_loop3A_103 : i32 to index
        %parallel_loop3A_117 = arith.constant 0 : index
        %parallel_loop3A_118 = tpu.vector_load %arg16[%parallel_loop3A_115, %parallel_loop3A_116, %parallel_loop3A_117] {strides = array<i32>} : memref<2x128x128xf32, #tpu.memory_space<vmem>>, vector<16xf32>,
        tpu.vector_store %arg16[%parallel_loop3A_115, %parallel_loop3A_116, %parallel_loop3A_117], %parallel_loop3A_113 {strides = array<i32>} : memref<2x128x128xf32, #tpu.memory_space<vmem>>, vector<16xf32>,
        %parallel_loop3A_119 = arith.constant 1 : i32
        %parallel_loop3A_120 = arith.index_cast %parallel_loop3A_119 : i32 to index
        %parallel_loop3A_121 = arith.index_cast %parallel_loop3A_103 : i32 to index
        %parallel_loop3A_122 = arith.constant 16 : index
        %parallel_loop3A_123 = tpu.vector_load %arg16[%parallel_loop3A_120, %parallel_loop3A_121, %parallel_loop3A_122] {strides = array<i32>} : memref<2x128x128xf32, #tpu.memory_space<vmem>>, vector<16xf32>,
        %parallel_loop3A_124 = arith.mulf %parallel_loop3A_123, %parallel_loop3A_107 : vector<16xf32>
        %parallel_loop3A_125 = arith.constant 1 : i32
        %parallel_loop3A_126 = arith.index_cast %parallel_loop3A_125 : i32 to index
        %parallel_loop3A_127 = arith.index_cast %parallel_loop3A_103 : i32 to index
        %parallel_loop3A_128 = arith.constant 16 : index
        %parallel_loop3A_129 = tpu.vector_load %arg16[%parallel_loop3A_126, %parallel_loop3A_127, %parallel_loop3A_128] {strides = array<i32>} : memref<2x128x128xf32, #tpu.memory_space<vmem>>, vector<16xf32>,
        tpu.vector_store %arg16[%parallel_loop3A_126, %parallel_loop3A_127, %parallel_loop3A_128], %parallel_loop3A_124 {strides = array<i32>} : memref<2x128x128xf32, #tpu.memory_space<vmem>>, vector<16xf32>,
        %parallel_loop3A_130 = tpu.vector_load_idx %arg14[%parallel_loop3A_106, %broadcast_in_dim3A_14] : memref<256x16xf32, #tpu.memory_space<vmem>>[vector<16xi32>, vector<16xi32>], vector<16xf32>,
        %parallel_loop3A_131 = arith.constant 1 : i32
        %parallel_loop3A_132 = arith.index_cast %parallel_loop3A_131 : i32 to index
        %parallel_loop3A_133 = arith.index_cast %parallel_loop3A_103 : i32 to index
        %parallel_loop3A_134 = arith.constant 32 : index
        %parallel_loop3A_135 = tpu.vector_load %arg16[%parallel_loop3A_132, %parallel_loop3A_133, %parallel_loop3A_134] {strides = array<i32>} : memref<2x128x128xf32, #tpu.memory_space<vmem>>, vector<16xf32>,
        %parallel_loop3A_136 = arith.mulf %parallel_loop3A_135, %parallel_loop3A_130 : vector<16xf32>
        %parallel_loop3A_137 = arith.constant 1 : i32
        %parallel_loop3A_138 = arith.index_cast %parallel_loop3A_137 : i32 to index
        %parallel_loop3A_139 = arith.index_cast %parallel_loop3A_103 : i32 to index
        %parallel_loop3A_140 = arith.constant 32 : index
        %parallel_loop3A_141 = tpu.vector_load %arg16[%parallel_loop3A_138, %parallel_loop3A_139, %parallel_loop3A_140] {strides = array<i32>} : memref<2x128x128xf32, #tpu.memory_space<vmem>>, vector<16xf32>,
        tpu.vector_store %arg16[%parallel_loop3A_138, %parallel_loop3A_139, %parallel_loop3A_140], %parallel_loop3A_136 {strides = array<i32>} : memref<2x128x128xf32, #tpu.memory_space<vmem>>, vector<16xf32>,
        %parallel_loop3A_142 = arith.constant 1 : i32
        %parallel_loop3A_143 = arith.index_cast %parallel_loop3A_142 : i32 to index
        %parallel_loop3A_144 = arith.index_cast %parallel_loop3A_103 : i32 to index
        %parallel_loop3A_145 = arith.constant 48 : index
        %parallel_loop3A_146 = tpu.vector_load %arg16[%parallel_loop3A_143, %parallel_loop3A_144, %parallel_loop3A_145] {strides = array<i32>} : memref<2x128x128xf32, #tpu.memory_space<vmem>>, vector<16xf32>,
        %parallel_loop3A_147 = arith.mulf %parallel_loop3A_146, %parallel_loop3A_130 : vector<16xf32>
        %parallel_loop3A_148 = arith.constant 1 : i32
        %parallel_loop3A_149 = arith.index_cast %parallel_loop3A_148 : i32 to index
        %parallel_loop3A_150 = arith.index_cast %parallel_loop3A_103 : i32 to index
        %parallel_loop3A_151 = arith.constant 48 : index
        %parallel_loop3A_152 = tpu.vector_load %arg16[%parallel_loop3A_149, %parallel_loop3A_150, %parallel_loop3A_151] {strides = array<i32>} : memref<2x128x128xf32, #tpu.memory_space<vmem>>, vector<16xf32>,
        tpu.vector_store %arg16[%parallel_loop3A_149, %parallel_loop3A_150, %parallel_loop3A_151], %parallel_loop3A_147 {strides = array<i32>} : memref<2x128x128xf32, #tpu.memory_space<vmem>>, vector<16xf32>,
        %parallel_loop3A_153 = tpu.vector_load_idx %arg14[%parallel_loop3A_106, %broadcast_in_dim3A_17] : memref<256x16xf32, #tpu.memory_space<vmem>>[vector<16xi32>, vector<16xi32>], vector<16xf32>,
        %parallel_loop3A_154 = arith.constant 1 : i32
        %parallel_loop3A_155 = arith.index_cast %parallel_loop3A_154 : i32 to index
        %parallel_loop3A_156 = arith.index_cast %parallel_loop3A_103 : i32 to index
        %parallel_loop3A_157 = arith.constant 64 : index
        %parallel_loop3A_158 = tpu.vector_load %arg16[%parallel_loop3A_155, %parallel_loop3A_156, %parallel_loop3A_157] {strides = array<i32>} : memref<2x128x128xf32, #tpu.memory_space<vmem>>, vector<16xf32>,
        %parallel_loop3A_159 = arith.mulf %parallel_loop3A_158, %parallel_loop3A_153 : vector<16xf32>
        %parallel_loop3A_160 = arith.constant 1 : i32
        %parallel_loop3A_161 = arith.index_cast %parallel_loop3A_160 : i32 to index
        %parallel_loop3A_162 = arith.index_cast %parallel_loop3A_103 : i32 to index
        %parallel_loop3A_163 = arith.constant 64 : index
        %parallel_loop3A_164 = tpu.vector_load %arg16[%parallel_loop3A_161, %parallel_loop3A_162, %parallel_loop3A_163] {strides = array<i32>} : memref<2x128x128xf32, #tpu.memory_space<vmem>>, vector<16xf32>,
        tpu.vector_store %arg16[%parallel_loop3A_161, %parallel_loop3A_162, %parallel_loop3A_163], %parallel_loop3A_159 {strides = array<i32>} : memref<2x128x128xf32, #tpu.memory_space<vmem>>, vector<16xf32>,
        %parallel_loop3A_165 = arith.constant 1 : i32
        %parallel_loop3A_166 = arith.index_cast %parallel_loop3A_165 : i32 to index
        %parallel_loop3A_167 = arith.index_cast %parallel_loop3A_103 : i32 to index
        %parallel_loop3A_168 = arith.constant 80 : index
        %parallel_loop3A_169 = tpu.vector_load %arg16[%parallel_loop3A_166, %parallel_loop3A_167, %parallel_loop3A_168] {strides = array<i32>} : memref<2x128x128xf32, #tpu.memory_space<vmem>>, vector<16xf32>,
        %parallel_loop3A_170 = arith.mulf %parallel_loop3A_169, %parallel_loop3A_153 : vector<16xf32>
        %parallel_loop3A_171 = arith.constant 1 : i32
        %parallel_loop3A_172 = arith.index_cast %parallel_loop3A_171 : i32 to index
        %parallel_loop3A_173 = arith.index_cast %parallel_loop3A_103 : i32 to index
        %parallel_loop3A_174 = arith.constant 80 : index
        %parallel_loop3A_175 = tpu.vector_load %arg16[%parallel_loop3A_172, %parallel_loop3A_173, %parallel_loop3A_174] {strides = array<i32>} : memref<2x128x128xf32, #tpu.memory_space<vmem>>, vector<16xf32>,
        tpu.vector_store %arg16[%parallel_loop3A_172, %parallel_loop3A_173, %parallel_loop3A_174], %parallel_loop3A_170 {strides = array<i32>} : memref<2x128x128xf32, #tpu.memory_space<vmem>>, vector<16xf32>,
        %parallel_loop3A_176 = tpu.vector_load_idx %arg14[%parallel_loop3A_106, %broadcast_in_dim3A_20] : memref<256x16xf32, #tpu.memory_space<vmem>>[vector<16xi32>, vector<16xi32>], vector<16xf32>,
        %parallel_loop3A_177 = arith.constant 1 : i32
        %parallel_loop3A_178 = arith.index_cast %parallel_loop3A_177 : i32 to index
        %parallel_loop3A_179 = arith.index_cast %parallel_loop3A_103 : i32 to index
        %parallel_loop3A_180 = arith.constant 96 : index
        %parallel_loop3A_181 = tpu.vector_load %arg16[%parallel_loop3A_178, %parallel_loop3A_179, %parallel_loop3A_180] {strides = array<i32>} : memref<2x128x128xf32, #tpu.memory_space<vmem>>, vector<16xf32>,
        %parallel_loop3A_182 = arith.mulf %parallel_loop3A_181, %parallel_loop3A_176 : vector<16xf32>
        %parallel_loop3A_183 = arith.constant 1 : i32
        %parallel_loop3A_184 = arith.index_cast %parallel_loop3A_183 : i32 to index
        %parallel_loop3A_185 = arith.index_cast %parallel_loop3A_103 : i32 to index
        %parallel_loop3A_186 = arith.constant 96 : index
        %parallel_loop3A_187 = tpu.vector_load %arg16[%parallel_loop3A_184, %parallel_loop3A_185, %parallel_loop3A_186] {strides = array<i32>} : memref<2x128x128xf32, #tpu.memory_space<vmem>>, vector<16xf32>,
        tpu.vector_store %arg16[%parallel_loop3A_184, %parallel_loop3A_185, %parallel_loop3A_186], %parallel_loop3A_182 {strides = array<i32>} : memref<2x128x128xf32, #tpu.memory_space<vmem>>, vector<16xf32>,
        %parallel_loop3A_188 = arith.constant 1 : i32
        %parallel_loop3A_189 = arith.index_cast %parallel_loop3A_188 : i32 to index
        %parallel_loop3A_190 = arith.index_cast %parallel_loop3A_103 : i32 to index
        %parallel_loop3A_191 = arith.constant 112 : index
        %parallel_loop3A_192 = tpu.vector_load %arg16[%parallel_loop3A_189, %parallel_loop3A_190, %parallel_loop3A_191] {strides = array<i32>} : memref<2x128x128xf32, #tpu.memory_space<vmem>>, vector<16xf32>,
        %parallel_loop3A_193 = arith.mulf %parallel_loop3A_192, %parallel_loop3A_176 : vector<16xf32>
        %parallel_loop3A_194 = arith.constant 1 : i32
        %parallel_loop3A_195 = arith.index_cast %parallel_loop3A_194 : i32 to index
        %parallel_loop3A_196 = arith.index_cast %parallel_loop3A_103 : i32 to index
        %parallel_loop3A_197 = arith.constant 112 : index
        %parallel_loop3A_198 = tpu.vector_load %arg16[%parallel_loop3A_195, %parallel_loop3A_196, %parallel_loop3A_197] {strides = array<i32>} : memref<2x128x128xf32, #tpu.memory_space<vmem>>, vector<16xf32>,
        tpu.vector_store %arg16[%parallel_loop3A_195, %parallel_loop3A_196, %parallel_loop3A_197], %parallel_loop3A_193 {strides = array<i32>} : memref<2x128x128xf32, #tpu.memory_space<vmem>>, vector<16xf32>,
      } {sc.loop_unroll_factor = 1 : i64, sc.parallel_access}
      %run_scoped3A_101 = arith.constant 1 : i32
      %run_scoped3A_102 = arith.constant 1 : i32
      "tpu.region"() ({
        %run_scoped3A_103 = tpu.sem_alloc : memref<!tpu.dma_semaphore, #tpu.memory_space<semaphore_mem>>
        %dma_start3A_104 = arith.constant 0 : i32
        %dma_start3A_105 = arith.constant 0 : i32
        %dma_start3A_106 = tpu.memref_slice %arg16[%run_scoped3A_101, %dma_start3A_104, %dma_start3A_105] : memref<2x128x128xf32, #tpu.memory_space<vmem>> -> memref<1x128x128xf32, #tpu.memory_space<vmem>>
        %dma_start3A_107 = tpu.memref_squeeze %dma_start3A_106 : memref<1x128x128xf32, #tpu.memory_space<vmem>> -> memref<128x128xf32, #tpu.memory_space<vmem>>
        %dma_start3A_108 = arith.constant 0 : i32
        %dma_start3A_109 = tpu.memref_slice %arg13[%run_scoped3A_102, %dma_start3A_108] : memref<2x128xi32, #tpu.memory_space<vmem>> -> memref<1x128xi32, #tpu.memory_space<vmem>>
        %dma_start3A_110 = tpu.memref_squeeze %dma_start3A_109 : memref<1x128xi32, #tpu.memory_space<vmem>> -> memref<128xi32, #tpu.memory_space<vmem>>
        %dma_start3A_111 = arith.constant 0 : i32
        %dma_start3A_112 = arith.constant 0 : i32
        %dma_start3A_113 = tpu.memref_slice %arg17[%dma_start3A_111, %dma_start3A_112] : memref<10240x128xf32, #tpu.memory_space<vmem_shared>> -> memref<10240x128xf32, #tpu.memory_space<vmem_shared>>
        tpu.enqueue_indirect_dma source(%dma_start3A_107 : memref<128x128xf32, #tpu.memory_space<vmem>>) target(%dma_start3A_113 : memref<10240x128xf32, #tpu.memory_space<vmem_shared>>) offsets(%dma_start3A_110 : memref<128xi32, #tpu.memory_space<vmem>>) semaphore(%run_scoped3A_103 : memref<!tpu.dma_semaphore, #tpu.memory_space<semaphore_mem>>) {add = true}
        %dma_wait3A_114 = arith.constant 0 : i32
        %dma_wait3A_115 = arith.constant 0 : i32
        %dma_wait3A_116 = tpu.memref_slice %arg16[%run_scoped3A_101, %dma_wait3A_114, %dma_wait3A_115] : memref<2x128x128xf32, #tpu.memory_space<vmem>> -> memref<1x128x128xf32, #tpu.memory_space<vmem>>
        %dma_wait3A_117 = tpu.memref_squeeze %dma_wait3A_116 : memref<1x128x128xf32, #tpu.memory_space<vmem>> -> memref<128x128xf32, #tpu.memory_space<vmem>>
        %dma_wait3A_118 = arith.constant 0 : i32
        %dma_wait3A_119 = tpu.memref_slice %arg13[%run_scoped3A_102, %dma_wait3A_118] : memref<2x128xi32, #tpu.memory_space<vmem>> -> memref<1x128xi32, #tpu.memory_space<vmem>>
        %dma_wait3A_120 = tpu.memref_squeeze %dma_wait3A_119 : memref<1x128xi32, #tpu.memory_space<vmem>> -> memref<128xi32, #tpu.memory_space<vmem>>
        %dma_wait3A_121 = arith.constant 0 : i32
        %dma_wait3A_122 = arith.constant 0 : i32
        %dma_wait3A_123 = tpu.memref_slice %arg17[%dma_wait3A_121, %dma_wait3A_122] : memref<10240x128xf32, #tpu.memory_space<vmem_shared>> -> memref<10240x128xf32, #tpu.memory_space<vmem_shared>>
        tpu.wait_indirect_dma semaphore(%run_scoped3A_103 : memref<!tpu.dma_semaphore, #tpu.memory_space<semaphore_mem>>) src(%dma_wait3A_117 : memref<128x128xf32, #tpu.memory_space<vmem>>) dst(%dma_wait3A_123 : memref<10240x128xf32, #tpu.memory_space<vmem_shared>>)
        tpu.yield
      }) : () -> ()
    }
    %scan3A_25 = arith.constant 42 : i32
    %barrier3A_26 = arith.constant 0 : index
    tpu.barrier barrier_id(%barrier3A_26)
    "tpu.region"() ({
      %run_scoped3A = tpu.sem_alloc : memref<!tpu.dma_semaphore, #tpu.memory_space<semaphore_mem>>
      %dma_start3A = arith.constant 0 : i32
      %dma_start3A_27 = tpu.memref_slice %arg11[%arg0, %mul3A_6, %dma_start3A] : memref<2x10240x128xf32, #tpu.memory_space<hbm>> -> memref<1x640x128xf32, #tpu.memory_space<hbm>>
      %dma_start3A_28 = tpu.memref_squeeze %dma_start3A_27 : memref<1x640x128xf32, #tpu.memory_space<hbm>> -> memref<640x128xf32, #tpu.memory_space<hbm>>
      %dma_start3A_29 = arith.constant 0 : i32
      %dma_start3A_30 = tpu.memref_slice %arg17[%mul3A_6, %dma_start3A_29] : memref<10240x128xf32, #tpu.memory_space<vmem_shared>> -> memref<640x128xf32, #tpu.memory_space<vmem_shared>>
      tpu.enqueue_dma source(%dma_start3A_30 : memref<640x128xf32, #tpu.memory_space<vmem_shared>>) target(%dma_start3A_28 : memref<640x128xf32, #tpu.memory_space<hbm>>) target_semaphore(%run_scoped3A : memref<!tpu.dma_semaphore, #tpu.memory_space<semaphore_mem>>)
      %dma_wait3A = arith.constant 0 : i32
      %dma_wait3A_31 = tpu.memref_slice %arg11[%arg0, %mul3A_6, %dma_wait3A] : memref<2x10240x128xf32, #tpu.memory_space<hbm>> -> memref<1x640x128xf32, #tpu.memory_space<hbm>>
      %dma_wait3A_32 = tpu.memref_squeeze %dma_wait3A_31 : memref<1x640x128xf32, #tpu.memory_space<hbm>> -> memref<640x128xf32, #tpu.memory_space<hbm>>
      %dma_wait3A_33 = arith.constant 0 : i32
      %dma_wait3A_34 = tpu.memref_slice %arg17[%mul3A_6, %dma_wait3A_33] : memref<10240x128xf32, #tpu.memory_space<vmem_shared>> -> memref<640x128xf32, #tpu.memory_space<vmem_shared>>
      tpu.wait_dma2 semaphore(%run_scoped3A : memref<!tpu.dma_semaphore, #tpu.memory_space<semaphore_mem>>) src(%dma_wait3A_34 : memref<640x128xf32, #tpu.memory_space<vmem_shared>>) dst(%dma_wait3A_32 : memref<640x128xf32, #tpu.memory_space<hbm>>)
      tpu.yield
    }) : () -> ()
    return
  }
}

#map = affine_map<(d0, d1) -> (0, 0)>
#map1 = affine_map<(d0, d1) -> (0, 0, 0)>
module attributes {stable_mosaic.version = 14 : i64} {
  func.func @_sc_pass1(%arg0: i32, %arg1: i32, %arg2: memref<1344x128xi32, #tpu.memory_space<hbm>>, %arg3: memref<1344x128xi32, #tpu.memory_space<hbm>>, %arg4: memref<10240x16xf32, #tpu.memory_space<hbm>>, %arg5: memref<10240x16xf32, #tpu.memory_space<hbm>>, %arg6: memref<10240x16xf32, #tpu.memory_space<hbm>>, %arg7: memref<172032x16xf32, #tpu.memory_space<hbm>>, %arg8: memref<2x10240x16xf32, #tpu.memory_space<hbm>>, %arg9: memref<2x128xi32, #tpu.memory_space<vmem>>, %arg10: memref<2x128xi32, #tpu.memory_space<vmem>>, %arg11: memref<256x16xf32, #tpu.memory_space<vmem>>, %arg12: memref<256x16xf32, #tpu.memory_space<vmem>>, %arg13: memref<10240x16xf32, #tpu.memory_space<vmem_shared>>, %arg14: memref<10240x16xf32, #tpu.memory_space<vmem_shared>>, %arg15: memref<10240x16xf32, #tpu.memory_space<vmem_shared>>) attributes {dimension_semantics = [#tpu.dimension_semantics<core_parallel>, #tpu.dimension_semantics<subcore_parallel>], iteration_bounds = array<i64: 2, 16>, scalar_prefetch = 0 : i64, scratch_operands = 7 : i64, tpu.core_type = #tpu.core_type<sc_vector_subcore>, window_params = [{transform_indices = #map}, {transform_indices = #map}, {transform_indices = #map}, {transform_indices = #map}, {transform_indices = #map}, {transform_indices = #map}, {transform_indices = #map1}]} {
    %mul3A = arith.constant 2 : i32
    %mul3A_0 = arith.muli %arg1, %mul3A : i32
    %add3A = arith.addi %mul3A_0, %arg0 : i32
    %mul3A_1 = arith.constant 640 : i32
    %mul3A_2 = arith.muli %arg1, %mul3A_1 : i32
    "tpu.region"() ({
      %run_scoped3A = tpu.sem_alloc : memref<!tpu.dma_semaphore, #tpu.memory_space<semaphore_mem>>
      %dma_start3A = arith.constant 0 : i32
      %dma_start3A_11 = tpu.memref_slice %arg13[%mul3A_2, %dma_start3A] : memref<10240x16xf32, #tpu.memory_space<vmem_shared>> -> memref<640x16xf32, #tpu.memory_space<vmem_shared>>
      %dma_start3A_12 = arith.constant 0 : i32
      %dma_start3A_13 = tpu.memref_slice %arg6[%mul3A_2, %dma_start3A_12] : memref<10240x16xf32, #tpu.memory_space<hbm>> -> memref<640x16xf32, #tpu.memory_space<hbm>>
      tpu.enqueue_dma source(%dma_start3A_13 : memref<640x16xf32, #tpu.memory_space<hbm>>) target(%dma_start3A_11 : memref<640x16xf32, #tpu.memory_space<vmem_shared>>) target_semaphore(%run_scoped3A : memref<!tpu.dma_semaphore, #tpu.memory_space<semaphore_mem>>)
      %dma_wait3A = arith.constant 0 : i32
      %dma_wait3A_14 = tpu.memref_slice %arg13[%mul3A_2, %dma_wait3A] : memref<10240x16xf32, #tpu.memory_space<vmem_shared>> -> memref<640x16xf32, #tpu.memory_space<vmem_shared>>
      %dma_wait3A_15 = arith.constant 0 : i32
      %dma_wait3A_16 = tpu.memref_slice %arg6[%mul3A_2, %dma_wait3A_15] : memref<10240x16xf32, #tpu.memory_space<hbm>> -> memref<640x16xf32, #tpu.memory_space<hbm>>
      tpu.wait_dma2 semaphore(%run_scoped3A : memref<!tpu.dma_semaphore, #tpu.memory_space<semaphore_mem>>) src(%dma_wait3A_16 : memref<640x16xf32, #tpu.memory_space<hbm>>) dst(%dma_wait3A_14 : memref<640x16xf32, #tpu.memory_space<vmem_shared>>)
      tpu.yield
    }) : () -> ()
    "tpu.region"() ({
      %run_scoped3A = tpu.sem_alloc : memref<!tpu.dma_semaphore, #tpu.memory_space<semaphore_mem>>
      %dma_start3A = arith.constant 0 : i32
      %dma_start3A_11 = tpu.memref_slice %arg14[%mul3A_2, %dma_start3A] : memref<10240x16xf32, #tpu.memory_space<vmem_shared>> -> memref<640x16xf32, #tpu.memory_space<vmem_shared>>
      %dma_start3A_12 = arith.constant 0 : i32
      %dma_start3A_13 = tpu.memref_slice %arg4[%mul3A_2, %dma_start3A_12] : memref<10240x16xf32, #tpu.memory_space<hbm>> -> memref<640x16xf32, #tpu.memory_space<hbm>>
      tpu.enqueue_dma source(%dma_start3A_13 : memref<640x16xf32, #tpu.memory_space<hbm>>) target(%dma_start3A_11 : memref<640x16xf32, #tpu.memory_space<vmem_shared>>) target_semaphore(%run_scoped3A : memref<!tpu.dma_semaphore, #tpu.memory_space<semaphore_mem>>)
      %dma_wait3A = arith.constant 0 : i32
      %dma_wait3A_14 = tpu.memref_slice %arg14[%mul3A_2, %dma_wait3A] : memref<10240x16xf32, #tpu.memory_space<vmem_shared>> -> memref<640x16xf32, #tpu.memory_space<vmem_shared>>
      %dma_wait3A_15 = arith.constant 0 : i32
      %dma_wait3A_16 = tpu.memref_slice %arg4[%mul3A_2, %dma_wait3A_15] : memref<10240x16xf32, #tpu.memory_space<hbm>> -> memref<640x16xf32, #tpu.memory_space<hbm>>
      tpu.wait_dma2 semaphore(%run_scoped3A : memref<!tpu.dma_semaphore, #tpu.memory_space<semaphore_mem>>) src(%dma_wait3A_16 : memref<640x16xf32, #tpu.memory_space<hbm>>) dst(%dma_wait3A_14 : memref<640x16xf32, #tpu.memory_space<vmem_shared>>)
      tpu.yield
    }) : () -> ()
    "tpu.region"() ({
      %run_scoped3A = tpu.sem_alloc : memref<!tpu.dma_semaphore, #tpu.memory_space<semaphore_mem>>
      %dma_start3A = arith.constant 0 : i32
      %dma_start3A_11 = tpu.memref_slice %arg15[%mul3A_2, %dma_start3A] : memref<10240x16xf32, #tpu.memory_space<vmem_shared>> -> memref<640x16xf32, #tpu.memory_space<vmem_shared>>
      %dma_start3A_12 = arith.constant 0 : i32
      %dma_start3A_13 = tpu.memref_slice %arg5[%mul3A_2, %dma_start3A_12] : memref<10240x16xf32, #tpu.memory_space<hbm>> -> memref<640x16xf32, #tpu.memory_space<hbm>>
      tpu.enqueue_dma source(%dma_start3A_13 : memref<640x16xf32, #tpu.memory_space<hbm>>) target(%dma_start3A_11 : memref<640x16xf32, #tpu.memory_space<vmem_shared>>) target_semaphore(%run_scoped3A : memref<!tpu.dma_semaphore, #tpu.memory_space<semaphore_mem>>)
      %dma_wait3A = arith.constant 0 : i32
      %dma_wait3A_14 = tpu.memref_slice %arg15[%mul3A_2, %dma_wait3A] : memref<10240x16xf32, #tpu.memory_space<vmem_shared>> -> memref<640x16xf32, #tpu.memory_space<vmem_shared>>
      %dma_wait3A_15 = arith.constant 0 : i32
      %dma_wait3A_16 = tpu.memref_slice %arg5[%mul3A_2, %dma_wait3A_15] : memref<10240x16xf32, #tpu.memory_space<hbm>> -> memref<640x16xf32, #tpu.memory_space<hbm>>
      tpu.wait_dma2 semaphore(%run_scoped3A : memref<!tpu.dma_semaphore, #tpu.memory_space<semaphore_mem>>) src(%dma_wait3A_16 : memref<640x16xf32, #tpu.memory_space<hbm>>) dst(%dma_wait3A_14 : memref<640x16xf32, #tpu.memory_space<vmem_shared>>)
      tpu.yield
    }) : () -> ()
    %barrier3A = arith.constant 0 : index
    tpu.barrier barrier_id(%barrier3A)
    %mul3A_3 = arith.constant 5376 : i32
    %mul3A_4 = arith.muli %add3A, %mul3A_3 : i32
    %scan3A = arith.constant 0 : i32
    %scan3A_5 = arith.constant 0 : i32
    %scan3A_6 = arith.constant 21 : i32
    %scan3A_7 = arith.addi %scan3A_5, %scan3A_6 : i32
    %scan3A_8 = arith.constant 1 : i32
    scf.for %scan3A_11 = %scan3A_5 to %scan3A_7 step %scan3A_8  : i32 {
      %mul3A_12 = arith.constant 256 : i32
      %mul3A_13 = arith.muli %scan3A_11, %mul3A_12 : i32
      %add3A_14 = arith.addi %mul3A_4, %mul3A_13 : i32
      %jit3A = arith.constant 128 : i32
      %div3A = arith.divsi %add3A_14, %jit3A : i32
      %sign3A = arith.constant 0 : i32
      %sign3A_15 = arith.cmpi sgt, %add3A_14, %sign3A : i32
      %sign3A_16 = arith.extui %sign3A_15 : i1 to i32
      %sign3A_17 = arith.constant 0 : i32
      %sign3A_18 = arith.cmpi slt, %add3A_14, %sign3A_17 : i32
      %sign3A_19 = arith.extui %sign3A_18 : i1 to i32
      %sign3A_20 = arith.subi %sign3A_16, %sign3A_19 : i32
      %sign3A_21 = arith.constant 0 : i32
      %sign3A_22 = arith.cmpi sgt, %jit3A, %sign3A_21 : i32
      %sign3A_23 = arith.extui %sign3A_22 : i1 to i32
      %sign3A_24 = arith.constant 0 : i32
      %sign3A_25 = arith.cmpi slt, %jit3A, %sign3A_24 : i32
      %sign3A_26 = arith.extui %sign3A_25 : i1 to i32
      %sign3A_27 = arith.subi %sign3A_23, %sign3A_26 : i32
      %ne3A = arith.cmpi ne, %sign3A_20, %sign3A_27 : i32
      %rem3A = arith.remsi %add3A_14, %jit3A : i32
      %ne3A_28 = arith.constant 0 : i32
      %ne3A_29 = arith.cmpi ne, %rem3A, %ne3A_28 : i32
      %and3A = arith.andi %ne3A, %ne3A_29 : i1
      %sub3A = arith.constant 1 : i32
      %sub3A_30 = arith.subi %div3A, %sub3A : i32
      %select_n3A = arith.select %and3A, %sub3A_30, %div3A : i32
      "tpu.region"() ({
        %run_scoped3A_38 = tpu.sem_alloc : memref<!tpu.dma_semaphore, #tpu.memory_space<semaphore_mem>>
        %dma_start3A = arith.constant 0 : i32
        %dma_start3A_39 = tpu.memref_slice %arg2[%select_n3A, %dma_start3A] : memref<1344x128xi32, #tpu.memory_space<hbm>> -> memref<2x128xi32, #tpu.memory_space<hbm>>
        %dma_start3A_40 = arith.constant 0 : i32
        %dma_start3A_41 = tpu.memref_slice %arg2[%select_n3A, %dma_start3A_40] : memref<1344x128xi32, #tpu.memory_space<hbm>> -> memref<2x128xi32, #tpu.memory_space<hbm>>
        tpu.enqueue_dma source(%dma_start3A_41 : memref<2x128xi32, #tpu.memory_space<hbm>>) target(%arg9 : memref<2x128xi32, #tpu.memory_space<vmem>>) target_semaphore(%run_scoped3A_38 : memref<!tpu.dma_semaphore, #tpu.memory_space<semaphore_mem>>)
        %dma_wait3A = arith.constant 0 : i32
        %dma_wait3A_42 = tpu.memref_slice %arg2[%select_n3A, %dma_wait3A] : memref<1344x128xi32, #tpu.memory_space<hbm>> -> memref<2x128xi32, #tpu.memory_space<hbm>>
        %dma_wait3A_43 = arith.constant 0 : i32
        %dma_wait3A_44 = tpu.memref_slice %arg2[%select_n3A, %dma_wait3A_43] : memref<1344x128xi32, #tpu.memory_space<hbm>> -> memref<2x128xi32, #tpu.memory_space<hbm>>
        tpu.wait_dma2 semaphore(%run_scoped3A_38 : memref<!tpu.dma_semaphore, #tpu.memory_space<semaphore_mem>>) src(%dma_wait3A_44 : memref<2x128xi32, #tpu.memory_space<hbm>>) dst(%arg9 : memref<2x128xi32, #tpu.memory_space<vmem>>)
        tpu.yield
      }) : () -> ()
      "tpu.region"() ({
        %run_scoped3A_38 = tpu.sem_alloc : memref<!tpu.dma_semaphore, #tpu.memory_space<semaphore_mem>>
        %dma_start3A = arith.constant 0 : i32
        %dma_start3A_39 = tpu.memref_slice %arg3[%select_n3A, %dma_start3A] : memref<1344x128xi32, #tpu.memory_space<hbm>> -> memref<2x128xi32, #tpu.memory_space<hbm>>
        %dma_start3A_40 = arith.constant 0 : i32
        %dma_start3A_41 = tpu.memref_slice %arg3[%select_n3A, %dma_start3A_40] : memref<1344x128xi32, #tpu.memory_space<hbm>> -> memref<2x128xi32, #tpu.memory_space<hbm>>
        tpu.enqueue_dma source(%dma_start3A_41 : memref<2x128xi32, #tpu.memory_space<hbm>>) target(%arg10 : memref<2x128xi32, #tpu.memory_space<vmem>>) target_semaphore(%run_scoped3A_38 : memref<!tpu.dma_semaphore, #tpu.memory_space<semaphore_mem>>)
        %dma_wait3A = arith.constant 0 : i32
        %dma_wait3A_42 = tpu.memref_slice %arg3[%select_n3A, %dma_wait3A] : memref<1344x128xi32, #tpu.memory_space<hbm>> -> memref<2x128xi32, #tpu.memory_space<hbm>>
        %dma_wait3A_43 = arith.constant 0 : i32
        %dma_wait3A_44 = tpu.memref_slice %arg3[%select_n3A, %dma_wait3A_43] : memref<1344x128xi32, #tpu.memory_space<hbm>> -> memref<2x128xi32, #tpu.memory_space<hbm>>
        tpu.wait_dma2 semaphore(%run_scoped3A_38 : memref<!tpu.dma_semaphore, #tpu.memory_space<semaphore_mem>>) src(%dma_wait3A_44 : memref<2x128xi32, #tpu.memory_space<hbm>>) dst(%arg10 : memref<2x128xi32, #tpu.memory_space<vmem>>)
        tpu.yield
      }) : () -> ()
      %run_scoped3A = arith.constant 0 : i32
      "tpu.region"() ({
        %run_scoped3A_38 = tpu.sem_alloc : memref<!tpu.dma_semaphore, #tpu.memory_space<semaphore_mem>>
        %dma_start3A = arith.constant 0 : i32
        %dma_start3A_39 = arith.constant 0 : i32
        %dma_start3A_40 = tpu.memref_slice %arg11[%dma_start3A, %dma_start3A_39] : memref<256x16xf32, #tpu.memory_space<vmem>> -> memref<128x16xf32, #tpu.memory_space<vmem>>
        %dma_start3A_41 = arith.constant 0 : i32
        %dma_start3A_42 = tpu.memref_slice %arg9[%run_scoped3A, %dma_start3A_41] : memref<2x128xi32, #tpu.memory_space<vmem>> -> memref<1x128xi32, #tpu.memory_space<vmem>>
        %dma_start3A_43 = tpu.memref_squeeze %dma_start3A_42 : memref<1x128xi32, #tpu.memory_space<vmem>> -> memref<128xi32, #tpu.memory_space<vmem>>
        %dma_start3A_44 = arith.constant 0 : i32
        %dma_start3A_45 = arith.constant 0 : i32
        %dma_start3A_46 = tpu.memref_slice %arg14[%dma_start3A_44, %dma_start3A_45] : memref<10240x16xf32, #tpu.memory_space<vmem_shared>> -> memref<10240x16xf32, #tpu.memory_space<vmem_shared>>
        tpu.enqueue_indirect_dma source(%dma_start3A_46 : memref<10240x16xf32, #tpu.memory_space<vmem_shared>>) target(%dma_start3A_40 : memref<128x16xf32, #tpu.memory_space<vmem>>) offsets(%dma_start3A_43 : memref<128xi32, #tpu.memory_space<vmem>>) semaphore(%run_scoped3A_38 : memref<!tpu.dma_semaphore, #tpu.memory_space<semaphore_mem>>)
        %dma_wait3A = arith.constant 0 : i32
        %dma_wait3A_47 = arith.constant 0 : i32
        %dma_wait3A_48 = tpu.memref_slice %arg11[%dma_wait3A, %dma_wait3A_47] : memref<256x16xf32, #tpu.memory_space<vmem>> -> memref<128x16xf32, #tpu.memory_space<vmem>>
        %dma_wait3A_49 = arith.constant 0 : i32
        %dma_wait3A_50 = tpu.memref_slice %arg9[%run_scoped3A, %dma_wait3A_49] : memref<2x128xi32, #tpu.memory_space<vmem>> -> memref<1x128xi32, #tpu.memory_space<vmem>>
        %dma_wait3A_51 = tpu.memref_squeeze %dma_wait3A_50 : memref<1x128xi32, #tpu.memory_space<vmem>> -> memref<128xi32, #tpu.memory_space<vmem>>
        %dma_wait3A_52 = arith.constant 0 : i32
        %dma_wait3A_53 = arith.constant 0 : i32
        %dma_wait3A_54 = tpu.memref_slice %arg14[%dma_wait3A_52, %dma_wait3A_53] : memref<10240x16xf32, #tpu.memory_space<vmem_shared>> -> memref<10240x16xf32, #tpu.memory_space<vmem_shared>>
        tpu.wait_indirect_dma semaphore(%run_scoped3A_38 : memref<!tpu.dma_semaphore, #tpu.memory_space<semaphore_mem>>) src(%dma_wait3A_54 : memref<10240x16xf32, #tpu.memory_space<vmem_shared>>) dst(%dma_wait3A_48 : memref<128x16xf32, #tpu.memory_space<vmem>>)
        tpu.yield
      }) : () -> ()
      %run_scoped3A_31 = arith.constant 0 : i32
      "tpu.region"() ({
        %run_scoped3A_38 = tpu.sem_alloc : memref<!tpu.dma_semaphore, #tpu.memory_space<semaphore_mem>>
        %dma_start3A = arith.constant 0 : i32
        %dma_start3A_39 = arith.constant 0 : i32
        %dma_start3A_40 = tpu.memref_slice %arg12[%dma_start3A, %dma_start3A_39] : memref<256x16xf32, #tpu.memory_space<vmem>> -> memref<128x16xf32, #tpu.memory_space<vmem>>
        %dma_start3A_41 = arith.constant 0 : i32
        %dma_start3A_42 = tpu.memref_slice %arg10[%run_scoped3A_31, %dma_start3A_41] : memref<2x128xi32, #tpu.memory_space<vmem>> -> memref<1x128xi32, #tpu.memory_space<vmem>>
        %dma_start3A_43 = tpu.memref_squeeze %dma_start3A_42 : memref<1x128xi32, #tpu.memory_space<vmem>> -> memref<128xi32, #tpu.memory_space<vmem>>
        %dma_start3A_44 = arith.constant 0 : i32
        %dma_start3A_45 = arith.constant 0 : i32
        %dma_start3A_46 = tpu.memref_slice %arg15[%dma_start3A_44, %dma_start3A_45] : memref<10240x16xf32, #tpu.memory_space<vmem_shared>> -> memref<10240x16xf32, #tpu.memory_space<vmem_shared>>
        tpu.enqueue_indirect_dma source(%dma_start3A_46 : memref<10240x16xf32, #tpu.memory_space<vmem_shared>>) target(%dma_start3A_40 : memref<128x16xf32, #tpu.memory_space<vmem>>) offsets(%dma_start3A_43 : memref<128xi32, #tpu.memory_space<vmem>>) semaphore(%run_scoped3A_38 : memref<!tpu.dma_semaphore, #tpu.memory_space<semaphore_mem>>)
        %dma_wait3A = arith.constant 0 : i32
        %dma_wait3A_47 = arith.constant 0 : i32
        %dma_wait3A_48 = tpu.memref_slice %arg12[%dma_wait3A, %dma_wait3A_47] : memref<256x16xf32, #tpu.memory_space<vmem>> -> memref<128x16xf32, #tpu.memory_space<vmem>>
        %dma_wait3A_49 = arith.constant 0 : i32
        %dma_wait3A_50 = tpu.memref_slice %arg10[%run_scoped3A_31, %dma_wait3A_49] : memref<2x128xi32, #tpu.memory_space<vmem>> -> memref<1x128xi32, #tpu.memory_space<vmem>>
        %dma_wait3A_51 = tpu.memref_squeeze %dma_wait3A_50 : memref<1x128xi32, #tpu.memory_space<vmem>> -> memref<128xi32, #tpu.memory_space<vmem>>
        %dma_wait3A_52 = arith.constant 0 : i32
        %dma_wait3A_53 = arith.constant 0 : i32
        %dma_wait3A_54 = tpu.memref_slice %arg15[%dma_wait3A_52, %dma_wait3A_53] : memref<10240x16xf32, #tpu.memory_space<vmem_shared>> -> memref<10240x16xf32, #tpu.memory_space<vmem_shared>>
        tpu.wait_indirect_dma semaphore(%run_scoped3A_38 : memref<!tpu.dma_semaphore, #tpu.memory_space<semaphore_mem>>) src(%dma_wait3A_54 : memref<10240x16xf32, #tpu.memory_space<vmem_shared>>) dst(%dma_wait3A_48 : memref<128x16xf32, #tpu.memory_space<vmem>>)
        tpu.yield
      }) : () -> ()
      %run_scoped3A_32 = arith.constant 1 : i32
      "tpu.region"() ({
        %run_scoped3A_38 = tpu.sem_alloc : memref<!tpu.dma_semaphore, #tpu.memory_space<semaphore_mem>>
        %dma_start3A = arith.constant 128 : i32
        %dma_start3A_39 = arith.constant 0 : i32
        %dma_start3A_40 = tpu.memref_slice %arg11[%dma_start3A, %dma_start3A_39] : memref<256x16xf32, #tpu.memory_space<vmem>> -> memref<128x16xf32, #tpu.memory_space<vmem>>
        %dma_start3A_41 = arith.constant 0 : i32
        %dma_start3A_42 = tpu.memref_slice %arg9[%run_scoped3A_32, %dma_start3A_41] : memref<2x128xi32, #tpu.memory_space<vmem>> -> memref<1x128xi32, #tpu.memory_space<vmem>>
        %dma_start3A_43 = tpu.memref_squeeze %dma_start3A_42 : memref<1x128xi32, #tpu.memory_space<vmem>> -> memref<128xi32, #tpu.memory_space<vmem>>
        %dma_start3A_44 = arith.constant 0 : i32
        %dma_start3A_45 = arith.constant 0 : i32
        %dma_start3A_46 = tpu.memref_slice %arg14[%dma_start3A_44, %dma_start3A_45] : memref<10240x16xf32, #tpu.memory_space<vmem_shared>> -> memref<10240x16xf32, #tpu.memory_space<vmem_shared>>
        tpu.enqueue_indirect_dma source(%dma_start3A_46 : memref<10240x16xf32, #tpu.memory_space<vmem_shared>>) target(%dma_start3A_40 : memref<128x16xf32, #tpu.memory_space<vmem>>) offsets(%dma_start3A_43 : memref<128xi32, #tpu.memory_space<vmem>>) semaphore(%run_scoped3A_38 : memref<!tpu.dma_semaphore, #tpu.memory_space<semaphore_mem>>)
        %dma_wait3A = arith.constant 128 : i32
        %dma_wait3A_47 = arith.constant 0 : i32
        %dma_wait3A_48 = tpu.memref_slice %arg11[%dma_wait3A, %dma_wait3A_47] : memref<256x16xf32, #tpu.memory_space<vmem>> -> memref<128x16xf32, #tpu.memory_space<vmem>>
        %dma_wait3A_49 = arith.constant 0 : i32
        %dma_wait3A_50 = tpu.memref_slice %arg9[%run_scoped3A_32, %dma_wait3A_49] : memref<2x128xi32, #tpu.memory_space<vmem>> -> memref<1x128xi32, #tpu.memory_space<vmem>>
        %dma_wait3A_51 = tpu.memref_squeeze %dma_wait3A_50 : memref<1x128xi32, #tpu.memory_space<vmem>> -> memref<128xi32, #tpu.memory_space<vmem>>
        %dma_wait3A_52 = arith.constant 0 : i32
        %dma_wait3A_53 = arith.constant 0 : i32
        %dma_wait3A_54 = tpu.memref_slice %arg14[%dma_wait3A_52, %dma_wait3A_53] : memref<10240x16xf32, #tpu.memory_space<vmem_shared>> -> memref<10240x16xf32, #tpu.memory_space<vmem_shared>>
        tpu.wait_indirect_dma semaphore(%run_scoped3A_38 : memref<!tpu.dma_semaphore, #tpu.memory_space<semaphore_mem>>) src(%dma_wait3A_54 : memref<10240x16xf32, #tpu.memory_space<vmem_shared>>) dst(%dma_wait3A_48 : memref<128x16xf32, #tpu.memory_space<vmem>>)
        tpu.yield
      }) : () -> ()
      %run_scoped3A_33 = arith.constant 1 : i32
      "tpu.region"() ({
        %run_scoped3A_38 = tpu.sem_alloc : memref<!tpu.dma_semaphore, #tpu.memory_space<semaphore_mem>>
        %dma_start3A = arith.constant 128 : i32
        %dma_start3A_39 = arith.constant 0 : i32
        %dma_start3A_40 = tpu.memref_slice %arg12[%dma_start3A, %dma_start3A_39] : memref<256x16xf32, #tpu.memory_space<vmem>> -> memref<128x16xf32, #tpu.memory_space<vmem>>
        %dma_start3A_41 = arith.constant 0 : i32
        %dma_start3A_42 = tpu.memref_slice %arg10[%run_scoped3A_33, %dma_start3A_41] : memref<2x128xi32, #tpu.memory_space<vmem>> -> memref<1x128xi32, #tpu.memory_space<vmem>>
        %dma_start3A_43 = tpu.memref_squeeze %dma_start3A_42 : memref<1x128xi32, #tpu.memory_space<vmem>> -> memref<128xi32, #tpu.memory_space<vmem>>
        %dma_start3A_44 = arith.constant 0 : i32
        %dma_start3A_45 = arith.constant 0 : i32
        %dma_start3A_46 = tpu.memref_slice %arg15[%dma_start3A_44, %dma_start3A_45] : memref<10240x16xf32, #tpu.memory_space<vmem_shared>> -> memref<10240x16xf32, #tpu.memory_space<vmem_shared>>
        tpu.enqueue_indirect_dma source(%dma_start3A_46 : memref<10240x16xf32, #tpu.memory_space<vmem_shared>>) target(%dma_start3A_40 : memref<128x16xf32, #tpu.memory_space<vmem>>) offsets(%dma_start3A_43 : memref<128xi32, #tpu.memory_space<vmem>>) semaphore(%run_scoped3A_38 : memref<!tpu.dma_semaphore, #tpu.memory_space<semaphore_mem>>)
        %dma_wait3A = arith.constant 128 : i32
        %dma_wait3A_47 = arith.constant 0 : i32
        %dma_wait3A_48 = tpu.memref_slice %arg12[%dma_wait3A, %dma_wait3A_47] : memref<256x16xf32, #tpu.memory_space<vmem>> -> memref<128x16xf32, #tpu.memory_space<vmem>>
        %dma_wait3A_49 = arith.constant 0 : i32
        %dma_wait3A_50 = tpu.memref_slice %arg10[%run_scoped3A_33, %dma_wait3A_49] : memref<2x128xi32, #tpu.memory_space<vmem>> -> memref<1x128xi32, #tpu.memory_space<vmem>>
        %dma_wait3A_51 = tpu.memref_squeeze %dma_wait3A_50 : memref<1x128xi32, #tpu.memory_space<vmem>> -> memref<128xi32, #tpu.memory_space<vmem>>
        %dma_wait3A_52 = arith.constant 0 : i32
        %dma_wait3A_53 = arith.constant 0 : i32
        %dma_wait3A_54 = tpu.memref_slice %arg15[%dma_wait3A_52, %dma_wait3A_53] : memref<10240x16xf32, #tpu.memory_space<vmem_shared>> -> memref<10240x16xf32, #tpu.memory_space<vmem_shared>>
        tpu.wait_indirect_dma semaphore(%run_scoped3A_38 : memref<!tpu.dma_semaphore, #tpu.memory_space<semaphore_mem>>) src(%dma_wait3A_54 : memref<10240x16xf32, #tpu.memory_space<vmem_shared>>) dst(%dma_wait3A_48 : memref<128x16xf32, #tpu.memory_space<vmem>>)
        tpu.yield
      }) : () -> ()
      %parallel_loop3A = arith.constant 0 : i32
      %parallel_loop3A_34 = arith.constant 256 : i32
      %parallel_loop3A_35 = arith.constant 1 : i32
      scf.for %parallel_loop3A_38 = %parallel_loop3A to %parallel_loop3A_34 step %parallel_loop3A_35  : i32 {
        %parallel_loop3A_39 = arith.index_cast %parallel_loop3A_38 : i32 to index
        %parallel_loop3A_40 = arith.constant 0 : index
        %parallel_loop3A_41 = tpu.vector_load %arg11[%parallel_loop3A_39, %parallel_loop3A_40] {strides = array<i32>} : memref<256x16xf32, #tpu.memory_space<vmem>>, vector<16xf32>,
        %parallel_loop3A_42 = arith.index_cast %parallel_loop3A_38 : i32 to index
        %parallel_loop3A_43 = arith.constant 0 : index
        %parallel_loop3A_44 = tpu.vector_load %arg12[%parallel_loop3A_42, %parallel_loop3A_43] {strides = array<i32>} : memref<256x16xf32, #tpu.memory_space<vmem>>, vector<16xf32>,
        %parallel_loop3A_45 = arith.addf %parallel_loop3A_41, %parallel_loop3A_44 : vector<16xf32>
        %parallel_loop3A_46 = arith.constant 2.000000e-01 : f32
        %parallel_loop3A_47 = vector.broadcast %parallel_loop3A_46 : f32 to vector<16xf32>
        %parallel_loop3A_48 = arith.mulf %parallel_loop3A_47, %parallel_loop3A_45 : vector<16xf32>
        %parallel_loop3A_49 = arith.maximumf %parallel_loop3A_45, %parallel_loop3A_48 : vector<16xf32>
        %parallel_loop3A_50 = math.exp %parallel_loop3A_49 : vector<16xf32>
        %parallel_loop3A_51 = arith.index_cast %parallel_loop3A_38 : i32 to index
        %parallel_loop3A_52 = arith.constant 0 : index
        %parallel_loop3A_53 = tpu.vector_load %arg11[%parallel_loop3A_51, %parallel_loop3A_52] {strides = array<i32>} : memref<256x16xf32, #tpu.memory_space<vmem>>, vector<16xf32>,
        tpu.vector_store %arg11[%parallel_loop3A_51, %parallel_loop3A_52], %parallel_loop3A_50 {strides = array<i32>} : memref<256x16xf32, #tpu.memory_space<vmem>>, vector<16xf32>,
      } {sc.loop_unroll_factor = 1 : i64, sc.parallel_access}
      "tpu.region"() ({
        %run_scoped3A_38 = tpu.sem_alloc : memref<!tpu.dma_semaphore, #tpu.memory_space<semaphore_mem>>
        %dma_start3A = arith.constant 0 : i32
        %dma_start3A_39 = tpu.memref_slice %arg7[%add3A_14, %dma_start3A] : memref<172032x16xf32, #tpu.memory_space<hbm>> -> memref<256x16xf32, #tpu.memory_space<hbm>>
        %dma_start3A_40 = arith.constant 0 : i32
        %dma_start3A_41 = tpu.memref_slice %arg7[%add3A_14, %dma_start3A_40] : memref<172032x16xf32, #tpu.memory_space<hbm>> -> memref<256x16xf32, #tpu.memory_space<hbm>>
        tpu.enqueue_dma source(%arg11 : memref<256x16xf32, #tpu.memory_space<vmem>>) target(%dma_start3A_41 : memref<256x16xf32, #tpu.memory_space<hbm>>) target_semaphore(%run_scoped3A_38 : memref<!tpu.dma_semaphore, #tpu.memory_space<semaphore_mem>>)
        %dma_wait3A = arith.constant 0 : i32
        %dma_wait3A_42 = tpu.memref_slice %arg7[%add3A_14, %dma_wait3A] : memref<172032x16xf32, #tpu.memory_space<hbm>> -> memref<256x16xf32, #tpu.memory_space<hbm>>
        %dma_wait3A_43 = arith.constant 0 : i32
        %dma_wait3A_44 = tpu.memref_slice %arg7[%add3A_14, %dma_wait3A_43] : memref<172032x16xf32, #tpu.memory_space<hbm>> -> memref<256x16xf32, #tpu.memory_space<hbm>>
        tpu.wait_dma2 semaphore(%run_scoped3A_38 : memref<!tpu.dma_semaphore, #tpu.memory_space<semaphore_mem>>) src(%arg11 : memref<256x16xf32, #tpu.memory_space<vmem>>) dst(%dma_wait3A_44 : memref<256x16xf32, #tpu.memory_space<hbm>>)
        tpu.yield
      }) : () -> ()
      %run_scoped3A_36 = arith.constant 0 : i32
      "tpu.region"() ({
        %run_scoped3A_38 = tpu.sem_alloc : memref<!tpu.dma_semaphore, #tpu.memory_space<semaphore_mem>>
        %dma_start3A = arith.constant 0 : i32
        %dma_start3A_39 = arith.constant 0 : i32
        %dma_start3A_40 = tpu.memref_slice %arg11[%dma_start3A, %dma_start3A_39] : memref<256x16xf32, #tpu.memory_space<vmem>> -> memref<128x16xf32, #tpu.memory_space<vmem>>
        %dma_start3A_41 = arith.constant 0 : i32
        %dma_start3A_42 = tpu.memref_slice %arg10[%run_scoped3A_36, %dma_start3A_41] : memref<2x128xi32, #tpu.memory_space<vmem>> -> memref<1x128xi32, #tpu.memory_space<vmem>>
        %dma_start3A_43 = tpu.memref_squeeze %dma_start3A_42 : memref<1x128xi32, #tpu.memory_space<vmem>> -> memref<128xi32, #tpu.memory_space<vmem>>
        %dma_start3A_44 = arith.constant 0 : i32
        %dma_start3A_45 = arith.constant 0 : i32
        %dma_start3A_46 = tpu.memref_slice %arg13[%dma_start3A_44, %dma_start3A_45] : memref<10240x16xf32, #tpu.memory_space<vmem_shared>> -> memref<10240x16xf32, #tpu.memory_space<vmem_shared>>
        tpu.enqueue_indirect_dma source(%dma_start3A_40 : memref<128x16xf32, #tpu.memory_space<vmem>>) target(%dma_start3A_46 : memref<10240x16xf32, #tpu.memory_space<vmem_shared>>) offsets(%dma_start3A_43 : memref<128xi32, #tpu.memory_space<vmem>>) semaphore(%run_scoped3A_38 : memref<!tpu.dma_semaphore, #tpu.memory_space<semaphore_mem>>) {add = true}
        %dma_wait3A = arith.constant 0 : i32
        %dma_wait3A_47 = arith.constant 0 : i32
        %dma_wait3A_48 = tpu.memref_slice %arg11[%dma_wait3A, %dma_wait3A_47] : memref<256x16xf32, #tpu.memory_space<vmem>> -> memref<128x16xf32, #tpu.memory_space<vmem>>
        %dma_wait3A_49 = arith.constant 0 : i32
        %dma_wait3A_50 = tpu.memref_slice %arg10[%run_scoped3A_36, %dma_wait3A_49] : memref<2x128xi32, #tpu.memory_space<vmem>> -> memref<1x128xi32, #tpu.memory_space<vmem>>
        %dma_wait3A_51 = tpu.memref_squeeze %dma_wait3A_50 : memref<1x128xi32, #tpu.memory_space<vmem>> -> memref<128xi32, #tpu.memory_space<vmem>>
        %dma_wait3A_52 = arith.constant 0 : i32
        %dma_wait3A_53 = arith.constant 0 : i32
        %dma_wait3A_54 = tpu.memref_slice %arg13[%dma_wait3A_52, %dma_wait3A_53] : memref<10240x16xf32, #tpu.memory_space<vmem_shared>> -> memref<10240x16xf32, #tpu.memory_space<vmem_shared>>
        tpu.wait_indirect_dma semaphore(%run_scoped3A_38 : memref<!tpu.dma_semaphore, #tpu.memory_space<semaphore_mem>>) src(%dma_wait3A_48 : memref<128x16xf32, #tpu.memory_space<vmem>>) dst(%dma_wait3A_54 : memref<10240x16xf32, #tpu.memory_space<vmem_shared>>)
        tpu.yield
      }) : () -> ()
      %run_scoped3A_37 = arith.constant 1 : i32
      "tpu.region"() ({
        %run_scoped3A_38 = tpu.sem_alloc : memref<!tpu.dma_semaphore, #tpu.memory_space<semaphore_mem>>
        %dma_start3A = arith.constant 128 : i32
        %dma_start3A_39 = arith.constant 0 : i32
        %dma_start3A_40 = tpu.memref_slice %arg11[%dma_start3A, %dma_start3A_39] : memref<256x16xf32, #tpu.memory_space<vmem>> -> memref<128x16xf32, #tpu.memory_space<vmem>>
        %dma_start3A_41 = arith.constant 0 : i32
        %dma_start3A_42 = tpu.memref_slice %arg10[%run_scoped3A_37, %dma_start3A_41] : memref<2x128xi32, #tpu.memory_space<vmem>> -> memref<1x128xi32, #tpu.memory_space<vmem>>
        %dma_start3A_43 = tpu.memref_squeeze %dma_start3A_42 : memref<1x128xi32, #tpu.memory_space<vmem>> -> memref<128xi32, #tpu.memory_space<vmem>>
        %dma_start3A_44 = arith.constant 0 : i32
        %dma_start3A_45 = arith.constant 0 : i32
        %dma_start3A_46 = tpu.memref_slice %arg13[%dma_start3A_44, %dma_start3A_45] : memref<10240x16xf32, #tpu.memory_space<vmem_shared>> -> memref<10240x16xf32, #tpu.memory_space<vmem_shared>>
        tpu.enqueue_indirect_dma source(%dma_start3A_40 : memref<128x16xf32, #tpu.memory_space<vmem>>) target(%dma_start3A_46 : memref<10240x16xf32, #tpu.memory_space<vmem_shared>>) offsets(%dma_start3A_43 : memref<128xi32, #tpu.memory_space<vmem>>) semaphore(%run_scoped3A_38 : memref<!tpu.dma_semaphore, #tpu.memory_space<semaphore_mem>>) {add = true}
        %dma_wait3A = arith.constant 128 : i32
        %dma_wait3A_47 = arith.constant 0 : i32
        %dma_wait3A_48 = tpu.memref_slice %arg11[%dma_wait3A, %dma_wait3A_47] : memref<256x16xf32, #tpu.memory_space<vmem>> -> memref<128x16xf32, #tpu.memory_space<vmem>>
        %dma_wait3A_49 = arith.constant 0 : i32
        %dma_wait3A_50 = tpu.memref_slice %arg10[%run_scoped3A_37, %dma_wait3A_49] : memref<2x128xi32, #tpu.memory_space<vmem>> -> memref<1x128xi32, #tpu.memory_space<vmem>>
        %dma_wait3A_51 = tpu.memref_squeeze %dma_wait3A_50 : memref<1x128xi32, #tpu.memory_space<vmem>> -> memref<128xi32, #tpu.memory_space<vmem>>
        %dma_wait3A_52 = arith.constant 0 : i32
        %dma_wait3A_53 = arith.constant 0 : i32
        %dma_wait3A_54 = tpu.memref_slice %arg13[%dma_wait3A_52, %dma_wait3A_53] : memref<10240x16xf32, #tpu.memory_space<vmem_shared>> -> memref<10240x16xf32, #tpu.memory_space<vmem_shared>>
        tpu.wait_indirect_dma semaphore(%run_scoped3A_38 : memref<!tpu.dma_semaphore, #tpu.memory_space<semaphore_mem>>) src(%dma_wait3A_48 : memref<128x16xf32, #tpu.memory_space<vmem>>) dst(%dma_wait3A_54 : memref<10240x16xf32, #tpu.memory_space<vmem_shared>>)
        tpu.yield
      }) : () -> ()
    }
    %scan3A_9 = arith.constant 21 : i32
    %barrier3A_10 = arith.constant 0 : index
    tpu.barrier barrier_id(%barrier3A_10)
    "tpu.region"() ({
      %run_scoped3A = tpu.sem_alloc : memref<!tpu.dma_semaphore, #tpu.memory_space<semaphore_mem>>
      %dma_start3A = arith.constant 0 : i32
      %dma_start3A_11 = tpu.memref_slice %arg8[%arg0, %mul3A_2, %dma_start3A] : memref<2x10240x16xf32, #tpu.memory_space<hbm>> -> memref<1x640x16xf32, #tpu.memory_space<hbm>>
      %dma_start3A_12 = tpu.memref_squeeze %dma_start3A_11 : memref<1x640x16xf32, #tpu.memory_space<hbm>> -> memref<640x16xf32, #tpu.memory_space<hbm>>
      %dma_start3A_13 = arith.constant 0 : i32
      %dma_start3A_14 = tpu.memref_slice %arg13[%mul3A_2, %dma_start3A_13] : memref<10240x16xf32, #tpu.memory_space<vmem_shared>> -> memref<640x16xf32, #tpu.memory_space<vmem_shared>>
      tpu.enqueue_dma source(%dma_start3A_14 : memref<640x16xf32, #tpu.memory_space<vmem_shared>>) target(%dma_start3A_12 : memref<640x16xf32, #tpu.memory_space<hbm>>) target_semaphore(%run_scoped3A : memref<!tpu.dma_semaphore, #tpu.memory_space<semaphore_mem>>)
      %dma_wait3A = arith.constant 0 : i32
      %dma_wait3A_15 = tpu.memref_slice %arg8[%arg0, %mul3A_2, %dma_wait3A] : memref<2x10240x16xf32, #tpu.memory_space<hbm>> -> memref<1x640x16xf32, #tpu.memory_space<hbm>>
      %dma_wait3A_16 = tpu.memref_squeeze %dma_wait3A_15 : memref<1x640x16xf32, #tpu.memory_space<hbm>> -> memref<640x16xf32, #tpu.memory_space<hbm>>
      %dma_wait3A_17 = arith.constant 0 : i32
      %dma_wait3A_18 = tpu.memref_slice %arg13[%mul3A_2, %dma_wait3A_17] : memref<10240x16xf32, #tpu.memory_space<vmem_shared>> -> memref<640x16xf32, #tpu.memory_space<vmem_shared>>
      tpu.wait_dma2 semaphore(%run_scoped3A : memref<!tpu.dma_semaphore, #tpu.memory_space<semaphore_mem>>) src(%dma_wait3A_18 : memref<640x16xf32, #tpu.memory_space<vmem_shared>>) dst(%dma_wait3A_16 : memref<640x16xf32, #tpu.memory_space<hbm>>)
      tpu.yield
    }) : () -> ()
    return
  }
}

#map = affine_map<(d0, d1) -> (0, 0)>
#map1 = affine_map<(d0, d1) -> (0)>
#map2 = affine_map<(d0, d1) -> (0, 0, 0)>
module attributes {stable_mosaic.version = 14 : i64} {
  func.func @_rewritten_body(%arg0: i32, %arg1: i32, %arg2: memref<1344x128xi32, #tpu.memory_space<hbm>>, %arg3: memref<1344x128xi32, #tpu.memory_space<hbm>>, %arg4: memref<172032x16xf32, #tpu.memory_space<hbm>>, %arg5: memref<10240x16xf32, #tpu.memory_space<hbm>>, %arg6: memref<10240x128xf32, #tpu.memory_space<hbm>>, %arg7: memref<10240x128xf32, #tpu.memory_space<hbm>>, %arg8: memref<10240x128xf32, #tpu.memory_space<hbm>>, %arg9: memref<1xi32, #tpu.memory_space<hbm>>, %arg10: memref<1xi32, #tpu.memory_space<hbm>>, %arg11: memref<2x10240x128xf32, #tpu.memory_space<hbm>>, %arg12: memref<2x128xi32, #tpu.memory_space<vmem>>, %arg13: memref<2x128xi32, #tpu.memory_space<vmem>>, %arg14: memref<256x16xf32, #tpu.memory_space<vmem>>, %arg15: memref<256x16xf32, #tpu.memory_space<vmem>>, %arg16: memref<2x128x128xf32, #tpu.memory_space<vmem>>, %arg17: memref<10240x128xf32, #tpu.memory_space<vmem_shared>>, %arg18: memref<!tpu.dma_semaphore, #tpu.memory_space<semaphore_mem>>, %arg19: memref<!tpu.dma_semaphore, #tpu.memory_space<semaphore_mem>>) attributes {dimension_semantics = [#tpu.dimension_semantics<core_parallel>, #tpu.dimension_semantics<subcore_parallel>], iteration_bounds = array<i64: 2, 16>, scalar_prefetch = 0 : i64, scratch_operands = 8 : i64, tpu.core_type = #tpu.core_type<sc_vector_subcore>, window_params = [{transform_indices = #map}, {transform_indices = #map}, {transform_indices = #map}, {transform_indices = #map}, {transform_indices = #map}, {transform_indices = #map}, {transform_indices = #map}, {transform_indices = #map1}, {transform_indices = #map1}, {transform_indices = #map2}]} {
    %empty_ref3A = memref.alloca() : memref<16xi32, #tpu.memory_space<vmem>>
    %empty_ref3A_0 = memref.alloca() : memref<16xi32, #tpu.memory_space<vmem>>
    "tpu.region"() ({
      %run_scoped3A = tpu.sem_alloc : memref<!tpu.dma_semaphore, #tpu.memory_space<semaphore_mem>>
      %dma_start3A = arith.constant 0 : i32
      %dma_start3A_27 = tpu.memref_slice %empty_ref3A[%dma_start3A] : memref<16xi32, #tpu.memory_space<vmem>> -> memref<1xi32, #tpu.memory_space<vmem>>
      %dma_start3A_28 = arith.constant 0 : i32
      %dma_start3A_29 = tpu.memref_slice %empty_ref3A[%dma_start3A_28] : memref<16xi32, #tpu.memory_space<vmem>> -> memref<1xi32, #tpu.memory_space<vmem>>
      tpu.enqueue_dma source(%arg9 : memref<1xi32, #tpu.memory_space<hbm>>) target(%dma_start3A_29 : memref<1xi32, #tpu.memory_space<vmem>>) target_semaphore(%run_scoped3A : memref<!tpu.dma_semaphore, #tpu.memory_space<semaphore_mem>>)
      %dma_start3A_30 = arith.constant 0 : i32
      %dma_start3A_31 = tpu.memref_slice %empty_ref3A_0[%dma_start3A_30] : memref<16xi32, #tpu.memory_space<vmem>> -> memref<1xi32, #tpu.memory_space<vmem>>
      %dma_start3A_32 = arith.constant 0 : i32
      %dma_start3A_33 = tpu.memref_slice %empty_ref3A_0[%dma_start3A_32] : memref<16xi32, #tpu.memory_space<vmem>> -> memref<1xi32, #tpu.memory_space<vmem>>
      tpu.enqueue_dma source(%arg10 : memref<1xi32, #tpu.memory_space<hbm>>) target(%dma_start3A_33 : memref<1xi32, #tpu.memory_space<vmem>>) target_semaphore(%run_scoped3A : memref<!tpu.dma_semaphore, #tpu.memory_space<semaphore_mem>>)
      %dma_wait3A = arith.constant 0 : i32
      %dma_wait3A_34 = tpu.memref_slice %empty_ref3A[%dma_wait3A] : memref<16xi32, #tpu.memory_space<vmem>> -> memref<1xi32, #tpu.memory_space<vmem>>
      %dma_wait3A_35 = arith.constant 0 : i32
      %dma_wait3A_36 = tpu.memref_slice %empty_ref3A[%dma_wait3A_35] : memref<16xi32, #tpu.memory_space<vmem>> -> memref<1xi32, #tpu.memory_space<vmem>>
      tpu.wait_dma2 semaphore(%run_scoped3A : memref<!tpu.dma_semaphore, #tpu.memory_space<semaphore_mem>>) src(%arg9 : memref<1xi32, #tpu.memory_space<hbm>>) dst(%dma_wait3A_36 : memref<1xi32, #tpu.memory_space<vmem>>)
      %dma_wait3A_37 = arith.constant 0 : i32
      %dma_wait3A_38 = tpu.memref_slice %empty_ref3A_0[%dma_wait3A_37] : memref<16xi32, #tpu.memory_space<vmem>> -> memref<1xi32, #tpu.memory_space<vmem>>
      %dma_wait3A_39 = arith.constant 0 : i32
      %dma_wait3A_40 = tpu.memref_slice %empty_ref3A_0[%dma_wait3A_39] : memref<16xi32, #tpu.memory_space<vmem>> -> memref<1xi32, #tpu.memory_space<vmem>>
      tpu.wait_dma2 semaphore(%run_scoped3A : memref<!tpu.dma_semaphore, #tpu.memory_space<semaphore_mem>>) src(%arg10 : memref<1xi32, #tpu.memory_space<hbm>>) dst(%dma_wait3A_40 : memref<1xi32, #tpu.memory_space<vmem>>)
      tpu.yield
    }) : () -> ()
    %get3A = arith.constant 0 : index
    %get3A_1 = tpu.vector_load %empty_ref3A[%get3A] {strides = array<i32>} : memref<16xi32, #tpu.memory_space<vmem>>, vector<16xi32>,
    %slice3A = vector.extract_strided_slice %get3A_1 {offsets = [0], sizes = [1], strides = [1]} : vector<16xi32> to vector<1xi32>
    %squeeze3A = vector.extract %slice3A[0] : i32 from vector<1xi32>
    %get3A_2 = arith.constant 0 : index
    %get3A_3 = tpu.vector_load %empty_ref3A_0[%get3A_2] {strides = array<i32>} : memref<16xi32, #tpu.memory_space<vmem>>, vector<16xi32>,
    %slice3A_4 = vector.extract_strided_slice %get3A_3 {offsets = [0], sizes = [1], strides = [1]} : vector<16xi32> to vector<1xi32>
    %squeeze3A_5 = vector.extract %slice3A_4[0] : i32 from vector<1xi32>
    %mul3A = arith.constant 640 : i32
    %mul3A_6 = arith.muli %arg1, %mul3A : i32
    "tpu.region"() ({
      %run_scoped3A = tpu.sem_alloc : memref<!tpu.dma_semaphore, #tpu.memory_space<semaphore_mem>>
      %dma_start3A = arith.constant 0 : i32
      %dma_start3A_27 = tpu.memref_slice %arg17[%mul3A_6, %dma_start3A] : memref<10240x128xf32, #tpu.memory_space<vmem_shared>> -> memref<640x128xf32, #tpu.memory_space<vmem_shared>>
      %dma_start3A_28 = arith.constant 0 : i32
      %dma_start3A_29 = tpu.memref_slice %arg8[%mul3A_6, %dma_start3A_28] : memref<10240x128xf32, #tpu.memory_space<hbm>> -> memref<640x128xf32, #tpu.memory_space<hbm>>
      tpu.enqueue_dma source(%dma_start3A_29 : memref<640x128xf32, #tpu.memory_space<hbm>>) target(%dma_start3A_27 : memref<640x128xf32, #tpu.memory_space<vmem_shared>>) target_semaphore(%run_scoped3A : memref<!tpu.dma_semaphore, #tpu.memory_space<semaphore_mem>>)
      %dma_wait3A = arith.constant 0 : i32
      %dma_wait3A_30 = tpu.memref_slice %arg17[%mul3A_6, %dma_wait3A] : memref<10240x128xf32, #tpu.memory_space<vmem_shared>> -> memref<640x128xf32, #tpu.memory_space<vmem_shared>>
      %dma_wait3A_31 = arith.constant 0 : i32
      %dma_wait3A_32 = tpu.memref_slice %arg8[%mul3A_6, %dma_wait3A_31] : memref<10240x128xf32, #tpu.memory_space<hbm>> -> memref<640x128xf32, #tpu.memory_space<hbm>>
      tpu.wait_dma2 semaphore(%run_scoped3A : memref<!tpu.dma_semaphore, #tpu.memory_space<semaphore_mem>>) src(%dma_wait3A_32 : memref<640x128xf32, #tpu.memory_space<hbm>>) dst(%dma_wait3A_30 : memref<640x128xf32, #tpu.memory_space<vmem_shared>>)
      tpu.yield
    }) : () -> ()
    %barrier3A = arith.constant 0 : index
    tpu.barrier barrier_id(%barrier3A)
    %mul3A_7 = arith.constant 10752 : i32
    %mul3A_8 = arith.muli %arg1, %mul3A_7 : i32
    %mul3A_9 = arith.constant 4 : i32
    %mul3A_10 = arith.muli %arg0, %mul3A_9 : i32
    %add3A = arith.constant 0 : i32
    %add3A_11 = arith.addi %mul3A_10, %add3A : i32
    %broadcast_in_dim3A = vector.broadcast %add3A_11 : i32 to vector<16xi32>
    %add3A_12 = arith.constant 1 : i32
    %add3A_13 = arith.addi %mul3A_10, %add3A_12 : i32
    %broadcast_in_dim3A_14 = vector.broadcast %add3A_13 : i32 to vector<16xi32>
    %add3A_15 = arith.constant 2 : i32
    %add3A_16 = arith.addi %mul3A_10, %add3A_15 : i32
    %broadcast_in_dim3A_17 = vector.broadcast %add3A_16 : i32 to vector<16xi32>
    %add3A_18 = arith.constant 3 : i32
    %add3A_19 = arith.addi %mul3A_10, %add3A_18 : i32
    %broadcast_in_dim3A_20 = vector.broadcast %add3A_19 : i32 to vector<16xi32>
    %scan3A = arith.constant 0 : i32
    %scan3A_21 = arith.constant 0 : i32
    %scan3A_22 = arith.constant 42 : i32
    %scan3A_23 = arith.addi %scan3A_21, %scan3A_22 : i32
    %scan3A_24 = arith.constant 1 : i32
    scf.for %scan3A_27 = %scan3A_21 to %scan3A_23 step %scan3A_24  : i32 {
      %mul3A_28 = arith.constant 256 : i32
      %mul3A_29 = arith.muli %scan3A_27, %mul3A_28 : i32
      %add3A_30 = arith.addi %mul3A_8, %mul3A_29 : i32
      %jit3A = arith.constant 128 : i32
      %div3A = arith.divsi %add3A_30, %jit3A : i32
      %sign3A = arith.constant 0 : i32
      %sign3A_31 = arith.cmpi sgt, %add3A_30, %sign3A : i32
      %sign3A_32 = arith.extui %sign3A_31 : i1 to i32
      %sign3A_33 = arith.constant 0 : i32
      %sign3A_34 = arith.cmpi slt, %add3A_30, %sign3A_33 : i32
      %sign3A_35 = arith.extui %sign3A_34 : i1 to i32
      %sign3A_36 = arith.subi %sign3A_32, %sign3A_35 : i32
      %sign3A_37 = arith.constant 0 : i32
      %sign3A_38 = arith.cmpi sgt, %jit3A, %sign3A_37 : i32
      %sign3A_39 = arith.extui %sign3A_38 : i1 to i32
      %sign3A_40 = arith.constant 0 : i32
      %sign3A_41 = arith.cmpi slt, %jit3A, %sign3A_40 : i32
      %sign3A_42 = arith.extui %sign3A_41 : i1 to i32
      %sign3A_43 = arith.subi %sign3A_39, %sign3A_42 : i32
      %ne3A = arith.cmpi ne, %sign3A_36, %sign3A_43 : i32
      %rem3A = arith.remsi %add3A_30, %jit3A : i32
      %ne3A_44 = arith.constant 0 : i32
      %ne3A_45 = arith.cmpi ne, %rem3A, %ne3A_44 : i32
      %and3A = arith.andi %ne3A, %ne3A_45 : i1
      %sub3A = arith.constant 1 : i32
      %sub3A_46 = arith.subi %div3A, %sub3A : i32
      %select_n3A = arith.select %and3A, %sub3A_46, %div3A : i32
      "tpu.region"() ({
        %run_scoped3A_103 = tpu.sem_alloc : memref<!tpu.dma_semaphore, #tpu.memory_space<semaphore_mem>>
        %dma_start3A_104 = arith.constant 0 : i32
        %dma_start3A_105 = tpu.memref_slice %arg2[%select_n3A, %dma_start3A_104] : memref<1344x128xi32, #tpu.memory_space<hbm>> -> memref<2x128xi32, #tpu.memory_space<hbm>>
        %dma_start3A_106 = arith.constant 0 : i32
        %dma_start3A_107 = tpu.memref_slice %arg2[%select_n3A, %dma_start3A_106] : memref<1344x128xi32, #tpu.memory_space<hbm>> -> memref<2x128xi32, #tpu.memory_space<hbm>>
        tpu.enqueue_dma source(%dma_start3A_107 : memref<2x128xi32, #tpu.memory_space<hbm>>) target(%arg12 : memref<2x128xi32, #tpu.memory_space<vmem>>) target_semaphore(%run_scoped3A_103 : memref<!tpu.dma_semaphore, #tpu.memory_space<semaphore_mem>>)
        %dma_wait3A_108 = arith.constant 0 : i32
        %dma_wait3A_109 = tpu.memref_slice %arg2[%select_n3A, %dma_wait3A_108] : memref<1344x128xi32, #tpu.memory_space<hbm>> -> memref<2x128xi32, #tpu.memory_space<hbm>>
        %dma_wait3A_110 = arith.constant 0 : i32
        %dma_wait3A_111 = tpu.memref_slice %arg2[%select_n3A, %dma_wait3A_110] : memref<1344x128xi32, #tpu.memory_space<hbm>> -> memref<2x128xi32, #tpu.memory_space<hbm>>
        tpu.wait_dma2 semaphore(%run_scoped3A_103 : memref<!tpu.dma_semaphore, #tpu.memory_space<semaphore_mem>>) src(%dma_wait3A_111 : memref<2x128xi32, #tpu.memory_space<hbm>>) dst(%arg12 : memref<2x128xi32, #tpu.memory_space<vmem>>)
        tpu.yield
      }) : () -> ()
      "tpu.region"() ({
        %run_scoped3A_103 = tpu.sem_alloc : memref<!tpu.dma_semaphore, #tpu.memory_space<semaphore_mem>>
        %dma_start3A_104 = arith.constant 0 : i32
        %dma_start3A_105 = tpu.memref_slice %arg3[%select_n3A, %dma_start3A_104] : memref<1344x128xi32, #tpu.memory_space<hbm>> -> memref<2x128xi32, #tpu.memory_space<hbm>>
        %dma_start3A_106 = arith.constant 0 : i32
        %dma_start3A_107 = tpu.memref_slice %arg3[%select_n3A, %dma_start3A_106] : memref<1344x128xi32, #tpu.memory_space<hbm>> -> memref<2x128xi32, #tpu.memory_space<hbm>>
        tpu.enqueue_dma source(%dma_start3A_107 : memref<2x128xi32, #tpu.memory_space<hbm>>) target(%arg13 : memref<2x128xi32, #tpu.memory_space<vmem>>) target_semaphore(%run_scoped3A_103 : memref<!tpu.dma_semaphore, #tpu.memory_space<semaphore_mem>>)
        %dma_wait3A_108 = arith.constant 0 : i32
        %dma_wait3A_109 = tpu.memref_slice %arg3[%select_n3A, %dma_wait3A_108] : memref<1344x128xi32, #tpu.memory_space<hbm>> -> memref<2x128xi32, #tpu.memory_space<hbm>>
        %dma_wait3A_110 = arith.constant 0 : i32
        %dma_wait3A_111 = tpu.memref_slice %arg3[%select_n3A, %dma_wait3A_110] : memref<1344x128xi32, #tpu.memory_space<hbm>> -> memref<2x128xi32, #tpu.memory_space<hbm>>
        tpu.wait_dma2 semaphore(%run_scoped3A_103 : memref<!tpu.dma_semaphore, #tpu.memory_space<semaphore_mem>>) src(%dma_wait3A_111 : memref<2x128xi32, #tpu.memory_space<hbm>>) dst(%arg13 : memref<2x128xi32, #tpu.memory_space<vmem>>)
        tpu.yield
      }) : () -> ()
      %dma_start3A = arith.constant 0 : i32
      %dma_start3A_47 = tpu.memref_slice %arg4[%add3A_30, %dma_start3A] : memref<172032x16xf32, #tpu.memory_space<hbm>> -> memref<256x16xf32, #tpu.memory_space<hbm>>
      %dma_start3A_48 = arith.constant 0 : i32
      %dma_start3A_49 = tpu.memref_slice %arg4[%add3A_30, %dma_start3A_48] : memref<172032x16xf32, #tpu.memory_space<hbm>> -> memref<256x16xf32, #tpu.memory_space<hbm>>
      tpu.enqueue_dma source(%dma_start3A_49 : memref<256x16xf32, #tpu.memory_space<hbm>>) target(%arg14 : memref<256x16xf32, #tpu.memory_space<vmem>>) target_semaphore(%arg18 : memref<!tpu.dma_semaphore, #tpu.memory_space<semaphore_mem>>)
      %eq3A = arith.constant 0 : i32
      %eq3A_50 = arith.cmpi eq, %arg0, %eq3A : i32
      %convert_element_type3A = arith.extui %eq3A_50 : i1 to i32
      %cond3A = arith.constant 0 : i32
      %cond3A_51 = arith.cmpi ne, %convert_element_type3A, %cond3A : i32
      scf.if %cond3A_51 {
        %dma_start3A_103 = arith.constant 0 : i32
        %dma_start3A_104 = arith.constant 0 : i32
        %dma_start3A_105 = arith.constant 0 : i32
        %dma_start3A_106 = arith.constant 0 : i32
        %dma_start3A_107 = tpu.memref_slice %arg16[%dma_start3A_104, %dma_start3A_105, %dma_start3A_106] : memref<2x128x128xf32, #tpu.memory_space<vmem>> -> memref<1x128x128xf32, #tpu.memory_space<vmem>>
        %dma_start3A_108 = tpu.memref_squeeze %dma_start3A_107 : memref<1x128x128xf32, #tpu.memory_space<vmem>> -> memref<128x128xf32, #tpu.memory_space<vmem>>
        %dma_start3A_109 = arith.constant 0 : i32
        %dma_start3A_110 = tpu.memref_slice %arg12[%dma_start3A_103, %dma_start3A_109] : memref<2x128xi32, #tpu.memory_space<vmem>> -> memref<1x128xi32, #tpu.memory_space<vmem>>
        %dma_start3A_111 = tpu.memref_squeeze %dma_start3A_110 : memref<1x128xi32, #tpu.memory_space<vmem>> -> memref<128xi32, #tpu.memory_space<vmem>>
        %dma_start3A_112 = arith.constant 0 : i32
        %dma_start3A_113 = arith.constant 0 : i32
        %dma_start3A_114 = tpu.memref_slice %arg6[%dma_start3A_112, %dma_start3A_113] : memref<10240x128xf32, #tpu.memory_space<hbm>> -> memref<10240x128xf32, #tpu.memory_space<hbm>>
        tpu.enqueue_indirect_dma source(%dma_start3A_114 : memref<10240x128xf32, #tpu.memory_space<hbm>>) target(%dma_start3A_108 : memref<128x128xf32, #tpu.memory_space<vmem>>) offsets(%dma_start3A_111 : memref<128xi32, #tpu.memory_space<vmem>>) semaphore(%arg19 : memref<!tpu.dma_semaphore, #tpu.memory_space<semaphore_mem>>)
      } else {
      }
      %ne3A_52 = arith.constant 0 : i32
      %ne3A_53 = arith.cmpi ne, %arg0, %ne3A_52 : i32
      %convert_element_type3A_54 = arith.extui %ne3A_53 : i1 to i32
      %cond3A_55 = arith.constant 0 : i32
      %cond3A_56 = arith.cmpi ne, %convert_element_type3A_54, %cond3A_55 : i32
      scf.if %cond3A_56 {
        %dma_start3A_103 = arith.constant 0 : i32
        %dma_start3A_104 = arith.constant 0 : i32
        %dma_start3A_105 = arith.constant 0 : i32
        %dma_start3A_106 = arith.constant 0 : i32
        %dma_start3A_107 = tpu.memref_slice %arg16[%dma_start3A_104, %dma_start3A_105, %dma_start3A_106] : memref<2x128x128xf32, #tpu.memory_space<vmem>> -> memref<1x128x128xf32, #tpu.memory_space<vmem>>
        %dma_start3A_108 = tpu.memref_squeeze %dma_start3A_107 : memref<1x128x128xf32, #tpu.memory_space<vmem>> -> memref<128x128xf32, #tpu.memory_space<vmem>>
        %dma_start3A_109 = arith.constant 0 : i32
        %dma_start3A_110 = tpu.memref_slice %arg12[%dma_start3A_103, %dma_start3A_109] : memref<2x128xi32, #tpu.memory_space<vmem>> -> memref<1x128xi32, #tpu.memory_space<vmem>>
        %dma_start3A_111 = tpu.memref_squeeze %dma_start3A_110 : memref<1x128xi32, #tpu.memory_space<vmem>> -> memref<128xi32, #tpu.memory_space<vmem>>
        %dma_start3A_112 = arith.constant 0 : i32
        %dma_start3A_113 = arith.constant 0 : i32
        %dma_start3A_114 = tpu.memref_slice %arg7[%dma_start3A_112, %dma_start3A_113] : memref<10240x128xf32, #tpu.memory_space<hbm>> -> memref<10240x128xf32, #tpu.memory_space<hbm>>
        tpu.enqueue_indirect_dma source(%dma_start3A_114 : memref<10240x128xf32, #tpu.memory_space<hbm>>) target(%dma_start3A_108 : memref<128x128xf32, #tpu.memory_space<vmem>>) offsets(%dma_start3A_111 : memref<128xi32, #tpu.memory_space<vmem>>) semaphore(%arg19 : memref<!tpu.dma_semaphore, #tpu.memory_space<semaphore_mem>>)
      } else {
      }
      %run_scoped3A = arith.constant 0 : i32
      "tpu.region"() ({
        %run_scoped3A_103 = tpu.sem_alloc : memref<!tpu.dma_semaphore, #tpu.memory_space<semaphore_mem>>
        %dma_start3A_104 = arith.constant 0 : i32
        %dma_start3A_105 = arith.constant 0 : i32
        %dma_start3A_106 = tpu.memref_slice %arg15[%dma_start3A_104, %dma_start3A_105] : memref<256x16xf32, #tpu.memory_space<vmem>> -> memref<128x16xf32, #tpu.memory_space<vmem>>
        %dma_start3A_107 = arith.constant 0 : i32
        %dma_start3A_108 = tpu.memref_slice %arg13[%run_scoped3A, %dma_start3A_107] : memref<2x128xi32, #tpu.memory_space<vmem>> -> memref<1x128xi32, #tpu.memory_space<vmem>>
        %dma_start3A_109 = tpu.memref_squeeze %dma_start3A_108 : memref<1x128xi32, #tpu.memory_space<vmem>> -> memref<128xi32, #tpu.memory_space<vmem>>
        %dma_start3A_110 = arith.constant 0 : i32
        %dma_start3A_111 = arith.constant 0 : i32
        %dma_start3A_112 = tpu.memref_slice %arg5[%dma_start3A_110, %dma_start3A_111] : memref<10240x16xf32, #tpu.memory_space<hbm>> -> memref<10240x16xf32, #tpu.memory_space<hbm>>
        tpu.enqueue_indirect_dma source(%dma_start3A_112 : memref<10240x16xf32, #tpu.memory_space<hbm>>) target(%dma_start3A_106 : memref<128x16xf32, #tpu.memory_space<vmem>>) offsets(%dma_start3A_109 : memref<128xi32, #tpu.memory_space<vmem>>) semaphore(%run_scoped3A_103 : memref<!tpu.dma_semaphore, #tpu.memory_space<semaphore_mem>>)
        %dma_wait3A_113 = arith.constant 0 : i32
        %dma_wait3A_114 = arith.constant 0 : i32
        %dma_wait3A_115 = tpu.memref_slice %arg15[%dma_wait3A_113, %dma_wait3A_114] : memref<256x16xf32, #tpu.memory_space<vmem>> -> memref<128x16xf32, #tpu.memory_space<vmem>>
        %dma_wait3A_116 = arith.constant 0 : i32
        %dma_wait3A_117 = tpu.memref_slice %arg13[%run_scoped3A, %dma_wait3A_116] : memref<2x128xi32, #tpu.memory_space<vmem>> -> memref<1x128xi32, #tpu.memory_space<vmem>>
        %dma_wait3A_118 = tpu.memref_squeeze %dma_wait3A_117 : memref<1x128xi32, #tpu.memory_space<vmem>> -> memref<128xi32, #tpu.memory_space<vmem>>
        %dma_wait3A_119 = arith.constant 0 : i32
        %dma_wait3A_120 = arith.constant 0 : i32
        %dma_wait3A_121 = tpu.memref_slice %arg5[%dma_wait3A_119, %dma_wait3A_120] : memref<10240x16xf32, #tpu.memory_space<hbm>> -> memref<10240x16xf32, #tpu.memory_space<hbm>>
        tpu.wait_indirect_dma semaphore(%run_scoped3A_103 : memref<!tpu.dma_semaphore, #tpu.memory_space<semaphore_mem>>) src(%dma_wait3A_121 : memref<10240x16xf32, #tpu.memory_space<hbm>>) dst(%dma_wait3A_115 : memref<128x16xf32, #tpu.memory_space<vmem>>)
        tpu.yield
      }) : () -> ()
      %run_scoped3A_57 = arith.constant 1 : i32
      "tpu.region"() ({
        %run_scoped3A_103 = tpu.sem_alloc : memref<!tpu.dma_semaphore, #tpu.memory_space<semaphore_mem>>
        %dma_start3A_104 = arith.constant 128 : i32
        %dma_start3A_105 = arith.constant 0 : i32
        %dma_start3A_106 = tpu.memref_slice %arg15[%dma_start3A_104, %dma_start3A_105] : memref<256x16xf32, #tpu.memory_space<vmem>> -> memref<128x16xf32, #tpu.memory_space<vmem>>
        %dma_start3A_107 = arith.constant 0 : i32
        %dma_start3A_108 = tpu.memref_slice %arg13[%run_scoped3A_57, %dma_start3A_107] : memref<2x128xi32, #tpu.memory_space<vmem>> -> memref<1x128xi32, #tpu.memory_space<vmem>>
        %dma_start3A_109 = tpu.memref_squeeze %dma_start3A_108 : memref<1x128xi32, #tpu.memory_space<vmem>> -> memref<128xi32, #tpu.memory_space<vmem>>
        %dma_start3A_110 = arith.constant 0 : i32
        %dma_start3A_111 = arith.constant 0 : i32
        %dma_start3A_112 = tpu.memref_slice %arg5[%dma_start3A_110, %dma_start3A_111] : memref<10240x16xf32, #tpu.memory_space<hbm>> -> memref<10240x16xf32, #tpu.memory_space<hbm>>
        tpu.enqueue_indirect_dma source(%dma_start3A_112 : memref<10240x16xf32, #tpu.memory_space<hbm>>) target(%dma_start3A_106 : memref<128x16xf32, #tpu.memory_space<vmem>>) offsets(%dma_start3A_109 : memref<128xi32, #tpu.memory_space<vmem>>) semaphore(%run_scoped3A_103 : memref<!tpu.dma_semaphore, #tpu.memory_space<semaphore_mem>>)
        %dma_wait3A_113 = arith.constant 128 : i32
        %dma_wait3A_114 = arith.constant 0 : i32
        %dma_wait3A_115 = tpu.memref_slice %arg15[%dma_wait3A_113, %dma_wait3A_114] : memref<256x16xf32, #tpu.memory_space<vmem>> -> memref<128x16xf32, #tpu.memory_space<vmem>>
        %dma_wait3A_116 = arith.constant 0 : i32
        %dma_wait3A_117 = tpu.memref_slice %arg13[%run_scoped3A_57, %dma_wait3A_116] : memref<2x128xi32, #tpu.memory_space<vmem>> -> memref<1x128xi32, #tpu.memory_space<vmem>>
        %dma_wait3A_118 = tpu.memref_squeeze %dma_wait3A_117 : memref<1x128xi32, #tpu.memory_space<vmem>> -> memref<128xi32, #tpu.memory_space<vmem>>
        %dma_wait3A_119 = arith.constant 0 : i32
        %dma_wait3A_120 = arith.constant 0 : i32
        %dma_wait3A_121 = tpu.memref_slice %arg5[%dma_wait3A_119, %dma_wait3A_120] : memref<10240x16xf32, #tpu.memory_space<hbm>> -> memref<10240x16xf32, #tpu.memory_space<hbm>>
        tpu.wait_indirect_dma semaphore(%run_scoped3A_103 : memref<!tpu.dma_semaphore, #tpu.memory_space<semaphore_mem>>) src(%dma_wait3A_121 : memref<10240x16xf32, #tpu.memory_space<hbm>>) dst(%dma_wait3A_115 : memref<128x16xf32, #tpu.memory_space<vmem>>)
        tpu.yield
      }) : () -> ()
      %dma_wait3A = arith.constant 0 : i32
      %dma_wait3A_58 = tpu.memref_slice %arg4[%add3A_30, %dma_wait3A] : memref<172032x16xf32, #tpu.memory_space<hbm>> -> memref<256x16xf32, #tpu.memory_space<hbm>>
      %dma_wait3A_59 = arith.constant 0 : i32
      %dma_wait3A_60 = tpu.memref_slice %arg4[%add3A_30, %dma_wait3A_59] : memref<172032x16xf32, #tpu.memory_space<hbm>> -> memref<256x16xf32, #tpu.memory_space<hbm>>
      tpu.wait_dma2 semaphore(%arg18 : memref<!tpu.dma_semaphore, #tpu.memory_space<semaphore_mem>>) src(%dma_wait3A_60 : memref<256x16xf32, #tpu.memory_space<hbm>>) dst(%arg14 : memref<256x16xf32, #tpu.memory_space<vmem>>)
      %parallel_loop3A = arith.constant 0 : i32
      %parallel_loop3A_61 = arith.constant 256 : i32
      %parallel_loop3A_62 = arith.constant 1 : i32
      scf.for %parallel_loop3A_103 = %parallel_loop3A to %parallel_loop3A_61 step %parallel_loop3A_62  : i32 {
        %parallel_loop3A_104 = arith.index_cast %parallel_loop3A_103 : i32 to index
        %parallel_loop3A_105 = arith.constant 0 : index
        %parallel_loop3A_106 = tpu.vector_load %arg14[%parallel_loop3A_104, %parallel_loop3A_105] {strides = array<i32>} : memref<256x16xf32, #tpu.memory_space<vmem>>, vector<16xf32>,
        %parallel_loop3A_107 = arith.index_cast %parallel_loop3A_103 : i32 to index
        %parallel_loop3A_108 = arith.constant 0 : index
        %parallel_loop3A_109 = tpu.vector_load %arg15[%parallel_loop3A_107, %parallel_loop3A_108] {strides = array<i32>} : memref<256x16xf32, #tpu.memory_space<vmem>>, vector<16xf32>,
        %parallel_loop3A_110 = arith.mulf %parallel_loop3A_106, %parallel_loop3A_109 : vector<16xf32>
        %parallel_loop3A_111 = arith.index_cast %parallel_loop3A_103 : i32 to index
        %parallel_loop3A_112 = arith.constant 0 : index
        %parallel_loop3A_113 = tpu.vector_load %arg14[%parallel_loop3A_111, %parallel_loop3A_112] {strides = array<i32>} : memref<256x16xf32, #tpu.memory_space<vmem>>, vector<16xf32>,
        tpu.vector_store %arg14[%parallel_loop3A_111, %parallel_loop3A_112], %parallel_loop3A_110 {strides = array<i32>} : memref<256x16xf32, #tpu.memory_space<vmem>>, vector<16xf32>,
      } {sc.loop_unroll_factor = 1 : i64, sc.parallel_access}
      %dma_wait3A_63 = arith.constant 0 : i32
      %dma_wait3A_64 = arith.constant 0 : i32
      %dma_wait3A_65 = tpu.memref_slice %arg16[%squeeze3A_5, %dma_wait3A_63, %dma_wait3A_64] : memref<2x128x128xf32, #tpu.memory_space<vmem>> -> memref<1x128x128xf32, #tpu.memory_space<vmem>>
      %dma_wait3A_66 = tpu.memref_squeeze %dma_wait3A_65 : memref<1x128x128xf32, #tpu.memory_space<vmem>> -> memref<128x128xf32, #tpu.memory_space<vmem>>
      %dma_wait3A_67 = arith.constant 0 : i32
      %dma_wait3A_68 = tpu.memref_slice %arg12[%squeeze3A, %dma_wait3A_67] : memref<2x128xi32, #tpu.memory_space<vmem>> -> memref<1x128xi32, #tpu.memory_space<vmem>>
      %dma_wait3A_69 = tpu.memref_squeeze %dma_wait3A_68 : memref<1x128xi32, #tpu.memory_space<vmem>> -> memref<128xi32, #tpu.memory_space<vmem>>
      %dma_wait3A_70 = arith.constant 0 : i32
      %dma_wait3A_71 = arith.constant 0 : i32
      %dma_wait3A_72 = tpu.memref_slice %arg6[%dma_wait3A_70, %dma_wait3A_71] : memref<10240x128xf32, #tpu.memory_space<hbm>> -> memref<10240x128xf32, #tpu.memory_space<hbm>>
      tpu.wait_indirect_dma semaphore(%arg19 : memref<!tpu.dma_semaphore, #tpu.memory_space<semaphore_mem>>) src(%dma_wait3A_72 : memref<10240x128xf32, #tpu.memory_space<hbm>>) dst(%dma_wait3A_66 : memref<128x128xf32, #tpu.memory_space<vmem>>)
      %eq3A_73 = arith.constant 0 : i32
      %eq3A_74 = arith.cmpi eq, %arg0, %eq3A_73 : i32
      %convert_element_type3A_75 = arith.extui %eq3A_74 : i1 to i32
      %cond3A_76 = arith.constant 0 : i32
      %cond3A_77 = arith.cmpi ne, %convert_element_type3A_75, %cond3A_76 : i32
      scf.if %cond3A_77 {
        %dma_start3A_103 = arith.constant 1 : i32
        %dma_start3A_104 = arith.constant 1 : i32
        %dma_start3A_105 = arith.constant 0 : i32
        %dma_start3A_106 = arith.constant 0 : i32
        %dma_start3A_107 = tpu.memref_slice %arg16[%dma_start3A_104, %dma_start3A_105, %dma_start3A_106] : memref<2x128x128xf32, #tpu.memory_space<vmem>> -> memref<1x128x128xf32, #tpu.memory_space<vmem>>
        %dma_start3A_108 = tpu.memref_squeeze %dma_start3A_107 : memref<1x128x128xf32, #tpu.memory_space<vmem>> -> memref<128x128xf32, #tpu.memory_space<vmem>>
        %dma_start3A_109 = arith.constant 0 : i32
        %dma_start3A_110 = tpu.memref_slice %arg12[%dma_start3A_103, %dma_start3A_109] : memref<2x128xi32, #tpu.memory_space<vmem>> -> memref<1x128xi32, #tpu.memory_space<vmem>>
        %dma_start3A_111 = tpu.memref_squeeze %dma_start3A_110 : memref<1x128xi32, #tpu.memory_space<vmem>> -> memref<128xi32, #tpu.memory_space<vmem>>
        %dma_start3A_112 = arith.constant 0 : i32
        %dma_start3A_113 = arith.constant 0 : i32
        %dma_start3A_114 = tpu.memref_slice %arg6[%dma_start3A_112, %dma_start3A_113] : memref<10240x128xf32, #tpu.memory_space<hbm>> -> memref<10240x128xf32, #tpu.memory_space<hbm>>
        tpu.enqueue_indirect_dma source(%dma_start3A_114 : memref<10240x128xf32, #tpu.memory_space<hbm>>) target(%dma_start3A_108 : memref<128x128xf32, #tpu.memory_space<vmem>>) offsets(%dma_start3A_111 : memref<128xi32, #tpu.memory_space<vmem>>) semaphore(%arg19 : memref<!tpu.dma_semaphore, #tpu.memory_space<semaphore_mem>>)
      } else {
      }
      %ne3A_78 = arith.constant 0 : i32
      %ne3A_79 = arith.cmpi ne, %arg0, %ne3A_78 : i32
      %convert_element_type3A_80 = arith.extui %ne3A_79 : i1 to i32
      %cond3A_81 = arith.constant 0 : i32
      %cond3A_82 = arith.cmpi ne, %convert_element_type3A_80, %cond3A_81 : i32
      scf.if %cond3A_82 {
        %dma_start3A_103 = arith.constant 1 : i32
        %dma_start3A_104 = arith.constant 1 : i32
        %dma_start3A_105 = arith.constant 0 : i32
        %dma_start3A_106 = arith.constant 0 : i32
        %dma_start3A_107 = tpu.memref_slice %arg16[%dma_start3A_104, %dma_start3A_105, %dma_start3A_106] : memref<2x128x128xf32, #tpu.memory_space<vmem>> -> memref<1x128x128xf32, #tpu.memory_space<vmem>>
        %dma_start3A_108 = tpu.memref_squeeze %dma_start3A_107 : memref<1x128x128xf32, #tpu.memory_space<vmem>> -> memref<128x128xf32, #tpu.memory_space<vmem>>
        %dma_start3A_109 = arith.constant 0 : i32
        %dma_start3A_110 = tpu.memref_slice %arg12[%dma_start3A_103, %dma_start3A_109] : memref<2x128xi32, #tpu.memory_space<vmem>> -> memref<1x128xi32, #tpu.memory_space<vmem>>
        %dma_start3A_111 = tpu.memref_squeeze %dma_start3A_110 : memref<1x128xi32, #tpu.memory_space<vmem>> -> memref<128xi32, #tpu.memory_space<vmem>>
        %dma_start3A_112 = arith.constant 0 : i32
        %dma_start3A_113 = arith.constant 0 : i32
        %dma_start3A_114 = tpu.memref_slice %arg7[%dma_start3A_112, %dma_start3A_113] : memref<10240x128xf32, #tpu.memory_space<hbm>> -> memref<10240x128xf32, #tpu.memory_space<hbm>>
        tpu.enqueue_indirect_dma source(%dma_start3A_114 : memref<10240x128xf32, #tpu.memory_space<hbm>>) target(%dma_start3A_108 : memref<128x128xf32, #tpu.memory_space<vmem>>) offsets(%dma_start3A_111 : memref<128xi32, #tpu.memory_space<vmem>>) semaphore(%arg19 : memref<!tpu.dma_semaphore, #tpu.memory_space<semaphore_mem>>)
      } else {
      }
      %parallel_loop3A_83 = arith.constant 0 : i32
      %parallel_loop3A_84 = arith.constant 128 : i32
      %parallel_loop3A_85 = arith.constant 1 : i32
      scf.for %parallel_loop3A_103 = %parallel_loop3A_83 to %parallel_loop3A_84 step %parallel_loop3A_85  : i32 {
        %parallel_loop3A_104 = arith.constant 0 : i32
        %parallel_loop3A_105 = arith.addi %parallel_loop3A_104, %parallel_loop3A_103 : i32
        %parallel_loop3A_106 = vector.broadcast %parallel_loop3A_105 : i32 to vector<16xi32>
        %parallel_loop3A_107 = tpu.vector_load_idx %arg14[%parallel_loop3A_106, %broadcast_in_dim3A] : memref<256x16xf32, #tpu.memory_space<vmem>>[vector<16xi32>, vector<16xi32>], vector<16xf32>,
        %parallel_loop3A_108 = arith.constant 0 : i32
        %parallel_loop3A_109 = arith.index_cast %parallel_loop3A_108 : i32 to index
        %parallel_loop3A_110 = arith.index_cast %parallel_loop3A_103 : i32 to index
        %parallel_loop3A_111 = arith.constant 0 : index
        %parallel_loop3A_112 = tpu.vector_load %arg16[%parallel_loop3A_109, %parallel_loop3A_110, %parallel_loop3A_111] {strides = array<i32>} : memref<2x128x128xf32, #tpu.memory_space<vmem>>, vector<16xf32>,
        %parallel_loop3A_113 = arith.mulf %parallel_loop3A_112, %parallel_loop3A_107 : vector<16xf32>
        %parallel_loop3A_114 = arith.constant 0 : i32
        %parallel_loop3A_115 = arith.index_cast %parallel_loop3A_114 : i32 to index
        %parallel_loop3A_116 = arith.index_cast %parallel_loop3A_103 : i32 to index
        %parallel_loop3A_117 = arith.constant 0 : index
        %parallel_loop3A_118 = tpu.vector_load %arg16[%parallel_loop3A_115, %parallel_loop3A_116, %parallel_loop3A_117] {strides = array<i32>} : memref<2x128x128xf32, #tpu.memory_space<vmem>>, vector<16xf32>,
        tpu.vector_store %arg16[%parallel_loop3A_115, %parallel_loop3A_116, %parallel_loop3A_117], %parallel_loop3A_113 {strides = array<i32>} : memref<2x128x128xf32, #tpu.memory_space<vmem>>, vector<16xf32>,
        %parallel_loop3A_119 = arith.constant 0 : i32
        %parallel_loop3A_120 = arith.index_cast %parallel_loop3A_119 : i32 to index
        %parallel_loop3A_121 = arith.index_cast %parallel_loop3A_103 : i32 to index
        %parallel_loop3A_122 = arith.constant 16 : index
        %parallel_loop3A_123 = tpu.vector_load %arg16[%parallel_loop3A_120, %parallel_loop3A_121, %parallel_loop3A_122] {strides = array<i32>} : memref<2x128x128xf32, #tpu.memory_space<vmem>>, vector<16xf32>,
        %parallel_loop3A_124 = arith.mulf %parallel_loop3A_123, %parallel_loop3A_107 : vector<16xf32>
        %parallel_loop3A_125 = arith.constant 0 : i32
        %parallel_loop3A_126 = arith.index_cast %parallel_loop3A_125 : i32 to index
        %parallel_loop3A_127 = arith.index_cast %parallel_loop3A_103 : i32 to index
        %parallel_loop3A_128 = arith.constant 16 : index
        %parallel_loop3A_129 = tpu.vector_load %arg16[%parallel_loop3A_126, %parallel_loop3A_127, %parallel_loop3A_128] {strides = array<i32>} : memref<2x128x128xf32, #tpu.memory_space<vmem>>, vector<16xf32>,
        tpu.vector_store %arg16[%parallel_loop3A_126, %parallel_loop3A_127, %parallel_loop3A_128], %parallel_loop3A_124 {strides = array<i32>} : memref<2x128x128xf32, #tpu.memory_space<vmem>>, vector<16xf32>,
        %parallel_loop3A_130 = tpu.vector_load_idx %arg14[%parallel_loop3A_106, %broadcast_in_dim3A_14] : memref<256x16xf32, #tpu.memory_space<vmem>>[vector<16xi32>, vector<16xi32>], vector<16xf32>,
        %parallel_loop3A_131 = arith.constant 0 : i32
        %parallel_loop3A_132 = arith.index_cast %parallel_loop3A_131 : i32 to index
        %parallel_loop3A_133 = arith.index_cast %parallel_loop3A_103 : i32 to index
        %parallel_loop3A_134 = arith.constant 32 : index
        %parallel_loop3A_135 = tpu.vector_load %arg16[%parallel_loop3A_132, %parallel_loop3A_133, %parallel_loop3A_134] {strides = array<i32>} : memref<2x128x128xf32, #tpu.memory_space<vmem>>, vector<16xf32>,
        %parallel_loop3A_136 = arith.mulf %parallel_loop3A_135, %parallel_loop3A_130 : vector<16xf32>
        %parallel_loop3A_137 = arith.constant 0 : i32
        %parallel_loop3A_138 = arith.index_cast %parallel_loop3A_137 : i32 to index
        %parallel_loop3A_139 = arith.index_cast %parallel_loop3A_103 : i32 to index
        %parallel_loop3A_140 = arith.constant 32 : index
        %parallel_loop3A_141 = tpu.vector_load %arg16[%parallel_loop3A_138, %parallel_loop3A_139, %parallel_loop3A_140] {strides = array<i32>} : memref<2x128x128xf32, #tpu.memory_space<vmem>>, vector<16xf32>,
        tpu.vector_store %arg16[%parallel_loop3A_138, %parallel_loop3A_139, %parallel_loop3A_140], %parallel_loop3A_136 {strides = array<i32>} : memref<2x128x128xf32, #tpu.memory_space<vmem>>, vector<16xf32>,
        %parallel_loop3A_142 = arith.constant 0 : i32
        %parallel_loop3A_143 = arith.index_cast %parallel_loop3A_142 : i32 to index
        %parallel_loop3A_144 = arith.index_cast %parallel_loop3A_103 : i32 to index
        %parallel_loop3A_145 = arith.constant 48 : index
        %parallel_loop3A_146 = tpu.vector_load %arg16[%parallel_loop3A_143, %parallel_loop3A_144, %parallel_loop3A_145] {strides = array<i32>} : memref<2x128x128xf32, #tpu.memory_space<vmem>>, vector<16xf32>,
        %parallel_loop3A_147 = arith.mulf %parallel_loop3A_146, %parallel_loop3A_130 : vector<16xf32>
        %parallel_loop3A_148 = arith.constant 0 : i32
        %parallel_loop3A_149 = arith.index_cast %parallel_loop3A_148 : i32 to index
        %parallel_loop3A_150 = arith.index_cast %parallel_loop3A_103 : i32 to index
        %parallel_loop3A_151 = arith.constant 48 : index
        %parallel_loop3A_152 = tpu.vector_load %arg16[%parallel_loop3A_149, %parallel_loop3A_150, %parallel_loop3A_151] {strides = array<i32>} : memref<2x128x128xf32, #tpu.memory_space<vmem>>, vector<16xf32>,
        tpu.vector_store %arg16[%parallel_loop3A_149, %parallel_loop3A_150, %parallel_loop3A_151], %parallel_loop3A_147 {strides = array<i32>} : memref<2x128x128xf32, #tpu.memory_space<vmem>>, vector<16xf32>,
        %parallel_loop3A_153 = tpu.vector_load_idx %arg14[%parallel_loop3A_106, %broadcast_in_dim3A_17] : memref<256x16xf32, #tpu.memory_space<vmem>>[vector<16xi32>, vector<16xi32>], vector<16xf32>,
        %parallel_loop3A_154 = arith.constant 0 : i32
        %parallel_loop3A_155 = arith.index_cast %parallel_loop3A_154 : i32 to index
        %parallel_loop3A_156 = arith.index_cast %parallel_loop3A_103 : i32 to index
        %parallel_loop3A_157 = arith.constant 64 : index
        %parallel_loop3A_158 = tpu.vector_load %arg16[%parallel_loop3A_155, %parallel_loop3A_156, %parallel_loop3A_157] {strides = array<i32>} : memref<2x128x128xf32, #tpu.memory_space<vmem>>, vector<16xf32>,
        %parallel_loop3A_159 = arith.mulf %parallel_loop3A_158, %parallel_loop3A_153 : vector<16xf32>
        %parallel_loop3A_160 = arith.constant 0 : i32
        %parallel_loop3A_161 = arith.index_cast %parallel_loop3A_160 : i32 to index
        %parallel_loop3A_162 = arith.index_cast %parallel_loop3A_103 : i32 to index
        %parallel_loop3A_163 = arith.constant 64 : index
        %parallel_loop3A_164 = tpu.vector_load %arg16[%parallel_loop3A_161, %parallel_loop3A_162, %parallel_loop3A_163] {strides = array<i32>} : memref<2x128x128xf32, #tpu.memory_space<vmem>>, vector<16xf32>,
        tpu.vector_store %arg16[%parallel_loop3A_161, %parallel_loop3A_162, %parallel_loop3A_163], %parallel_loop3A_159 {strides = array<i32>} : memref<2x128x128xf32, #tpu.memory_space<vmem>>, vector<16xf32>,
        %parallel_loop3A_165 = arith.constant 0 : i32
        %parallel_loop3A_166 = arith.index_cast %parallel_loop3A_165 : i32 to index
        %parallel_loop3A_167 = arith.index_cast %parallel_loop3A_103 : i32 to index
        %parallel_loop3A_168 = arith.constant 80 : index
        %parallel_loop3A_169 = tpu.vector_load %arg16[%parallel_loop3A_166, %parallel_loop3A_167, %parallel_loop3A_168] {strides = array<i32>} : memref<2x128x128xf32, #tpu.memory_space<vmem>>, vector<16xf32>,
        %parallel_loop3A_170 = arith.mulf %parallel_loop3A_169, %parallel_loop3A_153 : vector<16xf32>
        %parallel_loop3A_171 = arith.constant 0 : i32
        %parallel_loop3A_172 = arith.index_cast %parallel_loop3A_171 : i32 to index
        %parallel_loop3A_173 = arith.index_cast %parallel_loop3A_103 : i32 to index
        %parallel_loop3A_174 = arith.constant 80 : index
        %parallel_loop3A_175 = tpu.vector_load %arg16[%parallel_loop3A_172, %parallel_loop3A_173, %parallel_loop3A_174] {strides = array<i32>} : memref<2x128x128xf32, #tpu.memory_space<vmem>>, vector<16xf32>,
        tpu.vector_store %arg16[%parallel_loop3A_172, %parallel_loop3A_173, %parallel_loop3A_174], %parallel_loop3A_170 {strides = array<i32>} : memref<2x128x128xf32, #tpu.memory_space<vmem>>, vector<16xf32>,
        %parallel_loop3A_176 = tpu.vector_load_idx %arg14[%parallel_loop3A_106, %broadcast_in_dim3A_20] : memref<256x16xf32, #tpu.memory_space<vmem>>[vector<16xi32>, vector<16xi32>], vector<16xf32>,
        %parallel_loop3A_177 = arith.constant 0 : i32
        %parallel_loop3A_178 = arith.index_cast %parallel_loop3A_177 : i32 to index
        %parallel_loop3A_179 = arith.index_cast %parallel_loop3A_103 : i32 to index
        %parallel_loop3A_180 = arith.constant 96 : index
        %parallel_loop3A_181 = tpu.vector_load %arg16[%parallel_loop3A_178, %parallel_loop3A_179, %parallel_loop3A_180] {strides = array<i32>} : memref<2x128x128xf32, #tpu.memory_space<vmem>>, vector<16xf32>,
        %parallel_loop3A_182 = arith.mulf %parallel_loop3A_181, %parallel_loop3A_176 : vector<16xf32>
        %parallel_loop3A_183 = arith.constant 0 : i32
        %parallel_loop3A_184 = arith.index_cast %parallel_loop3A_183 : i32 to index
        %parallel_loop3A_185 = arith.index_cast %parallel_loop3A_103 : i32 to index
        %parallel_loop3A_186 = arith.constant 96 : index
        %parallel_loop3A_187 = tpu.vector_load %arg16[%parallel_loop3A_184, %parallel_loop3A_185, %parallel_loop3A_186] {strides = array<i32>} : memref<2x128x128xf32, #tpu.memory_space<vmem>>, vector<16xf32>,
        tpu.vector_store %arg16[%parallel_loop3A_184, %parallel_loop3A_185, %parallel_loop3A_186], %parallel_loop3A_182 {strides = array<i32>} : memref<2x128x128xf32, #tpu.memory_space<vmem>>, vector<16xf32>,
        %parallel_loop3A_188 = arith.constant 0 : i32
        %parallel_loop3A_189 = arith.index_cast %parallel_loop3A_188 : i32 to index
        %parallel_loop3A_190 = arith.index_cast %parallel_loop3A_103 : i32 to index
        %parallel_loop3A_191 = arith.constant 112 : index
        %parallel_loop3A_192 = tpu.vector_load %arg16[%parallel_loop3A_189, %parallel_loop3A_190, %parallel_loop3A_191] {strides = array<i32>} : memref<2x128x128xf32, #tpu.memory_space<vmem>>, vector<16xf32>,
        %parallel_loop3A_193 = arith.mulf %parallel_loop3A_192, %parallel_loop3A_176 : vector<16xf32>
        %parallel_loop3A_194 = arith.constant 0 : i32
        %parallel_loop3A_195 = arith.index_cast %parallel_loop3A_194 : i32 to index
        %parallel_loop3A_196 = arith.index_cast %parallel_loop3A_103 : i32 to index
        %parallel_loop3A_197 = arith.constant 112 : index
        %parallel_loop3A_198 = tpu.vector_load %arg16[%parallel_loop3A_195, %parallel_loop3A_196, %parallel_loop3A_197] {strides = array<i32>} : memref<2x128x128xf32, #tpu.memory_space<vmem>>, vector<16xf32>,
        tpu.vector_store %arg16[%parallel_loop3A_195, %parallel_loop3A_196, %parallel_loop3A_197], %parallel_loop3A_193 {strides = array<i32>} : memref<2x128x128xf32, #tpu.memory_space<vmem>>, vector<16xf32>,
      } {sc.loop_unroll_factor = 1 : i64, sc.parallel_access}
      %run_scoped3A_86 = arith.constant 0 : i32
      %run_scoped3A_87 = arith.constant 0 : i32
      "tpu.region"() ({
        %run_scoped3A_103 = tpu.sem_alloc : memref<!tpu.dma_semaphore, #tpu.memory_space<semaphore_mem>>
        %dma_start3A_104 = arith.constant 0 : i32
        %dma_start3A_105 = arith.constant 0 : i32
        %dma_start3A_106 = tpu.memref_slice %arg16[%run_scoped3A_86, %dma_start3A_104, %dma_start3A_105] : memref<2x128x128xf32, #tpu.memory_space<vmem>> -> memref<1x128x128xf32, #tpu.memory_space<vmem>>
        %dma_start3A_107 = tpu.memref_squeeze %dma_start3A_106 : memref<1x128x128xf32, #tpu.memory_space<vmem>> -> memref<128x128xf32, #tpu.memory_space<vmem>>
        %dma_start3A_108 = arith.constant 0 : i32
        %dma_start3A_109 = tpu.memref_slice %arg13[%run_scoped3A_87, %dma_start3A_108] : memref<2x128xi32, #tpu.memory_space<vmem>> -> memref<1x128xi32, #tpu.memory_space<vmem>>
        %dma_start3A_110 = tpu.memref_squeeze %dma_start3A_109 : memref<1x128xi32, #tpu.memory_space<vmem>> -> memref<128xi32, #tpu.memory_space<vmem>>
        %dma_start3A_111 = arith.constant 0 : i32
        %dma_start3A_112 = arith.constant 0 : i32
        %dma_start3A_113 = tpu.memref_slice %arg17[%dma_start3A_111, %dma_start3A_112] : memref<10240x128xf32, #tpu.memory_space<vmem_shared>> -> memref<10240x128xf32, #tpu.memory_space<vmem_shared>>
        tpu.enqueue_indirect_dma source(%dma_start3A_107 : memref<128x128xf32, #tpu.memory_space<vmem>>) target(%dma_start3A_113 : memref<10240x128xf32, #tpu.memory_space<vmem_shared>>) offsets(%dma_start3A_110 : memref<128xi32, #tpu.memory_space<vmem>>) semaphore(%run_scoped3A_103 : memref<!tpu.dma_semaphore, #tpu.memory_space<semaphore_mem>>) {add = true}
        %dma_wait3A_114 = arith.constant 0 : i32
        %dma_wait3A_115 = arith.constant 0 : i32
        %dma_wait3A_116 = tpu.memref_slice %arg16[%run_scoped3A_86, %dma_wait3A_114, %dma_wait3A_115] : memref<2x128x128xf32, #tpu.memory_space<vmem>> -> memref<1x128x128xf32, #tpu.memory_space<vmem>>
        %dma_wait3A_117 = tpu.memref_squeeze %dma_wait3A_116 : memref<1x128x128xf32, #tpu.memory_space<vmem>> -> memref<128x128xf32, #tpu.memory_space<vmem>>
        %dma_wait3A_118 = arith.constant 0 : i32
        %dma_wait3A_119 = tpu.memref_slice %arg13[%run_scoped3A_87, %dma_wait3A_118] : memref<2x128xi32, #tpu.memory_space<vmem>> -> memref<1x128xi32, #tpu.memory_space<vmem>>
        %dma_wait3A_120 = tpu.memref_squeeze %dma_wait3A_119 : memref<1x128xi32, #tpu.memory_space<vmem>> -> memref<128xi32, #tpu.memory_space<vmem>>
        %dma_wait3A_121 = arith.constant 0 : i32
        %dma_wait3A_122 = arith.constant 0 : i32
        %dma_wait3A_123 = tpu.memref_slice %arg17[%dma_wait3A_121, %dma_wait3A_122] : memref<10240x128xf32, #tpu.memory_space<vmem_shared>> -> memref<10240x128xf32, #tpu.memory_space<vmem_shared>>
        tpu.wait_indirect_dma semaphore(%run_scoped3A_103 : memref<!tpu.dma_semaphore, #tpu.memory_space<semaphore_mem>>) src(%dma_wait3A_117 : memref<128x128xf32, #tpu.memory_space<vmem>>) dst(%dma_wait3A_123 : memref<10240x128xf32, #tpu.memory_space<vmem_shared>>)
        tpu.yield
      }) : () -> ()
      %dma_wait3A_88 = arith.constant 0 : i32
      %dma_wait3A_89 = arith.constant 0 : i32
      %dma_wait3A_90 = tpu.memref_slice %arg16[%squeeze3A_5, %dma_wait3A_88, %dma_wait3A_89] : memref<2x128x128xf32, #tpu.memory_space<vmem>> -> memref<1x128x128xf32, #tpu.memory_space<vmem>>
      %dma_wait3A_91 = tpu.memref_squeeze %dma_wait3A_90 : memref<1x128x128xf32, #tpu.memory_space<vmem>> -> memref<128x128xf32, #tpu.memory_space<vmem>>
      %dma_wait3A_92 = arith.constant 0 : i32
      %dma_wait3A_93 = tpu.memref_slice %arg12[%squeeze3A, %dma_wait3A_92] : memref<2x128xi32, #tpu.memory_space<vmem>> -> memref<1x128xi32, #tpu.memory_space<vmem>>
      %dma_wait3A_94 = tpu.memref_squeeze %dma_wait3A_93 : memref<1x128xi32, #tpu.memory_space<vmem>> -> memref<128xi32, #tpu.memory_space<vmem>>
      %dma_wait3A_95 = arith.constant 0 : i32
      %dma_wait3A_96 = arith.constant 0 : i32
      %dma_wait3A_97 = tpu.memref_slice %arg6[%dma_wait3A_95, %dma_wait3A_96] : memref<10240x128xf32, #tpu.memory_space<hbm>> -> memref<10240x128xf32, #tpu.memory_space<hbm>>
      tpu.wait_indirect_dma semaphore(%arg19 : memref<!tpu.dma_semaphore, #tpu.memory_space<semaphore_mem>>) src(%dma_wait3A_97 : memref<10240x128xf32, #tpu.memory_space<hbm>>) dst(%dma_wait3A_91 : memref<128x128xf32, #tpu.memory_space<vmem>>)
      %parallel_loop3A_98 = arith.constant 0 : i32
      %parallel_loop3A_99 = arith.constant 128 : i32
      %parallel_loop3A_100 = arith.constant 1 : i32
      scf.for %parallel_loop3A_103 = %parallel_loop3A_98 to %parallel_loop3A_99 step %parallel_loop3A_100  : i32 {
        %parallel_loop3A_104 = arith.constant 128 : i32
        %parallel_loop3A_105 = arith.addi %parallel_loop3A_104, %parallel_loop3A_103 : i32
        %parallel_loop3A_106 = vector.broadcast %parallel_loop3A_105 : i32 to vector<16xi32>
        %parallel_loop3A_107 = tpu.vector_load_idx %arg14[%parallel_loop3A_106, %broadcast_in_dim3A] : memref<256x16xf32, #tpu.memory_space<vmem>>[vector<16xi32>, vector<16xi32>], vector<16xf32>,
        %parallel_loop3A_108 = arith.constant 1 : i32
        %parallel_loop3A_109 = arith.index_cast %parallel_loop3A_108 : i32 to index
        %parallel_loop3A_110 = arith.index_cast %parallel_loop3A_103 : i32 to index
        %parallel_loop3A_111 = arith.constant 0 : index
        %parallel_loop3A_112 = tpu.vector_load %arg16[%parallel_loop3A_109, %parallel_loop3A_110, %parallel_loop3A_111] {strides = array<i32>} : memref<2x128x128xf32, #tpu.memory_space<vmem>>, vector<16xf32>,
        %parallel_loop3A_113 = arith.mulf %parallel_loop3A_112, %parallel_loop3A_107 : vector<16xf32>
        %parallel_loop3A_114 = arith.constant 1 : i32
        %parallel_loop3A_115 = arith.index_cast %parallel_loop3A_114 : i32 to index
        %parallel_loop3A_116 = arith.index_cast %parallel_loop3A_103 : i32 to index
        %parallel_loop3A_117 = arith.constant 0 : index
        %parallel_loop3A_118 = tpu.vector_load %arg16[%parallel_loop3A_115, %parallel_loop3A_116, %parallel_loop3A_117] {strides = array<i32>} : memref<2x128x128xf32, #tpu.memory_space<vmem>>, vector<16xf32>,
        tpu.vector_store %arg16[%parallel_loop3A_115, %parallel_loop3A_116, %parallel_loop3A_117], %parallel_loop3A_113 {strides = array<i32>} : memref<2x128x128xf32, #tpu.memory_space<vmem>>, vector<16xf32>,
        %parallel_loop3A_119 = arith.constant 1 : i32
        %parallel_loop3A_120 = arith.index_cast %parallel_loop3A_119 : i32 to index
        %parallel_loop3A_121 = arith.index_cast %parallel_loop3A_103 : i32 to index
        %parallel_loop3A_122 = arith.constant 16 : index
        %parallel_loop3A_123 = tpu.vector_load %arg16[%parallel_loop3A_120, %parallel_loop3A_121, %parallel_loop3A_122] {strides = array<i32>} : memref<2x128x128xf32, #tpu.memory_space<vmem>>, vector<16xf32>,
        %parallel_loop3A_124 = arith.mulf %parallel_loop3A_123, %parallel_loop3A_107 : vector<16xf32>
        %parallel_loop3A_125 = arith.constant 1 : i32
        %parallel_loop3A_126 = arith.index_cast %parallel_loop3A_125 : i32 to index
        %parallel_loop3A_127 = arith.index_cast %parallel_loop3A_103 : i32 to index
        %parallel_loop3A_128 = arith.constant 16 : index
        %parallel_loop3A_129 = tpu.vector_load %arg16[%parallel_loop3A_126, %parallel_loop3A_127, %parallel_loop3A_128] {strides = array<i32>} : memref<2x128x128xf32, #tpu.memory_space<vmem>>, vector<16xf32>,
        tpu.vector_store %arg16[%parallel_loop3A_126, %parallel_loop3A_127, %parallel_loop3A_128], %parallel_loop3A_124 {strides = array<i32>} : memref<2x128x128xf32, #tpu.memory_space<vmem>>, vector<16xf32>,
        %parallel_loop3A_130 = tpu.vector_load_idx %arg14[%parallel_loop3A_106, %broadcast_in_dim3A_14] : memref<256x16xf32, #tpu.memory_space<vmem>>[vector<16xi32>, vector<16xi32>], vector<16xf32>,
        %parallel_loop3A_131 = arith.constant 1 : i32
        %parallel_loop3A_132 = arith.index_cast %parallel_loop3A_131 : i32 to index
        %parallel_loop3A_133 = arith.index_cast %parallel_loop3A_103 : i32 to index
        %parallel_loop3A_134 = arith.constant 32 : index
        %parallel_loop3A_135 = tpu.vector_load %arg16[%parallel_loop3A_132, %parallel_loop3A_133, %parallel_loop3A_134] {strides = array<i32>} : memref<2x128x128xf32, #tpu.memory_space<vmem>>, vector<16xf32>,
        %parallel_loop3A_136 = arith.mulf %parallel_loop3A_135, %parallel_loop3A_130 : vector<16xf32>
        %parallel_loop3A_137 = arith.constant 1 : i32
        %parallel_loop3A_138 = arith.index_cast %parallel_loop3A_137 : i32 to index
        %parallel_loop3A_139 = arith.index_cast %parallel_loop3A_103 : i32 to index
        %parallel_loop3A_140 = arith.constant 32 : index
        %parallel_loop3A_141 = tpu.vector_load %arg16[%parallel_loop3A_138, %parallel_loop3A_139, %parallel_loop3A_140] {strides = array<i32>} : memref<2x128x128xf32, #tpu.memory_space<vmem>>, vector<16xf32>,
        tpu.vector_store %arg16[%parallel_loop3A_138, %parallel_loop3A_139, %parallel_loop3A_140], %parallel_loop3A_136 {strides = array<i32>} : memref<2x128x128xf32, #tpu.memory_space<vmem>>, vector<16xf32>,
        %parallel_loop3A_142 = arith.constant 1 : i32
        %parallel_loop3A_143 = arith.index_cast %parallel_loop3A_142 : i32 to index
        %parallel_loop3A_144 = arith.index_cast %parallel_loop3A_103 : i32 to index
        %parallel_loop3A_145 = arith.constant 48 : index
        %parallel_loop3A_146 = tpu.vector_load %arg16[%parallel_loop3A_143, %parallel_loop3A_144, %parallel_loop3A_145] {strides = array<i32>} : memref<2x128x128xf32, #tpu.memory_space<vmem>>, vector<16xf32>,
        %parallel_loop3A_147 = arith.mulf %parallel_loop3A_146, %parallel_loop3A_130 : vector<16xf32>
        %parallel_loop3A_148 = arith.constant 1 : i32
        %parallel_loop3A_149 = arith.index_cast %parallel_loop3A_148 : i32 to index
        %parallel_loop3A_150 = arith.index_cast %parallel_loop3A_103 : i32 to index
        %parallel_loop3A_151 = arith.constant 48 : index
        %parallel_loop3A_152 = tpu.vector_load %arg16[%parallel_loop3A_149, %parallel_loop3A_150, %parallel_loop3A_151] {strides = array<i32>} : memref<2x128x128xf32, #tpu.memory_space<vmem>>, vector<16xf32>,
        tpu.vector_store %arg16[%parallel_loop3A_149, %parallel_loop3A_150, %parallel_loop3A_151], %parallel_loop3A_147 {strides = array<i32>} : memref<2x128x128xf32, #tpu.memory_space<vmem>>, vector<16xf32>,
        %parallel_loop3A_153 = tpu.vector_load_idx %arg14[%parallel_loop3A_106, %broadcast_in_dim3A_17] : memref<256x16xf32, #tpu.memory_space<vmem>>[vector<16xi32>, vector<16xi32>], vector<16xf32>,
        %parallel_loop3A_154 = arith.constant 1 : i32
        %parallel_loop3A_155 = arith.index_cast %parallel_loop3A_154 : i32 to index
        %parallel_loop3A_156 = arith.index_cast %parallel_loop3A_103 : i32 to index
        %parallel_loop3A_157 = arith.constant 64 : index
        %parallel_loop3A_158 = tpu.vector_load %arg16[%parallel_loop3A_155, %parallel_loop3A_156, %parallel_loop3A_157] {strides = array<i32>} : memref<2x128x128xf32, #tpu.memory_space<vmem>>, vector<16xf32>,
        %parallel_loop3A_159 = arith.mulf %parallel_loop3A_158, %parallel_loop3A_153 : vector<16xf32>
        %parallel_loop3A_160 = arith.constant 1 : i32
        %parallel_loop3A_161 = arith.index_cast %parallel_loop3A_160 : i32 to index
        %parallel_loop3A_162 = arith.index_cast %parallel_loop3A_103 : i32 to index
        %parallel_loop3A_163 = arith.constant 64 : index
        %parallel_loop3A_164 = tpu.vector_load %arg16[%parallel_loop3A_161, %parallel_loop3A_162, %parallel_loop3A_163] {strides = array<i32>} : memref<2x128x128xf32, #tpu.memory_space<vmem>>, vector<16xf32>,
        tpu.vector_store %arg16[%parallel_loop3A_161, %parallel_loop3A_162, %parallel_loop3A_163], %parallel_loop3A_159 {strides = array<i32>} : memref<2x128x128xf32, #tpu.memory_space<vmem>>, vector<16xf32>,
        %parallel_loop3A_165 = arith.constant 1 : i32
        %parallel_loop3A_166 = arith.index_cast %parallel_loop3A_165 : i32 to index
        %parallel_loop3A_167 = arith.index_cast %parallel_loop3A_103 : i32 to index
        %parallel_loop3A_168 = arith.constant 80 : index
        %parallel_loop3A_169 = tpu.vector_load %arg16[%parallel_loop3A_166, %parallel_loop3A_167, %parallel_loop3A_168] {strides = array<i32>} : memref<2x128x128xf32, #tpu.memory_space<vmem>>, vector<16xf32>,
        %parallel_loop3A_170 = arith.mulf %parallel_loop3A_169, %parallel_loop3A_153 : vector<16xf32>
        %parallel_loop3A_171 = arith.constant 1 : i32
        %parallel_loop3A_172 = arith.index_cast %parallel_loop3A_171 : i32 to index
        %parallel_loop3A_173 = arith.index_cast %parallel_loop3A_103 : i32 to index
        %parallel_loop3A_174 = arith.constant 80 : index
        %parallel_loop3A_175 = tpu.vector_load %arg16[%parallel_loop3A_172, %parallel_loop3A_173, %parallel_loop3A_174] {strides = array<i32>} : memref<2x128x128xf32, #tpu.memory_space<vmem>>, vector<16xf32>,
        tpu.vector_store %arg16[%parallel_loop3A_172, %parallel_loop3A_173, %parallel_loop3A_174], %parallel_loop3A_170 {strides = array<i32>} : memref<2x128x128xf32, #tpu.memory_space<vmem>>, vector<16xf32>,
        %parallel_loop3A_176 = tpu.vector_load_idx %arg14[%parallel_loop3A_106, %broadcast_in_dim3A_20] : memref<256x16xf32, #tpu.memory_space<vmem>>[vector<16xi32>, vector<16xi32>], vector<16xf32>,
        %parallel_loop3A_177 = arith.constant 1 : i32
        %parallel_loop3A_178 = arith.index_cast %parallel_loop3A_177 : i32 to index
        %parallel_loop3A_179 = arith.index_cast %parallel_loop3A_103 : i32 to index
        %parallel_loop3A_180 = arith.constant 96 : index
        %parallel_loop3A_181 = tpu.vector_load %arg16[%parallel_loop3A_178, %parallel_loop3A_179, %parallel_loop3A_180] {strides = array<i32>} : memref<2x128x128xf32, #tpu.memory_space<vmem>>, vector<16xf32>,
        %parallel_loop3A_182 = arith.mulf %parallel_loop3A_181, %parallel_loop3A_176 : vector<16xf32>
        %parallel_loop3A_183 = arith.constant 1 : i32
        %parallel_loop3A_184 = arith.index_cast %parallel_loop3A_183 : i32 to index
        %parallel_loop3A_185 = arith.index_cast %parallel_loop3A_103 : i32 to index
        %parallel_loop3A_186 = arith.constant 96 : index
        %parallel_loop3A_187 = tpu.vector_load %arg16[%parallel_loop3A_184, %parallel_loop3A_185, %parallel_loop3A_186] {strides = array<i32>} : memref<2x128x128xf32, #tpu.memory_space<vmem>>, vector<16xf32>,
        tpu.vector_store %arg16[%parallel_loop3A_184, %parallel_loop3A_185, %parallel_loop3A_186], %parallel_loop3A_182 {strides = array<i32>} : memref<2x128x128xf32, #tpu.memory_space<vmem>>, vector<16xf32>,
        %parallel_loop3A_188 = arith.constant 1 : i32
        %parallel_loop3A_189 = arith.index_cast %parallel_loop3A_188 : i32 to index
        %parallel_loop3A_190 = arith.index_cast %parallel_loop3A_103 : i32 to index
        %parallel_loop3A_191 = arith.constant 112 : index
        %parallel_loop3A_192 = tpu.vector_load %arg16[%parallel_loop3A_189, %parallel_loop3A_190, %parallel_loop3A_191] {strides = array<i32>} : memref<2x128x128xf32, #tpu.memory_space<vmem>>, vector<16xf32>,
        %parallel_loop3A_193 = arith.mulf %parallel_loop3A_192, %parallel_loop3A_176 : vector<16xf32>
        %parallel_loop3A_194 = arith.constant 1 : i32
        %parallel_loop3A_195 = arith.index_cast %parallel_loop3A_194 : i32 to index
        %parallel_loop3A_196 = arith.index_cast %parallel_loop3A_103 : i32 to index
        %parallel_loop3A_197 = arith.constant 112 : index
        %parallel_loop3A_198 = tpu.vector_load %arg16[%parallel_loop3A_195, %parallel_loop3A_196, %parallel_loop3A_197] {strides = array<i32>} : memref<2x128x128xf32, #tpu.memory_space<vmem>>, vector<16xf32>,
        tpu.vector_store %arg16[%parallel_loop3A_195, %parallel_loop3A_196, %parallel_loop3A_197], %parallel_loop3A_193 {strides = array<i32>} : memref<2x128x128xf32, #tpu.memory_space<vmem>>, vector<16xf32>,
      } {sc.loop_unroll_factor = 1 : i64, sc.parallel_access}
      %run_scoped3A_101 = arith.constant 1 : i32
      %run_scoped3A_102 = arith.constant 1 : i32
      "tpu.region"() ({
        %run_scoped3A_103 = tpu.sem_alloc : memref<!tpu.dma_semaphore, #tpu.memory_space<semaphore_mem>>
        %dma_start3A_104 = arith.constant 0 : i32
        %dma_start3A_105 = arith.constant 0 : i32
        %dma_start3A_106 = tpu.memref_slice %arg16[%run_scoped3A_101, %dma_start3A_104, %dma_start3A_105] : memref<2x128x128xf32, #tpu.memory_space<vmem>> -> memref<1x128x128xf32, #tpu.memory_space<vmem>>
        %dma_start3A_107 = tpu.memref_squeeze %dma_start3A_106 : memref<1x128x128xf32, #tpu.memory_space<vmem>> -> memref<128x128xf32, #tpu.memory_space<vmem>>
        %dma_start3A_108 = arith.constant 0 : i32
        %dma_start3A_109 = tpu.memref_slice %arg13[%run_scoped3A_102, %dma_start3A_108] : memref<2x128xi32, #tpu.memory_space<vmem>> -> memref<1x128xi32, #tpu.memory_space<vmem>>
        %dma_start3A_110 = tpu.memref_squeeze %dma_start3A_109 : memref<1x128xi32, #tpu.memory_space<vmem>> -> memref<128xi32, #tpu.memory_space<vmem>>
        %dma_start3A_111 = arith.constant 0 : i32
        %dma_start3A_112 = arith.constant 0 : i32
        %dma_start3A_113 = tpu.memref_slice %arg17[%dma_start3A_111, %dma_start3A_112] : memref<10240x128xf32, #tpu.memory_space<vmem_shared>> -> memref<10240x128xf32, #tpu.memory_space<vmem_shared>>
        tpu.enqueue_indirect_dma source(%dma_start3A_107 : memref<128x128xf32, #tpu.memory_space<vmem>>) target(%dma_start3A_113 : memref<10240x128xf32, #tpu.memory_space<vmem_shared>>) offsets(%dma_start3A_110 : memref<128xi32, #tpu.memory_space<vmem>>) semaphore(%run_scoped3A_103 : memref<!tpu.dma_semaphore, #tpu.memory_space<semaphore_mem>>) {add = true}
        %dma_wait3A_114 = arith.constant 0 : i32
        %dma_wait3A_115 = arith.constant 0 : i32
        %dma_wait3A_116 = tpu.memref_slice %arg16[%run_scoped3A_101, %dma_wait3A_114, %dma_wait3A_115] : memref<2x128x128xf32, #tpu.memory_space<vmem>> -> memref<1x128x128xf32, #tpu.memory_space<vmem>>
        %dma_wait3A_117 = tpu.memref_squeeze %dma_wait3A_116 : memref<1x128x128xf32, #tpu.memory_space<vmem>> -> memref<128x128xf32, #tpu.memory_space<vmem>>
        %dma_wait3A_118 = arith.constant 0 : i32
        %dma_wait3A_119 = tpu.memref_slice %arg13[%run_scoped3A_102, %dma_wait3A_118] : memref<2x128xi32, #tpu.memory_space<vmem>> -> memref<1x128xi32, #tpu.memory_space<vmem>>
        %dma_wait3A_120 = tpu.memref_squeeze %dma_wait3A_119 : memref<1x128xi32, #tpu.memory_space<vmem>> -> memref<128xi32, #tpu.memory_space<vmem>>
        %dma_wait3A_121 = arith.constant 0 : i32
        %dma_wait3A_122 = arith.constant 0 : i32
        %dma_wait3A_123 = tpu.memref_slice %arg17[%dma_wait3A_121, %dma_wait3A_122] : memref<10240x128xf32, #tpu.memory_space<vmem_shared>> -> memref<10240x128xf32, #tpu.memory_space<vmem_shared>>
        tpu.wait_indirect_dma semaphore(%run_scoped3A_103 : memref<!tpu.dma_semaphore, #tpu.memory_space<semaphore_mem>>) src(%dma_wait3A_117 : memref<128x128xf32, #tpu.memory_space<vmem>>) dst(%dma_wait3A_123 : memref<10240x128xf32, #tpu.memory_space<vmem_shared>>)
        tpu.yield
      }) : () -> ()
    }
    %scan3A_25 = arith.constant 42 : i32
    %barrier3A_26 = arith.constant 0 : index
    tpu.barrier barrier_id(%barrier3A_26)
    "tpu.region"() ({
      %run_scoped3A = tpu.sem_alloc : memref<!tpu.dma_semaphore, #tpu.memory_space<semaphore_mem>>
      %dma_start3A = arith.constant 0 : i32
      %dma_start3A_27 = tpu.memref_slice %arg11[%arg0, %mul3A_6, %dma_start3A] : memref<2x10240x128xf32, #tpu.memory_space<hbm>> -> memref<1x640x128xf32, #tpu.memory_space<hbm>>
      %dma_start3A_28 = tpu.memref_squeeze %dma_start3A_27 : memref<1x640x128xf32, #tpu.memory_space<hbm>> -> memref<640x128xf32, #tpu.memory_space<hbm>>
      %dma_start3A_29 = arith.constant 0 : i32
      %dma_start3A_30 = tpu.memref_slice %arg17[%mul3A_6, %dma_start3A_29] : memref<10240x128xf32, #tpu.memory_space<vmem_shared>> -> memref<640x128xf32, #tpu.memory_space<vmem_shared>>
      tpu.enqueue_dma source(%dma_start3A_30 : memref<640x128xf32, #tpu.memory_space<vmem_shared>>) target(%dma_start3A_28 : memref<640x128xf32, #tpu.memory_space<hbm>>) target_semaphore(%run_scoped3A : memref<!tpu.dma_semaphore, #tpu.memory_space<semaphore_mem>>)
      %dma_wait3A = arith.constant 0 : i32
      %dma_wait3A_31 = tpu.memref_slice %arg11[%arg0, %mul3A_6, %dma_wait3A] : memref<2x10240x128xf32, #tpu.memory_space<hbm>> -> memref<1x640x128xf32, #tpu.memory_space<hbm>>
      %dma_wait3A_32 = tpu.memref_squeeze %dma_wait3A_31 : memref<1x640x128xf32, #tpu.memory_space<hbm>> -> memref<640x128xf32, #tpu.memory_space<hbm>>
      %dma_wait3A_33 = arith.constant 0 : i32
      %dma_wait3A_34 = tpu.memref_slice %arg17[%mul3A_6, %dma_wait3A_33] : memref<10240x128xf32, #tpu.memory_space<vmem_shared>> -> memref<640x128xf32, #tpu.memory_space<vmem_shared>>
      tpu.wait_dma2 semaphore(%run_scoped3A : memref<!tpu.dma_semaphore, #tpu.memory_space<semaphore_mem>>) src(%dma_wait3A_34 : memref<640x128xf32, #tpu.memory_space<vmem_shared>>) dst(%dma_wait3A_32 : memref<640x128xf32, #tpu.memory_space<hbm>>)
      tpu.yield
    }) : () -> ()
    return
  }
}

module attributes {stable_mosaic.version = 14 : i64} {
  func.func @_tc_first_body(%arg0: i32, %arg1: memref<512x256xf32, #tpu.memory_space<vmem>>, %arg2: memref<256x256xf32, #tpu.memory_space<vmem>>, %arg3: memref<256x16xf32, #tpu.memory_space<vmem>>, %arg4: memref<256x16xf32, #tpu.memory_space<vmem>>, %arg5: memref<512x128xf32, #tpu.memory_space<vmem>>, %arg6: memref<512x128xf32, #tpu.memory_space<vmem>>, %arg7: memref<512x16xf32, #tpu.memory_space<vmem>>, %arg8: memref<512x16xf32, #tpu.memory_space<vmem>>) attributes {dimension_semantics = [#tpu.dimension_semantics<arbitrary>], iteration_bounds = array<i64: 20>, scalar_prefetch = 0 : i64, scratch_operands = 0 : i64, tpu.core_type = #tpu.core_type<tc>, window_params = [{transform_indices = @transform_0, window_bounds = array<i64: 512, 256>}, {pipeline_mode = #tpu.pipeline_mode<synchronous>, transform_indices = @transform_1, window_bounds = array<i64: 256, 256>}, {pipeline_mode = #tpu.pipeline_mode<synchronous>, transform_indices = @transform_2, window_bounds = array<i64: 256, 16>}, {pipeline_mode = #tpu.pipeline_mode<synchronous>, transform_indices = @transform_3, window_bounds = array<i64: 256, 16>}, {transform_indices = @transform_4, window_bounds = array<i64: 512, 128>}, {transform_indices = @transform_5, window_bounds = array<i64: 512, 128>}, {transform_indices = @transform_6, window_bounds = array<i64: 512, 16>}, {transform_indices = @transform_7, window_bounds = array<i64: 512, 16>}]} {
    %get3A = arith.constant 0 : index
    %get3A_0 = arith.constant 0 : index
    %get3A_1 = vector.load %arg1[%get3A, %get3A_0] : memref<512x256xf32, #tpu.memory_space<vmem>>, vector<512x256xf32>
    %get3A_2 = arith.constant 0 : index
    %get3A_3 = arith.constant 0 : index
    %get3A_4 = vector.load %arg2[%get3A_2, %get3A_3] : memref<256x256xf32, #tpu.memory_space<vmem>>, vector<256x256xf32>
    %dot_general3A = arith.constant dense<0.000000e+00> : vector<512x256xf32>
    %dot_general3A_5 = tpu.matmul %get3A_1, %get3A_4, %dot_general3A {dimension_numbers = #tpu.dot_dimension_numbers<[1], [0], [0], [1], [0, 0, 1, 1], [], []>, transpose_lhs_hint = false} : vector<512x256xf32>, vector<256x256xf32>, vector<512x256xf32> -> vector<512x256xf32>
    %slice3A = vector.extract_strided_slice %dot_general3A_5 {offsets = [0, 0], sizes = [512, 128], strides = [1, 1]} : vector<512x256xf32> to vector<512x128xf32>
    %swap3A = arith.constant 0 : index
    %swap3A_6 = arith.constant 0 : index
    %swap3A_7 = vector.load %arg5[%swap3A, %swap3A_6] : memref<512x128xf32, #tpu.memory_space<vmem>>, vector<512x128xf32>
    tpu.vector_store %arg5[%swap3A, %swap3A_6], %slice3A {strides = array<i32>} : memref<512x128xf32, #tpu.memory_space<vmem>>, vector<512x128xf32>,
    %slice3A_8 = vector.extract_strided_slice %dot_general3A_5 {offsets = [0, 128], sizes = [512, 128], strides = [1, 1]} : vector<512x256xf32> to vector<512x128xf32>
    %swap3A_9 = arith.constant 0 : index
    %swap3A_10 = arith.constant 0 : index
    %swap3A_11 = vector.load %arg6[%swap3A_9, %swap3A_10] : memref<512x128xf32, #tpu.memory_space<vmem>>, vector<512x128xf32>
    tpu.vector_store %arg6[%swap3A_9, %swap3A_10], %slice3A_8 {strides = array<i32>} : memref<512x128xf32, #tpu.memory_space<vmem>>, vector<512x128xf32>,
    %get3A_12 = arith.constant 0 : index
    %get3A_13 = arith.constant 0 : index
    %get3A_14 = vector.load %arg3[%get3A_12, %get3A_13] : memref<256x16xf32, #tpu.memory_space<vmem>>, vector<256x16xf32>
    %dot_general3A_15 = arith.constant dense<0.000000e+00> : vector<512x16xf32>
    %dot_general3A_16 = tpu.matmul %dot_general3A_5, %get3A_14, %dot_general3A_15 {dimension_numbers = #tpu.dot_dimension_numbers<[1], [0], [0], [1], [0, 0, 1, 1], [], []>, transpose_lhs_hint = false} : vector<512x256xf32>, vector<256x16xf32>, vector<512x16xf32> -> vector<512x16xf32>
    %swap3A_17 = arith.constant 0 : index
    %swap3A_18 = arith.constant 0 : index
    %swap3A_19 = vector.load %arg7[%swap3A_17, %swap3A_18] : memref<512x16xf32, #tpu.memory_space<vmem>>, vector<512x16xf32>
    tpu.vector_store %arg7[%swap3A_17, %swap3A_18], %dot_general3A_16 {strides = array<i32>} : memref<512x16xf32, #tpu.memory_space<vmem>>, vector<512x16xf32>,
    %get3A_20 = arith.constant 0 : index
    %get3A_21 = arith.constant 0 : index
    %get3A_22 = vector.load %arg4[%get3A_20, %get3A_21] : memref<256x16xf32, #tpu.memory_space<vmem>>, vector<256x16xf32>
    %dot_general3A_23 = arith.constant dense<0.000000e+00> : vector<512x16xf32>
    %dot_general3A_24 = tpu.matmul %dot_general3A_5, %get3A_22, %dot_general3A_23 {dimension_numbers = #tpu.dot_dimension_numbers<[1], [0], [0], [1], [0, 0, 1, 1], [], []>, transpose_lhs_hint = false} : vector<512x256xf32>, vector<256x16xf32>, vector<512x16xf32> -> vector<512x16xf32>
    %swap3A_25 = arith.constant 0 : index
    %swap3A_26 = arith.constant 0 : index
    %swap3A_27 = vector.load %arg8[%swap3A_25, %swap3A_26] : memref<512x16xf32, #tpu.memory_space<vmem>>, vector<512x16xf32>
    tpu.vector_store %arg8[%swap3A_25, %swap3A_26], %dot_general3A_24 {strides = array<i32>} : memref<512x16xf32, #tpu.memory_space<vmem>>, vector<512x16xf32>,
    return
  }
  func.func @transform_0(%arg0: i32) -> (i32, i32) {
    %c0_i32 = arith.constant 0 : i32
    %c0_i32_0 = arith.constant 0 : i32
    return %arg0, %c0_i32 : i32, i32
  }
  func.func @transform_1(%arg0: i32) -> (i32, i32) {
    %c0_i32 = arith.constant 0 : i32
    %c0_i32_0 = arith.constant 0 : i32
    %c0_i32_1 = arith.constant 0 : i32
    return %c0_i32, %c0_i32_0 : i32, i32
  }
  func.func @transform_2(%arg0: i32) -> (i32, i32) {
    %c0_i32 = arith.constant 0 : i32
    %c0_i32_0 = arith.constant 0 : i32
    %c0_i32_1 = arith.constant 0 : i32
    return %c0_i32, %c0_i32_0 : i32, i32
  }
  func.func @transform_3(%arg0: i32) -> (i32, i32) {
    %c0_i32 = arith.constant 0 : i32
    %c0_i32_0 = arith.constant 0 : i32
    %c0_i32_1 = arith.constant 0 : i32
    return %c0_i32, %c0_i32_0 : i32, i32
  }
  func.func @transform_4(%arg0: i32) -> (i32, i32) {
    %c0_i32 = arith.constant 0 : i32
    %c0_i32_0 = arith.constant 0 : i32
    return %arg0, %c0_i32 : i32, i32
  }
  func.func @transform_5(%arg0: i32) -> (i32, i32) {
    %c0_i32 = arith.constant 0 : i32
    %c0_i32_0 = arith.constant 0 : i32
    return %arg0, %c0_i32 : i32, i32
  }
  func.func @transform_6(%arg0: i32) -> (i32, i32) {
    %c0_i32 = arith.constant 0 : i32
    %c0_i32_0 = arith.constant 0 : i32
    return %arg0, %c0_i32 : i32, i32
  }
  func.func @transform_7(%arg0: i32) -> (i32, i32) {
    %c0_i32 = arith.constant 0 : i32
    %c0_i32_0 = arith.constant 0 : i32
    return %arg0, %c0_i32 : i32, i32
  }
}

module attributes {stable_mosaic.version = 14 : i64} {
  func.func @_denr_body(%arg0: i32, %arg1: memref<512x16xf32, #tpu.memory_space<vmem>>, %arg2: memref<512x16xf32, #tpu.memory_space<vmem>>, %arg3: memref<512x16xf32, #tpu.memory_space<vmem>>) attributes {dimension_semantics = [#tpu.dimension_semantics<arbitrary>], iteration_bounds = array<i64: 20>, scalar_prefetch = 0 : i64, scratch_operands = 0 : i64, tpu.core_type = #tpu.core_type<tc>, window_params = [{transform_indices = @transform_0, window_bounds = array<i64: 512, 16>}, {transform_indices = @transform_1, window_bounds = array<i64: 512, 16>}, {transform_indices = @transform_2, window_bounds = array<i64: 512, 16>}]} {
    %get3A = arith.constant 0 : index
    %get3A_0 = arith.constant 0 : index
    %get3A_1 = vector.load %arg1[%get3A, %get3A_0] : memref<512x16xf32, #tpu.memory_space<vmem>>, vector<512x16xf32>
    %get3A_2 = arith.constant 0 : index
    %get3A_3 = arith.constant 0 : index
    %get3A_4 = vector.load %arg2[%get3A_2, %get3A_3] : memref<512x16xf32, #tpu.memory_space<vmem>>, vector<512x16xf32>
    %add3A = arith.addf %get3A_1, %get3A_4 : vector<512x16xf32>
    %add3A_5 = arith.constant 1.000000e-16 : f32
    %add3A_6 = vector.broadcast %add3A_5 : f32 to vector<512x16xf32>
    %add3A_7 = arith.addf %add3A, %add3A_6 : vector<512x16xf32>
    %div3A = arith.constant 1.000000e+00 : f32
    %div3A_8 = vector.broadcast %div3A : f32 to vector<512x16xf32>
    %div3A_9 = arith.divf %div3A_8, %add3A_7 : vector<512x16xf32>
    %swap3A = arith.constant 0 : index
    %swap3A_10 = arith.constant 0 : index
    %swap3A_11 = vector.load %arg3[%swap3A, %swap3A_10] : memref<512x16xf32, #tpu.memory_space<vmem>>, vector<512x16xf32>
    tpu.vector_store %arg3[%swap3A, %swap3A_10], %div3A_9 {strides = array<i32>} : memref<512x16xf32, #tpu.memory_space<vmem>>, vector<512x16xf32>,
    return
  }
  func.func @transform_0(%arg0: i32) -> (i32, i32) {
    %c0_i32 = arith.constant 0 : i32
    %c0_i32_0 = arith.constant 0 : i32
    return %arg0, %c0_i32 : i32, i32
  }
  func.func @transform_1(%arg0: i32) -> (i32, i32) {
    %c0_i32 = arith.constant 0 : i32
    %c0_i32_0 = arith.constant 0 : i32
    return %arg0, %c0_i32 : i32, i32
  }
  func.func @transform_2(%arg0: i32) -> (i32, i32) {
    %c0_i32 = arith.constant 0 : i32
    %c0_i32_0 = arith.constant 0 : i32
    return %arg0, %c0_i32 : i32, i32
  }
}

module attributes {stable_mosaic.version = 14 : i64} {
  func.func @_tc_mid_body(%arg0: i32, %arg1: memref<512x128xf32, #tpu.memory_space<vmem>>, %arg2: memref<512x128xf32, #tpu.memory_space<vmem>>, %arg3: memref<1x256xf32, #tpu.memory_space<vmem>>, %arg4: memref<256x256xf32, #tpu.memory_space<vmem>>, %arg5: memref<256x16xf32, #tpu.memory_space<vmem>>, %arg6: memref<256x16xf32, #tpu.memory_space<vmem>>, %arg7: memref<512x128xf32, #tpu.memory_space<vmem>>, %arg8: memref<512x128xf32, #tpu.memory_space<vmem>>, %arg9: memref<512x16xf32, #tpu.memory_space<vmem>>, %arg10: memref<512x16xf32, #tpu.memory_space<vmem>>) attributes {dimension_semantics = [#tpu.dimension_semantics<arbitrary>], iteration_bounds = array<i64: 20>, scalar_prefetch = 0 : i64, scratch_operands = 0 : i64, tpu.core_type = #tpu.core_type<tc>, window_params = [{transform_indices = @transform_0, window_bounds = array<i64: 512, 128>}, {transform_indices = @transform_1, window_bounds = array<i64: 512, 128>}, {pipeline_mode = #tpu.pipeline_mode<synchronous>, transform_indices = @transform_2, window_bounds = array<i64: 1, 256>}, {pipeline_mode = #tpu.pipeline_mode<synchronous>, transform_indices = @transform_3, window_bounds = array<i64: 256, 256>}, {pipeline_mode = #tpu.pipeline_mode<synchronous>, transform_indices = @transform_4, window_bounds = array<i64: 256, 16>}, {pipeline_mode = #tpu.pipeline_mode<synchronous>, transform_indices = @transform_5, window_bounds = array<i64: 256, 16>}, {transform_indices = @transform_6, window_bounds = array<i64: 512, 128>}, {transform_indices = @transform_7, window_bounds = array<i64: 512, 128>}, {transform_indices = @transform_8, window_bounds = array<i64: 512, 16>}, {transform_indices = @transform_9, window_bounds = array<i64: 512, 16>}]} {
    %get3A = arith.constant 0 : index
    %get3A_0 = arith.constant 0 : index
    %get3A_1 = vector.load %arg3[%get3A, %get3A_0] : memref<1x256xf32, #tpu.memory_space<vmem>>, vector<1x256xf32>
    %get3A_2 = arith.constant 0 : index
    %get3A_3 = arith.constant 0 : index
    %get3A_4 = vector.load %arg1[%get3A_2, %get3A_3] : memref<512x128xf32, #tpu.memory_space<vmem>>, vector<512x128xf32>
    %slice3A = vector.extract_strided_slice %get3A_1 {offsets = [0, 0], sizes = [1, 128], strides = [1, 1]} : vector<1x256xf32> to vector<1x128xf32>
    %add3A = vector.broadcast %slice3A : vector<1x128xf32> to vector<512x128xf32>
    %add3A_5 = arith.addf %get3A_4, %add3A : vector<512x128xf32>
    %get3A_6 = arith.constant 0 : index
    %get3A_7 = arith.constant 0 : index
    %get3A_8 = vector.load %arg2[%get3A_6, %get3A_7] : memref<512x128xf32, #tpu.memory_space<vmem>>, vector<512x128xf32>
    %slice3A_9 = vector.extract_strided_slice %get3A_1 {offsets = [0, 128], sizes = [1, 128], strides = [1, 1]} : vector<1x256xf32> to vector<1x128xf32>
    %add3A_10 = vector.broadcast %slice3A_9 : vector<1x128xf32> to vector<512x128xf32>
    %add3A_11 = arith.addf %get3A_8, %add3A_10 : vector<512x128xf32>
    %gt3A = arith.constant 0.000000e+00 : f32
    %gt3A_12 = vector.broadcast %gt3A : f32 to vector<512x128xf32>
    %gt3A_13 = arith.cmpf ogt, %add3A_5, %gt3A_12 : vector<512x128xf32>
    %exp3A = math.exp %add3A_5 : vector<512x128xf32>
    %sub3A = arith.constant 1.000000e+00 : f32
    %sub3A_14 = vector.broadcast %sub3A : f32 to vector<512x128xf32>
    %sub3A_15 = arith.subf %exp3A, %sub3A_14 : vector<512x128xf32>
    %select_n3A = arith.select %gt3A_13, %add3A_5, %sub3A_15 : vector<512x128xi1>, vector<512x128xf32>
    %gt3A_16 = arith.constant 0.000000e+00 : f32
    %gt3A_17 = vector.broadcast %gt3A_16 : f32 to vector<512x128xf32>
    %gt3A_18 = arith.cmpf ogt, %add3A_11, %gt3A_17 : vector<512x128xf32>
    %exp3A_19 = math.exp %add3A_11 : vector<512x128xf32>
    %sub3A_20 = arith.constant 1.000000e+00 : f32
    %sub3A_21 = vector.broadcast %sub3A_20 : f32 to vector<512x128xf32>
    %sub3A_22 = arith.subf %exp3A_19, %sub3A_21 : vector<512x128xf32>
    %select_n3A_23 = arith.select %gt3A_18, %add3A_11, %sub3A_22 : vector<512x128xi1>, vector<512x128xf32>
    %get3A_24 = arith.constant 0 : index
    %get3A_25 = arith.constant 0 : index
    %get3A_26 = vector.load %arg4[%get3A_24, %get3A_25] : memref<256x256xf32, #tpu.memory_space<vmem>>, vector<128x256xf32>
    %dot_general3A = arith.constant dense<0.000000e+00> : vector<512x256xf32>
    %dot_general3A_27 = tpu.matmul %select_n3A, %get3A_26, %dot_general3A {dimension_numbers = #tpu.dot_dimension_numbers<[1], [0], [0], [1], [0, 0, 1, 1], [], []>, transpose_lhs_hint = false} : vector<512x128xf32>, vector<128x256xf32>, vector<512x256xf32> -> vector<512x256xf32>
    %get3A_28 = arith.constant 128 : index
    %get3A_29 = arith.constant 0 : index
    %get3A_30 = vector.load %arg4[%get3A_28, %get3A_29] : memref<256x256xf32, #tpu.memory_space<vmem>>, vector<128x256xf32>
    %dot_general3A_31 = arith.constant dense<0.000000e+00> : vector<512x256xf32>
    %dot_general3A_32 = tpu.matmul %select_n3A_23, %get3A_30, %dot_general3A_31 {dimension_numbers = #tpu.dot_dimension_numbers<[1], [0], [0], [1], [0, 0, 1, 1], [], []>, transpose_lhs_hint = false} : vector<512x128xf32>, vector<128x256xf32>, vector<512x256xf32> -> vector<512x256xf32>
    %add3A_33 = arith.addf %dot_general3A_27, %dot_general3A_32 : vector<512x256xf32>
    %slice3A_34 = vector.extract_strided_slice %add3A_33 {offsets = [0, 0], sizes = [512, 128], strides = [1, 1]} : vector<512x256xf32> to vector<512x128xf32>
    %swap3A = arith.constant 0 : index
    %swap3A_35 = arith.constant 0 : index
    %swap3A_36 = vector.load %arg7[%swap3A, %swap3A_35] : memref<512x128xf32, #tpu.memory_space<vmem>>, vector<512x128xf32>
    tpu.vector_store %arg7[%swap3A, %swap3A_35], %slice3A_34 {strides = array<i32>} : memref<512x128xf32, #tpu.memory_space<vmem>>, vector<512x128xf32>,
    %slice3A_37 = vector.extract_strided_slice %add3A_33 {offsets = [0, 128], sizes = [512, 128], strides = [1, 1]} : vector<512x256xf32> to vector<512x128xf32>
    %swap3A_38 = arith.constant 0 : index
    %swap3A_39 = arith.constant 0 : index
    %swap3A_40 = vector.load %arg8[%swap3A_38, %swap3A_39] : memref<512x128xf32, #tpu.memory_space<vmem>>, vector<512x128xf32>
    tpu.vector_store %arg8[%swap3A_38, %swap3A_39], %slice3A_37 {strides = array<i32>} : memref<512x128xf32, #tpu.memory_space<vmem>>, vector<512x128xf32>,
    %get3A_41 = arith.constant 0 : index
    %get3A_42 = arith.constant 0 : index
    %get3A_43 = vector.load %arg5[%get3A_41, %get3A_42] : memref<256x16xf32, #tpu.memory_space<vmem>>, vector<256x16xf32>
    %dot_general3A_44 = arith.constant dense<0.000000e+00> : vector<512x16xf32>
    %dot_general3A_45 = tpu.matmul %add3A_33, %get3A_43, %dot_general3A_44 {dimension_numbers = #tpu.dot_dimension_numbers<[1], [0], [0], [1], [0, 0, 1, 1], [], []>, transpose_lhs_hint = false} : vector<512x256xf32>, vector<256x16xf32>, vector<512x16xf32> -> vector<512x16xf32>
    %swap3A_46 = arith.constant 0 : index
    %swap3A_47 = arith.constant 0 : index
    %swap3A_48 = vector.load %arg9[%swap3A_46, %swap3A_47] : memref<512x16xf32, #tpu.memory_space<vmem>>, vector<512x16xf32>
    tpu.vector_store %arg9[%swap3A_46, %swap3A_47], %dot_general3A_45 {strides = array<i32>} : memref<512x16xf32, #tpu.memory_space<vmem>>, vector<512x16xf32>,
    %get3A_49 = arith.constant 0 : index
    %get3A_50 = arith.constant 0 : index
    %get3A_51 = vector.load %arg6[%get3A_49, %get3A_50] : memref<256x16xf32, #tpu.memory_space<vmem>>, vector<256x16xf32>
    %dot_general3A_52 = arith.constant dense<0.000000e+00> : vector<512x16xf32>
    %dot_general3A_53 = tpu.matmul %add3A_33, %get3A_51, %dot_general3A_52 {dimension_numbers = #tpu.dot_dimension_numbers<[1], [0], [0], [1], [0, 0, 1, 1], [], []>, transpose_lhs_hint = false} : vector<512x256xf32>, vector<256x16xf32>, vector<512x16xf32> -> vector<512x16xf32>
    %swap3A_54 = arith.constant 0 : index
    %swap3A_55 = arith.constant 0 : index
    %swap3A_56 = vector.load %arg10[%swap3A_54, %swap3A_55] : memref<512x16xf32, #tpu.memory_space<vmem>>, vector<512x16xf32>
    tpu.vector_store %arg10[%swap3A_54, %swap3A_55], %dot_general3A_53 {strides = array<i32>} : memref<512x16xf32, #tpu.memory_space<vmem>>, vector<512x16xf32>,
    return
  }
  func.func @transform_0(%arg0: i32) -> (i32, i32) {
    %c0_i32 = arith.constant 0 : i32
    %c0_i32_0 = arith.constant 0 : i32
    return %arg0, %c0_i32 : i32, i32
  }
  func.func @transform_1(%arg0: i32) -> (i32, i32) {
    %c0_i32 = arith.constant 0 : i32
    %c0_i32_0 = arith.constant 0 : i32
    return %arg0, %c0_i32 : i32, i32
  }
  func.func @transform_2(%arg0: i32) -> (i32, i32) {
    %c0_i32 = arith.constant 0 : i32
    %c0_i32_0 = arith.constant 0 : i32
    %c0_i32_1 = arith.constant 0 : i32
    return %c0_i32, %c0_i32_0 : i32, i32
  }
  func.func @transform_3(%arg0: i32) -> (i32, i32) {
    %c0_i32 = arith.constant 0 : i32
    %c0_i32_0 = arith.constant 0 : i32
    %c0_i32_1 = arith.constant 0 : i32
    return %c0_i32, %c0_i32_0 : i32, i32
  }
  func.func @transform_4(%arg0: i32) -> (i32, i32) {
    %c0_i32 = arith.constant 0 : i32
    %c0_i32_0 = arith.constant 0 : i32
    %c0_i32_1 = arith.constant 0 : i32
    return %c0_i32, %c0_i32_0 : i32, i32
  }
  func.func @transform_5(%arg0: i32) -> (i32, i32) {
    %c0_i32 = arith.constant 0 : i32
    %c0_i32_0 = arith.constant 0 : i32
    %c0_i32_1 = arith.constant 0 : i32
    return %c0_i32, %c0_i32_0 : i32, i32
  }
  func.func @transform_6(%arg0: i32) -> (i32, i32) {
    %c0_i32 = arith.constant 0 : i32
    %c0_i32_0 = arith.constant 0 : i32
    return %arg0, %c0_i32 : i32, i32
  }
  func.func @transform_7(%arg0: i32) -> (i32, i32) {
    %c0_i32 = arith.constant 0 : i32
    %c0_i32_0 = arith.constant 0 : i32
    return %arg0, %c0_i32 : i32, i32
  }
  func.func @transform_8(%arg0: i32) -> (i32, i32) {
    %c0_i32 = arith.constant 0 : i32
    %c0_i32_0 = arith.constant 0 : i32
    return %arg0, %c0_i32 : i32, i32
  }
  func.func @transform_9(%arg0: i32) -> (i32, i32) {
    %c0_i32 = arith.constant 0 : i32
    %c0_i32_0 = arith.constant 0 : i32
    return %arg0, %c0_i32 : i32, i32
  }
}

module attributes {stable_mosaic.version = 14 : i64} {
  func.func @_pool_body(%arg0: i32, %arg1: memref<512x128xf32, #tpu.memory_space<vmem>>, %arg2: memref<512x128xf32, #tpu.memory_space<vmem>>, %arg3: memref<1x256xf32, #tpu.memory_space<vmem>>, %arg4: memref<1x1x512xi32, #tpu.memory_space<vmem>>, %arg5: memref<256x40xf32, #tpu.memory_space<vmem>>, %arg6: memref<1x40xf32, #tpu.memory_space<vmem>>, %arg7: memref<64x40xf32, #tpu.memory_space<vmem>>, %arg8: memref<64x256xf32, #tpu.memory_space<vmem>>, %arg9: memref<64x128xf32, #tpu.memory_space<vmem>>) attributes {dimension_semantics = [#tpu.dimension_semantics<arbitrary>], iteration_bounds = array<i64: 20>, scalar_prefetch = 0 : i64, scratch_operands = 2 : i64, tpu.core_type = #tpu.core_type<tc>, window_params = [{transform_indices = @transform_0, window_bounds = array<i64: 512, 128>}, {transform_indices = @transform_1, window_bounds = array<i64: 512, 128>}, {pipeline_mode = #tpu.pipeline_mode<synchronous>, transform_indices = @transform_2, window_bounds = array<i64: 1, 256>}, {transform_indices = @transform_3, window_bounds = array<i64: 1, 1, 512>}, {pipeline_mode = #tpu.pipeline_mode<synchronous>, transform_indices = @transform_4, window_bounds = array<i64: 256, 40>}, {pipeline_mode = #tpu.pipeline_mode<synchronous>, transform_indices = @transform_5, window_bounds = array<i64: 1, 40>}, {pipeline_mode = #tpu.pipeline_mode<synchronous>, transform_indices = @transform_6, window_bounds = array<i64: 64, 40>}]} {
    %eq3A = arith.constant 0 : i32
    %eq3A_0 = arith.cmpi eq, %arg0, %eq3A : i32
    %convert_element_type3A = arith.extui %eq3A_0 : i1 to i32
    %cond3A = arith.constant 0 : i32
    %cond3A_1 = arith.cmpi ne, %convert_element_type3A, %cond3A : i32
    scf.if %cond3A_1 {
      %broadcast_in_dim3A_45 = arith.constant 0.000000e+00 : f32
      %broadcast_in_dim3A_46 = vector.broadcast %broadcast_in_dim3A_45 : f32 to vector<64x256xf32>
      %swap3A_47 = arith.constant 0 : index
      %swap3A_48 = arith.constant 0 : index
      %swap3A_49 = vector.load %arg8[%swap3A_47, %swap3A_48] : memref<64x256xf32, #tpu.memory_space<vmem>>, vector<64x256xf32>
      tpu.vector_store %arg8[%swap3A_47, %swap3A_48], %broadcast_in_dim3A_46 {strides = array<i32>} : memref<64x256xf32, #tpu.memory_space<vmem>>, vector<64x256xf32>,
      %broadcast_in_dim3A_50 = arith.constant 0.000000e+00 : f32
      %broadcast_in_dim3A_51 = vector.broadcast %broadcast_in_dim3A_50 : f32 to vector<64x128xf32>
      %swap3A_52 = arith.constant 0 : index
      %swap3A_53 = arith.constant 0 : index
      %swap3A_54 = vector.load %arg9[%swap3A_52, %swap3A_53] : memref<64x128xf32, #tpu.memory_space<vmem>>, vector<64x128xf32>
      tpu.vector_store %arg9[%swap3A_52, %swap3A_53], %broadcast_in_dim3A_51 {strides = array<i32>} : memref<64x128xf32, #tpu.memory_space<vmem>>, vector<64x128xf32>,
    } else {
    }
    %get3A = arith.constant 0 : index
    %get3A_2 = arith.constant 0 : index
    %get3A_3 = vector.load %arg3[%get3A, %get3A_2] : memref<1x256xf32, #tpu.memory_space<vmem>>, vector<1x256xf32>
    %get3A_4 = arith.constant 0 : index
    %get3A_5 = arith.constant 0 : index
    %get3A_6 = vector.load %arg1[%get3A_4, %get3A_5] : memref<512x128xf32, #tpu.memory_space<vmem>>, vector<512x128xf32>
    %slice3A = vector.extract_strided_slice %get3A_3 {offsets = [0, 0], sizes = [1, 128], strides = [1, 1]} : vector<1x256xf32> to vector<1x128xf32>
    %add3A = vector.broadcast %slice3A : vector<1x128xf32> to vector<512x128xf32>
    %add3A_7 = arith.addf %get3A_6, %add3A : vector<512x128xf32>
    %get3A_8 = arith.constant 0 : index
    %get3A_9 = arith.constant 0 : index
    %get3A_10 = vector.load %arg2[%get3A_8, %get3A_9] : memref<512x128xf32, #tpu.memory_space<vmem>>, vector<512x128xf32>
    %slice3A_11 = vector.extract_strided_slice %get3A_3 {offsets = [0, 128], sizes = [1, 128], strides = [1, 1]} : vector<1x256xf32> to vector<1x128xf32>
    %add3A_12 = vector.broadcast %slice3A_11 : vector<1x128xf32> to vector<512x128xf32>
    %add3A_13 = arith.addf %get3A_10, %add3A_12 : vector<512x128xf32>
    %concatenate3A = tpu.concatenate %add3A_7, %add3A_13 in 1 : vector<512x128xf32>, vector<512x128xf32> -> vector<512x256xf32>
    %get3A_14 = arith.constant 0 : index
    %get3A_15 = arith.constant 0 : index
    %get3A_16 = arith.constant 0 : index
    %get3A_17 = vector.load %arg4[%get3A_14, %get3A_15, %get3A_16] : memref<1x1x512xi32, #tpu.memory_space<vmem>>, vector<1x1x512xi32>
    %get3A_18 = vector.shape_cast %get3A_17 : vector<1x1x512xi32> to vector<1x512xi32>
    %iota3A = tpu.iota {dimensions = array<i32: 0>} : vector<64x512xi32>
    %eq3A_19 = vector.broadcast %get3A_18 : vector<1x512xi32> to vector<64x512xi32>
    %eq3A_20 = arith.cmpi eq, %iota3A, %eq3A_19 : vector<64x512xi32>
    %convert_element_type3A_21 = arith.extui %eq3A_20 : vector<64x512xi1> to vector<64x512xi32>
    %convert_element_type3A_22 = arith.sitofp %convert_element_type3A_21 : vector<64x512xi32> to vector<64x512xf32>
    %get3A_23 = arith.constant 0 : index
    %get3A_24 = arith.constant 0 : index
    %get3A_25 = vector.load %arg8[%get3A_23, %get3A_24] : memref<64x256xf32, #tpu.memory_space<vmem>>, vector<64x256xf32>
    %dot_general3A = arith.constant dense<0.000000e+00> : vector<64x256xf32>
    %dot_general3A_26 = tpu.matmul %convert_element_type3A_22, %concatenate3A, %dot_general3A {dimension_numbers = #tpu.dot_dimension_numbers<[1], [0], [0], [1], [0, 0, 1, 1], [], []>, transpose_lhs_hint = false} : vector<64x512xf32>, vector<512x256xf32>, vector<64x256xf32> -> vector<64x256xf32>
    %add3A_27 = arith.addf %get3A_25, %dot_general3A_26 : vector<64x256xf32>
    %swap3A = arith.constant 0 : index
    %swap3A_28 = arith.constant 0 : index
    %swap3A_29 = vector.load %arg8[%swap3A, %swap3A_28] : memref<64x256xf32, #tpu.memory_space<vmem>>, vector<64x256xf32>
    tpu.vector_store %arg8[%swap3A, %swap3A_28], %add3A_27 {strides = array<i32>} : memref<64x256xf32, #tpu.memory_space<vmem>>, vector<64x256xf32>,
    %get3A_30 = arith.constant 0 : index
    %get3A_31 = arith.constant 0 : index
    %get3A_32 = vector.load %arg9[%get3A_30, %get3A_31] : memref<64x128xf32, #tpu.memory_space<vmem>>, vector<64x128xf32>
    %reduce_sum3A = arith.constant dense<0.000000e+00> : vector<64xf32>
    %reduce_sum3A_33 = vector.multi_reduction <add>, %convert_element_type3A_22, %reduce_sum3A [1] : vector<64x512xf32> to vector<64xf32>
    %broadcast_in_dim3A = vector.shape_cast %reduce_sum3A_33 : vector<64xf32> to vector<64x1xf32>
    %broadcast_in_dim3A_34 = vector.shape_cast %broadcast_in_dim3A : vector<64x1xf32> to vector<64x1xf32>
    %broadcast_in_dim3A_35 = vector.broadcast %broadcast_in_dim3A_34 : vector<64x1xf32> to vector<64x128xf32>
    %add3A_36 = arith.addf %get3A_32, %broadcast_in_dim3A_35 : vector<64x128xf32>
    %swap3A_37 = arith.constant 0 : index
    %swap3A_38 = arith.constant 0 : index
    %swap3A_39 = vector.load %arg9[%swap3A_37, %swap3A_38] : memref<64x128xf32, #tpu.memory_space<vmem>>, vector<64x128xf32>
    tpu.vector_store %arg9[%swap3A_37, %swap3A_38], %add3A_36 {strides = array<i32>} : memref<64x128xf32, #tpu.memory_space<vmem>>, vector<64x128xf32>,
    %eq3A_40 = arith.constant 19 : i32
    %eq3A_41 = arith.cmpi eq, %arg0, %eq3A_40 : i32
    %convert_element_type3A_42 = arith.extui %eq3A_41 : i1 to i32
    %cond3A_43 = arith.constant 0 : i32
    %cond3A_44 = arith.cmpi ne, %convert_element_type3A_42, %cond3A_43 : i32
    scf.if %cond3A_44 {
      %get3A_45 = arith.constant 0 : index
      %get3A_46 = arith.constant 0 : index
      %get3A_47 = vector.load %arg9[%get3A_45, %get3A_46] : memref<64x128xf32, #tpu.memory_space<vmem>>, vector<64x128xf32>
      %max3A = arith.constant 1.000000e+00 : f32
      %max3A_48 = vector.broadcast %max3A : f32 to vector<64x128xf32>
      %max3A_49 = arith.maximumf %get3A_47, %max3A_48 : vector<64x128xf32>
      %get3A_50 = arith.constant 0 : index
      %get3A_51 = arith.constant 0 : index
      %get3A_52 = vector.load %arg8[%get3A_50, %get3A_51] : memref<64x256xf32, #tpu.memory_space<vmem>>, vector<64x256xf32>
      %concatenate3A_53 = tpu.concatenate %max3A_49, %max3A_49 in 1 : vector<64x128xf32>, vector<64x128xf32> -> vector<64x256xf32>
      %div3A = arith.divf %get3A_52, %concatenate3A_53 : vector<64x256xf32>
      %get3A_54 = arith.constant 0 : index
      %get3A_55 = arith.constant 0 : index
      %get3A_56 = vector.load %arg5[%get3A_54, %get3A_55] : memref<256x40xf32, #tpu.memory_space<vmem>>, vector<256x40xf32>
      %dot_general3A_57 = arith.constant dense<0.000000e+00> : vector<64x40xf32>
      %dot_general3A_58 = tpu.matmul %div3A, %get3A_56, %dot_general3A_57 {dimension_numbers = #tpu.dot_dimension_numbers<[1], [0], [0], [1], [0, 0, 1, 1], [], []>, transpose_lhs_hint = false} : vector<64x256xf32>, vector<256x40xf32>, vector<64x40xf32> -> vector<64x40xf32>
      %get3A_59 = arith.constant 0 : index
      %get3A_60 = arith.constant 0 : index
      %get3A_61 = vector.load %arg6[%get3A_59, %get3A_60] : memref<1x40xf32, #tpu.memory_space<vmem>>, vector<1x40xf32>
      %add3A_62 = vector.broadcast %get3A_61 : vector<1x40xf32> to vector<64x40xf32>
      %add3A_63 = arith.addf %dot_general3A_58, %add3A_62 : vector<64x40xf32>
      %swap3A_64 = arith.constant 0 : index
      %swap3A_65 = arith.constant 0 : index
      %swap3A_66 = vector.load %arg7[%swap3A_64, %swap3A_65] : memref<64x40xf32, #tpu.memory_space<vmem>>, vector<64x40xf32>
      tpu.vector_store %arg7[%swap3A_64, %swap3A_65], %add3A_63 {strides = array<i32>} : memref<64x40xf32, #tpu.memory_space<vmem>>, vector<64x40xf32>,
    } else {
    }
    return
  }
  func.func @transform_0(%arg0: i32) -> (i32, i32) {
    %c0_i32 = arith.constant 0 : i32
    %c0_i32_0 = arith.constant 0 : i32
    return %arg0, %c0_i32 : i32, i32
  }
  func.func @transform_1(%arg0: i32) -> (i32, i32) {
    %c0_i32 = arith.constant 0 : i32
    %c0_i32_0 = arith.constant 0 : i32
    return %arg0, %c0_i32 : i32, i32
  }
  func.func @transform_2(%arg0: i32) -> (i32, i32) {
    %c0_i32 = arith.constant 0 : i32
    %c0_i32_0 = arith.constant 0 : i32
    %c0_i32_1 = arith.constant 0 : i32
    return %c0_i32, %c0_i32_0 : i32, i32
  }
  func.func @transform_3(%arg0: i32) -> (i32, i32, i32) {
    %c0_i32 = arith.constant 0 : i32
    %c0_i32_0 = arith.constant 0 : i32
    %c0_i32_1 = arith.constant 0 : i32
    return %arg0, %c0_i32, %c0_i32_0 : i32, i32, i32
  }
  func.func @transform_4(%arg0: i32) -> (i32, i32) {
    %c0_i32 = arith.constant 0 : i32
    %c0_i32_0 = arith.constant 0 : i32
    %c0_i32_1 = arith.constant 0 : i32
    return %c0_i32, %c0_i32_0 : i32, i32
  }
  func.func @transform_5(%arg0: i32) -> (i32, i32) {
    %c0_i32 = arith.constant 0 : i32
    %c0_i32_0 = arith.constant 0 : i32
    %c0_i32_1 = arith.constant 0 : i32
    return %c0_i32, %c0_i32_0 : i32, i32
  }
  func.func @transform_6(%arg0: i32) -> (i32, i32) {
    %c0_i32 = arith.constant 0 : i32
    %c0_i32_0 = arith.constant 0 : i32
    %c0_i32_1 = arith.constant 0 : i32
    return %c0_i32, %c0_i32_0 : i32, i32
  }
}

</mosaic_0001>

<sc_bundles>
// kernel: kernel.15.cloned.1.call-start
scs
__scs_entry_jumppad:
0x0: {  	(pc) =	sbr.rel $0x88, $3  }
0x1: {  	(tag) =	ssettag $0x0;
	lr =	simm.s32 $0x1  }
0x2: {  	[smem:$0x3F8A] =	sst lr;
	_ =	strace $0xD0000000  }
0x3: {  	_ = 	snop  }
0x4: {  	_ = 	snop  }
0x5: {  	_ = 	snop  }
0x6: {  	_ = 	snop  }
0x7: {  	_ = 	snop  }
__scs_overlays_trampoline_lowered:
0x8: {  	[smem:$0x3F99] =	sst s0  }
0x9: {  	[smem:$0x3F9A] =	sst s1  }
0xa: {  	[smem:$0x3F9B] =	sst s2  }
0xb: {  	[smem:$0x3F9C] =	sst s3  }
0xc: {  	[smem:$0x3F9D] =	sst s4  }
0xd: {  	[smem:$0x3F9E] =	sst s5  }
0xe: {  	[smem:$0x3F9F] =	sst s6  }
0xf: {  	[smem:$0x3FA0] =	sst s7  }
0x10: {  	[smem:$0x3FA1] =	sst s8  }
0x11: {  	[smem:$0x3FA2] =	sst s9;
	s0 =	simm.s32 @!p0 $0x0  }
0x12: {  	s1 =	sld [smem:$0x3F88];
	s0 =	simm.s32 @p0 $0x1  }
0x13: {  	[smem:$0x3FA3] =	sst s0;
	s0 =	simm.s32 @!p1 $0x0  }
0x14: {  	s2 =	sld [smem:$0x3F87];
	s0 =	simm.s32 @p1 $0x1  }
0x15: {  	[smem:$0x3FA4] =	sst s0;
	s0 =	simm.s32 @!p2 $0x0  }
0x16: {  	s3 =	sld [smem:$0x3FDB];
	s0 =	simm.s32 @p2 $0x1  }
0x17: {  	s4 =	simm.s32 $0x1BF5;
	[smem:$0x3FA6] =	sst s0  }
0x18: {  	s0 =	sld [smem:$0x3F89];
	_ =	swait.ge [sflag:s4], $0x0  }
0x19: {  	s7 =	sld [smem:$0x3F8A]  }
0x1a: {  	s8 =	sadd.s32 $0xFFFFE003, lr  }
0x1b: {  	s9 =	sadd.s32 $0xFFFFFEF7, lr;
	s5 =	simm.s32 $0xFFFFFFFF;
	p2 =	slt.u32 s8, $0xFFFFF086  }
0x1c: {  	p1 =	slt.u32 s9, $0xF7A;
	s5 =	simm.s32 @!p2 $0x0  }
0x1d: {  	s5 =	simm.s32 @p1 $0x1;
	p0 =	seq.s32 s7, s2  }
0x1e: {  	s7 =	smul.u32 @!p0 $0xF7A, s2;
	p2 =	seq.s32 @!p0 s5, $0x0  }
0x1f: {  	s9 =	smul.u32 $0xF7A, s1;
	s8 =	simm.s32 @!p0 $0x1BF5;
	p2 =	por !p2, p0  }
0x20: {  	[sflag:s8] =	ssyncset.s32 @!p0 $0xFFFFF086;
	s6 =	sadd.s32 @!p0 s3, s7;
	s7 =	simm.s32 @!p0 $0x108  }
0x21: {  	s3 =	sadd.s32 s3, s9;
	s6 =	sadd.s32 @!p0 $0x88, s6;
	s7 =	simm.s32 @p2 $0x1082  }
0x22: {  	[simem:s7], [sflag:s8] =	dma.local @!p0 [hbm:s6], $0xF7A  }
0x23: {  	s9 =	sor.u32 $0xD0000000, s2;
	s6 =	simm.s32 $0x108;
	_ =	swait.ge @!p0 [sflag:s8], $0x0  }
0x24: {  	s3 =	sadd.s32 $0x88, s3;
	s6 =	simm.s32 @!p1 $0x1082;
	[sflag:s4] =	ssyncset.s32 $0xFFFFF086  }
0x25: {  	[simem:s6], [sflag:s4] =	dma.local [hbm:s3], $0xF7A  }
0x26: {  	[smem:$0x3F8A] =	sst s1;
	(tag) =	ssettag s2;
	_ =	strace s9  }
0x27: {  	s1 =	sld [smem:$0x3F9A]  }
0x28: {  	s2 =	sld [smem:$0x3F9B]  }
0x29: {  	s4 =	sld [smem:$0x3F9D]  }
0x2a: {  	p0 =	seq.s32 s5, $0x0;
	s5 =	sld [smem:$0x3F9E]  }
0x2b: {  	s6 =	sld [smem:$0x3F9F]  }
0x2c: {  	s7 =	sld [smem:$0x3FA0]  }
0x2d: {  	s3 =	simm.s32 $0x108;
	s8 =	sld [smem:$0x3FA1]  }
0x2e: {  	s3 =	simm.s32 @!p0 $0x1082;
	s9 =	sld [smem:$0x3FA2]  }
0x2f: {  	lr =	sadd.s32 s0, s3;
	s0 =	sld [smem:$0x3F99]  }
0x30: {  	s3 =	sld [smem:$0x3F9C]  }
0x31: {  	[smem:$0x3FA5] =	sst s10  }
0x32: {  	s10 =	sld [smem:$0x3FA3];
	_ =	sdelay $0x3  }
0x33: {  	p0 =	seq.s32 s10, $0x1;
	s10 =	sld [smem:$0x3FA5];
	_ =	sdelay $0x3  }
0x34: {  	[smem:$0x3FA5] =	sst s10  }
0x35: {  	s10 =	sld [smem:$0x3FA4];
	_ =	sdelay $0x3  }
0x36: {  	p1 =	seq.s32 s10, $0x1;
	s10 =	sld [smem:$0x3FA5];
	_ =	sdelay $0x3  }
0x37: {  	[smem:$0x3FA5] =	sst s10  }
0x38: {  	s10 =	sld [smem:$0x3FA6]  }
0x39: {  	_ = 	snop;
	(pc) =	sbr.ind lr, $3  }
0x3a: {  	_ = 	snop  }
0x3b: {  	_ = 	snop  }
0x3c: {  	p2 =	seq.s32 s10, $0x1;
	s10 =	sld [smem:$0x3FA5]  }
0x3d: {  	_ =	shalt  }
0x3e: {  	_ =	shalt  }
0x3f: {  	_ =	shalt  }
0x40: {  	_ =	shalt  }
0x41: {  	_ =	shalt  }
0x42: {  	_ =	shalt  }
0x43: {  	_ =	shalt  }
0x44: {  	_ =	shalt  }
0x45: {  	_ =	shalt  }
0x46: {  	_ =	shalt  }
0x47: {  	_ =	shalt  }
0x48: {  	_ =	shalt  }
0x49: {  	_ =	shalt  }
0x4a: {  	_ =	shalt  }
0x4b: {  	_ =	shalt  }
0x4c: {  	_ =	shalt  }
0x4d: {  	_ =	shalt  }
0x4e: {  	_ =	shalt  }
0x4f: {  	_ =	shalt  }
0x50: {  	_ =	shalt  }
0x51: {  	_ =	shalt  }
0x52: {  	_ =	shalt  }
0x53: {  	_ =	shalt  }
0x54: {  	_ =	shalt  }
0x55: {  	_ =	shalt  }
0x56: {  	_ =	shalt  }
0x57: {  	_ =	shalt  }
0x58: {  	_ =	shalt  }
0x59: {  	_ =	shalt  }
0x5a: {  	_ =	shalt  }
0x5b: {  	_ =	shalt  }
0x5c: {  	_ =	shalt  }
0x5d: {  	_ =	shalt  }
0x5e: {  	_ =	shalt  }
0x5f: {  	_ =	shalt  }
0x60: {  	_ =	shalt  }
0x61: {  	_ =	shalt  }
0x62: {  	_ =	shalt  }
0x63: {  	_ =	shalt  }
0x64: {  	_ =	shalt  }
0x65: {  	_ =	shalt  }
0x66: {  	_ =	shalt  }
0x67: {  	_ =	shalt  }
0x68: {  	_ =	shalt  }
0x69: {  	_ =	shalt  }
0x6a: {  	_ =	shalt  }
0x6b: {  	_ =	shalt  }
0x6c: {  	_ =	shalt  }
0x6d: {  	_ =	shalt  }
0x6e: {  	_ =	shalt  }
0x6f: {  	_ =	shalt  }
0x70: {  	_ =	shalt  }
0x71: {  	_ =	shalt  }
0x72: {  	_ =	shalt  }
0x73: {  	_ =	shalt  }
0x74: {  	_ =	shalt  }
0x75: {  	_ =	shalt  }
0x76: {  	_ =	shalt  }
0x77: {  	_ =	shalt  }
0x78: {  	_ =	shalt  }
0x79: {  	_ =	shalt  }
0x7a: {  	_ =	shalt  }
0x7b: {  	_ =	shalt  }
0x7c: {  	_ =	shalt  }
0x7d: {  	_ =	shalt  }
0x7e: {  	_ =	shalt  }
0x7f: {  	_ =	shalt  }
0x80: {  	_ =	shalt  }
0x81: {  	_ =	shalt  }
0x82: {  	_ =	shalt  }
0x83: {  	_ =	shalt  }
0x84: {  	_ =	shalt  }
0x85: {  	_ =	shalt  }
0x86: {  	_ =	shalt  }
0x87: {  	_ =	shalt  }
.Lfunc_end0:
.L_simem_size_0:
called_computation_lowered:
.L_overlay_start_0:
0x88: {  	s2 =	sld [smem:$0x3FD9]  }
0x89: {  	s3 =	sld [smem:$0x3FFE];
	_ =	sdelay $0x1  }
0x8a: {  	s1 =	srdreg.scid  }
0x8b: {  	s0 =	sand.u32 $0x1, s1  }
0x8c: {  	s16 =	sshll.u32 s0, $0xA;
	s2 =	sadd.s32 s3, s2  }
0x8d: {  	s2 =	sadd.s32 s2, s16  }
0x8e: {  	[smem:$0x3FB1] =	sst s2  }
0x8f: {  	_ = 	snop  }
0x90: {  	(tm) =	ssettm $0x1  }
0x91: {  	s17 =	sld [smem:$0x3FFB];
	_ =	sdelay $0x3  }
0x92: {  	_ =	strace s17  }
0x93: {  	s2 =	sld [smem:$0x3FFC];
	_ =	sdelay $0x3  }
0x94: {  	_ =	strace s2  }
0x95: {  	s2 =	sld [smem:$0x3FFD];
	_ =	sdelay $0x3  }
0x96: {  	_ =	strace s2  }
0x97: {  	_ =	strace $0x8FFFFFFF  }
0x98: {  	s18 =	sld [smem:$0x3FDB];
	_ =	sdelay $0x1  }
0x99: {  	s19 =	simm.s32 $_scs_section_size  }
0x9a: {  	s4 =	simm.s32 $_size__tile_overlayer_lowered;
	s5 =	simm.s32 $_tile_overlayer_lowered  }
0x9b: {  	s22 =	simm.s32 $0x1BFF;
	s21 =	sshll.u32 s5, $0x1;
	s2 =	sadd.s32 s19, s18  }
0x9c: {  	s6 =	simm.s32 $0x0;
	s20 =	sshll.u32 s4, $0x1;
	s4 =	sadd.s32 s21, s2  }
0x9d: {  	[timem:s6], [sflag:s22] =	dma.local [hbm:s4], s20  }
0x9e: {  	_ =	swait.ge [sflag:s22], s20  }
0x9f: {  	s3 =	ssub.s32 $0x0, s20;
	[sflag:s22] =	ssyncset.done $0x0  }
0xa0: {  	[sflag:s22] =	ssyncadd.s32 s3;
	_ =	sdelay $0x1  }
0xa1: {  	s23 =	simm.s32 $0x1B8B  }
0xa2: {  	_ =	swait.ge [sflag:s23], $0x1  }
0xa3: {  	[sflag:s23] =	ssyncset.done $0x0  }
0xa4: {  	s25 =	simm.s32 $0x1B8E;
	s24 =	sld [smem:$0x3FFE];
	[sflag:s23] =	ssyncadd.s32 $0xFFFFFFFF  }
0xa5: {  	s26 =	simm.s32 $execute0_lowered;
	[smem:$0x3FD2] =	sst s25  }
0xa6: {  	s4 =	sshll.u32 s26, $0x1;
	_ =	strace $0x80000046;
	[dreg:$0x1] =	wrdreg $0xFFFFFFFF  }
0xa7: {  	s28 =	simm.s32 $_size_execute0_lowered;
	s2 =	sadd.s32 s2, s4;
	[dreg:$0x0] =	wrdreg $0x0  }
0xa8: {  	s4 =	sshll.u32 s28, $0x1;
	[dreg:$0x2] =	wrdreg s2  }
0xa9: {  	[dreg:$0x3] =	wrdreg s4  }
0xaa: {  	[dreg:$0x4] =	wrdreg $0xC0  }
0xab: {  	_ =	task [dreg:s6], $0x5FFFF  }
0xac: {  	[dreg:$0x1] =	wrdreg $0xFFFFFFFF  }
0xad: {  	[dreg:$0x0] =	wrdreg $0x60  }
0xae: {  	[dreg:$0x2] =	wrdreg s24  }
0xaf: {  	[dreg:$0x3] =	wrdreg $0x22000  }
0xb0: {  	[dreg:$0x4] =	wrdreg $0x4A000  }
0xb1: {  	[dreg:$0x5] =	wrdreg $0x72000  }
0xb2: {  	[dreg:$0x6] =	wrdreg $0x9  }
0xb3: {  	_ =	task.clear_ibuf [dreg:s6], $0x7FFFF;
	_ =	strace $0x90000046  }
0xb4: {  	s29 =	simm.s32 $0x9;
	_ =	strace $0x80000048  }
0xb5: {  	_ =	swait.ge [sflag:s29], $0x1  }
0xb6: {  	[sflag:s29] =	ssyncadd.s32 $0xFFFFFFFF  }
0xb7: {  	_ =	strace $0x90000048  }
0xb8: {  	_ =	sfence  }
0xb9: {  	s30 =	sld [smem:$0x0];
	_ =	sdelay $0x2  }
0xba: {  	s31 =	sshll.u32 s1, $0xD;
	s1 =	sshrl.u32 s1, $0x2  }
0xbb: {  	s3 =	sand.u32 $0x4000, s31;
	s1 =	sadd.s32 s1, s30  }
0xbc: {  	s0 =	sor.u32 s3, s0;
	s1 =	sshll.u32 s1, $0x11  }
0xbd: {  	s0 =	sor.u32 s1, s0  }
0xbe: {  	s0 =	sadd.s32 $0x8F2B, s0  }
0xbf: {  	[sflag:s0] =	ssyncadd.remote.s32 $0x1  }
0xc0: {  	_ =	sfence.sel $0xFFFF  }
0xc1: {  	[dreg:$0x0] =	wrdreg $0xFFFFFFFF;
	(pc) =	sbr.abs _section_cstart, $3  }
0xc2: {  	[dreg:$0x1] =	wrdreg $0xFFFFFFFF  }
0xc3: {  	_ =	task.clear_ibuf [dreg:s6], $0x2FFFF;
	_ =	strace $0x9FFFFFFF  }
0xc4: {  	(tm) =	ssettm $0x7FFFFFFF  }
0xc5: {  	_ =	shalt  }
tec
execute0_lowered:
.L_overlay_start_1:
0x0: {  	(tag) =	ssettag $0x1  }
0x1: {  	s0 =	rddreg [dreg:$0x0]  }
0x2: {  	s1 =	rddreg [dreg:$0x1]  }
0x3: {  	s3 =	rddreg [dreg:$0x2]  }
0x4: {  	s4 =	rddreg [dreg:$0x3];
	s5 =	simm.s32 $0x0;
	s14 =	stileid.u32  }
0x5: {  	s2 =	srdreg.scid;
	s17 =	simm.s32 $0x1;
	s20 =	simm.s32 $0x100  }
0x6: {  	s21 =	simm.s32 $0x80;
	s22 =	simm.s32 $0x200;
	s23 =	simm.s32 $0x1200  }
0x7: {  	s24 =	simm.s32 $0xA00;
	s28 =	simm.s32 $0x0;
	[smem:$0x7FF] =	sst s5  }
0x8: {  	s9 =	smul.u32 $0x2800, s14;
	s2 =	sand.u32 $0x1, s2;
	s6 =	sadd.s32 $0x5F400, s0  }
0x9: {  	s7 =	sadd.s32 $0x64800, s0;
	s26 =	sshll.u32 s14, $0x1;
	s29 =	sshll.u32 s14, $0x6  }
0xa: {  	_ =	strace $0x80000047;
	s8 =	smul.u32 $0x28000, s2;
	s12 =	ssub.s32 $0x2, s2  }
0xb: {  	s2 =	sor.u32 s2, s26;
	s26 =	simm.s32 $0x1A00;
	s10 =	sshrl.u32 s9, $0x3  }
0xc: {  	s13 =	sshrl.u32 s12, $0x1;
	s16 =	sadd.s32 s9, s1;
	s18 =	sadd.s32 s9, s3  }
0xd: {  	s11 =	sadd.s32 s10, s0;
	s25 =	sadd.s32 s9, s8;
	s8 =	sadd.s32 $0x78C00, s0  }
0xe: {  	s15 =	ssub.s32 s12, s13;
	s9 =	sadd.s32 s9, s4;
	s13 =	smul.u32 $0x1500, s2  }
0xf: {  	s16 =	sshrl.u32 s16, $0x3;
	s18 =	sshrl.u32 s18, $0x3;
	s10 =	sshrl.u32 s25, $0x3  }
0x10: {  	s30 =	sadd.s32 $0x69C00, s11;
	s31 =	sadd.s32 $0x55400, s11;
	s11 =	sadd.s32 $0x5A400, s11  }
0x11: {  	s15 =	smax.u32 s15, $0x1;
	s19 =	sshrl.u32 s9, $0x3;
	[dreg:$0x5] =	wrdreg s30  }
0x12: {  	s25 =	simm.s32 $0x180;
	s0 =	sadd.s32 s10, s0;
	[dreg:$0x6] =	wrdreg s31  }
0x13: {  	s10 =	sor.u32 $0x1C01, s29;
	[dreg:$0x7] =	wrdreg s11;
	s14 =	sadd.s32 $0x6EC00, s0  }
.LBB2_1:
0x14: {  	s0 =	rddreg [dreg:$0x5]  }
0x15: {  	[spmem:s16], [sflag:s10] =	dma.local [hbm:s0], $0x500  }
0x16: {  	_ =	swait.ge [sflag:s17], $0x500  }
0x17: {  	[sflag:s17] =	ssyncset.done $0x0  }
0x18: {  	s30 =	rddreg [dreg:$0x6];
	[sflag:s17] =	ssyncadd.s32 $0xFFFFFB00  }
0x19: {  	[spmem:s18], [sflag:s10] =	dma.local [hbm:s30], $0x500  }
0x1a: {  	_ =	swait.ge [sflag:s17], $0x500  }
0x1b: {  	[sflag:s17] =	ssyncset.done $0x0  }
0x1c: {  	s31 =	rddreg [dreg:$0x7];
	[sflag:s17] =	ssyncadd.s32 $0xFFFFFB00  }
0x1d: {  	[spmem:s19], [sflag:s10] =	dma.local [hbm:s31], $0x500  }
0x1e: {  	_ =	swait.ge [sflag:s17], $0x500  }
0x1f: {  	[sflag:s17] =	ssyncset.done $0x0  }
0x20: {  	[sflag:s17] =	ssyncadd.s32 $0xFFFFFB00  }
0x21: {  	s29 =	simm.s32 $0x0;
	[bflag:$0x0] =	sbarrier.arrive $0xFFFF  }
.LBB2_2:
0x22: {  	s0 =	sshll.u32 s29, $0x8  }
0x23: {  	s30 =	sadd.s32 s13, s0  }
0x24: {  	s0 =	sshrl.u32 s30, $0x3  }
0x25: {  	s9 =	simm.s32 $0x0;
	s2 =	sadd.s32 s6, s0  }
0x26: {  	[tilespmem:s9], [sflag:$0x1] =	stream.linear.gather [hbm4b:s2+s9], $0x100, $0x38;
	[tilespmem:$0x9A00] =	vst v63  }
0x27: {  	_ =	swait.ge [sflag:s17], $0x100  }
0x28: {  	[sflag:s17] =	ssyncset.done $0x0  }
0x29: {  	s0 =	sadd.s32 s7, s0;
	[sflag:s17] =	ssyncadd.s32 $0xFFFFFF00  }
0x2a: {  	[tilespmem:s20], [sflag:$0x1] =	stream.linear.gather [hbm4b:s0+s9], $0x100, $0x38;
	[tilespmem:$0x9A00] =	vst v63  }
0x2b: {  	_ =	swait.ge [sflag:s17], $0x100  }
0x2c: {  	[sflag:s17] =	ssyncset.done $0x0  }
0x2d: {  	[sflag:s17] =	ssyncadd.s32 $0xFFFFFF00  }
0x2e: {  	[tilespmem:s22], [sflag:$0x1] =	stream.indirect.gather [spmem:s3], $0x10, s9, s21, $0xb8;
	[tilespmem:$0x9A00] =	vst v63  }
0x2f: {  	_ =	swait.ge [sflag:s17], $0x800  }
0x30: {  	[sflag:s17] =	ssyncset.done $0x0  }
0x31: {  	[sflag:s17] =	ssyncadd.s32 $0xFFFFF800  }
0x32: {  	[tilespmem:s23], [sflag:$0x1] =	stream.indirect.gather [spmem:s4], $0x10, s20, s21, $0xb8;
	[tilespmem:$0x9A00] =	vst v63  }
0x33: {  	_ =	swait.ge [sflag:s17], $0x800  }
0x34: {  	[sflag:s17] =	ssyncset.done $0x0  }
0x35: {  	[sflag:s17] =	ssyncadd.s32 $0xFFFFF800  }
0x36: {  	[tilespmem:s24], [sflag:$0x1] =	stream.indirect.gather [spmem:s3], $0x10, s21, s21, $0xb8;
	[tilespmem:$0x9A00] =	vst v63  }
0x37: {  	_ =	swait.ge [sflag:s17], $0x800  }
0x38: {  	[sflag:s17] =	ssyncset.done $0x0  }
0x39: {  	[sflag:s17] =	ssyncadd.s32 $0xFFFFF800  }
0x3a: {  	[tilespmem:s26], [sflag:$0x1] =	stream.indirect.gather [spmem:s4], $0x10, s25, s21, $0xb8;
	[tilespmem:$0x9A00] =	vst v63  }
0x3b: {  	_ =	swait.ge [sflag:s17], $0x800  }
0x3c: {  	[sflag:s17] =	ssyncset.done $0x0  }
0x3d: {  	s31 =	simm.s32 $0x0;
	[sflag:s17] =	ssyncadd.s32 $0xFFFFF800  }
0x3e: {  	v0 =	vld [tilespmem:s31+$0x200]  }
0x3f: {  	v1 =	vld [tilespmem:s31+$0x1200];
	_ =	sdelay $0x4  }
0x40: {  	v0 =	vadd.f32 v1, v0;
	_ =	sdelay $0x1  }
0x41: {  	s0 =	simm.s32 $0x10;
	v1 =	vmul.f32 $2.000000030e-01, v0  }
0x42: {  	v2 =	vld [tilespmem:s0+$0x200]  }
0x43: {  	v3 =	vld [tilespmem:s0+$0x1200];
	v0 =	vmax.f32 v0, v1  }
0x44: {  	s9 =	simm.s32 $0x20;
	v0 =	vmul.f32 $1.442695020e+00, v0  }
0x45: {  	v1 =	vld [tilespmem:s9+$0x200]  }
0x46: {  	(erf) = vpow2.f32 v0;
	v0 =	vld [tilespmem:s9+$0x1200];
	_ =	sdelay $0x1  }
0x47: {  	v2 =	vadd.f32 v3, v2;
	_ =	sdelay $0x1  }
0x48: {  	v3 =	vmul.f32 $2.000000030e-01, v2  }
0x49: {  	v4 =	vadd.f32 v0, v1  }
0x4a: {  	v0 =	vmax.f32 v2, v3  }
0x4b: {  	s2 =	simm.s32 $0x30;
	v1 =	vmul.f32 $1.442695020e+00, v0;
	v2 =	vmul.f32 $2.000000030e-01, v4  }
0x4c: {  	v0 =	vld [tilespmem:s2+$0x200]  }
0x4d: {  	(erf) = vpow2.f32 v1;
	v1 =	vld [tilespmem:s2+$0x1200];
	_ =	sdelay $0x1  }
0x4e: {  	s11 =	simm.s32 $0x100;
	v3 =	vmax.f32 v4, v2;
	v2 =	vpop (erf)  }
.LBB2_3:
0x4f: {  	s12 =	sshra.s32 s11, $0x2  }
0x50: {  	v3 =	vmul.f32 $1.442695020e+00, v3;
	[tilespmem:s31+$0x200] =	vst v2;
	s31 =	smov.u32 s0;
	s0 =	smov.u32 s9;
	p0 =	sne.s32 s11, $0x3FC0  }
.Ltmp0:
0x51: {  	s11 =	sadd.s32 $0x40, s11;
	v2 =	vadd.f32 v1, v0;
	v0 =	vld [tilespmem:s12+$0x200];
	(pc) =	sbr.rel @p0 .LBB2_3-.Ltmp0, $3  }
0x52: {  	s9 =	smov.u32 s2;
	s2 =	smov.u32 s12;
	v1 =	vld [tilespmem:s12+$0x1200];
	(erf) = vpow2.f32 v3  }
0x53: {  	v3 =	vmul.f32 $2.000000030e-01, v2;
	_ =	sdelay $0x1  }
0x54: {  	v3 =	vmax.f32 v2, v3;
	v2 =	vpop (erf)  }
0x55: {  	_ = 	snop  }
0x56: {  	v0 =	vadd.f32 v1, v0;
	_ =	sdelay $0x1  }
0x57: {  	v1 =	vmul.f32 $2.000000030e-01, v0;
	_ =	sdelay $0x1  }
0x58: {  	v3 =	vmul.f32 $1.442695020e+00, v3;
	v0 =	vmax.f32 v0, v1  }
0x59: {  	v0 =	vmul.f32 $1.442695020e+00, v0  }
0x5a: {  	(erf) = vpow2.f32 v3  }
0x5b: {  	(erf) = vpow2.f32 v0;
	_ =	sdelay $0x6  }
0x5c: {  	[tilespmem:s31+$0x200] =	vst v2;
	v61 =	vpop (erf)  }
0x5d: {  	[tilespmem:s0+$0x200] =	vst v61;
	v62 =	vpop (erf)  }
0x5e: {  	s31 =	sshll.u32 s30, $0x1;
	[tilespmem:s9+$0x200] =	vst v62;
	v63 =	vpop (erf)  }
0x5f: {  	s0 =	sadd.s32 s8, s31;
	[tilespmem:s2+$0x200] =	vst v63  }
0x60: {  	[hbm4b:s0+s5] =	stream.linear.scatter [tilespmem:s22], [sflag:$0x1], $0x1000, $0x38;
	[tilespmem:$0x9A00] =	vst v63  }
0x61: {  	_ =	swait.ge [sflag:s17], $0x1000  }
0x62: {  	[sflag:s17] =	ssyncset.done $0x0  }
0x63: {  	[sflag:s17] =	ssyncadd.s32 $0xFFFFF000  }
0x64: {  	[spmem:s1] =	stream.indirect.scatter.add.f32 [tilespmem:s22], [sflag:$0x1], $0x10, s20, s21, $0xb8;
	[tilespmem:$0x9A00] =	vst v63  }
0x65: {  	s29 =	sadd.s32 $0x1, s29;
	_ =	swait.ge [sflag:s17], $0x800  }
0x66: {  	p0 =	sne.s32 s29, $0x15;
	[sflag:s17] =	ssyncset.done $0x0  }
.Ltmp1:
0x67: {  	[sflag:s17] =	ssyncadd.s32 $0xFFFFF800;
	(pc) =	sbr.rel @p0 .LBB2_2-.Ltmp1, $4  }
0x68: {  	[spmem:s1] =	stream.indirect.scatter.add.f32 [tilespmem:s24], [sflag:$0x1], $0x10, s25, s21, $0xb8;
	[tilespmem:$0x9A00] =	vst v63  }
0x69: {  	_ =	swait.ge [sflag:s17], $0x800  }
0x6a: {  	[sflag:s17] =	ssyncset.done $0x0  }
0x6b: {  	[sflag:s17] =	ssyncadd.s32 $0xFFFFF800  }
0x6c: {  	s28 =	sadd.s32 $0x1, s28  }
0x6d: {  	p0 =	sne.s32 s28, s15  }
.Ltmp2:
0x6e: {  	[bflag:$0x0] =	sbarrier.arrive $0xFFFF;
	(pc) =	sbr.rel @p0 .LBB2_1-.Ltmp2, $4  }
0x6f: {  	[hbm:s14], [sflag:s10] =	dma.local [spmem:s16], $0x500  }
0x70: {  	_ =	swait.ge [sflag:s17], $0x500  }
0x71: {  	[sflag:s17] =	ssyncset.done $0x0  }
0x72: {  	[sflag:s17] =	ssyncadd.s32 $0xFFFFFB00  }
0x73: {  	_ =	sfence.sel $0x180000  }
0x74: {  	[bflag:$0x0] =	sbarrier.arrive $0xFFFF  }
0x75: {  	_ =	strace $0x90000047  }
0x76: {  	s0 =	stileid.u32;
	[bflag:$0x2] =	sbarrier.arrive $0xFFFF  }
0x77: {  	p0 =	sne.s32 s0, $0x0;
	s0 =	rddreg [dreg:$0x4]  }
0x78: {  	s0 =	sadd.s32 @!p0 $0x100000, s0  }
0x79: {  	[sflag:s0] =	ssyncadd.tile.s32 @!p0 $0x1;
	_ =	shalt  }
.Lfunc_end2:
_tile_overlayer_lowered:
.L_overlay_start_2:
0x7a: {  	(tag) =	ssettag $0x2  }
0x7b: {  	s0 =	rddreg [dreg:$0x0];
	s2 =	stileid.u32  }
0x7c: {  	s1 =	rddreg [dreg:$0x1];
	p0 =	sne.s32 s2, $0x0  }
0x7d: {  	s3 =	rddreg [dreg:$0x2];
	[bflag:$0x3] =	sbarrier.arrive $0xFFFF;
	s2 =	simm.s32 @!p0 $0x1C01  }
0x7e: {  	[timem:s3], [sflag:s2] =	dma.local @!p0 [hbm:s0], s1  }
0x7f: {  	s0 =	simm.s32 @!p0 $0x1  }
0x80: {  	_ =	swait.ge @!p0 [sflag:s0], s1  }
0x81: {  	s1 =	ssub.s32 @!p0 $0x0, s1;
	[sflag:s0] =	ssyncset.done @!p0 $0x0  }
0x82: {  	[sflag:s0] =	ssyncadd.s32 @!p0 s1  }
0x83: {  	[bflag:$0x3] =	sbarrier.arrive $0xFFFF  }
0x84: {  	_ =	shalt  }

// kernel: kernel.18.cloned.1.call-start
scs
__scs_entry_jumppad:
0x0: {  	(pc) =	sbr.rel $0x88, $3  }
0x1: {  	(tag) =	ssettag $0x0;
	lr =	simm.s32 $0x1  }
0x2: {  	[smem:$0x3F8A] =	sst lr;
	_ =	strace $0xD0000000  }
0x3: {  	_ = 	snop  }
0x4: {  	_ = 	snop  }
0x5: {  	_ = 	snop  }
0x6: {  	_ = 	snop  }
0x7: {  	_ = 	snop  }
__scs_overlays_trampoline_lowered:
0x8: {  	[smem:$0x3F99] =	sst s0  }
0x9: {  	[smem:$0x3F9A] =	sst s1  }
0xa: {  	[smem:$0x3F9B] =	sst s2  }
0xb: {  	[smem:$0x3F9C] =	sst s3  }
0xc: {  	[smem:$0x3F9D] =	sst s4  }
0xd: {  	[smem:$0x3F9E] =	sst s5  }
0xe: {  	[smem:$0x3F9F] =	sst s6  }
0xf: {  	[smem:$0x3FA0] =	sst s7  }
0x10: {  	[smem:$0x3FA1] =	sst s8  }
0x11: {  	[smem:$0x3FA2] =	sst s9;
	s0 =	simm.s32 @!p0 $0x0  }
0x12: {  	s1 =	sld [smem:$0x3F88];
	s0 =	simm.s32 @p0 $0x1  }
0x13: {  	[smem:$0x3FA3] =	sst s0;
	s0 =	simm.s32 @!p1 $0x0  }
0x14: {  	s2 =	sld [smem:$0x3F87];
	s0 =	simm.s32 @p1 $0x1  }
0x15: {  	[smem:$0x3FA4] =	sst s0;
	s0 =	simm.s32 @!p2 $0x0  }
0x16: {  	s3 =	sld [smem:$0x3FDB];
	s0 =	simm.s32 @p2 $0x1  }
0x17: {  	s4 =	simm.s32 $0x1BF5;
	[smem:$0x3FA6] =	sst s0  }
0x18: {  	s0 =	sld [smem:$0x3F89];
	_ =	swait.ge [sflag:s4], $0x0  }
0x19: {  	s7 =	sld [smem:$0x3F8A]  }
0x1a: {  	s8 =	sadd.s32 $0xFFFFE003, lr  }
0x1b: {  	s9 =	sadd.s32 $0xFFFFFEF7, lr;
	s5 =	simm.s32 $0xFFFFFFFF;
	p2 =	slt.u32 s8, $0xFFFFF086  }
0x1c: {  	p1 =	slt.u32 s9, $0xF7A;
	s5 =	simm.s32 @!p2 $0x0  }
0x1d: {  	s5 =	simm.s32 @p1 $0x1;
	p0 =	seq.s32 s7, s2  }
0x1e: {  	s7 =	smul.u32 @!p0 $0xF7A, s2;
	p2 =	seq.s32 @!p0 s5, $0x0  }
0x1f: {  	s9 =	smul.u32 $0xF7A, s1;
	s8 =	simm.s32 @!p0 $0x1BF5;
	p2 =	por !p2, p0  }
0x20: {  	[sflag:s8] =	ssyncset.s32 @!p0 $0xFFFFF086;
	s6 =	sadd.s32 @!p0 s3, s7;
	s7 =	simm.s32 @!p0 $0x108  }
0x21: {  	s3 =	sadd.s32 s3, s9;
	s6 =	sadd.s32 @!p0 $0x88, s6;
	s7 =	simm.s32 @p2 $0x1082  }
0x22: {  	[simem:s7], [sflag:s8] =	dma.local @!p0 [hbm:s6], $0xF7A  }
0x23: {  	s9 =	sor.u32 $0xD0000000, s2;
	s6 =	simm.s32 $0x108;
	_ =	swait.ge @!p0 [sflag:s8], $0x0  }
0x24: {  	s3 =	sadd.s32 $0x88, s3;
	s6 =	simm.s32 @!p1 $0x1082;
	[sflag:s4] =	ssyncset.s32 $0xFFFFF086  }
0x25: {  	[simem:s6], [sflag:s4] =	dma.local [hbm:s3], $0xF7A  }
0x26: {  	[smem:$0x3F8A] =	sst s1;
	(tag) =	ssettag s2;
	_ =	strace s9  }
0x27: {  	s1 =	sld [smem:$0x3F9A]  }
0x28: {  	s2 =	sld [smem:$0x3F9B]  }
0x29: {  	s4 =	sld [smem:$0x3F9D]  }
0x2a: {  	p0 =	seq.s32 s5, $0x0;
	s5 =	sld [smem:$0x3F9E]  }
0x2b: {  	s6 =	sld [smem:$0x3F9F]  }
0x2c: {  	s7 =	sld [smem:$0x3FA0]  }
0x2d: {  	s3 =	simm.s32 $0x108;
	s8 =	sld [smem:$0x3FA1]  }
0x2e: {  	s3 =	simm.s32 @!p0 $0x1082;
	s9 =	sld [smem:$0x3FA2]  }
0x2f: {  	lr =	sadd.s32 s0, s3;
	s0 =	sld [smem:$0x3F99]  }
0x30: {  	s3 =	sld [smem:$0x3F9C]  }
0x31: {  	[smem:$0x3FA5] =	sst s10  }
0x32: {  	s10 =	sld [smem:$0x3FA3];
	_ =	sdelay $0x3  }
0x33: {  	p0 =	seq.s32 s10, $0x1;
	s10 =	sld [smem:$0x3FA5];
	_ =	sdelay $0x3  }
0x34: {  	[smem:$0x3FA5] =	sst s10  }
0x35: {  	s10 =	sld [smem:$0x3FA4];
	_ =	sdelay $0x3  }
0x36: {  	p1 =	seq.s32 s10, $0x1;
	s10 =	sld [smem:$0x3FA5];
	_ =	sdelay $0x3  }
0x37: {  	[smem:$0x3FA5] =	sst s10  }
0x38: {  	s10 =	sld [smem:$0x3FA6]  }
0x39: {  	_ = 	snop;
	(pc) =	sbr.ind lr, $3  }
0x3a: {  	_ = 	snop  }
0x3b: {  	_ = 	snop  }
0x3c: {  	p2 =	seq.s32 s10, $0x1;
	s10 =	sld [smem:$0x3FA5]  }
0x3d: {  	_ =	shalt  }
0x3e: {  	_ =	shalt  }
0x3f: {  	_ =	shalt  }
0x40: {  	_ =	shalt  }
0x41: {  	_ =	shalt  }
0x42: {  	_ =	shalt  }
0x43: {  	_ =	shalt  }
0x44: {  	_ =	shalt  }
0x45: {  	_ =	shalt  }
0x46: {  	_ =	shalt  }
0x47: {  	_ =	shalt  }
0x48: {  	_ =	shalt  }
0x49: {  	_ =	shalt  }
0x4a: {  	_ =	shalt  }
0x4b: {  	_ =	shalt  }
0x4c: {  	_ =	shalt  }
0x4d: {  	_ =	shalt  }
0x4e: {  	_ =	shalt  }
0x4f: {  	_ =	shalt  }
0x50: {  	_ =	shalt  }
0x51: {  	_ =	shalt  }
0x52: {  	_ =	shalt  }
0x53: {  	_ =	shalt  }
0x54: {  	_ =	shalt  }
0x55: {  	_ =	shalt  }
0x56: {  	_ =	shalt  }
0x57: {  	_ =	shalt  }
0x58: {  	_ =	shalt  }
0x59: {  	_ =	shalt  }
0x5a: {  	_ =	shalt  }
0x5b: {  	_ =	shalt  }
0x5c: {  	_ =	shalt  }
0x5d: {  	_ =	shalt  }
0x5e: {  	_ =	shalt  }
0x5f: {  	_ =	shalt  }
0x60: {  	_ =	shalt  }
0x61: {  	_ =	shalt  }
0x62: {  	_ =	shalt  }
0x63: {  	_ =	shalt  }
0x64: {  	_ =	shalt  }
0x65: {  	_ =	shalt  }
0x66: {  	_ =	shalt  }
0x67: {  	_ =	shalt  }
0x68: {  	_ =	shalt  }
0x69: {  	_ =	shalt  }
0x6a: {  	_ =	shalt  }
0x6b: {  	_ =	shalt  }
0x6c: {  	_ =	shalt  }
0x6d: {  	_ =	shalt  }
0x6e: {  	_ =	shalt  }
0x6f: {  	_ =	shalt  }
0x70: {  	_ =	shalt  }
0x71: {  	_ =	shalt  }
0x72: {  	_ =	shalt  }
0x73: {  	_ =	shalt  }
0x74: {  	_ =	shalt  }
0x75: {  	_ =	shalt  }
0x76: {  	_ =	shalt  }
0x77: {  	_ =	shalt  }
0x78: {  	_ =	shalt  }
0x79: {  	_ =	shalt  }
0x7a: {  	_ =	shalt  }
0x7b: {  	_ =	shalt  }
0x7c: {  	_ =	shalt  }
0x7d: {  	_ =	shalt  }
0x7e: {  	_ =	shalt  }
0x7f: {  	_ =	shalt  }
0x80: {  	_ =	shalt  }
0x81: {  	_ =	shalt  }
0x82: {  	_ =	shalt  }
0x83: {  	_ =	shalt  }
0x84: {  	_ =	shalt  }
0x85: {  	_ =	shalt  }
0x86: {  	_ =	shalt  }
0x87: {  	_ =	shalt  }
.Lfunc_end0:
.L_simem_size_0:
called_computation.1_lowered:
.L_overlay_start_0:
0x88: {  	s2 =	sld [smem:$0x3FD9]  }
0x89: {  	s3 =	sld [smem:$0x3FFE];
	_ =	sdelay $0x1  }
0x8a: {  	s1 =	srdreg.scid  }
0x8b: {  	s0 =	sand.u32 $0x1, s1  }
0x8c: {  	s17 =	sshll.u32 s0, $0xA;
	s2 =	sadd.s32 s3, s2  }
0x8d: {  	s2 =	sadd.s32 s2, s17  }
0x8e: {  	[smem:$0x3FB1] =	sst s2  }
0x8f: {  	_ = 	snop  }
0x90: {  	s2 =	sld [smem:$0x3FC9]  }
0x91: {  	s18 =	sld [smem:$0x3FC8];
	(tm) =	ssettm $0x1  }
0x92: {  	s4 =	sld [smem:$0x3FFB];
	_ =	sdelay $0x3  }
0x93: {  	_ =	strace s4  }
0x94: {  	s4 =	sld [smem:$0x3FFC];
	_ =	sdelay $0x3  }
0x95: {  	_ =	strace s4  }
0x96: {  	s4 =	sld [smem:$0x3FFD];
	_ =	sdelay $0x3  }
0x97: {  	_ =	strace s4  }
0x98: {  	_ =	strace $0x8FFFFFFF  }
0x99: {  	s19 =	sld [smem:$0x3FDB];
	_ =	sdelay $0x1  }
0x9a: {  	s5 =	simm.s32 $_scs_section_size  }
0x9b: {  	s6 =	simm.s32 $_size__tile_overlayer_lowered;
	s7 =	simm.s32 $_tile_overlayer_lowered  }
0x9c: {  	s22 =	simm.s32 $0x1BFF;
	s21 =	sshll.u32 s7, $0x1;
	s4 =	sadd.s32 s5, s19  }
0x9d: {  	s8 =	simm.s32 $0x0;
	s20 =	sshll.u32 s6, $0x1;
	s6 =	sadd.s32 s21, s4  }
0x9e: {  	[timem:s8], [sflag:s22] =	dma.local [hbm:s6], s20  }
0x9f: {  	_ =	swait.ge [sflag:s22], s20  }
0xa0: {  	s5 =	ssub.s32 $0x0, s20;
	[sflag:s22] =	ssyncset.done $0x0  }
0xa1: {  	[sflag:s22] =	ssyncadd.s32 s5;
	_ =	sdelay $0x1  }
0xa2: {  	s23 =	simm.s32 $0x1B8B  }
0xa3: {  	_ =	swait.ge [sflag:s23], $0x1  }
0xa4: {  	[sflag:s23] =	ssyncset.done $0x0  }
0xa5: {  	s25 =	simm.s32 $0x1B8E;
	s24 =	sld [smem:$0x3FFE];
	[sflag:s23] =	ssyncadd.s32 $0xFFFFFFFF  }
0xa6: {  	s26 =	simm.s32 $execute0_lowered;
	[smem:$0x3FD2] =	sst s25  }
0xa7: {  	s6 =	sshll.u32 s26, $0x1;
	_ =	strace $0x80000049;
	[dreg:$0x1] =	wrdreg $0xFFFFFFFF  }
0xa8: {  	s28 =	simm.s32 $_size_execute0_lowered;
	s4 =	sadd.s32 s4, s6;
	[dreg:$0x0] =	wrdreg $0x0  }
0xa9: {  	s6 =	sshll.u32 s28, $0x1;
	[dreg:$0x2] =	wrdreg s4  }
0xaa: {  	[dreg:$0x3] =	wrdreg s6  }
0xab: {  	[dreg:$0x4] =	wrdreg $0xC0  }
0xac: {  	_ =	task [dreg:s8], $0x5FFFF  }
0xad: {  	[dreg:$0x1] =	wrdreg $0xFFFFFFFF  }
0xae: {  	[dreg:$0x0] =	wrdreg $0x60  }
0xaf: {  	[dreg:$0x2] =	wrdreg s24  }
0xb0: {  	[dreg:$0x3] =	wrdreg s2  }
0xb1: {  	[dreg:$0x4] =	wrdreg s18  }
0xb2: {  	[dreg:$0x5] =	wrdreg $0xA2000  }
0xb3: {  	[dreg:$0x6] =	wrdreg $0x9  }
0xb4: {  	_ =	task.clear_ibuf [dreg:s8], $0x7FFFF;
	_ =	strace $0x90000049  }
0xb5: {  	s29 =	simm.s32 $0x9;
	_ =	strace $0x8000004B  }
0xb6: {  	_ =	swait.ge [sflag:s29], $0x1  }
0xb7: {  	[sflag:s29] =	ssyncadd.s32 $0xFFFFFFFF  }
0xb8: {  	_ =	strace $0x9000004B  }
0xb9: {  	_ =	sfence  }
0xba: {  	s30 =	sld [smem:$0x0];
	_ =	sdelay $0x2  }
0xbb: {  	s31 =	sshll.u32 s1, $0xD;
	s1 =	sshrl.u32 s1, $0x2  }
0xbc: {  	s3 =	sand.u32 $0x4000, s31;
	s1 =	sadd.s32 s1, s30  }
0xbd: {  	s0 =	sor.u32 s3, s0;
	s1 =	sshll.u32 s1, $0x11  }
0xbe: {  	s0 =	sor.u32 s1, s0  }
0xbf: {  	s0 =	sadd.s32 $0x8F2B, s0  }
0xc0: {  	[sflag:s0] =	ssyncadd.remote.s32 $0x1  }
0xc1: {  	_ =	sfence.sel $0xFFFF  }
0xc2: {  	[dreg:$0x0] =	wrdreg $0xFFFFFFFF;
	(pc) =	sbr.abs _section_cstart, $3  }
0xc3: {  	[dreg:$0x1] =	wrdreg $0xFFFFFFFF  }
0xc4: {  	_ =	task.clear_ibuf [dreg:s8], $0x2FFFF;
	_ =	strace $0x9FFFFFFF  }
0xc5: {  	(tm) =	ssettm $0x7FFFFFFF  }
tec
execute0_lowered:
.L_overlay_start_1:
0x0: {  	(tag) =	ssettag $0x1  }
0x1: {  	s0 =	rddreg [dreg:$0x0]  }
0x2: {  	s4 =	rddreg [dreg:$0x3];
	s2 =	simm.s32 $0x0  }
0x3: {  	s16 =	stileid.u32;
	s1 =	srdreg.scid;
	s17 =	simm.s32 $0x3  }
0x4: {  	s20 =	simm.s32 $0x100;
	s21 =	simm.s32 $0x200;
	s22 =	simm.s32 $0x80  }
0x5: {  	s23 =	simm.s32 $0x2200;
	s24 =	simm.s32 $0x1200;
	s28 =	simm.s32 $0x1  }
0x6: {  	s29 =	simm.s32 $0x2;
	s30 =	simm.s32 $0x6200;
	s31 =	simm.s32 $0x0  }
0x7: {  	[smem:$0x7FF] =	sst s2;
	s18 =	smul.u32 $0x14000, s16;
	s1 =	sand.u32 $0x1, s1  }
0x8: {  	s6 =	sadd.s32 $0x5F400, s0;
	s7 =	sadd.s32 $0x64800, s0;
	s8 =	sadd.s32 $0x78C00, s0  }
0x9: {  	s9 =	sadd.s32 $0x55400, s0;
	s26 =	sshll.u32 s16, $0x6;
	_ =	strace $0x8000004A  }
0xa: {  	s3 =	smul.u32 $0x140000, s1;
	s5 =	ssub.s32 $0x2, s1;
	s19 =	sshll.u32 s1, $0x2  }
0xb: {  	s15 =	sshllo.u32 s1, $0x2;
	p0 =	seq.s32 s1, $0x0;
	s1 =	simm.s32 $0x5400  }
0xc: {  	s10 =	sshrl.u32 s18, $0x3;
	s11 =	sshrl.u32 s5, $0x1;
	s2 =	sadd.s32 s18, s4  }
0xd: {  	s12 =	sor.u32 $0x1, s19;
	s13 =	sor.u32 $0x2, s19;
	s1 =	simm.s32 @!p0 $0x2D400  }
0xe: {  	s3 =	sadd.s32 s18, s3;
	s10 =	sadd.s32 s10, s0;
	s5 =	ssub.s32 s5, s11  }
0xf: {  	s11 =	smul.u32 $0x2A00, s16;
	s14 =	sadd.s32 s1, s0;
	s10 =	sadd.s32 $0xCCC00, s10  }
0x10: {  	s3 =	sshrl.u32 s3, $0x3;
	s25 =	smax.u32 s5, $0x1;
	[dreg:$0x5] =	wrdreg s10  }
0x11: {  	s5 =	sshrl.u32 s2, $0x3;
	s3 =	sadd.s32 s3, s0;
	[dreg:$0x7] =	wrdreg s25  }
0x12: {  	v0 =	vmov s19;
	s25 =	simm.s32 $0x180;
	[dreg:$0x8] =	wrdreg s5;
	s3 =	sadd.s32 $0xF4C00, s3  }
0x13: {  	v3 =	vmov s15;
	v1 =	vmov s12;
	v2 =	vmov s13;
	[dreg:$0x6] =	wrdreg s3;
	s3 =	sor.u32 $0x1C03, s26;
	s26 =	simm.s32 $0x1A00  }
.LBB2_1:
0x14: {  	s0 =	rddreg [dreg:$0x1];
	s1 =	simm.s32 $0x0;
	s2 =	simm.s32 $0x1E200  }
0x15: {  	[tilespmem:s2], [sflag:$0x3] =	stream.linear.gather [hbm4b:s0+s1], $0x1, $0x38;
	[tilespmem:$0x1E220] =	vst v63  }
0x16: {  	s15 =	rddreg [dreg:$0x2];
	s16 =	simm.s32 $0x1E210  }
0x17: {  	[tilespmem:s16], [sflag:$0x3] =	stream.linear.gather [hbm4b:s15+s1], $0x1, $0x38;
	[tilespmem:$0x1E220] =	vst v63  }
0x18: {  	_ =	swait.ge [sflag:s17], $0x1  }
0x19: {  	[sflag:s17] =	ssyncset.done $0x0  }
0x1a: {  	[sflag:s17] =	ssyncadd.s32 $0xFFFFFFFF  }
0x1b: {  	_ =	swait.ge [sflag:s17], $0x1  }
0x1c: {  	[sflag:s17] =	ssyncset.done $0x0  }
0x1d: {  	s18 =	rddreg [dreg:$0x5];
	[sflag:s17] =	ssyncadd.s32 $0xFFFFFFFF  }
0x1e: {  	[spmem:s5], [sflag:s3] =	dma.local [hbm:s18], $0x2800  }
0x1f: {  	_ =	swait.ge [sflag:s17], $0x2800  }
0x20: {  	[sflag:s17] =	ssyncset.done $0x0  }
0x21: {  	[sflag:s17] =	ssyncadd.s32 $0xFFFFD800  }
0x22: {  	s19 =	smov.u32 s3;
	s0 =	simm.s32 $0x0;
	[bflag:$0x0] =	sbarrier.arrive $0xFFFF  }
.LBB2_2:
0x23: {  	s1 =	sshll.u32 s0, $0x8  }
0x24: {  	s1 =	sadd.s32 s11, s1  }
0x25: {  	s2 =	sshrl.u32 s1, $0x3  }
0x26: {  	s5 =	simm.s32 $0x0;
	s3 =	sadd.s32 s6, s2  }
0x27: {  	[tilespmem:s5], [sflag:$0x3] =	stream.linear.gather [hbm4b:s3+s5], $0x100, $0x38;
	[tilespmem:$0x1E220] =	vst v63  }
0x28: {  	_ =	swait.ge [sflag:s17], $0x100  }
0x29: {  	[sflag:s17] =	ssyncset.done $0x0  }
0x2a: {  	s2 =	sadd.s32 s7, s2;
	[sflag:s17] =	ssyncadd.s32 $0xFFFFFF00  }
0x2b: {  	[tilespmem:s20], [sflag:$0x3] =	stream.linear.gather [hbm4b:s2+s5], $0x100, $0x38;
	[tilespmem:$0x1E220] =	vst v63  }
0x2c: {  	_ =	swait.ge [sflag:s17], $0x100  }
0x2d: {  	s1 =	sshll.u32 s1, $0x1;
	[sflag:s17] =	ssyncset.done $0x0  }
0x2e: {  	s1 =	sadd.s32 s8, s1;
	[sflag:s17] =	ssyncadd.s32 $0xFFFFFF00  }
0x2f: {  	[tilespmem:s21], [sflag:$0x1] =	stream.linear.gather [hbm4b:s1+s5], $0x1000, $0x38;
	[tilespmem:$0x1E220] =	vst v63  }
0x30: {  	_ = 	snop  }
0x31: {  	[tilespmem:s23], [sflag:$0x2] =	stream.indirect.gather [hbm4b:s14+s22], $0x80, s5, s22, $0xb8;
	[tilespmem:$0x1E220] =	vst v63  }
0x32: {  	_ = 	snop  }
0x33: {  	[tilespmem:s24], [sflag:$0x3] =	stream.indirect.gather [hbm4b:s9+s22], $0x10, s20, s22, $0xb8;
	[tilespmem:$0x1E220] =	vst v63  }
0x34: {  	_ =	swait.ge [sflag:s17], $0x800  }
0x35: {  	[sflag:s17] =	ssyncset.done $0x0  }
0x36: {  	[sflag:s17] =	ssyncadd.s32 $0xFFFFF800  }
0x37: {  	[tilespmem:s26], [sflag:$0x3] =	stream.indirect.gather [hbm4b:s9+s22], $0x10, s25, s22, $0xb8;
	[tilespmem:$0x1E220] =	vst v63  }
0x38: {  	_ =	swait.ge [sflag:s17], $0x800  }
0x39: {  	[sflag:s17] =	ssyncset.done $0x0  }
0x3a: {  	[sflag:s17] =	ssyncadd.s32 $0xFFFFF800  }
0x3b: {  	_ =	swait.ge [sflag:s28], $0x1000  }
0x3c: {  	[sflag:s28] =	ssyncset.done $0x0  }
0x3d: {  	s1 =	simm.s32 $0x0;
	[sflag:s28] =	ssyncadd.s32 $0xFFFFF000  }
0x3e: {  	v4 =	vld [tilespmem:s1+$0x200]  }
0x3f: {  	s2 =	simm.s32 $0x40;
	v5 =	vld [tilespmem:s1+$0x1200]  }
.LBB2_3:
0x40: {  	_ = 	snop  }
0x41: {  	p0 =	sne.s32 s2, $0x3FC0  }
.Ltmp0:
0x42: {  	_ = 	snop;
	(pc) =	sbr.rel @p0 .LBB2_3-.Ltmp0, $4  }
0x43: {  	_ = 	snop  }
0x44: {  	s3 =	sshra.s32 s2, $0x2;
	v6 =	vmul.f32 v5, v4  }
0x45: {  	v4 =	vld [tilespmem:s3+$0x200]  }
0x46: {  	s2 =	sadd.s32 $0x40, s2;
	v5 =	vld [tilespmem:s3+$0x1200];
	[tilespmem:s1+$0x200] =	vst v6;
	s1 =	smov.u32 s3  }
0x47: {  	_ =	sdelay $0x3  }
0x48: {  	v4 =	vmul.f32 v5, v4  }
0x49: {  	s10 =	simm.s32 $0x0  }
0x4a: {  	[tilespmem:s1+$0x200] =	vst v4;
	v4 =	vor.u32 s10, v0  }
0x4b: {  	_ =	swait.ge [sflag:s29], $0x4000  }
0x4c: {  	[sflag:s29] =	ssyncset.done $0x0  }
0x4d: {  	[sflag:s29] =	ssyncadd.s32 $0xFFFFC000  }
0x4e: {  	[tilespmem:s30], [sflag:$0x2] =	stream.indirect.gather [hbm4b:s14+s22], $0x80, s22, s22, $0xb8;
	[tilespmem:$0x1E220] =	vst v63  }
0x4f: {  	s2 =	simm.s32 $0x2240;
	v5 =	vld.idx.msk [tilespmem:v4+s21+$0x0], $0xffff  }
0x50: {  	v4 =	vld [tilespmem:s2+$0xFFFFFFC0]  }
0x51: {  	v6 =	vld [tilespmem:s2+$0xFFFFFFD0];
	_ =	sdelay $0x2  }
0x52: {  	v7 =	vor.u32 s10, v1  }
0x53: {  	s3 =	simm.s32 $0x10;
	v8 =	vmul.f32 v4, v5  }
0x54: {  	s1 =	simm.s32 $0x22C0;
	v5 =	vmul.f32 v6, v5;
	v6 =	vor.u32 s3, v0  }
0x55: {  	v9 =	vld [tilespmem:s1+$0xFFFFFFC0];
	[tilespmem:s2+$0xFFFFFFC0] =	vst v8  }
0x56: {  	[tilespmem:s2+$0xFFFFFFD0] =	vst v5;
	v5 =	vld [tilespmem:s2+$0xFFFFFFE0]  }
0x57: {  	v7 =	vld.idx.msk [tilespmem:v7+s21+$0x0], $0xffff  }
0x58: {  	v8 =	vld [tilespmem:s2+$0xFFFFFFF0]  }
0x59: {  	v6 =	vld.idx.msk [tilespmem:v6+s21+$0x0], $0xffff  }
0x5a: {  	v10 =	vld [tilespmem:s1+$0xFFFFFFD0]  }
0x5b: {  	s5 =	simm.s32 $0x2340;
	v11 =	vor.u32 s10, v2  }
0x5c: {  	v14 =	vld [tilespmem:s5+$0xFFFFFFC0];
	v5 =	vmul.f32 v5, v7  }
0x5d: {  	v12 =	vor.u32 s3, v1;
	v15 =	vld [tilespmem:s5+$0xFFFFFFD0];
	v7 =	vmul.f32 v8, v7  }
0x5e: {  	s15 =	simm.s32 $0x20;
	v8 =	vld [tilespmem:s2+$0x0];
	v9 =	vmul.f32 v9, v6;
	[tilespmem:s2+$0xFFFFFFE0] =	vst v5  }
0x5f: {  	v6 =	vmul.f32 v10, v6;
	[tilespmem:s2+$0xFFFFFFF0] =	vst v7;
	v7 =	vor.u32 s15, v0;
	v10 =	vld [tilespmem:s2+$0x10]  }
0x60: {  	[tilespmem:s1+$0xFFFFFFC0] =	vst v9;
	v9 =	vld.idx.msk [tilespmem:v11+s21+$0x0], $0xffff  }
0x61: {  	[tilespmem:s1+$0xFFFFFFD0] =	vst v6;
	v6 =	vld [tilespmem:s1+$0xFFFFFFE0]  }
0x62: {  	v11 =	vld.idx.msk [tilespmem:v12+s21+$0x0], $0xffff  }
0x63: {  	v12 =	vld [tilespmem:s1+$0xFFFFFFF0]  }
0x64: {  	v13 =	vld.idx.msk [tilespmem:v7+s21+$0x0], $0xffff;
	_ =	sdelay $0x2  }
0x65: {  	v4 =	vld [tilespmem:s2+$0x20];
	v7 =	vmul.f32 v8, v9;
	v10 =	vmul.f32 v10, v9  }
0x66: {  	v5 =	vld [tilespmem:s1+$0x20];
	v8 =	vor.u32 s10, v3;
	v17 =	vmul.f32 v6, v11;
	v11 =	vmul.f32 v12, v11  }
0x67: {  	v16 =	vor.u32 s3, v2;
	v9 =	vld [tilespmem:s1+$0x0];
	[tilespmem:s2+$0x0] =	vst v7;
	v12 =	vmul.f32 v14, v13;
	v13 =	vmul.f32 v15, v13  }
0x68: {  	v6 =	vld [tilespmem:s5+$0x20];
	[tilespmem:s2+$0x10] =	vst v10  }
0x69: {  	v7 =	vld [tilespmem:s2+$0x30];
	[tilespmem:s5+$0xFFFFFFD0] =	vst v13;
	v13 =	vor.u32 s15, v1  }
0x6a: {  	s10 =	simm.s32 $0x30;
	v10 =	vld [tilespmem:s1+$0x10];
	[tilespmem:s1+$0xFFFFFFE0] =	vst v17  }
0x6b: {  	[tilespmem:s1+$0xFFFFFFF0] =	vst v11;
	v14 =	vor.u32 s10, v0;
	v8 =	vld.idx.msk [tilespmem:v8+s21+$0x0], $0xffff  }
0x6c: {  	v11 =	vld.idx.msk [tilespmem:v16+s21+$0x0], $0xffff  }
0x6d: {  	s12 =	simm.s32 $0x4;
	s16 =	simm.s32 $0x2340;
	[tilespmem:s5+$0xFFFFFFC0] =	vst v12;
	v12 =	vld [tilespmem:s5+$0xFFFFFFE0]  }
.LBB2_5:
0x6e: {  	p0 =	sne.s32 s12, $0x7F;
	v15 =	vld.idx.msk [tilespmem:v13+s21+$0x0], $0xffff  }
0x6f: {  	v16 =	vld [tilespmem:s5+$0xFFFFFFF0]  }
0x70: {  	s5 =	sadd.s32 $0x80, s5;
	v13 =	vmul.f32 v4, v8;
	v7 =	vmul.f32 v7, v8;
	v4 =	vmovc v5;
	v5 =	vmov v6;
	v17 =	vld.idx.msk [tilespmem:v14+s21+$0x0], $0xffff  }
0x71: {  	v14 =	vor.u32 s3, v3;
	s3 =	smov.u32 s15;
	s15 =	smov.u32 s10;
	v8 =	vld [tilespmem:s5+$0xFFFFFFC0]  }
0x72: {  	v9 =	vmul.f32 v9, v11;
	v18 =	vld [tilespmem:s5+$0xFFFFFFD0];
	[tilespmem:s2+$0x30] =	vst v7  }
0x73: {  	v19 =	vor.u32 s3, v2;
	v10 =	vmul.f32 v10, v11;
	v6 =	vld [tilespmem:s5+$0x20];
	[tilespmem:s2+$0x20] =	vst v13;
	s2 =	smov.u32 s1;
	s1 =	smov.u32 s16;
	s16 =	smov.u32 s5  }
0x74: {  	v11 =	vmul.f32 v12, v15;
	[tilespmem:s2+$0x0] =	vst v9;
	v7 =	vld [tilespmem:s2+$0x30]  }
.Ltmp1:
0x75: {  	v13 =	vor.u32 s15, v1;
	v12 =	vmul.f32 v16, v15;
	v9 =	vld [tilespmem:s1+$0x0];
	[tilespmem:s2+$0x10] =	vst v10;
	(pc) =	sbr.rel @p0 .LBB2_5-.Ltmp1, $4  }
0x76: {  	s10 =	sshll.u32 s12, $0x4;
	v15 =	vmul.f32 v8, v17;
	[tilespmem:s1+$0xFFFFFFE0] =	vst v11;
	v8 =	vld.idx.msk [tilespmem:v14+s21+$0x0], $0xffff  }
0x77: {  	v14 =	vor.u32 s10, v0;
	v16 =	vmul.f32 v18, v17;
	[tilespmem:s1+$0xFFFFFFF0] =	vst v12;
	v10 =	vld [tilespmem:s1+$0x10]  }
0x78: {  	[tilespmem:s5+$0xFFFFFFC0] =	vst v15;
	v11 =	vld.idx.msk [tilespmem:v19+s21+$0x0], $0xffff  }
0x79: {  	s12 =	sadd.s32 $0x1, s12;
	[tilespmem:s5+$0xFFFFFFD0] =	vst v16;
	v12 =	vld [tilespmem:s5+$0xFFFFFFE0]  }
0x7a: {  	_ =	sdelay $0x3  }
0x7b: {  	v14 =	vld.idx.msk [tilespmem:v14+s21+$0x0], $0xffff;
	s12 =	sadd.s32 $0x80, s5  }
0x7c: {  	v15 =	vld [tilespmem:s12+$0xFFFFFFC0]  }
0x7d: {  	v16 =	vld [tilespmem:s12+$0xFFFFFFD0];
	_ =	sdelay $0x2  }
0x7e: {  	v17 =	vor.u32 s10, v1  }
0x7f: {  	v15 =	vmul.f32 v15, v14  }
0x80: {  	v13 =	vld.idx.msk [tilespmem:v13+s21+$0x0], $0xffff;
	v14 =	vmul.f32 v16, v14  }
0x81: {  	v55 =	vld [tilespmem:s5+$0xFFFFFFF0];
	[tilespmem:s12+$0xFFFFFFC0] =	vst v15  }
0x82: {  	[tilespmem:s12+$0xFFFFFFD0] =	vst v14;
	v14 =	vld [tilespmem:s12+$0xFFFFFFE0]  }
0x83: {  	v15 =	vld.idx.msk [tilespmem:v17+s21+$0x0], $0xffff  }
0x84: {  	v18 =	vld [tilespmem:s12+$0xFFFFFFF0]  }
0x85: {  	v56 =	vor.u32 s15, v2;
	v12 =	vmul.f32 v12, v13  }
0x86: {  	v13 =	vmul.f32 v55, v13  }
0x87: {  	[tilespmem:s16+$0xFFFFFFE0] =	vst v12;
	v12 =	vor.u32 s10, v2  }
0x88: {  	v57 =	vld [tilespmem:s16+$0x0];
	[tilespmem:s16+$0xFFFFFFF0] =	vst v13;
	v13 =	vmul.f32 v14, v15  }
0x89: {  	v58 =	vld [tilespmem:s16+$0x10];
	v15 =	vmul.f32 v18, v15  }
0x8a: {  	v14 =	vld.idx.msk [tilespmem:v56+s21+$0x0], $0xffff;
	[tilespmem:s12+$0xFFFFFFE0] =	vst v13  }
0x8b: {  	v59 =	vld [tilespmem:s12+$0x0];
	v9 =	vmul.f32 v9, v11;
	v13 =	vor.u32 s3, v3;
	[tilespmem:s12+$0xFFFFFFF0] =	vst v15  }
0x8c: {  	v12 =	vld.idx.msk [tilespmem:v12+s21+$0x0], $0xffff  }
0x8d: {  	v10 =	vmul.f32 v10, v11;
	[tilespmem:s1+$0x0] =	vst v9;
	v9 =	vld [tilespmem:s12+$0x10]  }
0x8e: {  	v15 =	vor.u32 s15, v3  }
0x8f: {  	[tilespmem:s1+$0x10] =	vst v10;
	v16 =	vmul.f32 v57, v14  }
0x90: {  	v10 =	vld.idx.msk [tilespmem:v13+s21+$0x0], $0xffff;
	v13 =	vmul.f32 v58, v14;
	v14 =	vor.u32 s10, v3  }
0x91: {  	v11 =	vld [tilespmem:s1+$0x30];
	[tilespmem:s16+$0x0] =	vst v16;
	v61 =	vmul.f32 v59, v12  }
0x92: {  	v60 =	vld [tilespmem:s16+$0x30];
	v9 =	vmul.f32 v9, v12;
	[tilespmem:s16+$0x10] =	vst v13  }
0x93: {  	v12 =	vld.idx.msk [tilespmem:v15+s21+$0x0], $0xffff;
	[tilespmem:s12+$0x0] =	vst v61  }
0x94: {  	v7 =	vmul.f32 v7, v8;
	v13 =	vld [tilespmem:s12+$0x30];
	[tilespmem:s12+$0x10] =	vst v9  }
0x95: {  	v4 =	vmul.f32 v4, v8;
	v8 =	vld.idx.msk [tilespmem:v14+s21+$0x0], $0xffff  }
0x96: {  	[tilespmem:s2+$0x30] =	vst v7;
	v7 =	vld [tilespmem:s12+$0x20];
	v9 =	vmul.f32 v11, v10  }
0x97: {  	[tilespmem:s2+$0x20] =	vst v4;
	v4 =	vmul.f32 v5, v10  }
0x98: {  	[tilespmem:s1+$0x30] =	vst v9;
	v5 =	vmul.f32 v60, v12  }
0x99: {  	[tilespmem:s1+$0x20] =	vst v4;
	v4 =	vmul.f32 v6, v12  }
0x9a: {  	[tilespmem:s16+$0x30] =	vst v5;
	v5 =	vmul.f32 v13, v8  }
0x9b: {  	[tilespmem:s16+$0x20] =	vst v4;
	v4 =	vmul.f32 v7, v8  }
0x9c: {  	[tilespmem:s12+$0x30] =	vst v5  }
0x9d: {  	s16 =	simm.s32 $0x80;
	[tilespmem:s12+$0x20] =	vst v4  }
0x9e: {  	[spmem:s4] =	stream.indirect.scatter.add.f32 [tilespmem:s23], [sflag:$0x3], $0x80, s20, s16, $0xb8;
	[tilespmem:$0x1E220] =	vst v63  }
0x9f: {  	s18 =	simm.s32 $0x800;
	_ =	swait.ge [sflag:s17], $0x4000  }
0xa0: {  	v4 =	vor.u32 s18, v0;
	[sflag:s17] =	ssyncset.done $0x0  }
0xa1: {  	[sflag:s17] =	ssyncadd.s32 $0xFFFFC000  }
0xa2: {  	_ =	swait.ge [sflag:s29], $0x4000  }
0xa3: {  	[sflag:s29] =	ssyncset.done $0x0  }
0xa4: {  	[sflag:s29] =	ssyncadd.s32 $0xFFFFC000  }
0xa5: {  	s2 =	simm.s32 $0x0;
	v5 =	vld.idx.msk [tilespmem:v4+s21+$0x0], $0xffff  }
0xa6: {  	v4 =	vld [tilespmem:s2+$0x6200]  }
0xa7: {  	v6 =	vld [tilespmem:s2+$0x6210];
	_ =	sdelay $0x2  }
0xa8: {  	v7 =	vor.u32 s18, v1  }
0xa9: {  	s15 =	simm.s32 $0x810;
	v8 =	vmul.f32 v4, v5  }
0xaa: {  	s1 =	simm.s32 $0x80;
	v5 =	vmul.f32 v6, v5;
	v6 =	vor.u32 s15, v0  }
0xab: {  	v9 =	vld [tilespmem:s1+$0x6200];
	[tilespmem:s2+$0x6200] =	vst v8  }
0xac: {  	[tilespmem:s2+$0x6210] =	vst v5;
	v5 =	vld [tilespmem:s2+$0x6220]  }
0xad: {  	v7 =	vld.idx.msk [tilespmem:v7+s21+$0x0], $0xffff  }
0xae: {  	v8 =	vld [tilespmem:s2+$0x6230]  }
0xaf: {  	v6 =	vld.idx.msk [tilespmem:v6+s21+$0x0], $0xffff  }
0xb0: {  	v10 =	vld [tilespmem:s1+$0x6210]  }
0xb1: {  	s3 =	simm.s32 $0x100;
	v11 =	vor.u32 s18, v2  }
0xb2: {  	v14 =	vld [tilespmem:s3+$0x6200];
	v5 =	vmul.f32 v5, v7  }
0xb3: {  	v12 =	vor.u32 s15, v1;
	v15 =	vld [tilespmem:s3+$0x6210];
	v7 =	vmul.f32 v8, v7  }
0xb4: {  	s16 =	simm.s32 $0x820;
	v8 =	vld [tilespmem:s2+$0x6240];
	v9 =	vmul.f32 v9, v6;
	[tilespmem:s2+$0x6220] =	vst v5  }
0xb5: {  	v6 =	vmul.f32 v10, v6;
	[tilespmem:s2+$0x6230] =	vst v7;
	v7 =	vor.u32 s16, v0;
	v10 =	vld [tilespmem:s2+$0x6250]  }
0xb6: {  	[tilespmem:s1+$0x6200] =	vst v9;
	v9 =	vld.idx.msk [tilespmem:v11+s21+$0x0], $0xffff  }
0xb7: {  	[tilespmem:s1+$0x6210] =	vst v6;
	v6 =	vld [tilespmem:s1+$0x6220]  }
0xb8: {  	v11 =	vld.idx.msk [tilespmem:v12+s21+$0x0], $0xffff  }
0xb9: {  	v12 =	vld [tilespmem:s1+$0x6230]  }
0xba: {  	v13 =	vld.idx.msk [tilespmem:v7+s21+$0x0], $0xffff;
	_ =	sdelay $0x2  }
0xbb: {  	v4 =	vld [tilespmem:s2+$0x6260];
	v7 =	vmul.f32 v8, v9;
	v10 =	vmul.f32 v10, v9  }
0xbc: {  	v5 =	vld [tilespmem:s1+$0x6260];
	v8 =	vor.u32 s18, v3;
	v63 =	vmul.f32 v6, v11;
	v11 =	vmul.f32 v12, v11  }
0xbd: {  	v62 =	vor.u32 s15, v2;
	v9 =	vld [tilespmem:s1+$0x6240];
	[tilespmem:s2+$0x6240] =	vst v7;
	v12 =	vmul.f32 v14, v13;
	v13 =	vmul.f32 v15, v13  }
0xbe: {  	v6 =	vld [tilespmem:s3+$0x6260];
	[tilespmem:s2+$0x6250] =	vst v10  }
0xbf: {  	v7 =	vld [tilespmem:s2+$0x6270];
	[tilespmem:s3+$0x6210] =	vst v13;
	v13 =	vor.u32 s16, v1  }
0xc0: {  	s5 =	simm.s32 $0x830;
	v10 =	vld [tilespmem:s1+$0x6250];
	[tilespmem:s1+$0x6220] =	vst v63  }
0xc1: {  	[tilespmem:s1+$0x6230] =	vst v11;
	v14 =	vor.u32 s5, v0;
	v8 =	vld.idx.msk [tilespmem:v8+s21+$0x0], $0xffff  }
0xc2: {  	v11 =	vld.idx.msk [tilespmem:v62+s21+$0x0], $0xffff  }
0xc3: {  	s13 =	simm.s32 $0x800;
	s10 =	simm.s32 $0x83;
	s12 =	simm.s32 $0x600;
	[tilespmem:s3+$0x6200] =	vst v12;
	v12 =	vld [tilespmem:s3+$0x6220]  }
.LBB2_7:
0xc4: {  	p0 =	sne.s32 s13, $0xFE00;
	v15 =	vld.idx.msk [tilespmem:v13+s21+$0x0], $0xffff  }
0xc5: {  	v16 =	vld [tilespmem:s3+$0x6230]  }
0xc6: {  	s18 =	sshra.s32 s12, $0x2;
	s12 =	smov.u32 s13;
	v13 =	vmul.f32 v4, v8;
	v7 =	vmul.f32 v7, v8;
	v4 =	vmovc v5;
	v5 =	vmov v6;
	v17 =	vld.idx.msk [tilespmem:v14+s21+$0x0], $0xffff  }
0xc7: {  	v14 =	vor.u32 s15, v3;
	s15 =	smov.u32 s16;
	s16 =	smov.u32 s5;
	v8 =	vld [tilespmem:s18+$0x6200]  }
0xc8: {  	v9 =	vmul.f32 v9, v11;
	v18 =	vld [tilespmem:s18+$0x6210];
	[tilespmem:s2+$0x6270] =	vst v7  }
0xc9: {  	v19 =	vor.u32 s15, v2;
	v10 =	vmul.f32 v10, v11;
	v6 =	vld [tilespmem:s18+$0x6260];
	[tilespmem:s2+$0x6260] =	vst v13;
	s2 =	smov.u32 s1;
	s1 =	smov.u32 s3;
	s3 =	smov.u32 s18  }
0xca: {  	v11 =	vmul.f32 v12, v15;
	[tilespmem:s2+$0x6240] =	vst v9;
	v7 =	vld [tilespmem:s2+$0x6270]  }
.Ltmp2:
0xcb: {  	s10 =	sadd.s32 $0x1, s10;
	v13 =	vor.u32 s16, v1;
	v12 =	vmul.f32 v16, v15;
	v9 =	vld [tilespmem:s1+$0x6240];
	[tilespmem:s2+$0x6250] =	vst v10;
	(pc) =	sbr.rel @p0 .LBB2_7-.Ltmp2, $4  }
0xcc: {  	s5 =	sshll.u32 s10, $0x4;
	v15 =	vmul.f32 v8, v17;
	[tilespmem:s1+$0x6220] =	vst v11;
	v8 =	vld.idx.msk [tilespmem:v14+s21+$0x0], $0xffff  }
0xcd: {  	v14 =	vor.u32 s5, v0;
	v16 =	vmul.f32 v18, v17;
	[tilespmem:s1+$0x6230] =	vst v12;
	v10 =	vld [tilespmem:s1+$0x6250]  }
0xce: {  	[tilespmem:s3+$0x6200] =	vst v15;
	v11 =	vld.idx.msk [tilespmem:v19+s21+$0x0], $0xffff  }
0xcf: {  	s13 =	sadd.s32 $0x200, s13;
	[tilespmem:s3+$0x6210] =	vst v16;
	v12 =	vld [tilespmem:s3+$0x6220]  }
0xd0: {  	_ =	sdelay $0x3  }
0xd1: {  	v14 =	vld.idx.msk [tilespmem:v14+s21+$0x0], $0xffff;
	s10 =	sshra.s32 s12, $0x2  }
0xd2: {  	v15 =	vld [tilespmem:s10+$0x6200]  }
0xd3: {  	v16 =	vld [tilespmem:s10+$0x6210];
	_ =	sdelay $0x2  }
0xd4: {  	v17 =	vor.u32 s5, v1  }
0xd5: {  	v15 =	vmul.f32 v15, v14  }
0xd6: {  	v13 =	vld.idx.msk [tilespmem:v13+s21+$0x0], $0xffff;
	v14 =	vmul.f32 v16, v14  }
0xd7: {  	v42 =	vld [tilespmem:s3+$0x6230];
	[tilespmem:s10+$0x6200] =	vst v15  }
0xd8: {  	v43 =	vld [tilespmem:s10+$0x6220];
	[tilespmem:s10+$0x6210] =	vst v14  }
0xd9: {  	v15 =	vld.idx.msk [tilespmem:v17+s21+$0x0], $0xffff  }
0xda: {  	v18 =	vld [tilespmem:s10+$0x6230]  }
0xdb: {  	v44 =	vor.u32 s16, v2  }
0xdc: {  	v12 =	vmul.f32 v12, v13  }
0xdd: {  	v46 =	vor.u32 s5, v2;
	v13 =	vmul.f32 v42, v13  }
0xde: {  	v45 =	vld [tilespmem:s3+$0x6240];
	[tilespmem:s3+$0x6220] =	vst v12;
	v47 =	vmul.f32 v43, v15  }
0xdf: {  	v49 =	vld [tilespmem:s3+$0x6250];
	[tilespmem:s3+$0x6230] =	vst v13;
	v15 =	vmul.f32 v18, v15  }
0xe0: {  	v48 =	vld.idx.msk [tilespmem:v44+s21+$0x0], $0xffff;
	[tilespmem:s10+$0x6220] =	vst v47  }
0xe1: {  	v51 =	vld [tilespmem:s10+$0x6240];
	[tilespmem:s10+$0x6230] =	vst v15  }
0xe2: {  	v50 =	vor.u32 s15, v3;
	v12 =	vld.idx.msk [tilespmem:v46+s21+$0x0], $0xffff  }
0xe3: {  	v52 =	vld [tilespmem:s10+$0x6250];
	v9 =	vmul.f32 v9, v11  }
0xe4: {  	v54 =	vor.u32 s16, v3;
	v10 =	vmul.f32 v10, v11  }
0xe5: {  	[tilespmem:s1+$0x6240] =	vst v9;
	v16 =	vmul.f32 v45, v48  }
0xe6: {  	v53 =	vld [tilespmem:s1+$0x6270];
	v56 =	vor.u32 s5, v3;
	[tilespmem:s1+$0x6250] =	vst v10;
	v55 =	vmul.f32 v49, v48  }
0xe7: {  	v10 =	vld.idx.msk [tilespmem:v50+s21+$0x0], $0xffff;
	[tilespmem:s3+$0x6240] =	vst v16;
	v58 =	vmul.f32 v51, v12  }
0xe8: {  	v57 =	vld [tilespmem:s3+$0x6270];
	[tilespmem:s3+$0x6250] =	vst v55;
	v9 =	vmul.f32 v52, v12  }
0xe9: {  	v59 =	vld.idx.msk [tilespmem:v54+s21+$0x0], $0xffff;
	[tilespmem:s10+$0x6240] =	vst v58  }
0xea: {  	v7 =	vmul.f32 v7, v8;
	v60 =	vld [tilespmem:s10+$0x6270];
	[tilespmem:s10+$0x6250] =	vst v9  }
0xeb: {  	v4 =	vmul.f32 v4, v8;
	v61 =	vld.idx.msk [tilespmem:v56+s21+$0x0], $0xffff  }
0xec: {  	v62 =	vld [tilespmem:s10+$0x6260];
	[tilespmem:s2+$0x6270] =	vst v7;
	v63 =	vmul.f32 v53, v10  }
0xed: {  	[tilespmem:s2+$0x6260] =	vst v4;
	v4 =	vmul.f32 v5, v10  }
0xee: {  	[tilespmem:s1+$0x6270] =	vst v63;
	v5 =	vmul.f32 v57, v59  }
0xef: {  	[tilespmem:s1+$0x6260] =	vst v4;
	v4 =	vmul.f32 v6, v59  }
0xf0: {  	[tilespmem:s3+$0x6270] =	vst v5;
	v5 =	vmul.f32 v60, v61  }
0xf1: {  	s0 =	sadd.s32 $0x1, s0;
	[tilespmem:s3+$0x6260] =	vst v4;
	v4 =	vmul.f32 v62, v61  }
0xf2: {  	p0 =	sne.s32 s0, $0x2A;
	[tilespmem:s10+$0x6270] =	vst v5  }
.Ltmp3:
0xf3: {  	[tilespmem:s10+$0x6260] =	vst v4;
	(pc) =	sbr.rel @p0 .LBB2_2-.Ltmp3, $4  }
0xf4: {  	[spmem:s4] =	stream.indirect.scatter.add.f32 [tilespmem:s30], [sflag:$0x3], $0x80, s25, s22, $0xb8;
	[tilespmem:$0x1E220] =	vst v63  }
0xf5: {  	_ =	swait.ge [sflag:s17], $0x4000  }
0xf6: {  	[sflag:s17] =	ssyncset.done $0x0  }
0xf7: {  	[sflag:s17] =	ssyncadd.s32 $0xFFFFC000  }
0xf8: {  	[bflag:$0x0] =	sbarrier.arrive $0xFFFF  }
0xf9: {  	s0 =	rddreg [dreg:$0x6]  }
0xfa: {  	s5 =	rddreg [dreg:$0x8]  }
0xfb: {  	[hbm:s0], [sflag:s19] =	dma.local [spmem:s5], $0x2800  }
0xfc: {  	_ =	swait.ge [sflag:s17], $0x2800  }
0xfd: {  	s3 =	smov.u32 s19;
	s31 =	sadd.s32 $0x1, s31;
	s19 =	rddreg [dreg:$0x7]  }
0xfe: {  	p0 =	sne.s32 s31, s19  }
.Ltmp4:
0xff: {  	_ = 	snop;
	(pc) =	sbr.rel @p0 .LBB2_1-.Ltmp4, $3  }
0x100: {  	_ =	sdelay $0x1  }
0x101: {  	[sflag:s17] =	ssyncset.done $0x0  }
0x102: {  	[sflag:s17] =	ssyncadd.s32 $0xFFFFD800  }
0x103: {  	_ =	sfence.sel $0x180000  }
0x104: {  	[bflag:$0x0] =	sbarrier.arrive $0xFFFF  }
0x105: {  	_ =	strace $0x9000004A  }
0x106: {  	s0 =	stileid.u32;
	[bflag:$0x2] =	sbarrier.arrive $0xFFFF  }
0x107: {  	p0 =	sne.s32 s0, $0x0;
	s0 =	rddreg [dreg:$0x4]  }
0x108: {  	s0 =	sadd.s32 @!p0 $0x100000, s0  }
0x109: {  	[sflag:s0] =	ssyncadd.tile.s32 @!p0 $0x1;
	_ =	shalt  }
.Lfunc_end2:
_tile_overlayer_lowered:
.L_overlay_start_2:
0x10a: {  	(tag) =	ssettag $0x2  }
0x10b: {  	s0 =	rddreg [dreg:$0x0];
	s2 =	stileid.u32  }
0x10c: {  	s1 =	rddreg [dreg:$0x1];
	p0 =	sne.s32 s2, $0x0  }
0x10d: {  	s3 =	rddreg [dreg:$0x2];
	[bflag:$0x3] =	sbarrier.arrive $0xFFFF;
	s2 =	simm.s32 @!p0 $0x1C03  }
0x10e: {  	[timem:s3], [sflag:s2] =	dma.local @!p0 [hbm:s0], s1  }
0x10f: {  	s0 =	simm.s32 @!p0 $0x3  }
0x110: {  	_ =	swait.ge @!p0 [sflag:s0], s1  }
0x111: {  	s1 =	ssub.s32 @!p0 $0x0, s1;
	[sflag:s0] =	ssyncset.done @!p0 $0x0  }
0x112: {  	[sflag:s0] =	ssyncadd.s32 @!p0 s1  }
0x113: {  	[bflag:$0x3] =	sbarrier.arrive $0xFFFF  }
0x114: {  	_ =	shalt  }

// kernel: kernel.21.cloned.1.call-start
scs
__scs_entry_jumppad:
0x0: {  	(pc) =	sbr.rel $0x88, $3  }
0x1: {  	(tag) =	ssettag $0x0;
	lr =	simm.s32 $0x1  }
0x2: {  	[smem:$0x3F8A] =	sst lr;
	_ =	strace $0xD0000000  }
0x3: {  	_ = 	snop  }
0x4: {  	_ = 	snop  }
0x5: {  	_ = 	snop  }
0x6: {  	_ = 	snop  }
0x7: {  	_ = 	snop  }
__scs_overlays_trampoline_lowered:
0x8: {  	[smem:$0x3F99] =	sst s0  }
0x9: {  	[smem:$0x3F9A] =	sst s1  }
0xa: {  	[smem:$0x3F9B] =	sst s2  }
0xb: {  	[smem:$0x3F9C] =	sst s3  }
0xc: {  	[smem:$0x3F9D] =	sst s4  }
0xd: {  	[smem:$0x3F9E] =	sst s5  }
0xe: {  	[smem:$0x3F9F] =	sst s6  }
0xf: {  	[smem:$0x3FA0] =	sst s7  }
0x10: {  	[smem:$0x3FA1] =	sst s8  }
0x11: {  	[smem:$0x3FA2] =	sst s9;
	s0 =	simm.s32 @!p0 $0x0  }
0x12: {  	s1 =	sld [smem:$0x3F88];
	s0 =	simm.s32 @p0 $0x1  }
0x13: {  	[smem:$0x3FA3] =	sst s0;
	s0 =	simm.s32 @!p1 $0x0  }
0x14: {  	s2 =	sld [smem:$0x3F87];
	s0 =	simm.s32 @p1 $0x1  }
0x15: {  	[smem:$0x3FA4] =	sst s0;
	s0 =	simm.s32 @!p2 $0x0  }
0x16: {  	s3 =	sld [smem:$0x3FDB];
	s0 =	simm.s32 @p2 $0x1  }
0x17: {  	s4 =	simm.s32 $0x1BF5;
	[smem:$0x3FA6] =	sst s0  }
0x18: {  	s0 =	sld [smem:$0x3F89];
	_ =	swait.ge [sflag:s4], $0x0  }
0x19: {  	s7 =	sld [smem:$0x3F8A]  }
0x1a: {  	s8 =	sadd.s32 $0xFFFFE003, lr  }
0x1b: {  	s9 =	sadd.s32 $0xFFFFFEF7, lr;
	s5 =	simm.s32 $0xFFFFFFFF;
	p2 =	slt.u32 s8, $0xFFFFF086  }
0x1c: {  	p1 =	slt.u32 s9, $0xF7A;
	s5 =	simm.s32 @!p2 $0x0  }
0x1d: {  	s5 =	simm.s32 @p1 $0x1;
	p0 =	seq.s32 s7, s2  }
0x1e: {  	s7 =	smul.u32 @!p0 $0xF7A, s2;
	p2 =	seq.s32 @!p0 s5, $0x0  }
0x1f: {  	s9 =	smul.u32 $0xF7A, s1;
	s8 =	simm.s32 @!p0 $0x1BF5;
	p2 =	por !p2, p0  }
0x20: {  	[sflag:s8] =	ssyncset.s32 @!p0 $0xFFFFF086;
	s6 =	sadd.s32 @!p0 s3, s7;
	s7 =	simm.s32 @!p0 $0x108  }
0x21: {  	s3 =	sadd.s32 s3, s9;
	s6 =	sadd.s32 @!p0 $0x88, s6;
	s7 =	simm.s32 @p2 $0x1082  }
0x22: {  	[simem:s7], [sflag:s8] =	dma.local @!p0 [hbm:s6], $0xF7A  }
0x23: {  	s9 =	sor.u32 $0xD0000000, s2;
	s6 =	simm.s32 $0x108;
	_ =	swait.ge @!p0 [sflag:s8], $0x0  }
0x24: {  	s3 =	sadd.s32 $0x88, s3;
	s6 =	simm.s32 @!p1 $0x1082;
	[sflag:s4] =	ssyncset.s32 $0xFFFFF086  }
0x25: {  	[simem:s6], [sflag:s4] =	dma.local [hbm:s3], $0xF7A  }
0x26: {  	[smem:$0x3F8A] =	sst s1;
	(tag) =	ssettag s2;
	_ =	strace s9  }
0x27: {  	s1 =	sld [smem:$0x3F9A]  }
0x28: {  	s2 =	sld [smem:$0x3F9B]  }
0x29: {  	s4 =	sld [smem:$0x3F9D]  }
0x2a: {  	p0 =	seq.s32 s5, $0x0;
	s5 =	sld [smem:$0x3F9E]  }
0x2b: {  	s6 =	sld [smem:$0x3F9F]  }
0x2c: {  	s7 =	sld [smem:$0x3FA0]  }
0x2d: {  	s3 =	simm.s32 $0x108;
	s8 =	sld [smem:$0x3FA1]  }
0x2e: {  	s3 =	simm.s32 @!p0 $0x1082;
	s9 =	sld [smem:$0x3FA2]  }
0x2f: {  	lr =	sadd.s32 s0, s3;
	s0 =	sld [smem:$0x3F99]  }
0x30: {  	s3 =	sld [smem:$0x3F9C]  }
0x31: {  	[smem:$0x3FA5] =	sst s10  }
0x32: {  	s10 =	sld [smem:$0x3FA3];
	_ =	sdelay $0x3  }
0x33: {  	p0 =	seq.s32 s10, $0x1;
	s10 =	sld [smem:$0x3FA5];
	_ =	sdelay $0x3  }
0x34: {  	[smem:$0x3FA5] =	sst s10  }
0x35: {  	s10 =	sld [smem:$0x3FA4];
	_ =	sdelay $0x3  }
0x36: {  	p1 =	seq.s32 s10, $0x1;
	s10 =	sld [smem:$0x3FA5];
	_ =	sdelay $0x3  }
0x37: {  	[smem:$0x3FA5] =	sst s10  }
0x38: {  	s10 =	sld [smem:$0x3FA6]  }
0x39: {  	_ = 	snop;
	(pc) =	sbr.ind lr, $3  }
0x3a: {  	_ = 	snop  }
0x3b: {  	_ = 	snop  }
0x3c: {  	p2 =	seq.s32 s10, $0x1;
	s10 =	sld [smem:$0x3FA5]  }
0x3d: {  	_ =	shalt  }
0x3e: {  	_ =	shalt  }
0x3f: {  	_ =	shalt  }
0x40: {  	_ =	shalt  }
0x41: {  	_ =	shalt  }
0x42: {  	_ =	shalt  }
0x43: {  	_ =	shalt  }
0x44: {  	_ =	shalt  }
0x45: {  	_ =	shalt  }
0x46: {  	_ =	shalt  }
0x47: {  	_ =	shalt  }
0x48: {  	_ =	shalt  }
0x49: {  	_ =	shalt  }
0x4a: {  	_ =	shalt  }
0x4b: {  	_ =	shalt  }
0x4c: {  	_ =	shalt  }
0x4d: {  	_ =	shalt  }
0x4e: {  	_ =	shalt  }
0x4f: {  	_ =	shalt  }
0x50: {  	_ =	shalt  }
0x51: {  	_ =	shalt  }
0x52: {  	_ =	shalt  }
0x53: {  	_ =	shalt  }
0x54: {  	_ =	shalt  }
0x55: {  	_ =	shalt  }
0x56: {  	_ =	shalt  }
0x57: {  	_ =	shalt  }
0x58: {  	_ =	shalt  }
0x59: {  	_ =	shalt  }
0x5a: {  	_ =	shalt  }
0x5b: {  	_ =	shalt  }
0x5c: {  	_ =	shalt  }
0x5d: {  	_ =	shalt  }
0x5e: {  	_ =	shalt  }
0x5f: {  	_ =	shalt  }
0x60: {  	_ =	shalt  }
0x61: {  	_ =	shalt  }
0x62: {  	_ =	shalt  }
0x63: {  	_ =	shalt  }
0x64: {  	_ =	shalt  }
0x65: {  	_ =	shalt  }
0x66: {  	_ =	shalt  }
0x67: {  	_ =	shalt  }
0x68: {  	_ =	shalt  }
0x69: {  	_ =	shalt  }
0x6a: {  	_ =	shalt  }
0x6b: {  	_ =	shalt  }
0x6c: {  	_ =	shalt  }
0x6d: {  	_ =	shalt  }
0x6e: {  	_ =	shalt  }
0x6f: {  	_ =	shalt  }
0x70: {  	_ =	shalt  }
0x71: {  	_ =	shalt  }
0x72: {  	_ =	shalt  }
0x73: {  	_ =	shalt  }
0x74: {  	_ =	shalt  }
0x75: {  	_ =	shalt  }
0x76: {  	_ =	shalt  }
0x77: {  	_ =	shalt  }
0x78: {  	_ =	shalt  }
0x79: {  	_ =	shalt  }
0x7a: {  	_ =	shalt  }
0x7b: {  	_ =	shalt  }
0x7c: {  	_ =	shalt  }
0x7d: {  	_ =	shalt  }
0x7e: {  	_ =	shalt  }
0x7f: {  	_ =	shalt  }
0x80: {  	_ =	shalt  }
0x81: {  	_ =	shalt  }
0x82: {  	_ =	shalt  }
0x83: {  	_ =	shalt  }
0x84: {  	_ =	shalt  }
0x85: {  	_ =	shalt  }
0x86: {  	_ =	shalt  }
0x87: {  	_ =	shalt  }
.Lfunc_end0:
.L_simem_size_0:
called_computation.2_lowered:
.L_overlay_start_0:
0x88: {  	s2 =	sld [smem:$0x3FD9]  }
0x89: {  	s3 =	sld [smem:$0x3FFE];
	_ =	sdelay $0x1  }
0x8a: {  	s1 =	srdreg.scid  }
0x8b: {  	s0 =	sand.u32 $0x1, s1  }
0x8c: {  	s16 =	sshll.u32 s0, $0xA;
	s2 =	sadd.s32 s3, s2  }
0x8d: {  	s2 =	sadd.s32 s2, s16  }
0x8e: {  	[smem:$0x3FB1] =	sst s2  }
0x8f: {  	_ = 	snop  }
0x90: {  	(tm) =	ssettm $0x1  }
0x91: {  	s17 =	sld [smem:$0x3FFB];
	_ =	sdelay $0x3  }
0x92: {  	_ =	strace s17  }
0x93: {  	s2 =	sld [smem:$0x3FFC];
	_ =	sdelay $0x3  }
0x94: {  	_ =	strace s2  }
0x95: {  	s2 =	sld [smem:$0x3FFD];
	_ =	sdelay $0x3  }
0x96: {  	_ =	strace s2  }
0x97: {  	_ =	strace $0x8FFFFFFF  }
0x98: {  	s18 =	sld [smem:$0x3FDB];
	_ =	sdelay $0x1  }
0x99: {  	s19 =	simm.s32 $_scs_section_size  }
0x9a: {  	s4 =	simm.s32 $_size__tile_overlayer_lowered;
	s5 =	simm.s32 $_tile_overlayer_lowered  }
0x9b: {  	s22 =	simm.s32 $0x1BFF;
	s21 =	sshll.u32 s5, $0x1;
	s2 =	sadd.s32 s19, s18  }
0x9c: {  	s6 =	simm.s32 $0x0;
	s20 =	sshll.u32 s4, $0x1;
	s4 =	sadd.s32 s21, s2  }
0x9d: {  	[timem:s6], [sflag:s22] =	dma.local [hbm:s4], s20  }
0x9e: {  	_ =	swait.ge [sflag:s22], s20  }
0x9f: {  	s3 =	ssub.s32 $0x0, s20;
	[sflag:s22] =	ssyncset.done $0x0  }
0xa0: {  	[sflag:s22] =	ssyncadd.s32 s3;
	_ =	sdelay $0x1  }
0xa1: {  	s23 =	simm.s32 $0x1B8B  }
0xa2: {  	_ =	swait.ge [sflag:s23], $0x1  }
0xa3: {  	[sflag:s23] =	ssyncset.done $0x0  }
0xa4: {  	s25 =	simm.s32 $0x1B8E;
	s24 =	sld [smem:$0x3FFE];
	[sflag:s23] =	ssyncadd.s32 $0xFFFFFFFF  }
0xa5: {  	s26 =	simm.s32 $execute0_lowered;
	[smem:$0x3FD2] =	sst s25  }
0xa6: {  	s4 =	sshll.u32 s26, $0x1;
	_ =	strace $0x8000004C;
	[dreg:$0x1] =	wrdreg $0xFFFFFFFF  }
0xa7: {  	s28 =	simm.s32 $_size_execute0_lowered;
	s2 =	sadd.s32 s2, s4;
	[dreg:$0x0] =	wrdreg $0x0  }
0xa8: {  	s4 =	sshll.u32 s28, $0x1;
	[dreg:$0x2] =	wrdreg s2  }
0xa9: {  	[dreg:$0x3] =	wrdreg s4  }
0xaa: {  	[dreg:$0x4] =	wrdreg $0xC0  }
0xab: {  	_ =	task [dreg:s6], $0x5FFFF  }
0xac: {  	[dreg:$0x1] =	wrdreg $0xFFFFFFFF  }
0xad: {  	[dreg:$0x0] =	wrdreg $0x60  }
0xae: {  	[dreg:$0x2] =	wrdreg s24  }
0xaf: {  	[dreg:$0x3] =	wrdreg $0x22000  }
0xb0: {  	[dreg:$0x4] =	wrdreg $0x4A000  }
0xb1: {  	[dreg:$0x5] =	wrdreg $0x72000  }
0xb2: {  	[dreg:$0x6] =	wrdreg $0x9  }
0xb3: {  	_ =	task.clear_ibuf [dreg:s6], $0x7FFFF;
	_ =	strace $0x9000004C  }
0xb4: {  	s29 =	simm.s32 $0x9;
	_ =	strace $0x8000004E  }
0xb5: {  	_ =	swait.ge [sflag:s29], $0x1  }
0xb6: {  	[sflag:s29] =	ssyncadd.s32 $0xFFFFFFFF  }
0xb7: {  	_ =	strace $0x9000004E  }
0xb8: {  	_ =	sfence  }
0xb9: {  	s30 =	sld [smem:$0x0];
	_ =	sdelay $0x2  }
0xba: {  	s31 =	sshll.u32 s1, $0xD;
	s1 =	sshrl.u32 s1, $0x2  }
0xbb: {  	s3 =	sand.u32 $0x4000, s31;
	s1 =	sadd.s32 s1, s30  }
0xbc: {  	s0 =	sor.u32 s3, s0;
	s1 =	sshll.u32 s1, $0x11  }
0xbd: {  	s0 =	sor.u32 s1, s0  }
0xbe: {  	s0 =	sadd.s32 $0x8F2B, s0  }
0xbf: {  	[sflag:s0] =	ssyncadd.remote.s32 $0x1  }
0xc0: {  	_ =	sfence.sel $0xFFFF  }
0xc1: {  	[dreg:$0x0] =	wrdreg $0xFFFFFFFF;
	(pc) =	sbr.abs _section_cstart, $3  }
0xc2: {  	[dreg:$0x1] =	wrdreg $0xFFFFFFFF  }
0xc3: {  	_ =	task.clear_ibuf [dreg:s6], $0x2FFFF;
	_ =	strace $0x9FFFFFFF  }
0xc4: {  	(tm) =	ssettm $0x7FFFFFFF  }
0xc5: {  	_ =	shalt  }
tec
execute0_lowered:
.L_overlay_start_1:
0x0: {  	(tag) =	ssettag $0x1  }
0x1: {  	s0 =	rddreg [dreg:$0x0]  }
0x2: {  	s1 =	rddreg [dreg:$0x1]  }
0x3: {  	s3 =	rddreg [dreg:$0x2]  }
0x4: {  	s4 =	rddreg [dreg:$0x3];
	s5 =	simm.s32 $0x0;
	s14 =	stileid.u32  }
0x5: {  	s2 =	srdreg.scid;
	s17 =	simm.s32 $0x1;
	s20 =	simm.s32 $0x100  }
0x6: {  	s21 =	simm.s32 $0x80;
	s22 =	simm.s32 $0x200;
	s23 =	simm.s32 $0x1200  }
0x7: {  	s24 =	simm.s32 $0xA00;
	s28 =	simm.s32 $0x0;
	[smem:$0x7FF] =	sst s5  }
0x8: {  	s9 =	smul.u32 $0x2800, s14;
	s2 =	sand.u32 $0x1, s2;
	s6 =	sadd.s32 $0x5F400, s0  }
0x9: {  	s7 =	sadd.s32 $0x64800, s0;
	s26 =	sshll.u32 s14, $0x1;
	s29 =	sshll.u32 s14, $0x6  }
0xa: {  	_ =	strace $0x8000004D;
	s8 =	smul.u32 $0x28000, s2;
	s12 =	ssub.s32 $0x2, s2  }
0xb: {  	s2 =	sor.u32 s2, s26;
	s26 =	simm.s32 $0x1A00;
	s10 =	sshrl.u32 s9, $0x3  }
0xc: {  	s13 =	sshrl.u32 s12, $0x1;
	s16 =	sadd.s32 s9, s1;
	s18 =	sadd.s32 s9, s3  }
0xd: {  	s11 =	sadd.s32 s10, s0;
	s25 =	sadd.s32 s9, s8;
	s8 =	sadd.s32 $0x78C00, s0  }
0xe: {  	s15 =	ssub.s32 s12, s13;
	s9 =	sadd.s32 s9, s4;
	s13 =	smul.u32 $0x1500, s2  }
0xf: {  	s16 =	sshrl.u32 s16, $0x3;
	s18 =	sshrl.u32 s18, $0x3;
	s10 =	sshrl.u32 s25, $0x3  }
0x10: {  	s30 =	sadd.s32 $0x69C00, s11;
	s31 =	sadd.s32 $0x55400, s11;
	s11 =	sadd.s32 $0x5A400, s11  }
0x11: {  	s15 =	smax.u32 s15, $0x1;
	s19 =	sshrl.u32 s9, $0x3;
	[dreg:$0x5] =	wrdreg s30  }
0x12: {  	s25 =	simm.s32 $0x180;
	s0 =	sadd.s32 s10, s0;
	[dreg:$0x6] =	wrdreg s31  }
0x13: {  	s10 =	sor.u32 $0x1C01, s29;
	[dreg:$0x7] =	wrdreg s11;
	s14 =	sadd.s32 $0x6EC00, s0  }
.LBB2_1:
0x14: {  	s0 =	rddreg [dreg:$0x5]  }
0x15: {  	[spmem:s16], [sflag:s10] =	dma.local [hbm:s0], $0x500  }
0x16: {  	_ =	swait.ge [sflag:s17], $0x500  }
0x17: {  	[sflag:s17] =	ssyncset.done $0x0  }
0x18: {  	s30 =	rddreg [dreg:$0x6];
	[sflag:s17] =	ssyncadd.s32 $0xFFFFFB00  }
0x19: {  	[spmem:s18], [sflag:s10] =	dma.local [hbm:s30], $0x500  }
0x1a: {  	_ =	swait.ge [sflag:s17], $0x500  }
0x1b: {  	[sflag:s17] =	ssyncset.done $0x0  }
0x1c: {  	s31 =	rddreg [dreg:$0x7];
	[sflag:s17] =	ssyncadd.s32 $0xFFFFFB00  }
0x1d: {  	[spmem:s19], [sflag:s10] =	dma.local [hbm:s31], $0x500  }
0x1e: {  	_ =	swait.ge [sflag:s17], $0x500  }
0x1f: {  	[sflag:s17] =	ssyncset.done $0x0  }
0x20: {  	[sflag:s17] =	ssyncadd.s32 $0xFFFFFB00  }
0x21: {  	s29 =	simm.s32 $0x0;
	[bflag:$0x0] =	sbarrier.arrive $0xFFFF  }
.LBB2_2:
0x22: {  	s0 =	sshll.u32 s29, $0x8  }
0x23: {  	s30 =	sadd.s32 s13, s0  }
0x24: {  	s0 =	sshrl.u32 s30, $0x3  }
0x25: {  	s9 =	simm.s32 $0x0;
	s2 =	sadd.s32 s6, s0  }
0x26: {  	[tilespmem:s9], [sflag:$0x1] =	stream.linear.gather [hbm4b:s2+s9], $0x100, $0x38;
	[tilespmem:$0x9A00] =	vst v63  }
0x27: {  	_ =	swait.ge [sflag:s17], $0x100  }
0x28: {  	[sflag:s17] =	ssyncset.done $0x0  }
0x29: {  	s0 =	sadd.s32 s7, s0;
	[sflag:s17] =	ssyncadd.s32 $0xFFFFFF00  }
0x2a: {  	[tilespmem:s20], [sflag:$0x1] =	stream.linear.gather [hbm4b:s0+s9], $0x100, $0x38;
	[tilespmem:$0x9A00] =	vst v63  }
0x2b: {  	_ =	swait.ge [sflag:s17], $0x100  }
0x2c: {  	[sflag:s17] =	ssyncset.done $0x0  }
0x2d: {  	[sflag:s17] =	ssyncadd.s32 $0xFFFFFF00  }
0x2e: {  	[tilespmem:s22], [sflag:$0x1] =	stream.indirect.gather [spmem:s3], $0x10, s9, s21, $0xb8;
	[tilespmem:$0x9A00] =	vst v63  }
0x2f: {  	_ =	swait.ge [sflag:s17], $0x800  }
0x30: {  	[sflag:s17] =	ssyncset.done $0x0  }
0x31: {  	[sflag:s17] =	ssyncadd.s32 $0xFFFFF800  }
0x32: {  	[tilespmem:s23], [sflag:$0x1] =	stream.indirect.gather [spmem:s4], $0x10, s20, s21, $0xb8;
	[tilespmem:$0x9A00] =	vst v63  }
0x33: {  	_ =	swait.ge [sflag:s17], $0x800  }
0x34: {  	[sflag:s17] =	ssyncset.done $0x0  }
0x35: {  	[sflag:s17] =	ssyncadd.s32 $0xFFFFF800  }
0x36: {  	[tilespmem:s24], [sflag:$0x1] =	stream.indirect.gather [spmem:s3], $0x10, s21, s21, $0xb8;
	[tilespmem:$0x9A00] =	vst v63  }
0x37: {  	_ =	swait.ge [sflag:s17], $0x800  }
0x38: {  	[sflag:s17] =	ssyncset.done $0x0  }
0x39: {  	[sflag:s17] =	ssyncadd.s32 $0xFFFFF800  }
0x3a: {  	[tilespmem:s26], [sflag:$0x1] =	stream.indirect.gather [spmem:s4], $0x10, s25, s21, $0xb8;
	[tilespmem:$0x9A00] =	vst v63  }
0x3b: {  	_ =	swait.ge [sflag:s17], $0x800  }
0x3c: {  	[sflag:s17] =	ssyncset.done $0x0  }
0x3d: {  	s31 =	simm.s32 $0x0;
	[sflag:s17] =	ssyncadd.s32 $0xFFFFF800  }
0x3e: {  	v0 =	vld [tilespmem:s31+$0x200]  }
0x3f: {  	v1 =	vld [tilespmem:s31+$0x1200];
	_ =	sdelay $0x4  }
0x40: {  	v0 =	vadd.f32 v1, v0;
	_ =	sdelay $0x1  }
0x41: {  	s0 =	simm.s32 $0x10;
	v1 =	vmul.f32 $2.000000030e-01, v0  }
0x42: {  	v2 =	vld [tilespmem:s0+$0x200]  }
0x43: {  	v3 =	vld [tilespmem:s0+$0x1200];
	v0 =	vmax.f32 v0, v1  }
0x44: {  	s9 =	simm.s32 $0x20;
	v0 =	vmul.f32 $1.442695020e+00, v0  }
0x45: {  	v1 =	vld [tilespmem:s9+$0x200]  }
0x46: {  	(erf) = vpow2.f32 v0;
	v0 =	vld [tilespmem:s9+$0x1200];
	_ =	sdelay $0x1  }
0x47: {  	v2 =	vadd.f32 v3, v2;
	_ =	sdelay $0x1  }
0x48: {  	v3 =	vmul.f32 $2.000000030e-01, v2  }
0x49: {  	v4 =	vadd.f32 v0, v1  }
0x4a: {  	v0 =	vmax.f32 v2, v3  }
0x4b: {  	s2 =	simm.s32 $0x30;
	v1 =	vmul.f32 $1.442695020e+00, v0;
	v2 =	vmul.f32 $2.000000030e-01, v4  }
0x4c: {  	v0 =	vld [tilespmem:s2+$0x200]  }
0x4d: {  	(erf) = vpow2.f32 v1;
	v1 =	vld [tilespmem:s2+$0x1200];
	_ =	sdelay $0x1  }
0x4e: {  	s11 =	simm.s32 $0x100;
	v3 =	vmax.f32 v4, v2;
	v2 =	vpop (erf)  }
.LBB2_3:
0x4f: {  	s12 =	sshra.s32 s11, $0x2  }
0x50: {  	v3 =	vmul.f32 $1.442695020e+00, v3;
	[tilespmem:s31+$0x200] =	vst v2;
	s31 =	smov.u32 s0;
	s0 =	smov.u32 s9;
	p0 =	sne.s32 s11, $0x3FC0  }
.Ltmp0:
0x51: {  	s11 =	sadd.s32 $0x40, s11;
	v2 =	vadd.f32 v1, v0;
	v0 =	vld [tilespmem:s12+$0x200];
	(pc) =	sbr.rel @p0 .LBB2_3-.Ltmp0, $3  }
0x52: {  	s9 =	smov.u32 s2;
	s2 =	smov.u32 s12;
	v1 =	vld [tilespmem:s12+$0x1200];
	(erf) = vpow2.f32 v3  }
0x53: {  	v3 =	vmul.f32 $2.000000030e-01, v2;
	_ =	sdelay $0x1  }
0x54: {  	v3 =	vmax.f32 v2, v3;
	v2 =	vpop (erf)  }
0x55: {  	_ = 	snop  }
0x56: {  	v0 =	vadd.f32 v1, v0;
	_ =	sdelay $0x1  }
0x57: {  	v1 =	vmul.f32 $2.000000030e-01, v0;
	_ =	sdelay $0x1  }
0x58: {  	v3 =	vmul.f32 $1.442695020e+00, v3;
	v0 =	vmax.f32 v0, v1  }
0x59: {  	v0 =	vmul.f32 $1.442695020e+00, v0  }
0x5a: {  	(erf) = vpow2.f32 v3  }
0x5b: {  	(erf) = vpow2.f32 v0;
	_ =	sdelay $0x6  }
0x5c: {  	[tilespmem:s31+$0x200] =	vst v2;
	v61 =	vpop (erf)  }
0x5d: {  	[tilespmem:s0+$0x200] =	vst v61;
	v62 =	vpop (erf)  }
0x5e: {  	s31 =	sshll.u32 s30, $0x1;
	[tilespmem:s9+$0x200] =	vst v62;
	v63 =	vpop (erf)  }
0x5f: {  	s0 =	sadd.s32 s8, s31;
	[tilespmem:s2+$0x200] =	vst v63  }
0x60: {  	[hbm4b:s0+s5] =	stream.linear.scatter [tilespmem:s22], [sflag:$0x1], $0x1000, $0x38;
	[tilespmem:$0x9A00] =	vst v63  }
0x61: {  	_ =	swait.ge [sflag:s17], $0x1000  }
0x62: {  	[sflag:s17] =	ssyncset.done $0x0  }
0x63: {  	[sflag:s17] =	ssyncadd.s32 $0xFFFFF000  }
0x64: {  	[spmem:s1] =	stream.indirect.scatter.add.f32 [tilespmem:s22], [sflag:$0x1], $0x10, s20, s21, $0xb8;
	[tilespmem:$0x9A00] =	vst v63  }
0x65: {  	s29 =	sadd.s32 $0x1, s29;
	_ =	swait.ge [sflag:s17], $0x800  }
0x66: {  	p0 =	sne.s32 s29, $0x15;
	[sflag:s17] =	ssyncset.done $0x0  }
.Ltmp1:
0x67: {  	[sflag:s17] =	ssyncadd.s32 $0xFFFFF800;
	(pc) =	sbr.rel @p0 .LBB2_2-.Ltmp1, $4  }
0x68: {  	[spmem:s1] =	stream.indirect.scatter.add.f32 [tilespmem:s24], [sflag:$0x1], $0x10, s25, s21, $0xb8;
	[tilespmem:$0x9A00] =	vst v63  }
0x69: {  	_ =	swait.ge [sflag:s17], $0x800  }
0x6a: {  	[sflag:s17] =	ssyncset.done $0x0  }
0x6b: {  	[sflag:s17] =	ssyncadd.s32 $0xFFFFF800  }
0x6c: {  	s28 =	sadd.s32 $0x1, s28  }
0x6d: {  	p0 =	sne.s32 s28, s15  }
.Ltmp2:
0x6e: {  	[bflag:$0x0] =	sbarrier.arrive $0xFFFF;
	(pc) =	sbr.rel @p0 .LBB2_1-.Ltmp2, $4  }
0x6f: {  	[hbm:s14], [sflag:s10] =	dma.local [spmem:s16], $0x500  }
0x70: {  	_ =	swait.ge [sflag:s17], $0x500  }
0x71: {  	[sflag:s17] =	ssyncset.done $0x0  }
0x72: {  	[sflag:s17] =	ssyncadd.s32 $0xFFFFFB00  }
0x73: {  	_ =	sfence.sel $0x180000  }
0x74: {  	[bflag:$0x0] =	sbarrier.arrive $0xFFFF  }
0x75: {  	_ =	strace $0x9000004D  }
0x76: {  	s0 =	stileid.u32;
	[bflag:$0x2] =	sbarrier.arrive $0xFFFF  }
0x77: {  	p0 =	sne.s32 s0, $0x0;
	s0 =	rddreg [dreg:$0x4]  }
0x78: {  	s0 =	sadd.s32 @!p0 $0x100000, s0  }
0x79: {  	[sflag:s0] =	ssyncadd.tile.s32 @!p0 $0x1;
	_ =	shalt  }
.Lfunc_end2:
_tile_overlayer_lowered:
.L_overlay_start_2:
0x7a: {  	(tag) =	ssettag $0x2  }
0x7b: {  	s0 =	rddreg [dreg:$0x0];
	s2 =	stileid.u32  }
0x7c: {  	s1 =	rddreg [dreg:$0x1];
	p0 =	sne.s32 s2, $0x0  }
0x7d: {  	s3 =	rddreg [dreg:$0x2];
	[bflag:$0x3] =	sbarrier.arrive $0xFFFF;
	s2 =	simm.s32 @!p0 $0x1C01  }
0x7e: {  	[timem:s3], [sflag:s2] =	dma.local @!p0 [hbm:s0], s1  }
0x7f: {  	s0 =	simm.s32 @!p0 $0x1  }
0x80: {  	_ =	swait.ge @!p0 [sflag:s0], s1  }
0x81: {  	s1 =	ssub.s32 @!p0 $0x0, s1;
	[sflag:s0] =	ssyncset.done @!p0 $0x0  }
0x82: {  	[sflag:s0] =	ssyncadd.s32 @!p0 s1  }
0x83: {  	[bflag:$0x3] =	sbarrier.arrive $0xFFFF  }
0x84: {  	_ =	shalt  }

// kernel: kernel.24.cloned.1.call-start
scs
__scs_entry_jumppad:
0x0: {  	(pc) =	sbr.rel $0x88, $3  }
0x1: {  	(tag) =	ssettag $0x0;
	lr =	simm.s32 $0x1  }
0x2: {  	[smem:$0x3F8A] =	sst lr;
	_ =	strace $0xD0000000  }
0x3: {  	_ = 	snop  }
0x4: {  	_ = 	snop  }
0x5: {  	_ = 	snop  }
0x6: {  	_ = 	snop  }
0x7: {  	_ = 	snop  }
__scs_overlays_trampoline_lowered:
0x8: {  	[smem:$0x3F99] =	sst s0  }
0x9: {  	[smem:$0x3F9A] =	sst s1  }
0xa: {  	[smem:$0x3F9B] =	sst s2  }
0xb: {  	[smem:$0x3F9C] =	sst s3  }
0xc: {  	[smem:$0x3F9D] =	sst s4  }
0xd: {  	[smem:$0x3F9E] =	sst s5  }
0xe: {  	[smem:$0x3F9F] =	sst s6  }
0xf: {  	[smem:$0x3FA0] =	sst s7  }
0x10: {  	[smem:$0x3FA1] =	sst s8  }
0x11: {  	[smem:$0x3FA2] =	sst s9;
	s0 =	simm.s32 @!p0 $0x0  }
0x12: {  	s1 =	sld [smem:$0x3F88];
	s0 =	simm.s32 @p0 $0x1  }
0x13: {  	[smem:$0x3FA3] =	sst s0;
	s0 =	simm.s32 @!p1 $0x0  }
0x14: {  	s2 =	sld [smem:$0x3F87];
	s0 =	simm.s32 @p1 $0x1  }
0x15: {  	[smem:$0x3FA4] =	sst s0;
	s0 =	simm.s32 @!p2 $0x0  }
0x16: {  	s3 =	sld [smem:$0x3FDB];
	s0 =	simm.s32 @p2 $0x1  }
0x17: {  	s4 =	simm.s32 $0x1BF5;
	[smem:$0x3FA6] =	sst s0  }
0x18: {  	s0 =	sld [smem:$0x3F89];
	_ =	swait.ge [sflag:s4], $0x0  }
0x19: {  	s7 =	sld [smem:$0x3F8A]  }
0x1a: {  	s8 =	sadd.s32 $0xFFFFE003, lr  }
0x1b: {  	s9 =	sadd.s32 $0xFFFFFEF7, lr;
	s5 =	simm.s32 $0xFFFFFFFF;
	p2 =	slt.u32 s8, $0xFFFFF086  }
0x1c: {  	p1 =	slt.u32 s9, $0xF7A;
	s5 =	simm.s32 @!p2 $0x0  }
0x1d: {  	s5 =	simm.s32 @p1 $0x1;
	p0 =	seq.s32 s7, s2  }
0x1e: {  	s7 =	smul.u32 @!p0 $0xF7A, s2;
	p2 =	seq.s32 @!p0 s5, $0x0  }
0x1f: {  	s9 =	smul.u32 $0xF7A, s1;
	s8 =	simm.s32 @!p0 $0x1BF5;
	p2 =	por !p2, p0  }
0x20: {  	[sflag:s8] =	ssyncset.s32 @!p0 $0xFFFFF086;
	s6 =	sadd.s32 @!p0 s3, s7;
	s7 =	simm.s32 @!p0 $0x108  }
0x21: {  	s3 =	sadd.s32 s3, s9;
	s6 =	sadd.s32 @!p0 $0x88, s6;
	s7 =	simm.s32 @p2 $0x1082  }
0x22: {  	[simem:s7], [sflag:s8] =	dma.local @!p0 [hbm:s6], $0xF7A  }
0x23: {  	s9 =	sor.u32 $0xD0000000, s2;
	s6 =	simm.s32 $0x108;
	_ =	swait.ge @!p0 [sflag:s8], $0x0  }
0x24: {  	s3 =	sadd.s32 $0x88, s3;
	s6 =	simm.s32 @!p1 $0x1082;
	[sflag:s4] =	ssyncset.s32 $0xFFFFF086  }
0x25: {  	[simem:s6], [sflag:s4] =	dma.local [hbm:s3], $0xF7A  }
0x26: {  	[smem:$0x3F8A] =	sst s1;
	(tag) =	ssettag s2;
	_ =	strace s9  }
0x27: {  	s1 =	sld [smem:$0x3F9A]  }
0x28: {  	s2 =	sld [smem:$0x3F9B]  }
0x29: {  	s4 =	sld [smem:$0x3F9D]  }
0x2a: {  	p0 =	seq.s32 s5, $0x0;
	s5 =	sld [smem:$0x3F9E]  }
0x2b: {  	s6 =	sld [smem:$0x3F9F]  }
0x2c: {  	s7 =	sld [smem:$0x3FA0]  }
0x2d: {  	s3 =	simm.s32 $0x108;
	s8 =	sld [smem:$0x3FA1]  }
0x2e: {  	s3 =	simm.s32 @!p0 $0x1082;
	s9 =	sld [smem:$0x3FA2]  }
0x2f: {  	lr =	sadd.s32 s0, s3;
	s0 =	sld [smem:$0x3F99]  }
0x30: {  	s3 =	sld [smem:$0x3F9C]  }
0x31: {  	[smem:$0x3FA5] =	sst s10  }
0x32: {  	s10 =	sld [smem:$0x3FA3];
	_ =	sdelay $0x3  }
0x33: {  	p0 =	seq.s32 s10, $0x1;
	s10 =	sld [smem:$0x3FA5];
	_ =	sdelay $0x3  }
0x34: {  	[smem:$0x3FA5] =	sst s10  }
0x35: {  	s10 =	sld [smem:$0x3FA4];
	_ =	sdelay $0x3  }
0x36: {  	p1 =	seq.s32 s10, $0x1;
	s10 =	sld [smem:$0x3FA5];
	_ =	sdelay $0x3  }
0x37: {  	[smem:$0x3FA5] =	sst s10  }
0x38: {  	s10 =	sld [smem:$0x3FA6]  }
0x39: {  	_ = 	snop;
	(pc) =	sbr.ind lr, $3  }
0x3a: {  	_ = 	snop  }
0x3b: {  	_ = 	snop  }
0x3c: {  	p2 =	seq.s32 s10, $0x1;
	s10 =	sld [smem:$0x3FA5]  }
0x3d: {  	_ =	shalt  }
0x3e: {  	_ =	shalt  }
0x3f: {  	_ =	shalt  }
0x40: {  	_ =	shalt  }
0x41: {  	_ =	shalt  }
0x42: {  	_ =	shalt  }
0x43: {  	_ =	shalt  }
0x44: {  	_ =	shalt  }
0x45: {  	_ =	shalt  }
0x46: {  	_ =	shalt  }
0x47: {  	_ =	shalt  }
0x48: {  	_ =	shalt  }
0x49: {  	_ =	shalt  }
0x4a: {  	_ =	shalt  }
0x4b: {  	_ =	shalt  }
0x4c: {  	_ =	shalt  }
0x4d: {  	_ =	shalt  }
0x4e: {  	_ =	shalt  }
0x4f: {  	_ =	shalt  }
0x50: {  	_ =	shalt  }
0x51: {  	_ =	shalt  }
0x52: {  	_ =	shalt  }
0x53: {  	_ =	shalt  }
0x54: {  	_ =	shalt  }
0x55: {  	_ =	shalt  }
0x56: {  	_ =	shalt  }
0x57: {  	_ =	shalt  }
0x58: {  	_ =	shalt  }
0x59: {  	_ =	shalt  }
0x5a: {  	_ =	shalt  }
0x5b: {  	_ =	shalt  }
0x5c: {  	_ =	shalt  }
0x5d: {  	_ =	shalt  }
0x5e: {  	_ =	shalt  }
0x5f: {  	_ =	shalt  }
0x60: {  	_ =	shalt  }
0x61: {  	_ =	shalt  }
0x62: {  	_ =	shalt  }
0x63: {  	_ =	shalt  }
0x64: {  	_ =	shalt  }
0x65: {  	_ =	shalt  }
0x66: {  	_ =	shalt  }
0x67: {  	_ =	shalt  }
0x68: {  	_ =	shalt  }
0x69: {  	_ =	shalt  }
0x6a: {  	_ =	shalt  }
0x6b: {  	_ =	shalt  }
0x6c: {  	_ =	shalt  }
0x6d: {  	_ =	shalt  }
0x6e: {  	_ =	shalt  }
0x6f: {  	_ =	shalt  }
0x70: {  	_ =	shalt  }
0x71: {  	_ =	shalt  }
0x72: {  	_ =	shalt  }
0x73: {  	_ =	shalt  }
0x74: {  	_ =	shalt  }
0x75: {  	_ =	shalt  }
0x76: {  	_ =	shalt  }
0x77: {  	_ =	shalt  }
0x78: {  	_ =	shalt  }
0x79: {  	_ =	shalt  }
0x7a: {  	_ =	shalt  }
0x7b: {  	_ =	shalt  }
0x7c: {  	_ =	shalt  }
0x7d: {  	_ =	shalt  }
0x7e: {  	_ =	shalt  }
0x7f: {  	_ =	shalt  }
0x80: {  	_ =	shalt  }
0x81: {  	_ =	shalt  }
0x82: {  	_ =	shalt  }
0x83: {  	_ =	shalt  }
0x84: {  	_ =	shalt  }
0x85: {  	_ =	shalt  }
0x86: {  	_ =	shalt  }
0x87: {  	_ =	shalt  }
.Lfunc_end0:
.L_simem_size_0:
called_computation.3_lowered:
.L_overlay_start_0:
0x88: {  	s2 =	sld [smem:$0x3FD9]  }
0x89: {  	s3 =	sld [smem:$0x3FFE];
	_ =	sdelay $0x1  }
0x8a: {  	s1 =	srdreg.scid  }
0x8b: {  	s0 =	sand.u32 $0x1, s1  }
0x8c: {  	s17 =	sshll.u32 s0, $0xA;
	s2 =	sadd.s32 s3, s2  }
0x8d: {  	s2 =	sadd.s32 s2, s17  }
0x8e: {  	[smem:$0x3FB1] =	sst s2  }
0x8f: {  	_ = 	snop  }
0x90: {  	s2 =	sld [smem:$0x3FC7]  }
0x91: {  	s18 =	sld [smem:$0x3FC6];
	(tm) =	ssettm $0x1  }
0x92: {  	s4 =	sld [smem:$0x3FFB];
	_ =	sdelay $0x3  }
0x93: {  	_ =	strace s4  }
0x94: {  	s4 =	sld [smem:$0x3FFC];
	_ =	sdelay $0x3  }
0x95: {  	_ =	strace s4  }
0x96: {  	s4 =	sld [smem:$0x3FFD];
	_ =	sdelay $0x3  }
0x97: {  	_ =	strace s4  }
0x98: {  	_ =	strace $0x8FFFFFFF  }
0x99: {  	s19 =	sld [smem:$0x3FDB];
	_ =	sdelay $0x1  }
0x9a: {  	s5 =	simm.s32 $_scs_section_size  }
0x9b: {  	s6 =	simm.s32 $_size__tile_overlayer_lowered;
	s7 =	simm.s32 $_tile_overlayer_lowered  }
0x9c: {  	s22 =	simm.s32 $0x1BFF;
	s21 =	sshll.u32 s7, $0x1;
	s4 =	sadd.s32 s5, s19  }
0x9d: {  	s8 =	simm.s32 $0x0;
	s20 =	sshll.u32 s6, $0x1;
	s6 =	sadd.s32 s21, s4  }
0x9e: {  	[timem:s8], [sflag:s22] =	dma.local [hbm:s6], s20  }
0x9f: {  	_ =	swait.ge [sflag:s22], s20  }
0xa0: {  	s5 =	ssub.s32 $0x0, s20;
	[sflag:s22] =	ssyncset.done $0x0  }
0xa1: {  	[sflag:s22] =	ssyncadd.s32 s5;
	_ =	sdelay $0x1  }
0xa2: {  	s23 =	simm.s32 $0x1B8B  }
0xa3: {  	_ =	swait.ge [sflag:s23], $0x1  }
0xa4: {  	[sflag:s23] =	ssyncset.done $0x0  }
0xa5: {  	s25 =	simm.s32 $0x1B8E;
	s24 =	sld [smem:$0x3FFE];
	[sflag:s23] =	ssyncadd.s32 $0xFFFFFFFF  }
0xa6: {  	s26 =	simm.s32 $execute0_lowered;
	[smem:$0x3FD2] =	sst s25  }
0xa7: {  	s6 =	sshll.u32 s26, $0x1;
	_ =	strace $0x8000004F;
	[dreg:$0x1] =	wrdreg $0xFFFFFFFF  }
0xa8: {  	s28 =	simm.s32 $_size_execute0_lowered;
	s4 =	sadd.s32 s4, s6;
	[dreg:$0x0] =	wrdreg $0x0  }
0xa9: {  	s6 =	sshll.u32 s28, $0x1;
	[dreg:$0x2] =	wrdreg s4  }
0xaa: {  	[dreg:$0x3] =	wrdreg s6  }
0xab: {  	[dreg:$0x4] =	wrdreg $0xC0  }
0xac: {  	_ =	task [dreg:s8], $0x5FFFF  }
0xad: {  	[dreg:$0x1] =	wrdreg $0xFFFFFFFF  }
0xae: {  	[dreg:$0x0] =	wrdreg $0x60  }
0xaf: {  	[dreg:$0x2] =	wrdreg s24  }
0xb0: {  	[dreg:$0x3] =	wrdreg s2  }
0xb1: {  	[dreg:$0x4] =	wrdreg s18  }
0xb2: {  	[dreg:$0x5] =	wrdreg $0xA2000  }
0xb3: {  	[dreg:$0x6] =	wrdreg $0x9  }
0xb4: {  	_ =	task.clear_ibuf [dreg:s8], $0x7FFFF;
	_ =	strace $0x9000004F  }
0xb5: {  	s29 =	simm.s32 $0x9;
	_ =	strace $0x80000051  }
0xb6: {  	_ =	swait.ge [sflag:s29], $0x1  }
0xb7: {  	[sflag:s29] =	ssyncadd.s32 $0xFFFFFFFF  }
0xb8: {  	_ =	strace $0x90000051  }
0xb9: {  	_ =	sfence  }
0xba: {  	s30 =	sld [smem:$0x0];
	_ =	sdelay $0x2  }
0xbb: {  	s31 =	sshll.u32 s1, $0xD;
	s1 =	sshrl.u32 s1, $0x2  }
0xbc: {  	s3 =	sand.u32 $0x4000, s31;
	s1 =	sadd.s32 s1, s30  }
0xbd: {  	s0 =	sor.u32 s3, s0;
	s1 =	sshll.u32 s1, $0x11  }
0xbe: {  	s0 =	sor.u32 s1, s0  }
0xbf: {  	s0 =	sadd.s32 $0x8F2B, s0  }
0xc0: {  	[sflag:s0] =	ssyncadd.remote.s32 $0x1  }
0xc1: {  	_ =	sfence.sel $0xFFFF  }
0xc2: {  	[dreg:$0x0] =	wrdreg $0xFFFFFFFF;
	(pc) =	sbr.abs _section_cstart, $3  }
0xc3: {  	[dreg:$0x1] =	wrdreg $0xFFFFFFFF  }
0xc4: {  	_ =	task.clear_ibuf [dreg:s8], $0x2FFFF;
	_ =	strace $0x9FFFFFFF  }
0xc5: {  	(tm) =	ssettm $0x7FFFFFFF  }
tec
execute0_lowered:
.L_overlay_start_1:
0x0: {  	(tag) =	ssettag $0x1  }
0x1: {  	s0 =	rddreg [dreg:$0x0]  }
0x2: {  	s4 =	rddreg [dreg:$0x3];
	s2 =	simm.s32 $0x0  }
0x3: {  	s16 =	stileid.u32;
	s1 =	srdreg.scid;
	s17 =	simm.s32 $0x3  }
0x4: {  	s20 =	simm.s32 $0x100;
	s21 =	simm.s32 $0x200;
	s22 =	simm.s32 $0x80  }
0x5: {  	s23 =	simm.s32 $0x2200;
	s24 =	simm.s32 $0x1200;
	s28 =	simm.s32 $0x1  }
0x6: {  	s29 =	simm.s32 $0x2;
	s30 =	simm.s32 $0x6200;
	s31 =	simm.s32 $0x0  }
0x7: {  	[smem:$0x7FF] =	sst s2;
	s18 =	smul.u32 $0x14000, s16;
	s1 =	sand.u32 $0x1, s1  }
0x8: {  	s6 =	sadd.s32 $0x5F400, s0;
	s7 =	sadd.s32 $0x64800, s0;
	s8 =	sadd.s32 $0x78C00, s0  }
0x9: {  	s9 =	sadd.s32 $0x55400, s0;
	s26 =	sshll.u32 s16, $0x6;
	_ =	strace $0x80000050  }
0xa: {  	s3 =	smul.u32 $0x140000, s1;
	s5 =	ssub.s32 $0x2, s1;
	s19 =	sshll.u32 s1, $0x2  }
0xb: {  	s15 =	sshllo.u32 s1, $0x2;
	p0 =	seq.s32 s1, $0x0;
	s1 =	simm.s32 $0x5400  }
0xc: {  	s10 =	sshrl.u32 s18, $0x3;
	s11 =	sshrl.u32 s5, $0x1;
	s2 =	sadd.s32 s18, s4  }
0xd: {  	s12 =	sor.u32 $0x1, s19;
	s13 =	sor.u32 $0x2, s19;
	s1 =	simm.s32 @!p0 $0x2D400  }
0xe: {  	s3 =	sadd.s32 s18, s3;
	s10 =	sadd.s32 s10, s0;
	s5 =	ssub.s32 s5, s11  }
0xf: {  	s11 =	smul.u32 $0x2A00, s16;
	s14 =	sadd.s32 s1, s0;
	s10 =	sadd.s32 $0xCCC00, s10  }
0x10: {  	s3 =	sshrl.u32 s3, $0x3;
	s25 =	smax.u32 s5, $0x1;
	[dreg:$0x5] =	wrdreg s10  }
0x11: {  	s5 =	sshrl.u32 s2, $0x3;
	s3 =	sadd.s32 s3, s0;
	[dreg:$0x7] =	wrdreg s25  }
0x12: {  	v0 =	vmov s19;
	s25 =	simm.s32 $0x180;
	[dreg:$0x8] =	wrdreg s5;
	s3 =	sadd.s32 $0xF4C00, s3  }
0x13: {  	v3 =	vmov s15;
	v1 =	vmov s12;
	v2 =	vmov s13;
	[dreg:$0x6] =	wrdreg s3;
	s3 =	sor.u32 $0x1C03, s26;
	s26 =	simm.s32 $0x1A00  }
.LBB2_1:
0x14: {  	s0 =	rddreg [dreg:$0x1];
	s1 =	simm.s32 $0x0;
	s2 =	simm.s32 $0x1E200  }
0x15: {  	[tilespmem:s2], [sflag:$0x3] =	stream.linear.gather [hbm4b:s0+s1], $0x1, $0x38;
	[tilespmem:$0x1E220] =	vst v63  }
0x16: {  	s15 =	rddreg [dreg:$0x2];
	s16 =	simm.s32 $0x1E210  }
0x17: {  	[tilespmem:s16], [sflag:$0x3] =	stream.linear.gather [hbm4b:s15+s1], $0x1, $0x38;
	[tilespmem:$0x1E220] =	vst v63  }
0x18: {  	_ =	swait.ge [sflag:s17], $0x1  }
0x19: {  	[sflag:s17] =	ssyncset.done $0x0  }
0x1a: {  	[sflag:s17] =	ssyncadd.s32 $0xFFFFFFFF  }
0x1b: {  	_ =	swait.ge [sflag:s17], $0x1  }
0x1c: {  	[sflag:s17] =	ssyncset.done $0x0  }
0x1d: {  	s18 =	rddreg [dreg:$0x5];
	[sflag:s17] =	ssyncadd.s32 $0xFFFFFFFF  }
0x1e: {  	[spmem:s5], [sflag:s3] =	dma.local [hbm:s18], $0x2800  }
0x1f: {  	_ =	swait.ge [sflag:s17], $0x2800  }
0x20: {  	[sflag:s17] =	ssyncset.done $0x0  }
0x21: {  	[sflag:s17] =	ssyncadd.s32 $0xFFFFD800  }
0x22: {  	s19 =	smov.u32 s3;
	s0 =	simm.s32 $0x0;
	[bflag:$0x0] =	sbarrier.arrive $0xFFFF  }
.LBB2_2:
0x23: {  	s1 =	sshll.u32 s0, $0x8  }
0x24: {  	s1 =	sadd.s32 s11, s1  }
0x25: {  	s2 =	sshrl.u32 s1, $0x3  }
0x26: {  	s5 =	simm.s32 $0x0;
	s3 =	sadd.s32 s6, s2  }
0x27: {  	[tilespmem:s5], [sflag:$0x3] =	stream.linear.gather [hbm4b:s3+s5], $0x100, $0x38;
	[tilespmem:$0x1E220] =	vst v63  }
0x28: {  	_ =	swait.ge [sflag:s17], $0x100  }
0x29: {  	[sflag:s17] =	ssyncset.done $0x0  }
0x2a: {  	s2 =	sadd.s32 s7, s2;
	[sflag:s17] =	ssyncadd.s32 $0xFFFFFF00  }
0x2b: {  	[tilespmem:s20], [sflag:$0x3] =	stream.linear.gather [hbm4b:s2+s5], $0x100, $0x38;
	[tilespmem:$0x1E220] =	vst v63  }
0x2c: {  	_ =	swait.ge [sflag:s17], $0x100  }
0x2d: {  	s1 =	sshll.u32 s1, $0x1;
	[sflag:s17] =	ssyncset.done $0x0  }
0x2e: {  	s1 =	sadd.s32 s8, s1;
	[sflag:s17] =	ssyncadd.s32 $0xFFFFFF00  }
0x2f: {  	[tilespmem:s21], [sflag:$0x1] =	stream.linear.gather [hbm4b:s1+s5], $0x1000, $0x38;
	[tilespmem:$0x1E220] =	vst v63  }
0x30: {  	_ = 	snop  }
0x31: {  	[tilespmem:s23], [sflag:$0x2] =	stream.indirect.gather [hbm4b:s14+s22], $0x80, s5, s22, $0xb8;
	[tilespmem:$0x1E220] =	vst v63  }
0x32: {  	_ = 	snop  }
0x33: {  	[tilespmem:s24], [sflag:$0x3] =	stream.indirect.gather [hbm4b:s9+s22], $0x10, s20, s22, $0xb8;
	[tilespmem:$0x1E220] =	vst v63  }
0x34: {  	_ =	swait.ge [sflag:s17], $0x800  }
0x35: {  	[sflag:s17] =	ssyncset.done $0x0  }
0x36: {  	[sflag:s17] =	ssyncadd.s32 $0xFFFFF800  }
0x37: {  	[tilespmem:s26], [sflag:$0x3] =	stream.indirect.gather [hbm4b:s9+s22], $0x10, s25, s22, $0xb8;
	[tilespmem:$0x1E220] =	vst v63  }
0x38: {  	_ =	swait.ge [sflag:s17], $0x800  }
0x39: {  	[sflag:s17] =	ssyncset.done $0x0  }
0x3a: {  	[sflag:s17] =	ssyncadd.s32 $0xFFFFF800  }
0x3b: {  	_ =	swait.ge [sflag:s28], $0x1000  }
0x3c: {  	[sflag:s28] =	ssyncset.done $0x0  }
0x3d: {  	s1 =	simm.s32 $0x0;
	[sflag:s28] =	ssyncadd.s32 $0xFFFFF000  }
0x3e: {  	v4 =	vld [tilespmem:s1+$0x200]  }
0x3f: {  	s2 =	simm.s32 $0x40;
	v5 =	vld [tilespmem:s1+$0x1200]  }
.LBB2_3:
0x40: {  	_ = 	snop  }
0x41: {  	p0 =	sne.s32 s2, $0x3FC0  }
.Ltmp0:
0x42: {  	_ = 	snop;
	(pc) =	sbr.rel @p0 .LBB2_3-.Ltmp0, $4  }
0x43: {  	_ = 	snop  }
0x44: {  	s3 =	sshra.s32 s2, $0x2;
	v6 =	vmul.f32 v5, v4  }
0x45: {  	v4 =	vld [tilespmem:s3+$0x200]  }
0x46: {  	s2 =	sadd.s32 $0x40, s2;
	v5 =	vld [tilespmem:s3+$0x1200];
	[tilespmem:s1+$0x200] =	vst v6;
	s1 =	smov.u32 s3  }
0x47: {  	_ =	sdelay $0x3  }
0x48: {  	v4 =	vmul.f32 v5, v4  }
0x49: {  	s10 =	simm.s32 $0x0  }
0x4a: {  	[tilespmem:s1+$0x200] =	vst v4;
	v4 =	vor.u32 s10, v0  }
0x4b: {  	_ =	swait.ge [sflag:s29], $0x4000  }
0x4c: {  	[sflag:s29] =	ssyncset.done $0x0  }
0x4d: {  	[sflag:s29] =	ssyncadd.s32 $0xFFFFC000  }
0x4e: {  	[tilespmem:s30], [sflag:$0x2] =	stream.indirect.gather [hbm4b:s14+s22], $0x80, s22, s22, $0xb8;
	[tilespmem:$0x1E220] =	vst v63  }
0x4f: {  	s2 =	simm.s32 $0x2240;
	v5 =	vld.idx.msk [tilespmem:v4+s21+$0x0], $0xffff  }
0x50: {  	v4 =	vld [tilespmem:s2+$0xFFFFFFC0]  }
0x51: {  	v6 =	vld [tilespmem:s2+$0xFFFFFFD0];
	_ =	sdelay $0x2  }
0x52: {  	v7 =	vor.u32 s10, v1  }
0x53: {  	s3 =	simm.s32 $0x10;
	v8 =	vmul.f32 v4, v5  }
0x54: {  	s1 =	simm.s32 $0x22C0;
	v5 =	vmul.f32 v6, v5;
	v6 =	vor.u32 s3, v0  }
0x55: {  	v9 =	vld [tilespmem:s1+$0xFFFFFFC0];
	[tilespmem:s2+$0xFFFFFFC0] =	vst v8  }
0x56: {  	[tilespmem:s2+$0xFFFFFFD0] =	vst v5;
	v5 =	vld [tilespmem:s2+$0xFFFFFFE0]  }
0x57: {  	v7 =	vld.idx.msk [tilespmem:v7+s21+$0x0], $0xffff  }
0x58: {  	v8 =	vld [tilespmem:s2+$0xFFFFFFF0]  }
0x59: {  	v6 =	vld.idx.msk [tilespmem:v6+s21+$0x0], $0xffff  }
0x5a: {  	v10 =	vld [tilespmem:s1+$0xFFFFFFD0]  }
0x5b: {  	s5 =	simm.s32 $0x2340;
	v11 =	vor.u32 s10, v2  }
0x5c: {  	v14 =	vld [tilespmem:s5+$0xFFFFFFC0];
	v5 =	vmul.f32 v5, v7  }
0x5d: {  	v12 =	vor.u32 s3, v1;
	v15 =	vld [tilespmem:s5+$0xFFFFFFD0];
	v7 =	vmul.f32 v8, v7  }
0x5e: {  	s15 =	simm.s32 $0x20;
	v8 =	vld [tilespmem:s2+$0x0];
	v9 =	vmul.f32 v9, v6;
	[tilespmem:s2+$0xFFFFFFE0] =	vst v5  }
0x5f: {  	v6 =	vmul.f32 v10, v6;
	[tilespmem:s2+$0xFFFFFFF0] =	vst v7;
	v7 =	vor.u32 s15, v0;
	v10 =	vld [tilespmem:s2+$0x10]  }
0x60: {  	[tilespmem:s1+$0xFFFFFFC0] =	vst v9;
	v9 =	vld.idx.msk [tilespmem:v11+s21+$0x0], $0xffff  }
0x61: {  	[tilespmem:s1+$0xFFFFFFD0] =	vst v6;
	v6 =	vld [tilespmem:s1+$0xFFFFFFE0]  }
0x62: {  	v11 =	vld.idx.msk [tilespmem:v12+s21+$0x0], $0xffff  }
0x63: {  	v12 =	vld [tilespmem:s1+$0xFFFFFFF0]  }
0x64: {  	v13 =	vld.idx.msk [tilespmem:v7+s21+$0x0], $0xffff;
	_ =	sdelay $0x2  }
0x65: {  	v4 =	vld [tilespmem:s2+$0x20];
	v7 =	vmul.f32 v8, v9;
	v10 =	vmul.f32 v10, v9  }
0x66: {  	v5 =	vld [tilespmem:s1+$0x20];
	v8 =	vor.u32 s10, v3;
	v17 =	vmul.f32 v6, v11;
	v11 =	vmul.f32 v12, v11  }
0x67: {  	v16 =	vor.u32 s3, v2;
	v9 =	vld [tilespmem:s1+$0x0];
	[tilespmem:s2+$0x0] =	vst v7;
	v12 =	vmul.f32 v14, v13;
	v13 =	vmul.f32 v15, v13  }
0x68: {  	v6 =	vld [tilespmem:s5+$0x20];
	[tilespmem:s2+$0x10] =	vst v10  }
0x69: {  	v7 =	vld [tilespmem:s2+$0x30];
	[tilespmem:s5+$0xFFFFFFD0] =	vst v13;
	v13 =	vor.u32 s15, v1  }
0x6a: {  	s10 =	simm.s32 $0x30;
	v10 =	vld [tilespmem:s1+$0x10];
	[tilespmem:s1+$0xFFFFFFE0] =	vst v17  }
0x6b: {  	[tilespmem:s1+$0xFFFFFFF0] =	vst v11;
	v14 =	vor.u32 s10, v0;
	v8 =	vld.idx.msk [tilespmem:v8+s21+$0x0], $0xffff  }
0x6c: {  	v11 =	vld.idx.msk [tilespmem:v16+s21+$0x0], $0xffff  }
0x6d: {  	s12 =	simm.s32 $0x4;
	s16 =	simm.s32 $0x2340;
	[tilespmem:s5+$0xFFFFFFC0] =	vst v12;
	v12 =	vld [tilespmem:s5+$0xFFFFFFE0]  }
.LBB2_5:
0x6e: {  	p0 =	sne.s32 s12, $0x7F;
	v15 =	vld.idx.msk [tilespmem:v13+s21+$0x0], $0xffff  }
0x6f: {  	v16 =	vld [tilespmem:s5+$0xFFFFFFF0]  }
0x70: {  	s5 =	sadd.s32 $0x80, s5;
	v13 =	vmul.f32 v4, v8;
	v7 =	vmul.f32 v7, v8;
	v4 =	vmovc v5;
	v5 =	vmov v6;
	v17 =	vld.idx.msk [tilespmem:v14+s21+$0x0], $0xffff  }
0x71: {  	v14 =	vor.u32 s3, v3;
	s3 =	smov.u32 s15;
	s15 =	smov.u32 s10;
	v8 =	vld [tilespmem:s5+$0xFFFFFFC0]  }
0x72: {  	v9 =	vmul.f32 v9, v11;
	v18 =	vld [tilespmem:s5+$0xFFFFFFD0];
	[tilespmem:s2+$0x30] =	vst v7  }
0x73: {  	v19 =	vor.u32 s3, v2;
	v10 =	vmul.f32 v10, v11;
	v6 =	vld [tilespmem:s5+$0x20];
	[tilespmem:s2+$0x20] =	vst v13;
	s2 =	smov.u32 s1;
	s1 =	smov.u32 s16;
	s16 =	smov.u32 s5  }
0x74: {  	v11 =	vmul.f32 v12, v15;
	[tilespmem:s2+$0x0] =	vst v9;
	v7 =	vld [tilespmem:s2+$0x30]  }
.Ltmp1:
0x75: {  	v13 =	vor.u32 s15, v1;
	v12 =	vmul.f32 v16, v15;
	v9 =	vld [tilespmem:s1+$0x0];
	[tilespmem:s2+$0x10] =	vst v10;
	(pc) =	sbr.rel @p0 .LBB2_5-.Ltmp1, $4  }
0x76: {  	s10 =	sshll.u32 s12, $0x4;
	v15 =	vmul.f32 v8, v17;
	[tilespmem:s1+$0xFFFFFFE0] =	vst v11;
	v8 =	vld.idx.msk [tilespmem:v14+s21+$0x0], $0xffff  }
0x77: {  	v14 =	vor.u32 s10, v0;
	v16 =	vmul.f32 v18, v17;
	[tilespmem:s1+$0xFFFFFFF0] =	vst v12;
	v10 =	vld [tilespmem:s1+$0x10]  }
0x78: {  	[tilespmem:s5+$0xFFFFFFC0] =	vst v15;
	v11 =	vld.idx.msk [tilespmem:v19+s21+$0x0], $0xffff  }
0x79: {  	s12 =	sadd.s32 $0x1, s12;
	[tilespmem:s5+$0xFFFFFFD0] =	vst v16;
	v12 =	vld [tilespmem:s5+$0xFFFFFFE0]  }
0x7a: {  	_ =	sdelay $0x3  }
0x7b: {  	v14 =	vld.idx.msk [tilespmem:v14+s21+$0x0], $0xffff;
	s12 =	sadd.s32 $0x80, s5  }
0x7c: {  	v15 =	vld [tilespmem:s12+$0xFFFFFFC0]  }
0x7d: {  	v16 =	vld [tilespmem:s12+$0xFFFFFFD0];
	_ =	sdelay $0x2  }
0x7e: {  	v17 =	vor.u32 s10, v1  }
0x7f: {  	v15 =	vmul.f32 v15, v14  }
0x80: {  	v13 =	vld.idx.msk [tilespmem:v13+s21+$0x0], $0xffff;
	v14 =	vmul.f32 v16, v14  }
0x81: {  	v55 =	vld [tilespmem:s5+$0xFFFFFFF0];
	[tilespmem:s12+$0xFFFFFFC0] =	vst v15  }
0x82: {  	[tilespmem:s12+$0xFFFFFFD0] =	vst v14;
	v14 =	vld [tilespmem:s12+$0xFFFFFFE0]  }
0x83: {  	v15 =	vld.idx.msk [tilespmem:v17+s21+$0x0], $0xffff  }
0x84: {  	v18 =	vld [tilespmem:s12+$0xFFFFFFF0]  }
0x85: {  	v56 =	vor.u32 s15, v2;
	v12 =	vmul.f32 v12, v13  }
0x86: {  	v13 =	vmul.f32 v55, v13  }
0x87: {  	[tilespmem:s16+$0xFFFFFFE0] =	vst v12;
	v12 =	vor.u32 s10, v2  }
0x88: {  	v57 =	vld [tilespmem:s16+$0x0];
	[tilespmem:s16+$0xFFFFFFF0] =	vst v13;
	v13 =	vmul.f32 v14, v15  }
0x89: {  	v58 =	vld [tilespmem:s16+$0x10];
	v15 =	vmul.f32 v18, v15  }
0x8a: {  	v14 =	vld.idx.msk [tilespmem:v56+s21+$0x0], $0xffff;
	[tilespmem:s12+$0xFFFFFFE0] =	vst v13  }
0x8b: {  	v59 =	vld [tilespmem:s12+$0x0];
	v9 =	vmul.f32 v9, v11;
	v13 =	vor.u32 s3, v3;
	[tilespmem:s12+$0xFFFFFFF0] =	vst v15  }
0x8c: {  	v12 =	vld.idx.msk [tilespmem:v12+s21+$0x0], $0xffff  }
0x8d: {  	v10 =	vmul.f32 v10, v11;
	[tilespmem:s1+$0x0] =	vst v9;
	v9 =	vld [tilespmem:s12+$0x10]  }
0x8e: {  	v15 =	vor.u32 s15, v3  }
0x8f: {  	[tilespmem:s1+$0x10] =	vst v10;
	v16 =	vmul.f32 v57, v14  }
0x90: {  	v10 =	vld.idx.msk [tilespmem:v13+s21+$0x0], $0xffff;
	v13 =	vmul.f32 v58, v14;
	v14 =	vor.u32 s10, v3  }
0x91: {  	v11 =	vld [tilespmem:s1+$0x30];
	[tilespmem:s16+$0x0] =	vst v16;
	v61 =	vmul.f32 v59, v12  }
0x92: {  	v60 =	vld [tilespmem:s16+$0x30];
	v9 =	vmul.f32 v9, v12;
	[tilespmem:s16+$0x10] =	vst v13  }
0x93: {  	v12 =	vld.idx.msk [tilespmem:v15+s21+$0x0], $0xffff;
	[tilespmem:s12+$0x0] =	vst v61  }
0x94: {  	v7 =	vmul.f32 v7, v8;
	v13 =	vld [tilespmem:s12+$0x30];
	[tilespmem:s12+$0x10] =	vst v9  }
0x95: {  	v4 =	vmul.f32 v4, v8;
	v8 =	vld.idx.msk [tilespmem:v14+s21+$0x0], $0xffff  }
0x96: {  	[tilespmem:s2+$0x30] =	vst v7;
	v7 =	vld [tilespmem:s12+$0x20];
	v9 =	vmul.f32 v11, v10  }
0x97: {  	[tilespmem:s2+$0x20] =	vst v4;
	v4 =	vmul.f32 v5, v10  }
0x98: {  	[tilespmem:s1+$0x30] =	vst v9;
	v5 =	vmul.f32 v60, v12  }
0x99: {  	[tilespmem:s1+$0x20] =	vst v4;
	v4 =	vmul.f32 v6, v12  }
0x9a: {  	[tilespmem:s16+$0x30] =	vst v5;
	v5 =	vmul.f32 v13, v8  }
0x9b: {  	[tilespmem:s16+$0x20] =	vst v4;
	v4 =	vmul.f32 v7, v8  }
0x9c: {  	[tilespmem:s12+$0x30] =	vst v5  }
0x9d: {  	s16 =	simm.s32 $0x80;
	[tilespmem:s12+$0x20] =	vst v4  }
0x9e: {  	[spmem:s4] =	stream.indirect.scatter.add.f32 [tilespmem:s23], [sflag:$0x3], $0x80, s20, s16, $0xb8;
	[tilespmem:$0x1E220] =	vst v63  }
0x9f: {  	s18 =	simm.s32 $0x800;
	_ =	swait.ge [sflag:s17], $0x4000  }
0xa0: {  	v4 =	vor.u32 s18, v0;
	[sflag:s17] =	ssyncset.done $0x0  }
0xa1: {  	[sflag:s17] =	ssyncadd.s32 $0xFFFFC000  }
0xa2: {  	_ =	swait.ge [sflag:s29], $0x4000  }
0xa3: {  	[sflag:s29] =	ssyncset.done $0x0  }
0xa4: {  	[sflag:s29] =	ssyncadd.s32 $0xFFFFC000  }
0xa5: {  	s2 =	simm.s32 $0x0;
	v5 =	vld.idx.msk [tilespmem:v4+s21+$0x0], $0xffff  }
0xa6: {  	v4 =	vld [tilespmem:s2+$0x6200]  }
0xa7: {  	v6 =	vld [tilespmem:s2+$0x6210];
	_ =	sdelay $0x2  }
0xa8: {  	v7 =	vor.u32 s18, v1  }
0xa9: {  	s15 =	simm.s32 $0x810;
	v8 =	vmul.f32 v4, v5  }
0xaa: {  	s1 =	simm.s32 $0x80;
	v5 =	vmul.f32 v6, v5;
	v6 =	vor.u32 s15, v0  }
0xab: {  	v9 =	vld [tilespmem:s1+$0x6200];
	[tilespmem:s2+$0x6200] =	vst v8  }
0xac: {  	[tilespmem:s2+$0x6210] =	vst v5;
	v5 =	vld [tilespmem:s2+$0x6220]  }
0xad: {  	v7 =	vld.idx.msk [tilespmem:v7+s21+$0x0], $0xffff  }
0xae: {  	v8 =	vld [tilespmem:s2+$0x6230]  }
0xaf: {  	v6 =	vld.idx.msk [tilespmem:v6+s21+$0x0], $0xffff  }
0xb0: {  	v10 =	vld [tilespmem:s1+$0x6210]  }
0xb1: {  	s3 =	simm.s32 $0x100;
	v11 =	vor.u32 s18, v2  }
0xb2: {  	v14 =	vld [tilespmem:s3+$0x6200];
	v5 =	vmul.f32 v5, v7  }
0xb3: {  	v12 =	vor.u32 s15, v1;
	v15 =	vld [tilespmem:s3+$0x6210];
	v7 =	vmul.f32 v8, v7  }
0xb4: {  	s16 =	simm.s32 $0x820;
	v8 =	vld [tilespmem:s2+$0x6240];
	v9 =	vmul.f32 v9, v6;
	[tilespmem:s2+$0x6220] =	vst v5  }
0xb5: {  	v6 =	vmul.f32 v10, v6;
	[tilespmem:s2+$0x6230] =	vst v7;
	v7 =	vor.u32 s16, v0;
	v10 =	vld [tilespmem:s2+$0x6250]  }
0xb6: {  	[tilespmem:s1+$0x6200] =	vst v9;
	v9 =	vld.idx.msk [tilespmem:v11+s21+$0x0], $0xffff  }
0xb7: {  	[tilespmem:s1+$0x6210] =	vst v6;
	v6 =	vld [tilespmem:s1+$0x6220]  }
0xb8: {  	v11 =	vld.idx.msk [tilespmem:v12+s21+$0x0], $0xffff  }
0xb9: {  	v12 =	vld [tilespmem:s1+$0x6230]  }
0xba: {  	v13 =	vld.idx.msk [tilespmem:v7+s21+$0x0], $0xffff;
	_ =	sdelay $0x2  }
0xbb: {  	v4 =	vld [tilespmem:s2+$0x6260];
	v7 =	vmul.f32 v8, v9;
	v10 =	vmul.f32 v10, v9  }
0xbc: {  	v5 =	vld [tilespmem:s1+$0x6260];
	v8 =	vor.u32 s18, v3;
	v63 =	vmul.f32 v6, v11;
	v11 =	vmul.f32 v12, v11  }
0xbd: {  	v62 =	vor.u32 s15, v2;
	v9 =	vld [tilespmem:s1+$0x6240];
	[tilespmem:s2+$0x6240] =	vst v7;
	v12 =	vmul.f32 v14, v13;
	v13 =	vmul.f32 v15, v13  }
0xbe: {  	v6 =	vld [tilespmem:s3+$0x6260];
	[tilespmem:s2+$0x6250] =	vst v10  }
0xbf: {  	v7 =	vld [tilespmem:s2+$0x6270];
	[tilespmem:s3+$0x6210] =	vst v13;
	v13 =	vor.u32 s16, v1  }
0xc0: {  	s5 =	simm.s32 $0x830;
	v10 =	vld [tilespmem:s1+$0x6250];
	[tilespmem:s1+$0x6220] =	vst v63  }
0xc1: {  	[tilespmem:s1+$0x6230] =	vst v11;
	v14 =	vor.u32 s5, v0;
	v8 =	vld.idx.msk [tilespmem:v8+s21+$0x0], $0xffff  }
0xc2: {  	v11 =	vld.idx.msk [tilespmem:v62+s21+$0x0], $0xffff  }
0xc3: {  	s13 =	simm.s32 $0x800;
	s10 =	simm.s32 $0x83;
	s12 =	simm.s32 $0x600;
	[tilespmem:s3+$0x6200] =	vst v12;
	v12 =	vld [tilespmem:s3+$0x6220]  }
.LBB2_7:
0xc4: {  	p0 =	sne.s32 s13, $0xFE00;
	v15 =	vld.idx.msk [tilespmem:v13+s21+$0x0], $0xffff  }
0xc5: {  	v16 =	vld [tilespmem:s3+$0x6230]  }
0xc6: {  	s18 =	sshra.s32 s12, $0x2;
	s12 =	smov.u32 s13;
	v13 =	vmul.f32 v4, v8;
	v7 =	vmul.f32 v7, v8;
	v4 =	vmovc v5;
	v5 =	vmov v6;
	v17 =	vld.idx.msk [tilespmem:v14+s21+$0x0], $0xffff  }
0xc7: {  	v14 =	vor.u32 s15, v3;
	s15 =	smov.u32 s16;
	s16 =	smov.u32 s5;
	v8 =	vld [tilespmem:s18+$0x6200]  }
0xc8: {  	v9 =	vmul.f32 v9, v11;
	v18 =	vld [tilespmem:s18+$0x6210];
	[tilespmem:s2+$0x6270] =	vst v7  }
0xc9: {  	v19 =	vor.u32 s15, v2;
	v10 =	vmul.f32 v10, v11;
	v6 =	vld [tilespmem:s18+$0x6260];
	[tilespmem:s2+$0x6260] =	vst v13;
	s2 =	smov.u32 s1;
	s1 =	smov.u32 s3;
	s3 =	smov.u32 s18  }
0xca: {  	v11 =	vmul.f32 v12, v15;
	[tilespmem:s2+$0x6240] =	vst v9;
	v7 =	vld [tilespmem:s2+$0x6270]  }
.Ltmp2:
0xcb: {  	s10 =	sadd.s32 $0x1, s10;
	v13 =	vor.u32 s16, v1;
	v12 =	vmul.f32 v16, v15;
	v9 =	vld [tilespmem:s1+$0x6240];
	[tilespmem:s2+$0x6250] =	vst v10;
	(pc) =	sbr.rel @p0 .LBB2_7-.Ltmp2, $4  }
0xcc: {  	s5 =	sshll.u32 s10, $0x4;
	v15 =	vmul.f32 v8, v17;
	[tilespmem:s1+$0x6220] =	vst v11;
	v8 =	vld.idx.msk [tilespmem:v14+s21+$0x0], $0xffff  }
0xcd: {  	v14 =	vor.u32 s5, v0;
	v16 =	vmul.f32 v18, v17;
	[tilespmem:s1+$0x6230] =	vst v12;
	v10 =	vld [tilespmem:s1+$0x6250]  }
0xce: {  	[tilespmem:s3+$0x6200] =	vst v15;
	v11 =	vld.idx.msk [tilespmem:v19+s21+$0x0], $0xffff  }
0xcf: {  	s13 =	sadd.s32 $0x200, s13;
	[tilespmem:s3+$0x6210] =	vst v16;
	v12 =	vld [tilespmem:s3+$0x6220]  }
0xd0: {  	_ =	sdelay $0x3  }
0xd1: {  	v14 =	vld.idx.msk [tilespmem:v14+s21+$0x0], $0xffff;
	s10 =	sshra.s32 s12, $0x2  }
0xd2: {  	v15 =	vld [tilespmem:s10+$0x6200]  }
0xd3: {  	v16 =	vld [tilespmem:s10+$0x6210];
	_ =	sdelay $0x2  }
0xd4: {  	v17 =	vor.u32 s5, v1  }
0xd5: {  	v15 =	vmul.f32 v15, v14  }
0xd6: {  	v13 =	vld.idx.msk [tilespmem:v13+s21+$0x0], $0xffff;
	v14 =	vmul.f32 v16, v14  }
0xd7: {  	v42 =	vld [tilespmem:s3+$0x6230];
	[tilespmem:s10+$0x6200] =	vst v15  }
0xd8: {  	v43 =	vld [tilespmem:s10+$0x6220];
	[tilespmem:s10+$0x6210] =	vst v14  }
0xd9: {  	v15 =	vld.idx.msk [tilespmem:v17+s21+$0x0], $0xffff  }
0xda: {  	v18 =	vld [tilespmem:s10+$0x6230]  }
0xdb: {  	v44 =	vor.u32 s16, v2  }
0xdc: {  	v12 =	vmul.f32 v12, v13  }
0xdd: {  	v46 =	vor.u32 s5, v2;
	v13 =	vmul.f32 v42, v13  }
0xde: {  	v45 =	vld [tilespmem:s3+$0x6240];
	[tilespmem:s3+$0x6220] =	vst v12;
	v47 =	vmul.f32 v43, v15  }
0xdf: {  	v49 =	vld [tilespmem:s3+$0x6250];
	[tilespmem:s3+$0x6230] =	vst v13;
	v15 =	vmul.f32 v18, v15  }
0xe0: {  	v48 =	vld.idx.msk [tilespmem:v44+s21+$0x0], $0xffff;
	[tilespmem:s10+$0x6220] =	vst v47  }
0xe1: {  	v51 =	vld [tilespmem:s10+$0x6240];
	[tilespmem:s10+$0x6230] =	vst v15  }
0xe2: {  	v50 =	vor.u32 s15, v3;
	v12 =	vld.idx.msk [tilespmem:v46+s21+$0x0], $0xffff  }
0xe3: {  	v52 =	vld [tilespmem:s10+$0x6250];
	v9 =	vmul.f32 v9, v11  }
0xe4: {  	v54 =	vor.u32 s16, v3;
	v10 =	vmul.f32 v10, v11  }
0xe5: {  	[tilespmem:s1+$0x6240] =	vst v9;
	v16 =	vmul.f32 v45, v48  }
0xe6: {  	v53 =	vld [tilespmem:s1+$0x6270];
	v56 =	vor.u32 s5, v3;
	[tilespmem:s1+$0x6250] =	vst v10;
	v55 =	vmul.f32 v49, v48  }
0xe7: {  	v10 =	vld.idx.msk [tilespmem:v50+s21+$0x0], $0xffff;
	[tilespmem:s3+$0x6240] =	vst v16;
	v58 =	vmul.f32 v51, v12  }
0xe8: {  	v57 =	vld [tilespmem:s3+$0x6270];
	[tilespmem:s3+$0x6250] =	vst v55;
	v9 =	vmul.f32 v52, v12  }
0xe9: {  	v59 =	vld.idx.msk [tilespmem:v54+s21+$0x0], $0xffff;
	[tilespmem:s10+$0x6240] =	vst v58  }
0xea: {  	v7 =	vmul.f32 v7, v8;
	v60 =	vld [tilespmem:s10+$0x6270];
	[tilespmem:s10+$0x6250] =	vst v9  }
0xeb: {  	v4 =	vmul.f32 v4, v8;
	v61 =	vld.idx.msk [tilespmem:v56+s21+$0x0], $0xffff  }
0xec: {  	v62 =	vld [tilespmem:s10+$0x6260];
	[tilespmem:s2+$0x6270] =	vst v7;
	v63 =	vmul.f32 v53, v10  }
0xed: {  	[tilespmem:s2+$0x6260] =	vst v4;
	v4 =	vmul.f32 v5, v10  }
0xee: {  	[tilespmem:s1+$0x6270] =	vst v63;
	v5 =	vmul.f32 v57, v59  }
0xef: {  	[tilespmem:s1+$0x6260] =	vst v4;
	v4 =	vmul.f32 v6, v59  }
0xf0: {  	[tilespmem:s3+$0x6270] =	vst v5;
	v5 =	vmul.f32 v60, v61  }
0xf1: {  	s0 =	sadd.s32 $0x1, s0;
	[tilespmem:s3+$0x6260] =	vst v4;
	v4 =	vmul.f32 v62, v61  }
0xf2: {  	p0 =	sne.s32 s0, $0x2A;
	[tilespmem:s10+$0x6270] =	vst v5  }
.Ltmp3:
0xf3: {  	[tilespmem:s10+$0x6260] =	vst v4;
	(pc) =	sbr.rel @p0 .LBB2_2-.Ltmp3, $4  }
0xf4: {  	[spmem:s4] =	stream.indirect.scatter.add.f32 [tilespmem:s30], [sflag:$0x3], $0x80, s25, s22, $0xb8;
	[tilespmem:$0x1E220] =	vst v63  }
0xf5: {  	_ =	swait.ge [sflag:s17], $0x4000  }
0xf6: {  	[sflag:s17] =	ssyncset.done $0x0  }
0xf7: {  	[sflag:s17] =	ssyncadd.s32 $0xFFFFC000  }
0xf8: {  	[bflag:$0x0] =	sbarrier.arrive $0xFFFF  }
0xf9: {  	s0 =	rddreg [dreg:$0x6]  }
0xfa: {  	s5 =	rddreg [dreg:$0x8]  }
0xfb: {  	[hbm:s0], [sflag:s19] =	dma.local [spmem:s5], $0x2800  }
0xfc: {  	_ =	swait.ge [sflag:s17], $0x2800  }
0xfd: {  	s3 =	smov.u32 s19;
	s31 =	sadd.s32 $0x1, s31;
	s19 =	rddreg [dreg:$0x7]  }
0xfe: {  	p0 =	sne.s32 s31, s19  }
.Ltmp4:
0xff: {  	_ = 	snop;
	(pc) =	sbr.rel @p0 .LBB2_1-.Ltmp4, $3  }
0x100: {  	_ =	sdelay $0x1  }
0x101: {  	[sflag:s17] =	ssyncset.done $0x0  }
0x102: {  	[sflag:s17] =	ssyncadd.s32 $0xFFFFD800  }
0x103: {  	_ =	sfence.sel $0x180000  }
0x104: {  	[bflag:$0x0] =	sbarrier.arrive $0xFFFF  }
0x105: {  	_ =	strace $0x90000050  }
0x106: {  	s0 =	stileid.u32;
	[bflag:$0x2] =	sbarrier.arrive $0xFFFF  }
0x107: {  	p0 =	sne.s32 s0, $0x0;
	s0 =	rddreg [dreg:$0x4]  }
0x108: {  	s0 =	sadd.s32 @!p0 $0x100000, s0  }
0x109: {  	[sflag:s0] =	ssyncadd.tile.s32 @!p0 $0x1;
	_ =	shalt  }
.Lfunc_end2:
_tile_overlayer_lowered:
.L_overlay_start_2:
0x10a: {  	(tag) =	ssettag $0x2  }
0x10b: {  	s0 =	rddreg [dreg:$0x0];
	s2 =	stileid.u32  }
0x10c: {  	s1 =	rddreg [dreg:$0x1];
	p0 =	sne.s32 s2, $0x0  }
0x10d: {  	s3 =	rddreg [dreg:$0x2];
	[bflag:$0x3] =	sbarrier.arrive $0xFFFF;
	s2 =	simm.s32 @!p0 $0x1C03  }
0x10e: {  	[timem:s3], [sflag:s2] =	dma.local @!p0 [hbm:s0], s1  }
0x10f: {  	s0 =	simm.s32 @!p0 $0x3  }
0x110: {  	_ =	swait.ge @!p0 [sflag:s0], s1  }
0x111: {  	s1 =	ssub.s32 @!p0 $0x0, s1;
	[sflag:s0] =	ssyncset.done @!p0 $0x0  }
0x112: {  	[sflag:s0] =	ssyncadd.s32 @!p0 s1  }
0x113: {  	[bflag:$0x3] =	sbarrier.arrive $0xFFFF  }
0x114: {  	_ =	shalt  }

// kernel: kernel.27.cloned.1.call-start
scs
__scs_entry_jumppad:
0x0: {  	(pc) =	sbr.rel $0x88, $3  }
0x1: {  	(tag) =	ssettag $0x0;
	lr =	simm.s32 $0x1  }
0x2: {  	[smem:$0x3F8A] =	sst lr;
	_ =	strace $0xD0000000  }
0x3: {  	_ = 	snop  }
0x4: {  	_ = 	snop  }
0x5: {  	_ = 	snop  }
0x6: {  	_ = 	snop  }
0x7: {  	_ = 	snop  }
__scs_overlays_trampoline_lowered:
0x8: {  	[smem:$0x3F99] =	sst s0  }
0x9: {  	[smem:$0x3F9A] =	sst s1  }
0xa: {  	[smem:$0x3F9B] =	sst s2  }
0xb: {  	[smem:$0x3F9C] =	sst s3  }
0xc: {  	[smem:$0x3F9D] =	sst s4  }
0xd: {  	[smem:$0x3F9E] =	sst s5  }
0xe: {  	[smem:$0x3F9F] =	sst s6  }
0xf: {  	[smem:$0x3FA0] =	sst s7  }
0x10: {  	[smem:$0x3FA1] =	sst s8  }
0x11: {  	[smem:$0x3FA2] =	sst s9;
	s0 =	simm.s32 @!p0 $0x0  }
0x12: {  	s1 =	sld [smem:$0x3F88];
	s0 =	simm.s32 @p0 $0x1  }
0x13: {  	[smem:$0x3FA3] =	sst s0;
	s0 =	simm.s32 @!p1 $0x0  }
0x14: {  	s2 =	sld [smem:$0x3F87];
	s0 =	simm.s32 @p1 $0x1  }
0x15: {  	[smem:$0x3FA4] =	sst s0;
	s0 =	simm.s32 @!p2 $0x0  }
0x16: {  	s3 =	sld [smem:$0x3FDB];
	s0 =	simm.s32 @p2 $0x1  }
0x17: {  	s4 =	simm.s32 $0x1BF5;
	[smem:$0x3FA6] =	sst s0  }
0x18: {  	s0 =	sld [smem:$0x3F89];
	_ =	swait.ge [sflag:s4], $0x0  }
0x19: {  	s7 =	sld [smem:$0x3F8A]  }
0x1a: {  	s8 =	sadd.s32 $0xFFFFE003, lr  }
0x1b: {  	s9 =	sadd.s32 $0xFFFFFEF7, lr;
	s5 =	simm.s32 $0xFFFFFFFF;
	p2 =	slt.u32 s8, $0xFFFFF086  }
0x1c: {  	p1 =	slt.u32 s9, $0xF7A;
	s5 =	simm.s32 @!p2 $0x0  }
0x1d: {  	s5 =	simm.s32 @p1 $0x1;
	p0 =	seq.s32 s7, s2  }
0x1e: {  	s7 =	smul.u32 @!p0 $0xF7A, s2;
	p2 =	seq.s32 @!p0 s5, $0x0  }
0x1f: {  	s9 =	smul.u32 $0xF7A, s1;
	s8 =	simm.s32 @!p0 $0x1BF5;
	p2 =	por !p2, p0  }
0x20: {  	[sflag:s8] =	ssyncset.s32 @!p0 $0xFFFFF086;
	s6 =	sadd.s32 @!p0 s3, s7;
	s7 =	simm.s32 @!p0 $0x108  }
0x21: {  	s3 =	sadd.s32 s3, s9;
	s6 =	sadd.s32 @!p0 $0x88, s6;
	s7 =	simm.s32 @p2 $0x1082  }
0x22: {  	[simem:s7], [sflag:s8] =	dma.local @!p0 [hbm:s6], $0xF7A  }
0x23: {  	s9 =	sor.u32 $0xD0000000, s2;
	s6 =	simm.s32 $0x108;
	_ =	swait.ge @!p0 [sflag:s8], $0x0  }
0x24: {  	s3 =	sadd.s32 $0x88, s3;
	s6 =	simm.s32 @!p1 $0x1082;
	[sflag:s4] =	ssyncset.s32 $0xFFFFF086  }
0x25: {  	[simem:s6], [sflag:s4] =	dma.local [hbm:s3], $0xF7A  }
0x26: {  	[smem:$0x3F8A] =	sst s1;
	(tag) =	ssettag s2;
	_ =	strace s9  }
0x27: {  	s1 =	sld [smem:$0x3F9A]  }
0x28: {  	s2 =	sld [smem:$0x3F9B]  }
0x29: {  	s4 =	sld [smem:$0x3F9D]  }
0x2a: {  	p0 =	seq.s32 s5, $0x0;
	s5 =	sld [smem:$0x3F9E]  }
0x2b: {  	s6 =	sld [smem:$0x3F9F]  }
0x2c: {  	s7 =	sld [smem:$0x3FA0]  }
0x2d: {  	s3 =	simm.s32 $0x108;
	s8 =	sld [smem:$0x3FA1]  }
0x2e: {  	s3 =	simm.s32 @!p0 $0x1082;
	s9 =	sld [smem:$0x3FA2]  }
0x2f: {  	lr =	sadd.s32 s0, s3;
	s0 =	sld [smem:$0x3F99]  }
0x30: {  	s3 =	sld [smem:$0x3F9C]  }
0x31: {  	[smem:$0x3FA5] =	sst s10  }
0x32: {  	s10 =	sld [smem:$0x3FA3];
	_ =	sdelay $0x3  }
0x33: {  	p0 =	seq.s32 s10, $0x1;
	s10 =	sld [smem:$0x3FA5];
	_ =	sdelay $0x3  }
0x34: {  	[smem:$0x3FA5] =	sst s10  }
0x35: {  	s10 =	sld [smem:$0x3FA4];
	_ =	sdelay $0x3  }
0x36: {  	p1 =	seq.s32 s10, $0x1;
	s10 =	sld [smem:$0x3FA5];
	_ =	sdelay $0x3  }
0x37: {  	[smem:$0x3FA5] =	sst s10  }
0x38: {  	s10 =	sld [smem:$0x3FA6]  }
0x39: {  	_ = 	snop;
	(pc) =	sbr.ind lr, $3  }
0x3a: {  	_ = 	snop  }
0x3b: {  	_ = 	snop  }
0x3c: {  	p2 =	seq.s32 s10, $0x1;
	s10 =	sld [smem:$0x3FA5]  }
0x3d: {  	_ =	shalt  }
0x3e: {  	_ =	shalt  }
0x3f: {  	_ =	shalt  }
0x40: {  	_ =	shalt  }
0x41: {  	_ =	shalt  }
0x42: {  	_ =	shalt  }
0x43: {  	_ =	shalt  }
0x44: {  	_ =	shalt  }
0x45: {  	_ =	shalt  }
0x46: {  	_ =	shalt  }
0x47: {  	_ =	shalt  }
0x48: {  	_ =	shalt  }
0x49: {  	_ =	shalt  }
0x4a: {  	_ =	shalt  }
0x4b: {  	_ =	shalt  }
0x4c: {  	_ =	shalt  }
0x4d: {  	_ =	shalt  }
0x4e: {  	_ =	shalt  }
0x4f: {  	_ =	shalt  }
0x50: {  	_ =	shalt  }
0x51: {  	_ =	shalt  }
0x52: {  	_ =	shalt  }
0x53: {  	_ =	shalt  }
0x54: {  	_ =	shalt  }
0x55: {  	_ =	shalt  }
0x56: {  	_ =	shalt  }
0x57: {  	_ =	shalt  }
0x58: {  	_ =	shalt  }
0x59: {  	_ =	shalt  }
0x5a: {  	_ =	shalt  }
0x5b: {  	_ =	shalt  }
0x5c: {  	_ =	shalt  }
0x5d: {  	_ =	shalt  }
0x5e: {  	_ =	shalt  }
0x5f: {  	_ =	shalt  }
0x60: {  	_ =	shalt  }
0x61: {  	_ =	shalt  }
0x62: {  	_ =	shalt  }
0x63: {  	_ =	shalt  }
0x64: {  	_ =	shalt  }
0x65: {  	_ =	shalt  }
0x66: {  	_ =	shalt  }
0x67: {  	_ =	shalt  }
0x68: {  	_ =	shalt  }
0x69: {  	_ =	shalt  }
0x6a: {  	_ =	shalt  }
0x6b: {  	_ =	shalt  }
0x6c: {  	_ =	shalt  }
0x6d: {  	_ =	shalt  }
0x6e: {  	_ =	shalt  }
0x6f: {  	_ =	shalt  }
0x70: {  	_ =	shalt  }
0x71: {  	_ =	shalt  }
0x72: {  	_ =	shalt  }
0x73: {  	_ =	shalt  }
0x74: {  	_ =	shalt  }
0x75: {  	_ =	shalt  }
0x76: {  	_ =	shalt  }
0x77: {  	_ =	shalt  }
0x78: {  	_ =	shalt  }
0x79: {  	_ =	shalt  }
0x7a: {  	_ =	shalt  }
0x7b: {  	_ =	shalt  }
0x7c: {  	_ =	shalt  }
0x7d: {  	_ =	shalt  }
0x7e: {  	_ =	shalt  }
0x7f: {  	_ =	shalt  }
0x80: {  	_ =	shalt  }
0x81: {  	_ =	shalt  }
0x82: {  	_ =	shalt  }
0x83: {  	_ =	shalt  }
0x84: {  	_ =	shalt  }
0x85: {  	_ =	shalt  }
0x86: {  	_ =	shalt  }
0x87: {  	_ =	shalt  }
.Lfunc_end0:
.L_simem_size_0:
called_computation.4_lowered:
.L_overlay_start_0:
0x88: {  	s2 =	sld [smem:$0x3FD9]  }
0x89: {  	s3 =	sld [smem:$0x3FFE];
	_ =	sdelay $0x1  }
0x8a: {  	s1 =	srdreg.scid  }
0x8b: {  	s0 =	sand.u32 $0x1, s1  }
0x8c: {  	s16 =	sshll.u32 s0, $0xA;
	s2 =	sadd.s32 s3, s2  }
0x8d: {  	s2 =	sadd.s32 s2, s16  }
0x8e: {  	[smem:$0x3FB1] =	sst s2  }
0x8f: {  	_ = 	snop  }
0x90: {  	(tm) =	ssettm $0x1  }
0x91: {  	s17 =	sld [smem:$0x3FFB];
	_ =	sdelay $0x3  }
0x92: {  	_ =	strace s17  }
0x93: {  	s2 =	sld [smem:$0x3FFC];
	_ =	sdelay $0x3  }
0x94: {  	_ =	strace s2  }
0x95: {  	s2 =	sld [smem:$0x3FFD];
	_ =	sdelay $0x3  }
0x96: {  	_ =	strace s2  }
0x97: {  	_ =	strace $0x8FFFFFFF  }
0x98: {  	s18 =	sld [smem:$0x3FDB];
	_ =	sdelay $0x1  }
0x99: {  	s19 =	simm.s32 $_scs_section_size  }
0x9a: {  	s4 =	simm.s32 $_size__tile_overlayer_lowered;
	s5 =	simm.s32 $_tile_overlayer_lowered  }
0x9b: {  	s22 =	simm.s32 $0x1BFF;
	s21 =	sshll.u32 s5, $0x1;
	s2 =	sadd.s32 s19, s18  }
0x9c: {  	s6 =	simm.s32 $0x0;
	s20 =	sshll.u32 s4, $0x1;
	s4 =	sadd.s32 s21, s2  }
0x9d: {  	[timem:s6], [sflag:s22] =	dma.local [hbm:s4], s20  }
0x9e: {  	_ =	swait.ge [sflag:s22], s20  }
0x9f: {  	s3 =	ssub.s32 $0x0, s20;
	[sflag:s22] =	ssyncset.done $0x0  }
0xa0: {  	[sflag:s22] =	ssyncadd.s32 s3;
	_ =	sdelay $0x1  }
0xa1: {  	s23 =	simm.s32 $0x1B8B  }
0xa2: {  	_ =	swait.ge [sflag:s23], $0x1  }
0xa3: {  	[sflag:s23] =	ssyncset.done $0x0  }
0xa4: {  	s25 =	simm.s32 $0x1B8E;
	s24 =	sld [smem:$0x3FFE];
	[sflag:s23] =	ssyncadd.s32 $0xFFFFFFFF  }
0xa5: {  	s26 =	simm.s32 $execute0_lowered;
	[smem:$0x3FD2] =	sst s25  }
0xa6: {  	s4 =	sshll.u32 s26, $0x1;
	_ =	strace $0x80000052;
	[dreg:$0x1] =	wrdreg $0xFFFFFFFF  }
0xa7: {  	s28 =	simm.s32 $_size_execute0_lowered;
	s2 =	sadd.s32 s2, s4;
	[dreg:$0x0] =	wrdreg $0x0  }
0xa8: {  	s4 =	sshll.u32 s28, $0x1;
	[dreg:$0x2] =	wrdreg s2  }
0xa9: {  	[dreg:$0x3] =	wrdreg s4  }
0xaa: {  	[dreg:$0x4] =	wrdreg $0xC0  }
0xab: {  	_ =	task [dreg:s6], $0x5FFFF  }
0xac: {  	[dreg:$0x1] =	wrdreg $0xFFFFFFFF  }
0xad: {  	[dreg:$0x0] =	wrdreg $0x60  }
0xae: {  	[dreg:$0x2] =	wrdreg s24  }
0xaf: {  	[dreg:$0x3] =	wrdreg $0x22000  }
0xb0: {  	[dreg:$0x4] =	wrdreg $0x4A000  }
0xb1: {  	[dreg:$0x5] =	wrdreg $0x72000  }
0xb2: {  	[dreg:$0x6] =	wrdreg $0x9  }
0xb3: {  	_ =	task.clear_ibuf [dreg:s6], $0x7FFFF;
	_ =	strace $0x90000052  }
0xb4: {  	s29 =	simm.s32 $0x9;
	_ =	strace $0x80000054  }
0xb5: {  	_ =	swait.ge [sflag:s29], $0x1  }
0xb6: {  	[sflag:s29] =	ssyncadd.s32 $0xFFFFFFFF  }
0xb7: {  	_ =	strace $0x90000054  }
0xb8: {  	_ =	sfence  }
0xb9: {  	s30 =	sld [smem:$0x0];
	_ =	sdelay $0x2  }
0xba: {  	s31 =	sshll.u32 s1, $0xD;
	s1 =	sshrl.u32 s1, $0x2  }
0xbb: {  	s3 =	sand.u32 $0x4000, s31;
	s1 =	sadd.s32 s1, s30  }
0xbc: {  	s0 =	sor.u32 s3, s0;
	s1 =	sshll.u32 s1, $0x11  }
0xbd: {  	s0 =	sor.u32 s1, s0  }
0xbe: {  	s0 =	sadd.s32 $0x8F2B, s0  }
0xbf: {  	[sflag:s0] =	ssyncadd.remote.s32 $0x1  }
0xc0: {  	_ =	sfence.sel $0xFFFF  }
0xc1: {  	[dreg:$0x0] =	wrdreg $0xFFFFFFFF;
	(pc) =	sbr.abs _section_cstart, $3  }
0xc2: {  	[dreg:$0x1] =	wrdreg $0xFFFFFFFF  }
0xc3: {  	_ =	task.clear_ibuf [dreg:s6], $0x2FFFF;
	_ =	strace $0x9FFFFFFF  }
0xc4: {  	(tm) =	ssettm $0x7FFFFFFF  }
0xc5: {  	_ =	shalt  }
tec
execute0_lowered:
.L_overlay_start_1:
0x0: {  	(tag) =	ssettag $0x1  }
0x1: {  	s0 =	rddreg [dreg:$0x0]  }
0x2: {  	s1 =	rddreg [dreg:$0x1]  }
0x3: {  	s3 =	rddreg [dreg:$0x2]  }
0x4: {  	s4 =	rddreg [dreg:$0x3];
	s5 =	simm.s32 $0x0;
	s14 =	stileid.u32  }
0x5: {  	s2 =	srdreg.scid;
	s17 =	simm.s32 $0x1;
	s20 =	simm.s32 $0x100  }
0x6: {  	s21 =	simm.s32 $0x80;
	s22 =	simm.s32 $0x200;
	s23 =	simm.s32 $0x1200  }
0x7: {  	s24 =	simm.s32 $0xA00;
	s28 =	simm.s32 $0x0;
	[smem:$0x7FF] =	sst s5  }
0x8: {  	s9 =	smul.u32 $0x2800, s14;
	s2 =	sand.u32 $0x1, s2;
	s6 =	sadd.s32 $0x5F400, s0  }
0x9: {  	s7 =	sadd.s32 $0x64800, s0;
	s26 =	sshll.u32 s14, $0x1;
	s29 =	sshll.u32 s14, $0x6  }
0xa: {  	_ =	strace $0x80000053;
	s8 =	smul.u32 $0x28000, s2;
	s12 =	ssub.s32 $0x2, s2  }
0xb: {  	s2 =	sor.u32 s2, s26;
	s26 =	simm.s32 $0x1A00;
	s10 =	sshrl.u32 s9, $0x3  }
0xc: {  	s13 =	sshrl.u32 s12, $0x1;
	s16 =	sadd.s32 s9, s1;
	s18 =	sadd.s32 s9, s3  }
0xd: {  	s11 =	sadd.s32 s10, s0;
	s25 =	sadd.s32 s9, s8;
	s8 =	sadd.s32 $0x78C00, s0  }
0xe: {  	s15 =	ssub.s32 s12, s13;
	s9 =	sadd.s32 s9, s4;
	s13 =	smul.u32 $0x1500, s2  }
0xf: {  	s16 =	sshrl.u32 s16, $0x3;
	s18 =	sshrl.u32 s18, $0x3;
	s10 =	sshrl.u32 s25, $0x3  }
0x10: {  	s30 =	sadd.s32 $0x69C00, s11;
	s31 =	sadd.s32 $0x55400, s11;
	s11 =	sadd.s32 $0x5A400, s11  }
0x11: {  	s15 =	smax.u32 s15, $0x1;
	s19 =	sshrl.u32 s9, $0x3;
	[dreg:$0x5] =	wrdreg s30  }
0x12: {  	s25 =	simm.s32 $0x180;
	s0 =	sadd.s32 s10, s0;
	[dreg:$0x6] =	wrdreg s31  }
0x13: {  	s10 =	sor.u32 $0x1C01, s29;
	[dreg:$0x7] =	wrdreg s11;
	s14 =	sadd.s32 $0x6EC00, s0  }
.LBB2_1:
0x14: {  	s0 =	rddreg [dreg:$0x5]  }
0x15: {  	[spmem:s16], [sflag:s10] =	dma.local [hbm:s0], $0x500  }
0x16: {  	_ =	swait.ge [sflag:s17], $0x500  }
0x17: {  	[sflag:s17] =	ssyncset.done $0x0  }
0x18: {  	s30 =	rddreg [dreg:$0x6];
	[sflag:s17] =	ssyncadd.s32 $0xFFFFFB00  }
0x19: {  	[spmem:s18], [sflag:s10] =	dma.local [hbm:s30], $0x500  }
0x1a: {  	_ =	swait.ge [sflag:s17], $0x500  }
0x1b: {  	[sflag:s17] =	ssyncset.done $0x0  }
0x1c: {  	s31 =	rddreg [dreg:$0x7];
	[sflag:s17] =	ssyncadd.s32 $0xFFFFFB00  }
0x1d: {  	[spmem:s19], [sflag:s10] =	dma.local [hbm:s31], $0x500  }
0x1e: {  	_ =	swait.ge [sflag:s17], $0x500  }
0x1f: {  	[sflag:s17] =	ssyncset.done $0x0  }
0x20: {  	[sflag:s17] =	ssyncadd.s32 $0xFFFFFB00  }
0x21: {  	s29 =	simm.s32 $0x0;
	[bflag:$0x0] =	sbarrier.arrive $0xFFFF  }
.LBB2_2:
0x22: {  	s0 =	sshll.u32 s29, $0x8  }
0x23: {  	s30 =	sadd.s32 s13, s0  }
0x24: {  	s0 =	sshrl.u32 s30, $0x3  }
0x25: {  	s9 =	simm.s32 $0x0;
	s2 =	sadd.s32 s6, s0  }
0x26: {  	[tilespmem:s9], [sflag:$0x1] =	stream.linear.gather [hbm4b:s2+s9], $0x100, $0x38;
	[tilespmem:$0x9A00] =	vst v63  }
0x27: {  	_ =	swait.ge [sflag:s17], $0x100  }
0x28: {  	[sflag:s17] =	ssyncset.done $0x0  }
0x29: {  	s0 =	sadd.s32 s7, s0;
	[sflag:s17] =	ssyncadd.s32 $0xFFFFFF00  }
0x2a: {  	[tilespmem:s20], [sflag:$0x1] =	stream.linear.gather [hbm4b:s0+s9], $0x100, $0x38;
	[tilespmem:$0x9A00] =	vst v63  }
0x2b: {  	_ =	swait.ge [sflag:s17], $0x100  }
0x2c: {  	[sflag:s17] =	ssyncset.done $0x0  }
0x2d: {  	[sflag:s17] =	ssyncadd.s32 $0xFFFFFF00  }
0x2e: {  	[tilespmem:s22], [sflag:$0x1] =	stream.indirect.gather [spmem:s3], $0x10, s9, s21, $0xb8;
	[tilespmem:$0x9A00] =	vst v63  }
0x2f: {  	_ =	swait.ge [sflag:s17], $0x800  }
0x30: {  	[sflag:s17] =	ssyncset.done $0x0  }
0x31: {  	[sflag:s17] =	ssyncadd.s32 $0xFFFFF800  }
0x32: {  	[tilespmem:s23], [sflag:$0x1] =	stream.indirect.gather [spmem:s4], $0x10, s20, s21, $0xb8;
	[tilespmem:$0x9A00] =	vst v63  }
0x33: {  	_ =	swait.ge [sflag:s17], $0x800  }
0x34: {  	[sflag:s17] =	ssyncset.done $0x0  }
0x35: {  	[sflag:s17] =	ssyncadd.s32 $0xFFFFF800  }
0x36: {  	[tilespmem:s24], [sflag:$0x1] =	stream.indirect.gather [spmem:s3], $0x10, s21, s21, $0xb8;
	[tilespmem:$0x9A00] =	vst v63  }
0x37: {  	_ =	swait.ge [sflag:s17], $0x800  }
0x38: {  	[sflag:s17] =	ssyncset.done $0x0  }
0x39: {  	[sflag:s17] =	ssyncadd.s32 $0xFFFFF800  }
0x3a: {  	[tilespmem:s26], [sflag:$0x1] =	stream.indirect.gather [spmem:s4], $0x10, s25, s21, $0xb8;
	[tilespmem:$0x9A00] =	vst v63  }
0x3b: {  	_ =	swait.ge [sflag:s17], $0x800  }
0x3c: {  	[sflag:s17] =	ssyncset.done $0x0  }
0x3d: {  	s31 =	simm.s32 $0x0;
	[sflag:s17] =	ssyncadd.s32 $0xFFFFF800  }
0x3e: {  	v0 =	vld [tilespmem:s31+$0x200]  }
0x3f: {  	v1 =	vld [tilespmem:s31+$0x1200];
	_ =	sdelay $0x4  }
0x40: {  	v0 =	vadd.f32 v1, v0;
	_ =	sdelay $0x1  }
0x41: {  	s0 =	simm.s32 $0x10;
	v1 =	vmul.f32 $2.000000030e-01, v0  }
0x42: {  	v2 =	vld [tilespmem:s0+$0x200]  }
0x43: {  	v3 =	vld [tilespmem:s0+$0x1200];
	v0 =	vmax.f32 v0, v1  }
0x44: {  	s9 =	simm.s32 $0x20;
	v0 =	vmul.f32 $1.442695020e+00, v0  }
0x45: {  	v1 =	vld [tilespmem:s9+$0x200]  }
0x46: {  	(erf) = vpow2.f32 v0;
	v0 =	vld [tilespmem:s9+$0x1200];
	_ =	sdelay $0x1  }
0x47: {  	v2 =	vadd.f32 v3, v2;
	_ =	sdelay $0x1  }
0x48: {  	v3 =	vmul.f32 $2.000000030e-01, v2  }
0x49: {  	v4 =	vadd.f32 v0, v1  }
0x4a: {  	v0 =	vmax.f32 v2, v3  }
0x4b: {  	s2 =	simm.s32 $0x30;
	v1 =	vmul.f32 $1.442695020e+00, v0;
	v2 =	vmul.f32 $2.000000030e-01, v4  }
0x4c: {  	v0 =	vld [tilespmem:s2+$0x200]  }
0x4d: {  	(erf) = vpow2.f32 v1;
	v1 =	vld [tilespmem:s2+$0x1200];
	_ =	sdelay $0x1  }
0x4e: {  	s11 =	simm.s32 $0x100;
	v3 =	vmax.f32 v4, v2;
	v2 =	vpop (erf)  }
.LBB2_3:
0x4f: {  	s12 =	sshra.s32 s11, $0x2  }
0x50: {  	v3 =	vmul.f32 $1.442695020e+00, v3;
	[tilespmem:s31+$0x200] =	vst v2;
	s31 =	smov.u32 s0;
	s0 =	smov.u32 s9;
	p0 =	sne.s32 s11, $0x3FC0  }
.Ltmp0:
0x51: {  	s11 =	sadd.s32 $0x40, s11;
	v2 =	vadd.f32 v1, v0;
	v0 =	vld [tilespmem:s12+$0x200];
	(pc) =	sbr.rel @p0 .LBB2_3-.Ltmp0, $3  }
0x52: {  	s9 =	smov.u32 s2;
	s2 =	smov.u32 s12;
	v1 =	vld [tilespmem:s12+$0x1200];
	(erf) = vpow2.f32 v3  }
0x53: {  	v3 =	vmul.f32 $2.000000030e-01, v2;
	_ =	sdelay $0x1  }
0x54: {  	v3 =	vmax.f32 v2, v3;
	v2 =	vpop (erf)  }
0x55: {  	_ = 	snop  }
0x56: {  	v0 =	vadd.f32 v1, v0;
	_ =	sdelay $0x1  }
0x57: {  	v1 =	vmul.f32 $2.000000030e-01, v0;
	_ =	sdelay $0x1  }
0x58: {  	v3 =	vmul.f32 $1.442695020e+00, v3;
	v0 =	vmax.f32 v0, v1  }
0x59: {  	v0 =	vmul.f32 $1.442695020e+00, v0  }
0x5a: {  	(erf) = vpow2.f32 v3  }
0x5b: {  	(erf) = vpow2.f32 v0;
	_ =	sdelay $0x6  }
0x5c: {  	[tilespmem:s31+$0x200] =	vst v2;
	v61 =	vpop (erf)  }
0x5d: {  	[tilespmem:s0+$0x200] =	vst v61;
	v62 =	vpop (erf)  }
0x5e: {  	s31 =	sshll.u32 s30, $0x1;
	[tilespmem:s9+$0x200] =	vst v62;
	v63 =	vpop (erf)  }
0x5f: {  	s0 =	sadd.s32 s8, s31;
	[tilespmem:s2+$0x200] =	vst v63  }
0x60: {  	[hbm4b:s0+s5] =	stream.linear.scatter [tilespmem:s22], [sflag:$0x1], $0x1000, $0x38;
	[tilespmem:$0x9A00] =	vst v63  }
0x61: {  	_ =	swait.ge [sflag:s17], $0x1000  }
0x62: {  	[sflag:s17] =	ssyncset.done $0x0  }
0x63: {  	[sflag:s17] =	ssyncadd.s32 $0xFFFFF000  }
0x64: {  	[spmem:s1] =	stream.indirect.scatter.add.f32 [tilespmem:s22], [sflag:$0x1], $0x10, s20, s21, $0xb8;
	[tilespmem:$0x9A00] =	vst v63  }
0x65: {  	s29 =	sadd.s32 $0x1, s29;
	_ =	swait.ge [sflag:s17], $0x800  }
0x66: {  	p0 =	sne.s32 s29, $0x15;
	[sflag:s17] =	ssyncset.done $0x0  }
.Ltmp1:
0x67: {  	[sflag:s17] =	ssyncadd.s32 $0xFFFFF800;
	(pc) =	sbr.rel @p0 .LBB2_2-.Ltmp1, $4  }
0x68: {  	[spmem:s1] =	stream.indirect.scatter.add.f32 [tilespmem:s24], [sflag:$0x1], $0x10, s25, s21, $0xb8;
	[tilespmem:$0x9A00] =	vst v63  }
0x69: {  	_ =	swait.ge [sflag:s17], $0x800  }
0x6a: {  	[sflag:s17] =	ssyncset.done $0x0  }
0x6b: {  	[sflag:s17] =	ssyncadd.s32 $0xFFFFF800  }
0x6c: {  	s28 =	sadd.s32 $0x1, s28  }
0x6d: {  	p0 =	sne.s32 s28, s15  }
.Ltmp2:
0x6e: {  	[bflag:$0x0] =	sbarrier.arrive $0xFFFF;
	(pc) =	sbr.rel @p0 .LBB2_1-.Ltmp2, $4  }
0x6f: {  	[hbm:s14], [sflag:s10] =	dma.local [spmem:s16], $0x500  }
0x70: {  	_ =	swait.ge [sflag:s17], $0x500  }
0x71: {  	[sflag:s17] =	ssyncset.done $0x0  }
0x72: {  	[sflag:s17] =	ssyncadd.s32 $0xFFFFFB00  }
0x73: {  	_ =	sfence.sel $0x180000  }
0x74: {  	[bflag:$0x0] =	sbarrier.arrive $0xFFFF  }
0x75: {  	_ =	strace $0x90000053  }
0x76: {  	s0 =	stileid.u32;
	[bflag:$0x2] =	sbarrier.arrive $0xFFFF  }
0x77: {  	p0 =	sne.s32 s0, $0x0;
	s0 =	rddreg [dreg:$0x4]  }
0x78: {  	s0 =	sadd.s32 @!p0 $0x100000, s0  }
0x79: {  	[sflag:s0] =	ssyncadd.tile.s32 @!p0 $0x1;
	_ =	shalt  }
.Lfunc_end2:
_tile_overlayer_lowered:
.L_overlay_start_2:
0x7a: {  	(tag) =	ssettag $0x2  }
0x7b: {  	s0 =	rddreg [dreg:$0x0];
	s2 =	stileid.u32  }
0x7c: {  	s1 =	rddreg [dreg:$0x1];
	p0 =	sne.s32 s2, $0x0  }
0x7d: {  	s3 =	rddreg [dreg:$0x2];
	[bflag:$0x3] =	sbarrier.arrive $0xFFFF;
	s2 =	simm.s32 @!p0 $0x1C01  }
0x7e: {  	[timem:s3], [sflag:s2] =	dma.local @!p0 [hbm:s0], s1  }
0x7f: {  	s0 =	simm.s32 @!p0 $0x1  }
0x80: {  	_ =	swait.ge @!p0 [sflag:s0], s1  }
0x81: {  	s1 =	ssub.s32 @!p0 $0x0, s1;
	[sflag:s0] =	ssyncset.done @!p0 $0x0  }
0x82: {  	[sflag:s0] =	ssyncadd.s32 @!p0 s1  }
0x83: {  	[bflag:$0x3] =	sbarrier.arrive $0xFFFF  }
0x84: {  	_ =	shalt  }

// kernel: kernel.30.cloned.1.call-start
scs
__scs_entry_jumppad:
0x0: {  	(pc) =	sbr.rel $0x88, $3  }
0x1: {  	(tag) =	ssettag $0x0;
	lr =	simm.s32 $0x1  }
0x2: {  	[smem:$0x3F8A] =	sst lr;
	_ =	strace $0xD0000000  }
0x3: {  	_ = 	snop  }
0x4: {  	_ = 	snop  }
0x5: {  	_ = 	snop  }
0x6: {  	_ = 	snop  }
0x7: {  	_ = 	snop  }
__scs_overlays_trampoline_lowered:
0x8: {  	[smem:$0x3F99] =	sst s0  }
0x9: {  	[smem:$0x3F9A] =	sst s1  }
0xa: {  	[smem:$0x3F9B] =	sst s2  }
0xb: {  	[smem:$0x3F9C] =	sst s3  }
0xc: {  	[smem:$0x3F9D] =	sst s4  }
0xd: {  	[smem:$0x3F9E] =	sst s5  }
0xe: {  	[smem:$0x3F9F] =	sst s6  }
0xf: {  	[smem:$0x3FA0] =	sst s7  }
0x10: {  	[smem:$0x3FA1] =	sst s8  }
0x11: {  	[smem:$0x3FA2] =	sst s9;
	s0 =	simm.s32 @!p0 $0x0  }
0x12: {  	s1 =	sld [smem:$0x3F88];
	s0 =	simm.s32 @p0 $0x1  }
0x13: {  	[smem:$0x3FA3] =	sst s0;
	s0 =	simm.s32 @!p1 $0x0  }
0x14: {  	s2 =	sld [smem:$0x3F87];
	s0 =	simm.s32 @p1 $0x1  }
0x15: {  	[smem:$0x3FA4] =	sst s0;
	s0 =	simm.s32 @!p2 $0x0  }
0x16: {  	s3 =	sld [smem:$0x3FDB];
	s0 =	simm.s32 @p2 $0x1  }
0x17: {  	s4 =	simm.s32 $0x1BF5;
	[smem:$0x3FA6] =	sst s0  }
0x18: {  	s0 =	sld [smem:$0x3F89];
	_ =	swait.ge [sflag:s4], $0x0  }
0x19: {  	s7 =	sld [smem:$0x3F8A]  }
0x1a: {  	s8 =	sadd.s32 $0xFFFFE003, lr  }
0x1b: {  	s9 =	sadd.s32 $0xFFFFFEF7, lr;
	s5 =	simm.s32 $0xFFFFFFFF;
	p2 =	slt.u32 s8, $0xFFFFF086  }
0x1c: {  	p1 =	slt.u32 s9, $0xF7A;
	s5 =	simm.s32 @!p2 $0x0  }
0x1d: {  	s5 =	simm.s32 @p1 $0x1;
	p0 =	seq.s32 s7, s2  }
0x1e: {  	s7 =	smul.u32 @!p0 $0xF7A, s2;
	p2 =	seq.s32 @!p0 s5, $0x0  }
0x1f: {  	s9 =	smul.u32 $0xF7A, s1;
	s8 =	simm.s32 @!p0 $0x1BF5;
	p2 =	por !p2, p0  }
0x20: {  	[sflag:s8] =	ssyncset.s32 @!p0 $0xFFFFF086;
	s6 =	sadd.s32 @!p0 s3, s7;
	s7 =	simm.s32 @!p0 $0x108  }
0x21: {  	s3 =	sadd.s32 s3, s9;
	s6 =	sadd.s32 @!p0 $0x88, s6;
	s7 =	simm.s32 @p2 $0x1082  }
0x22: {  	[simem:s7], [sflag:s8] =	dma.local @!p0 [hbm:s6], $0xF7A  }
0x23: {  	s9 =	sor.u32 $0xD0000000, s2;
	s6 =	simm.s32 $0x108;
	_ =	swait.ge @!p0 [sflag:s8], $0x0  }
0x24: {  	s3 =	sadd.s32 $0x88, s3;
	s6 =	simm.s32 @!p1 $0x1082;
	[sflag:s4] =	ssyncset.s32 $0xFFFFF086  }
0x25: {  	[simem:s6], [sflag:s4] =	dma.local [hbm:s3], $0xF7A  }
0x26: {  	[smem:$0x3F8A] =	sst s1;
	(tag) =	ssettag s2;
	_ =	strace s9  }
0x27: {  	s1 =	sld [smem:$0x3F9A]  }
0x28: {  	s2 =	sld [smem:$0x3F9B]  }
0x29: {  	s4 =	sld [smem:$0x3F9D]  }
0x2a: {  	p0 =	seq.s32 s5, $0x0;
	s5 =	sld [smem:$0x3F9E]  }
0x2b: {  	s6 =	sld [smem:$0x3F9F]  }
0x2c: {  	s7 =	sld [smem:$0x3FA0]  }
0x2d: {  	s3 =	simm.s32 $0x108;
	s8 =	sld [smem:$0x3FA1]  }
0x2e: {  	s3 =	simm.s32 @!p0 $0x1082;
	s9 =	sld [smem:$0x3FA2]  }
0x2f: {  	lr =	sadd.s32 s0, s3;
	s0 =	sld [smem:$0x3F99]  }
0x30: {  	s3 =	sld [smem:$0x3F9C]  }
0x31: {  	[smem:$0x3FA5] =	sst s10  }
0x32: {  	s10 =	sld [smem:$0x3FA3];
	_ =	sdelay $0x3  }
0x33: {  	p0 =	seq.s32 s10, $0x1;
	s10 =	sld [smem:$0x3FA5];
	_ =	sdelay $0x3  }
0x34: {  	[smem:$0x3FA5] =	sst s10  }
0x35: {  	s10 =	sld [smem:$0x3FA4];
	_ =	sdelay $0x3  }
0x36: {  	p1 =	seq.s32 s10, $0x1;
	s10 =	sld [smem:$0x3FA5];
	_ =	sdelay $0x3  }
0x37: {  	[smem:$0x3FA5] =	sst s10  }
0x38: {  	s10 =	sld [smem:$0x3FA6]  }
0x39: {  	_ = 	snop;
	(pc) =	sbr.ind lr, $3  }
0x3a: {  	_ = 	snop  }
0x3b: {  	_ = 	snop  }
0x3c: {  	p2 =	seq.s32 s10, $0x1;
	s10 =	sld [smem:$0x3FA5]  }
0x3d: {  	_ =	shalt  }
0x3e: {  	_ =	shalt  }
0x3f: {  	_ =	shalt  }
0x40: {  	_ =	shalt  }
0x41: {  	_ =	shalt  }
0x42: {  	_ =	shalt  }
0x43: {  	_ =	shalt  }
0x44: {  	_ =	shalt  }
0x45: {  	_ =	shalt  }
0x46: {  	_ =	shalt  }
0x47: {  	_ =	shalt  }
0x48: {  	_ =	shalt  }
0x49: {  	_ =	shalt  }
0x4a: {  	_ =	shalt  }
0x4b: {  	_ =	shalt  }
0x4c: {  	_ =	shalt  }
0x4d: {  	_ =	shalt  }
0x4e: {  	_ =	shalt  }
0x4f: {  	_ =	shalt  }
0x50: {  	_ =	shalt  }
0x51: {  	_ =	shalt  }
0x52: {  	_ =	shalt  }
0x53: {  	_ =	shalt  }
0x54: {  	_ =	shalt  }
0x55: {  	_ =	shalt  }
0x56: {  	_ =	shalt  }
0x57: {  	_ =	shalt  }
0x58: {  	_ =	shalt  }
0x59: {  	_ =	shalt  }
0x5a: {  	_ =	shalt  }
0x5b: {  	_ =	shalt  }
0x5c: {  	_ =	shalt  }
0x5d: {  	_ =	shalt  }
0x5e: {  	_ =	shalt  }
0x5f: {  	_ =	shalt  }
0x60: {  	_ =	shalt  }
0x61: {  	_ =	shalt  }
0x62: {  	_ =	shalt  }
0x63: {  	_ =	shalt  }
0x64: {  	_ =	shalt  }
0x65: {  	_ =	shalt  }
0x66: {  	_ =	shalt  }
0x67: {  	_ =	shalt  }
0x68: {  	_ =	shalt  }
0x69: {  	_ =	shalt  }
0x6a: {  	_ =	shalt  }
0x6b: {  	_ =	shalt  }
0x6c: {  	_ =	shalt  }
0x6d: {  	_ =	shalt  }
0x6e: {  	_ =	shalt  }
0x6f: {  	_ =	shalt  }
0x70: {  	_ =	shalt  }
0x71: {  	_ =	shalt  }
0x72: {  	_ =	shalt  }
0x73: {  	_ =	shalt  }
0x74: {  	_ =	shalt  }
0x75: {  	_ =	shalt  }
0x76: {  	_ =	shalt  }
0x77: {  	_ =	shalt  }
0x78: {  	_ =	shalt  }
0x79: {  	_ =	shalt  }
0x7a: {  	_ =	shalt  }
0x7b: {  	_ =	shalt  }
0x7c: {  	_ =	shalt  }
0x7d: {  	_ =	shalt  }
0x7e: {  	_ =	shalt  }
0x7f: {  	_ =	shalt  }
0x80: {  	_ =	shalt  }
0x81: {  	_ =	shalt  }
0x82: {  	_ =	shalt  }
0x83: {  	_ =	shalt  }
0x84: {  	_ =	shalt  }
0x85: {  	_ =	shalt  }
0x86: {  	_ =	shalt  }
0x87: {  	_ =	shalt  }
.Lfunc_end0:
.L_simem_size_0:
called_computation.5_lowered:
.L_overlay_start_0:
0x88: {  	s2 =	sld [smem:$0x3FD9]  }
0x89: {  	s3 =	sld [smem:$0x3FFE];
	_ =	sdelay $0x1  }
0x8a: {  	s1 =	srdreg.scid  }
0x8b: {  	s0 =	sand.u32 $0x1, s1  }
0x8c: {  	s17 =	sshll.u32 s0, $0xA;
	s2 =	sadd.s32 s3, s2  }
0x8d: {  	s2 =	sadd.s32 s2, s17  }
0x8e: {  	[smem:$0x3FB1] =	sst s2  }
0x8f: {  	_ = 	snop  }
0x90: {  	s2 =	sld [smem:$0x3FC5]  }
0x91: {  	s18 =	sld [smem:$0x3FC4];
	(tm) =	ssettm $0x1  }
0x92: {  	s4 =	sld [smem:$0x3FFB];
	_ =	sdelay $0x3  }
0x93: {  	_ =	strace s4  }
0x94: {  	s4 =	sld [smem:$0x3FFC];
	_ =	sdelay $0x3  }
0x95: {  	_ =	strace s4  }
0x96: {  	s4 =	sld [smem:$0x3FFD];
	_ =	sdelay $0x3  }
0x97: {  	_ =	strace s4  }
0x98: {  	_ =	strace $0x8FFFFFFF  }
0x99: {  	s19 =	sld [smem:$0x3FDB];
	_ =	sdelay $0x1  }
0x9a: {  	s5 =	simm.s32 $_scs_section_size  }
0x9b: {  	s6 =	simm.s32 $_size__tile_overlayer_lowered;
	s7 =	simm.s32 $_tile_overlayer_lowered  }
0x9c: {  	s22 =	simm.s32 $0x1BFF;
	s21 =	sshll.u32 s7, $0x1;
	s4 =	sadd.s32 s5, s19  }
0x9d: {  	s8 =	simm.s32 $0x0;
	s20 =	sshll.u32 s6, $0x1;
	s6 =	sadd.s32 s21, s4  }
0x9e: {  	[timem:s8], [sflag:s22] =	dma.local [hbm:s6], s20  }
0x9f: {  	_ =	swait.ge [sflag:s22], s20  }
0xa0: {  	s5 =	ssub.s32 $0x0, s20;
	[sflag:s22] =	ssyncset.done $0x0  }
0xa1: {  	[sflag:s22] =	ssyncadd.s32 s5;
	_ =	sdelay $0x1  }
0xa2: {  	s23 =	simm.s32 $0x1B8B  }
0xa3: {  	_ =	swait.ge [sflag:s23], $0x1  }
0xa4: {  	[sflag:s23] =	ssyncset.done $0x0  }
0xa5: {  	s25 =	simm.s32 $0x1B8E;
	s24 =	sld [smem:$0x3FFE];
	[sflag:s23] =	ssyncadd.s32 $0xFFFFFFFF  }
0xa6: {  	s26 =	simm.s32 $execute0_lowered;
	[smem:$0x3FD2] =	sst s25  }
0xa7: {  	s6 =	sshll.u32 s26, $0x1;
	_ =	strace $0x80000055;
	[dreg:$0x1] =	wrdreg $0xFFFFFFFF  }
0xa8: {  	s28 =	simm.s32 $_size_execute0_lowered;
	s4 =	sadd.s32 s4, s6;
	[dreg:$0x0] =	wrdreg $0x0  }
0xa9: {  	s6 =	sshll.u32 s28, $0x1;
	[dreg:$0x2] =	wrdreg s4  }
0xaa: {  	[dreg:$0x3] =	wrdreg s6  }
0xab: {  	[dreg:$0x4] =	wrdreg $0xC0  }
0xac: {  	_ =	task [dreg:s8], $0x5FFFF  }
0xad: {  	[dreg:$0x1] =	wrdreg $0xFFFFFFFF  }
0xae: {  	[dreg:$0x0] =	wrdreg $0x60  }
0xaf: {  	[dreg:$0x2] =	wrdreg s24  }
0xb0: {  	[dreg:$0x3] =	wrdreg s2  }
0xb1: {  	[dreg:$0x4] =	wrdreg s18  }
0xb2: {  	[dreg:$0x5] =	wrdreg $0xA2000  }
0xb3: {  	[dreg:$0x6] =	wrdreg $0x9  }
0xb4: {  	_ =	task.clear_ibuf [dreg:s8], $0x7FFFF;
	_ =	strace $0x90000055  }
0xb5: {  	s29 =	simm.s32 $0x9;
	_ =	strace $0x80000057  }
0xb6: {  	_ =	swait.ge [sflag:s29], $0x1  }
0xb7: {  	[sflag:s29] =	ssyncadd.s32 $0xFFFFFFFF  }
0xb8: {  	_ =	strace $0x90000057  }
0xb9: {  	_ =	sfence  }
0xba: {  	s30 =	sld [smem:$0x0];
	_ =	sdelay $0x2  }
0xbb: {  	s31 =	sshll.u32 s1, $0xD;
	s1 =	sshrl.u32 s1, $0x2  }
0xbc: {  	s3 =	sand.u32 $0x4000, s31;
	s1 =	sadd.s32 s1, s30  }
0xbd: {  	s0 =	sor.u32 s3, s0;
	s1 =	sshll.u32 s1, $0x11  }
0xbe: {  	s0 =	sor.u32 s1, s0  }
0xbf: {  	s0 =	sadd.s32 $0x8F2B, s0  }
0xc0: {  	[sflag:s0] =	ssyncadd.remote.s32 $0x1  }
0xc1: {  	_ =	sfence.sel $0xFFFF  }
0xc2: {  	[dreg:$0x0] =	wrdreg $0xFFFFFFFF;
	(pc) =	sbr.abs _section_cstart, $3  }
0xc3: {  	[dreg:$0x1] =	wrdreg $0xFFFFFFFF  }
0xc4: {  	_ =	task.clear_ibuf [dreg:s8], $0x2FFFF;
	_ =	strace $0x9FFFFFFF  }
0xc5: {  	(tm) =	ssettm $0x7FFFFFFF  }
tec
execute0_lowered:
.L_overlay_start_1:
0x0: {  	(tag) =	ssettag $0x1  }
0x1: {  	s0 =	rddreg [dreg:$0x0]  }
0x2: {  	s4 =	rddreg [dreg:$0x3];
	s2 =	simm.s32 $0x0  }
0x3: {  	s16 =	stileid.u32;
	s1 =	srdreg.scid;
	s17 =	simm.s32 $0x3  }
0x4: {  	s20 =	simm.s32 $0x100;
	s21 =	simm.s32 $0x200;
	s22 =	simm.s32 $0x80  }
0x5: {  	s23 =	simm.s32 $0x2200;
	s24 =	simm.s32 $0x1200;
	s28 =	simm.s32 $0x1  }
0x6: {  	s29 =	simm.s32 $0x2;
	s30 =	simm.s32 $0x6200;
	s31 =	simm.s32 $0x0  }
0x7: {  	[smem:$0x7FF] =	sst s2;
	s18 =	smul.u32 $0x14000, s16;
	s1 =	sand.u32 $0x1, s1  }
0x8: {  	s6 =	sadd.s32 $0x5F400, s0;
	s7 =	sadd.s32 $0x64800, s0;
	s8 =	sadd.s32 $0x78C00, s0  }
0x9: {  	s9 =	sadd.s32 $0x55400, s0;
	s26 =	sshll.u32 s16, $0x6;
	_ =	strace $0x80000056  }
0xa: {  	s3 =	smul.u32 $0x140000, s1;
	s5 =	ssub.s32 $0x2, s1;
	s19 =	sshll.u32 s1, $0x2  }
0xb: {  	s15 =	sshllo.u32 s1, $0x2;
	p0 =	seq.s32 s1, $0x0;
	s1 =	simm.s32 $0x5400  }
0xc: {  	s10 =	sshrl.u32 s18, $0x3;
	s11 =	sshrl.u32 s5, $0x1;
	s2 =	sadd.s32 s18, s4  }
0xd: {  	s12 =	sor.u32 $0x1, s19;
	s13 =	sor.u32 $0x2, s19;
	s1 =	simm.s32 @!p0 $0x2D400  }
0xe: {  	s3 =	sadd.s32 s18, s3;
	s10 =	sadd.s32 s10, s0;
	s5 =	ssub.s32 s5, s11  }
0xf: {  	s11 =	smul.u32 $0x2A00, s16;
	s14 =	sadd.s32 s1, s0;
	s10 =	sadd.s32 $0xCCC00, s10  }
0x10: {  	s3 =	sshrl.u32 s3, $0x3;
	s25 =	smax.u32 s5, $0x1;
	[dreg:$0x5] =	wrdreg s10  }
0x11: {  	s5 =	sshrl.u32 s2, $0x3;
	s3 =	sadd.s32 s3, s0;
	[dreg:$0x7] =	wrdreg s25  }
0x12: {  	v0 =	vmov s19;
	s25 =	simm.s32 $0x180;
	[dreg:$0x8] =	wrdreg s5;
	s3 =	sadd.s32 $0xF4C00, s3  }
0x13: {  	v3 =	vmov s15;
	v1 =	vmov s12;
	v2 =	vmov s13;
	[dreg:$0x6] =	wrdreg s3;
	s3 =	sor.u32 $0x1C03, s26;
	s26 =	simm.s32 $0x1A00  }
.LBB2_1:
0x14: {  	s0 =	rddreg [dreg:$0x1];
	s1 =	simm.s32 $0x0;
	s2 =	simm.s32 $0x1E200  }
0x15: {  	[tilespmem:s2], [sflag:$0x3] =	stream.linear.gather [hbm4b:s0+s1], $0x1, $0x38;
	[tilespmem:$0x1E220] =	vst v63  }
0x16: {  	s15 =	rddreg [dreg:$0x2];
	s16 =	simm.s32 $0x1E210  }
0x17: {  	[tilespmem:s16], [sflag:$0x3] =	stream.linear.gather [hbm4b:s15+s1], $0x1, $0x38;
	[tilespmem:$0x1E220] =	vst v63  }
0x18: {  	_ =	swait.ge [sflag:s17], $0x1  }
0x19: {  	[sflag:s17] =	ssyncset.done $0x0  }
0x1a: {  	[sflag:s17] =	ssyncadd.s32 $0xFFFFFFFF  }
0x1b: {  	_ =	swait.ge [sflag:s17], $0x1  }
0x1c: {  	[sflag:s17] =	ssyncset.done $0x0  }
0x1d: {  	s18 =	rddreg [dreg:$0x5];
	[sflag:s17] =	ssyncadd.s32 $0xFFFFFFFF  }
0x1e: {  	[spmem:s5], [sflag:s3] =	dma.local [hbm:s18], $0x2800  }
0x1f: {  	_ =	swait.ge [sflag:s17], $0x2800  }
0x20: {  	[sflag:s17] =	ssyncset.done $0x0  }
0x21: {  	[sflag:s17] =	ssyncadd.s32 $0xFFFFD800  }
0x22: {  	s19 =	smov.u32 s3;
	s0 =	simm.s32 $0x0;
	[bflag:$0x0] =	sbarrier.arrive $0xFFFF  }
.LBB2_2:
0x23: {  	s1 =	sshll.u32 s0, $0x8  }
0x24: {  	s1 =	sadd.s32 s11, s1  }
0x25: {  	s2 =	sshrl.u32 s1, $0x3  }
0x26: {  	s5 =	simm.s32 $0x0;
	s3 =	sadd.s32 s6, s2  }
0x27: {  	[tilespmem:s5], [sflag:$0x3] =	stream.linear.gather [hbm4b:s3+s5], $0x100, $0x38;
	[tilespmem:$0x1E220] =	vst v63  }
0x28: {  	_ =	swait.ge [sflag:s17], $0x100  }
0x29: {  	[sflag:s17] =	ssyncset.done $0x0  }
0x2a: {  	s2 =	sadd.s32 s7, s2;
	[sflag:s17] =	ssyncadd.s32 $0xFFFFFF00  }
0x2b: {  	[tilespmem:s20], [sflag:$0x3] =	stream.linear.gather [hbm4b:s2+s5], $0x100, $0x38;
	[tilespmem:$0x1E220] =	vst v63  }
0x2c: {  	_ =	swait.ge [sflag:s17], $0x100  }
0x2d: {  	s1 =	sshll.u32 s1, $0x1;
	[sflag:s17] =	ssyncset.done $0x0  }
0x2e: {  	s1 =	sadd.s32 s8, s1;
	[sflag:s17] =	ssyncadd.s32 $0xFFFFFF00  }
0x2f: {  	[tilespmem:s21], [sflag:$0x1] =	stream.linear.gather [hbm4b:s1+s5], $0x1000, $0x38;
	[tilespmem:$0x1E220] =	vst v63  }
0x30: {  	_ = 	snop  }
0x31: {  	[tilespmem:s23], [sflag:$0x2] =	stream.indirect.gather [hbm4b:s14+s22], $0x80, s5, s22, $0xb8;
	[tilespmem:$0x1E220] =	vst v63  }
0x32: {  	_ = 	snop  }
0x33: {  	[tilespmem:s24], [sflag:$0x3] =	stream.indirect.gather [hbm4b:s9+s22], $0x10, s20, s22, $0xb8;
	[tilespmem:$0x1E220] =	vst v63  }
0x34: {  	_ =	swait.ge [sflag:s17], $0x800  }
0x35: {  	[sflag:s17] =	ssyncset.done $0x0  }
0x36: {  	[sflag:s17] =	ssyncadd.s32 $0xFFFFF800  }
0x37: {  	[tilespmem:s26], [sflag:$0x3] =	stream.indirect.gather [hbm4b:s9+s22], $0x10, s25, s22, $0xb8;
	[tilespmem:$0x1E220] =	vst v63  }
0x38: {  	_ =	swait.ge [sflag:s17], $0x800  }
0x39: {  	[sflag:s17] =	ssyncset.done $0x0  }
0x3a: {  	[sflag:s17] =	ssyncadd.s32 $0xFFFFF800  }
0x3b: {  	_ =	swait.ge [sflag:s28], $0x1000  }
0x3c: {  	[sflag:s28] =	ssyncset.done $0x0  }
0x3d: {  	s1 =	simm.s32 $0x0;
	[sflag:s28] =	ssyncadd.s32 $0xFFFFF000  }
0x3e: {  	v4 =	vld [tilespmem:s1+$0x200]  }
0x3f: {  	s2 =	simm.s32 $0x40;
	v5 =	vld [tilespmem:s1+$0x1200]  }
.LBB2_3:
0x40: {  	_ = 	snop  }
0x41: {  	p0 =	sne.s32 s2, $0x3FC0  }
.Ltmp0:
0x42: {  	_ = 	snop;
	(pc) =	sbr.rel @p0 .LBB2_3-.Ltmp0, $4  }
0x43: {  	_ = 	snop  }
0x44: {  	s3 =	sshra.s32 s2, $0x2;
	v6 =	vmul.f32 v5, v4  }
0x45: {  	v4 =	vld [tilespmem:s3+$0x200]  }
0x46: {  	s2 =	sadd.s32 $0x40, s2;
	v5 =	vld [tilespmem:s3+$0x1200];
	[tilespmem:s1+$0x200] =	vst v6;
	s1 =	smov.u32 s3  }
0x47: {  	_ =	sdelay $0x3  }
0x48: {  	v4 =	vmul.f32 v5, v4  }
0x49: {  	s10 =	simm.s32 $0x0  }
0x4a: {  	[tilespmem:s1+$0x200] =	vst v4;
	v4 =	vor.u32 s10, v0  }
0x4b: {  	_ =	swait.ge [sflag:s29], $0x4000  }
0x4c: {  	[sflag:s29] =	ssyncset.done $0x0  }
0x4d: {  	[sflag:s29] =	ssyncadd.s32 $0xFFFFC000  }
0x4e: {  	[tilespmem:s30], [sflag:$0x2] =	stream.indirect.gather [hbm4b:s14+s22], $0x80, s22, s22, $0xb8;
	[tilespmem:$0x1E220] =	vst v63  }
0x4f: {  	s2 =	simm.s32 $0x2240;
	v5 =	vld.idx.msk [tilespmem:v4+s21+$0x0], $0xffff  }
0x50: {  	v4 =	vld [tilespmem:s2+$0xFFFFFFC0]  }
0x51: {  	v6 =	vld [tilespmem:s2+$0xFFFFFFD0];
	_ =	sdelay $0x2  }
0x52: {  	v7 =	vor.u32 s10, v1  }
0x53: {  	s3 =	simm.s32 $0x10;
	v8 =	vmul.f32 v4, v5  }
0x54: {  	s1 =	simm.s32 $0x22C0;
	v5 =	vmul.f32 v6, v5;
	v6 =	vor.u32 s3, v0  }
0x55: {  	v9 =	vld [tilespmem:s1+$0xFFFFFFC0];
	[tilespmem:s2+$0xFFFFFFC0] =	vst v8  }
0x56: {  	[tilespmem:s2+$0xFFFFFFD0] =	vst v5;
	v5 =	vld [tilespmem:s2+$0xFFFFFFE0]  }
0x57: {  	v7 =	vld.idx.msk [tilespmem:v7+s21+$0x0], $0xffff  }
0x58: {  	v8 =	vld [tilespmem:s2+$0xFFFFFFF0]  }
0x59: {  	v6 =	vld.idx.msk [tilespmem:v6+s21+$0x0], $0xffff  }
0x5a: {  	v10 =	vld [tilespmem:s1+$0xFFFFFFD0]  }
0x5b: {  	s5 =	simm.s32 $0x2340;
	v11 =	vor.u32 s10, v2  }
0x5c: {  	v14 =	vld [tilespmem:s5+$0xFFFFFFC0];
	v5 =	vmul.f32 v5, v7  }
0x5d: {  	v12 =	vor.u32 s3, v1;
	v15 =	vld [tilespmem:s5+$0xFFFFFFD0];
	v7 =	vmul.f32 v8, v7  }
0x5e: {  	s15 =	simm.s32 $0x20;
	v8 =	vld [tilespmem:s2+$0x0];
	v9 =	vmul.f32 v9, v6;
	[tilespmem:s2+$0xFFFFFFE0] =	vst v5  }
0x5f: {  	v6 =	vmul.f32 v10, v6;
	[tilespmem:s2+$0xFFFFFFF0] =	vst v7;
	v7 =	vor.u32 s15, v0;
	v10 =	vld [tilespmem:s2+$0x10]  }
0x60: {  	[tilespmem:s1+$0xFFFFFFC0] =	vst v9;
	v9 =	vld.idx.msk [tilespmem:v11+s21+$0x0], $0xffff  }
0x61: {  	[tilespmem:s1+$0xFFFFFFD0] =	vst v6;
	v6 =	vld [tilespmem:s1+$0xFFFFFFE0]  }
0x62: {  	v11 =	vld.idx.msk [tilespmem:v12+s21+$0x0], $0xffff  }
0x63: {  	v12 =	vld [tilespmem:s1+$0xFFFFFFF0]  }
0x64: {  	v13 =	vld.idx.msk [tilespmem:v7+s21+$0x0], $0xffff;
	_ =	sdelay $0x2  }
0x65: {  	v4 =	vld [tilespmem:s2+$0x20];
	v7 =	vmul.f32 v8, v9;
	v10 =	vmul.f32 v10, v9  }
0x66: {  	v5 =	vld [tilespmem:s1+$0x20];
	v8 =	vor.u32 s10, v3;
	v17 =	vmul.f32 v6, v11;
	v11 =	vmul.f32 v12, v11  }
0x67: {  	v16 =	vor.u32 s3, v2;
	v9 =	vld [tilespmem:s1+$0x0];
	[tilespmem:s2+$0x0] =	vst v7;
	v12 =	vmul.f32 v14, v13;
	v13 =	vmul.f32 v15, v13  }
0x68: {  	v6 =	vld [tilespmem:s5+$0x20];
	[tilespmem:s2+$0x10] =	vst v10  }
0x69: {  	v7 =	vld [tilespmem:s2+$0x30];
	[tilespmem:s5+$0xFFFFFFD0] =	vst v13;
	v13 =	vor.u32 s15, v1  }
0x6a: {  	s10 =	simm.s32 $0x30;
	v10 =	vld [tilespmem:s1+$0x10];
	[tilespmem:s1+$0xFFFFFFE0] =	vst v17  }
0x6b: {  	[tilespmem:s1+$0xFFFFFFF0] =	vst v11;
	v14 =	vor.u32 s10, v0;
	v8 =	vld.idx.msk [tilespmem:v8+s21+$0x0], $0xffff  }
0x6c: {  	v11 =	vld.idx.msk [tilespmem:v16+s21+$0x0], $0xffff  }
0x6d: {  	s12 =	simm.s32 $0x4;
	s16 =	simm.s32 $0x2340;
	[tilespmem:s5+$0xFFFFFFC0] =	vst v12;
	v12 =	vld [tilespmem:s5+$0xFFFFFFE0]  }
.LBB2_5:
0x6e: {  	p0 =	sne.s32 s12, $0x7F;
	v15 =	vld.idx.msk [tilespmem:v13+s21+$0x0], $0xffff  }
0x6f: {  	v16 =	vld [tilespmem:s5+$0xFFFFFFF0]  }
0x70: {  	s5 =	sadd.s32 $0x80, s5;
	v13 =	vmul.f32 v4, v8;
	v7 =	vmul.f32 v7, v8;
	v4 =	vmovc v5;
	v5 =	vmov v6;
	v17 =	vld.idx.msk [tilespmem:v14+s21+$0x0], $0xffff  }
0x71: {  	v14 =	vor.u32 s3, v3;
	s3 =	smov.u32 s15;
	s15 =	smov.u32 s10;
	v8 =	vld [tilespmem:s5+$0xFFFFFFC0]  }
0x72: {  	v9 =	vmul.f32 v9, v11;
	v18 =	vld [tilespmem:s5+$0xFFFFFFD0];
	[tilespmem:s2+$0x30] =	vst v7  }
0x73: {  	v19 =	vor.u32 s3, v2;
	v10 =	vmul.f32 v10, v11;
	v6 =	vld [tilespmem:s5+$0x20];
	[tilespmem:s2+$0x20] =	vst v13;
	s2 =	smov.u32 s1;
	s1 =	smov.u32 s16;
	s16 =	smov.u32 s5  }
0x74: {  	v11 =	vmul.f32 v12, v15;
	[tilespmem:s2+$0x0] =	vst v9;
	v7 =	vld [tilespmem:s2+$0x30]  }
.Ltmp1:
0x75: {  	v13 =	vor.u32 s15, v1;
	v12 =	vmul.f32 v16, v15;
	v9 =	vld [tilespmem:s1+$0x0];
	[tilespmem:s2+$0x10] =	vst v10;
	(pc) =	sbr.rel @p0 .LBB2_5-.Ltmp1, $4  }
0x76: {  	s10 =	sshll.u32 s12, $0x4;
	v15 =	vmul.f32 v8, v17;
	[tilespmem:s1+$0xFFFFFFE0] =	vst v11;
	v8 =	vld.idx.msk [tilespmem:v14+s21+$0x0], $0xffff  }
0x77: {  	v14 =	vor.u32 s10, v0;
	v16 =	vmul.f32 v18, v17;
	[tilespmem:s1+$0xFFFFFFF0] =	vst v12;
	v10 =	vld [tilespmem:s1+$0x10]  }
0x78: {  	[tilespmem:s5+$0xFFFFFFC0] =	vst v15;
	v11 =	vld.idx.msk [tilespmem:v19+s21+$0x0], $0xffff  }
0x79: {  	s12 =	sadd.s32 $0x1, s12;
	[tilespmem:s5+$0xFFFFFFD0] =	vst v16;
	v12 =	vld [tilespmem:s5+$0xFFFFFFE0]  }
0x7a: {  	_ =	sdelay $0x3  }
0x7b: {  	v14 =	vld.idx.msk [tilespmem:v14+s21+$0x0], $0xffff;
	s12 =	sadd.s32 $0x80, s5  }
0x7c: {  	v15 =	vld [tilespmem:s12+$0xFFFFFFC0]  }
0x7d: {  	v16 =	vld [tilespmem:s12+$0xFFFFFFD0];
	_ =	sdelay $0x2  }
0x7e: {  	v17 =	vor.u32 s10, v1  }
0x7f: {  	v15 =	vmul.f32 v15, v14  }
0x80: {  	v13 =	vld.idx.msk [tilespmem:v13+s21+$0x0], $0xffff;
	v14 =	vmul.f32 v16, v14  }
0x81: {  	v55 =	vld [tilespmem:s5+$0xFFFFFFF0];
	[tilespmem:s12+$0xFFFFFFC0] =	vst v15  }
0x82: {  	[tilespmem:s12+$0xFFFFFFD0] =	vst v14;
	v14 =	vld [tilespmem:s12+$0xFFFFFFE0]  }
0x83: {  	v15 =	vld.idx.msk [tilespmem:v17+s21+$0x0], $0xffff  }
0x84: {  	v18 =	vld [tilespmem:s12+$0xFFFFFFF0]  }
0x85: {  	v56 =	vor.u32 s15, v2;
	v12 =	vmul.f32 v12, v13  }
0x86: {  	v13 =	vmul.f32 v55, v13  }
0x87: {  	[tilespmem:s16+$0xFFFFFFE0] =	vst v12;
	v12 =	vor.u32 s10, v2  }
0x88: {  	v57 =	vld [tilespmem:s16+$0x0];
	[tilespmem:s16+$0xFFFFFFF0] =	vst v13;
	v13 =	vmul.f32 v14, v15  }
0x89: {  	v58 =	vld [tilespmem:s16+$0x10];
	v15 =	vmul.f32 v18, v15  }
0x8a: {  	v14 =	vld.idx.msk [tilespmem:v56+s21+$0x0], $0xffff;
	[tilespmem:s12+$0xFFFFFFE0] =	vst v13  }
0x8b: {  	v59 =	vld [tilespmem:s12+$0x0];
	v9 =	vmul.f32 v9, v11;
	v13 =	vor.u32 s3, v3;
	[tilespmem:s12+$0xFFFFFFF0] =	vst v15  }
0x8c: {  	v12 =	vld.idx.msk [tilespmem:v12+s21+$0x0], $0xffff  }
0x8d: {  	v10 =	vmul.f32 v10, v11;
	[tilespmem:s1+$0x0] =	vst v9;
	v9 =	vld [tilespmem:s12+$0x10]  }
0x8e: {  	v15 =	vor.u32 s15, v3  }
0x8f: {  	[tilespmem:s1+$0x10] =	vst v10;
	v16 =	vmul.f32 v57, v14  }
0x90: {  	v10 =	vld.idx.msk [tilespmem:v13+s21+$0x0], $0xffff;
	v13 =	vmul.f32 v58, v14;
	v14 =	vor.u32 s10, v3  }
0x91: {  	v11 =	vld [tilespmem:s1+$0x30];
	[tilespmem:s16+$0x0] =	vst v16;
	v61 =	vmul.f32 v59, v12  }
0x92: {  	v60 =	vld [tilespmem:s16+$0x30];
	v9 =	vmul.f32 v9, v12;
	[tilespmem:s16+$0x10] =	vst v13  }
0x93: {  	v12 =	vld.idx.msk [tilespmem:v15+s21+$0x0], $0xffff;
	[tilespmem:s12+$0x0] =	vst v61  }
0x94: {  	v7 =	vmul.f32 v7, v8;
	v13 =	vld [tilespmem:s12+$0x30];
	[tilespmem:s12+$0x10] =	vst v9  }
0x95: {  	v4 =	vmul.f32 v4, v8;
	v8 =	vld.idx.msk [tilespmem:v14+s21+$0x0], $0xffff  }
0x96: {  	[tilespmem:s2+$0x30] =	vst v7;
	v7 =	vld [tilespmem:s12+$0x20];
	v9 =	vmul.f32 v11, v10  }
0x97: {  	[tilespmem:s2+$0x20] =	vst v4;
	v4 =	vmul.f32 v5, v10  }
0x98: {  	[tilespmem:s1+$0x30] =	vst v9;
	v5 =	vmul.f32 v60, v12  }
0x99: {  	[tilespmem:s1+$0x20] =	vst v4;
	v4 =	vmul.f32 v6, v12  }
0x9a: {  	[tilespmem:s16+$0x30] =	vst v5;
	v5 =	vmul.f32 v13, v8  }
0x9b: {  	[tilespmem:s16+$0x20] =	vst v4;
	v4 =	vmul.f32 v7, v8  }
0x9c: {  	[tilespmem:s12+$0x30] =	vst v5  }
0x9d: {  	s16 =	simm.s32 $0x80;
	[tilespmem:s12+$0x20] =	vst v4  }
0x9e: {  	[spmem:s4] =	stream.indirect.scatter.add.f32 [tilespmem:s23], [sflag:$0x3], $0x80, s20, s16, $0xb8;
	[tilespmem:$0x1E220] =	vst v63  }
0x9f: {  	s18 =	simm.s32 $0x800;
	_ =	swait.ge [sflag:s17], $0x4000  }
0xa0: {  	v4 =	vor.u32 s18, v0;
	[sflag:s17] =	ssyncset.done $0x0  }
0xa1: {  	[sflag:s17] =	ssyncadd.s32 $0xFFFFC000  }
0xa2: {  	_ =	swait.ge [sflag:s29], $0x4000  }
0xa3: {  	[sflag:s29] =	ssyncset.done $0x0  }
0xa4: {  	[sflag:s29] =	ssyncadd.s32 $0xFFFFC000  }
0xa5: {  	s2 =	simm.s32 $0x0;
	v5 =	vld.idx.msk [tilespmem:v4+s21+$0x0], $0xffff  }
0xa6: {  	v4 =	vld [tilespmem:s2+$0x6200]  }
0xa7: {  	v6 =	vld [tilespmem:s2+$0x6210];
	_ =	sdelay $0x2  }
0xa8: {  	v7 =	vor.u32 s18, v1  }
0xa9: {  	s15 =	simm.s32 $0x810;
	v8 =	vmul.f32 v4, v5  }
0xaa: {  	s1 =	simm.s32 $0x80;
	v5 =	vmul.f32 v6, v5;
	v6 =	vor.u32 s15, v0  }
0xab: {  	v9 =	vld [tilespmem:s1+$0x6200];
	[tilespmem:s2+$0x6200] =	vst v8  }
0xac: {  	[tilespmem:s2+$0x6210] =	vst v5;
	v5 =	vld [tilespmem:s2+$0x6220]  }
0xad: {  	v7 =	vld.idx.msk [tilespmem:v7+s21+$0x0], $0xffff  }
0xae: {  	v8 =	vld [tilespmem:s2+$0x6230]  }
0xaf: {  	v6 =	vld.idx.msk [tilespmem:v6+s21+$0x0], $0xffff  }
0xb0: {  	v10 =	vld [tilespmem:s1+$0x6210]  }
0xb1: {  	s3 =	simm.s32 $0x100;
	v11 =	vor.u32 s18, v2  }
0xb2: {  	v14 =	vld [tilespmem:s3+$0x6200];
	v5 =	vmul.f32 v5, v7  }
0xb3: {  	v12 =	vor.u32 s15, v1;
	v15 =	vld [tilespmem:s3+$0x6210];
	v7 =	vmul.f32 v8, v7  }
0xb4: {  	s16 =	simm.s32 $0x820;
	v8 =	vld [tilespmem:s2+$0x6240];
	v9 =	vmul.f32 v9, v6;
	[tilespmem:s2+$0x6220] =	vst v5  }
0xb5: {  	v6 =	vmul.f32 v10, v6;
	[tilespmem:s2+$0x6230] =	vst v7;
	v7 =	vor.u32 s16, v0;
	v10 =	vld [tilespmem:s2+$0x6250]  }
0xb6: {  	[tilespmem:s1+$0x6200] =	vst v9;
	v9 =	vld.idx.msk [tilespmem:v11+s21+$0x0], $0xffff  }
0xb7: {  	[tilespmem:s1+$0x6210] =	vst v6;
	v6 =	vld [tilespmem:s1+$0x6220]  }
0xb8: {  	v11 =	vld.idx.msk [tilespmem:v12+s21+$0x0], $0xffff  }
0xb9: {  	v12 =	vld [tilespmem:s1+$0x6230]  }
0xba: {  	v13 =	vld.idx.msk [tilespmem:v7+s21+$0x0], $0xffff;
	_ =	sdelay $0x2  }
0xbb: {  	v4 =	vld [tilespmem:s2+$0x6260];
	v7 =	vmul.f32 v8, v9;
	v10 =	vmul.f32 v10, v9  }
0xbc: {  	v5 =	vld [tilespmem:s1+$0x6260];
	v8 =	vor.u32 s18, v3;
	v63 =	vmul.f32 v6, v11;
	v11 =	vmul.f32 v12, v11  }
0xbd: {  	v62 =	vor.u32 s15, v2;
	v9 =	vld [tilespmem:s1+$0x6240];
	[tilespmem:s2+$0x6240] =	vst v7;
	v12 =	vmul.f32 v14, v13;
	v13 =	vmul.f32 v15, v13  }
0xbe: {  	v6 =	vld [tilespmem:s3+$0x6260];
	[tilespmem:s2+$0x6250] =	vst v10  }
0xbf: {  	v7 =	vld [tilespmem:s2+$0x6270];
	[tilespmem:s3+$0x6210] =	vst v13;
	v13 =	vor.u32 s16, v1  }
0xc0: {  	s5 =	simm.s32 $0x830;
	v10 =	vld [tilespmem:s1+$0x6250];
	[tilespmem:s1+$0x6220] =	vst v63  }
0xc1: {  	[tilespmem:s1+$0x6230] =	vst v11;
	v14 =	vor.u32 s5, v0;
	v8 =	vld.idx.msk [tilespmem:v8+s21+$0x0], $0xffff  }
0xc2: {  	v11 =	vld.idx.msk [tilespmem:v62+s21+$0x0], $0xffff  }
0xc3: {  	s13 =	simm.s32 $0x800;
	s10 =	simm.s32 $0x83;
	s12 =	simm.s32 $0x600;
	[tilespmem:s3+$0x6200] =	vst v12;
	v12 =	vld [tilespmem:s3+$0x6220]  }
.LBB2_7:
0xc4: {  	p0 =	sne.s32 s13, $0xFE00;
	v15 =	vld.idx.msk [tilespmem:v13+s21+$0x0], $0xffff  }
0xc5: {  	v16 =	vld [tilespmem:s3+$0x6230]  }
0xc6: {  	s18 =	sshra.s32 s12, $0x2;
	s12 =	smov.u32 s13;
	v13 =	vmul.f32 v4, v8;
	v7 =	vmul.f32 v7, v8;
	v4 =	vmovc v5;
	v5 =	vmov v6;
	v17 =	vld.idx.msk [tilespmem:v14+s21+$0x0], $0xffff  }
0xc7: {  	v14 =	vor.u32 s15, v3;
	s15 =	smov.u32 s16;
	s16 =	smov.u32 s5;
	v8 =	vld [tilespmem:s18+$0x6200]  }
0xc8: {  	v9 =	vmul.f32 v9, v11;
	v18 =	vld [tilespmem:s18+$0x6210];
	[tilespmem:s2+$0x6270] =	vst v7  }
0xc9: {  	v19 =	vor.u32 s15, v2;
	v10 =	vmul.f32 v10, v11;
	v6 =	vld [tilespmem:s18+$0x6260];
	[tilespmem:s2+$0x6260] =	vst v13;
	s2 =	smov.u32 s1;
	s1 =	smov.u32 s3;
	s3 =	smov.u32 s18  }
0xca: {  	v11 =	vmul.f32 v12, v15;
	[tilespmem:s2+$0x6240] =	vst v9;
	v7 =	vld [tilespmem:s2+$0x6270]  }
.Ltmp2:
0xcb: {  	s10 =	sadd.s32 $0x1, s10;
	v13 =	vor.u32 s16, v1;
	v12 =	vmul.f32 v16, v15;
	v9 =	vld [tilespmem:s1+$0x6240];
	[tilespmem:s2+$0x6250] =	vst v10;
	(pc) =	sbr.rel @p0 .LBB2_7-.Ltmp2, $4  }
0xcc: {  	s5 =	sshll.u32 s10, $0x4;
	v15 =	vmul.f32 v8, v17;
	[tilespmem:s1+$0x6220] =	vst v11;
	v8 =	vld.idx.msk [tilespmem:v14+s21+$0x0], $0xffff  }
0xcd: {  	v14 =	vor.u32 s5, v0;
	v16 =	vmul.f32 v18, v17;
	[tilespmem:s1+$0x6230] =	vst v12;
	v10 =	vld [tilespmem:s1+$0x6250]  }
0xce: {  	[tilespmem:s3+$0x6200] =	vst v15;
	v11 =	vld.idx.msk [tilespmem:v19+s21+$0x0], $0xffff  }
0xcf: {  	s13 =	sadd.s32 $0x200, s13;
	[tilespmem:s3+$0x6210] =	vst v16;
	v12 =	vld [tilespmem:s3+$0x6220]  }
0xd0: {  	_ =	sdelay $0x3  }
0xd1: {  	v14 =	vld.idx.msk [tilespmem:v14+s21+$0x0], $0xffff;
	s10 =	sshra.s32 s12, $0x2  }
0xd2: {  	v15 =	vld [tilespmem:s10+$0x6200]  }
0xd3: {  	v16 =	vld [tilespmem:s10+$0x6210];
	_ =	sdelay $0x2  }
0xd4: {  	v17 =	vor.u32 s5, v1  }
0xd5: {  	v15 =	vmul.f32 v15, v14  }
0xd6: {  	v13 =	vld.idx.msk [tilespmem:v13+s21+$0x0], $0xffff;
	v14 =	vmul.f32 v16, v14  }
0xd7: {  	v42 =	vld [tilespmem:s3+$0x6230];
	[tilespmem:s10+$0x6200] =	vst v15  }
0xd8: {  	v43 =	vld [tilespmem:s10+$0x6220];
	[tilespmem:s10+$0x6210] =	vst v14  }
0xd9: {  	v15 =	vld.idx.msk [tilespmem:v17+s21+$0x0], $0xffff  }
0xda: {  	v18 =	vld [tilespmem:s10+$0x6230]  }
0xdb: {  	v44 =	vor.u32 s16, v2  }
0xdc: {  	v12 =	vmul.f32 v12, v13  }
0xdd: {  	v46 =	vor.u32 s5, v2;
	v13 =	vmul.f32 v42, v13  }
0xde: {  	v45 =	vld [tilespmem:s3+$0x6240];
	[tilespmem:s3+$0x6220] =	vst v12;
	v47 =	vmul.f32 v43, v15  }
0xdf: {  	v49 =	vld [tilespmem:s3+$0x6250];
	[tilespmem:s3+$0x6230] =	vst v13;
	v15 =	vmul.f32 v18, v15  }
0xe0: {  	v48 =	vld.idx.msk [tilespmem:v44+s21+$0x0], $0xffff;
	[tilespmem:s10+$0x6220] =	vst v47  }
0xe1: {  	v51 =	vld [tilespmem:s10+$0x6240];
	[tilespmem:s10+$0x6230] =	vst v15  }
0xe2: {  	v50 =	vor.u32 s15, v3;
	v12 =	vld.idx.msk [tilespmem:v46+s21+$0x0], $0xffff  }
0xe3: {  	v52 =	vld [tilespmem:s10+$0x6250];
	v9 =	vmul.f32 v9, v11  }
0xe4: {  	v54 =	vor.u32 s16, v3;
	v10 =	vmul.f32 v10, v11  }
0xe5: {  	[tilespmem:s1+$0x6240] =	vst v9;
	v16 =	vmul.f32 v45, v48  }
0xe6: {  	v53 =	vld [tilespmem:s1+$0x6270];
	v56 =	vor.u32 s5, v3;
	[tilespmem:s1+$0x6250] =	vst v10;
	v55 =	vmul.f32 v49, v48  }
0xe7: {  	v10 =	vld.idx.msk [tilespmem:v50+s21+$0x0], $0xffff;
	[tilespmem:s3+$0x6240] =	vst v16;
	v58 =	vmul.f32 v51, v12  }
0xe8: {  	v57 =	vld [tilespmem:s3+$0x6270];
	[tilespmem:s3+$0x6250] =	vst v55;
	v9 =	vmul.f32 v52, v12  }
0xe9: {  	v59 =	vld.idx.msk [tilespmem:v54+s21+$0x0], $0xffff;
	[tilespmem:s10+$0x6240] =	vst v58  }
0xea: {  	v7 =	vmul.f32 v7, v8;
	v60 =	vld [tilespmem:s10+$0x6270];
	[tilespmem:s10+$0x6250] =	vst v9  }
0xeb: {  	v4 =	vmul.f32 v4, v8;
	v61 =	vld.idx.msk [tilespmem:v56+s21+$0x0], $0xffff  }
0xec: {  	v62 =	vld [tilespmem:s10+$0x6260];
	[tilespmem:s2+$0x6270] =	vst v7;
	v63 =	vmul.f32 v53, v10  }
0xed: {  	[tilespmem:s2+$0x6260] =	vst v4;
	v4 =	vmul.f32 v5, v10  }
0xee: {  	[tilespmem:s1+$0x6270] =	vst v63;
	v5 =	vmul.f32 v57, v59  }
0xef: {  	[tilespmem:s1+$0x6260] =	vst v4;
	v4 =	vmul.f32 v6, v59  }
0xf0: {  	[tilespmem:s3+$0x6270] =	vst v5;
	v5 =	vmul.f32 v60, v61  }
0xf1: {  	s0 =	sadd.s32 $0x1, s0;
	[tilespmem:s3+$0x6260] =	vst v4;
	v4 =	vmul.f32 v62, v61  }
0xf2: {  	p0 =	sne.s32 s0, $0x2A;
	[tilespmem:s10+$0x6270] =	vst v5  }
.Ltmp3:
0xf3: {  	[tilespmem:s10+$0x6260] =	vst v4;
	(pc) =	sbr.rel @p0 .LBB2_2-.Ltmp3, $4  }
0xf4: {  	[spmem:s4] =	stream.indirect.scatter.add.f32 [tilespmem:s30], [sflag:$0x3], $0x80, s25, s22, $0xb8;
	[tilespmem:$0x1E220] =	vst v63  }
0xf5: {  	_ =	swait.ge [sflag:s17], $0x4000  }
0xf6: {  	[sflag:s17] =	ssyncset.done $0x0  }
0xf7: {  	[sflag:s17] =	ssyncadd.s32 $0xFFFFC000  }
0xf8: {  	[bflag:$0x0] =	sbarrier.arrive $0xFFFF  }
0xf9: {  	s0 =	rddreg [dreg:$0x6]  }
0xfa: {  	s5 =	rddreg [dreg:$0x8]  }
0xfb: {  	[hbm:s0], [sflag:s19] =	dma.local [spmem:s5], $0x2800  }
0xfc: {  	_ =	swait.ge [sflag:s17], $0x2800  }
0xfd: {  	s3 =	smov.u32 s19;
	s31 =	sadd.s32 $0x1, s31;
	s19 =	rddreg [dreg:$0x7]  }
0xfe: {  	p0 =	sne.s32 s31, s19  }
.Ltmp4:
0xff: {  	_ = 	snop;
	(pc) =	sbr.rel @p0 .LBB2_1-.Ltmp4, $3  }
0x100: {  	_ =	sdelay $0x1  }
0x101: {  	[sflag:s17] =	ssyncset.done $0x0  }
0x102: {  	[sflag:s17] =	ssyncadd.s32 $0xFFFFD800  }
0x103: {  	_ =	sfence.sel $0x180000  }
0x104: {  	[bflag:$0x0] =	sbarrier.arrive $0xFFFF  }
0x105: {  	_ =	strace $0x90000056  }
0x106: {  	s0 =	stileid.u32;
	[bflag:$0x2] =	sbarrier.arrive $0xFFFF  }
0x107: {  	p0 =	sne.s32 s0, $0x0;
	s0 =	rddreg [dreg:$0x4]  }
0x108: {  	s0 =	sadd.s32 @!p0 $0x100000, s0  }
0x109: {  	[sflag:s0] =	ssyncadd.tile.s32 @!p0 $0x1;
	_ =	shalt  }
.Lfunc_end2:
_tile_overlayer_lowered:
.L_overlay_start_2:
0x10a: {  	(tag) =	ssettag $0x2  }
0x10b: {  	s0 =	rddreg [dreg:$0x0];
	s2 =	stileid.u32  }
0x10c: {  	s1 =	rddreg [dreg:$0x1];
	p0 =	sne.s32 s2, $0x0  }
0x10d: {  	s3 =	rddreg [dreg:$0x2];
	[bflag:$0x3] =	sbarrier.arrive $0xFFFF;
	s2 =	simm.s32 @!p0 $0x1C03  }
0x10e: {  	[timem:s3], [sflag:s2] =	dma.local @!p0 [hbm:s0], s1  }
0x10f: {  	s0 =	simm.s32 @!p0 $0x3  }
0x110: {  	_ =	swait.ge @!p0 [sflag:s0], s1  }
0x111: {  	s1 =	ssub.s32 @!p0 $0x0, s1;
	[sflag:s0] =	ssyncset.done @!p0 $0x0  }
0x112: {  	[sflag:s0] =	ssyncadd.s32 @!p0 s1  }
0x113: {  	[bflag:$0x3] =	sbarrier.arrive $0xFFFF  }
0x114: {  	_ =	shalt  }

</sc_bundles>
